<compile_context>
chip_gen: v7x
topology: tpu7x:2x2x1
jax: 0.10.2.dev20260603
libtpu: 0.0.44.dev20260713+nightly
codegen_flags: <defaults>
</compile_context>

<pallas_src>
import functools

import jax
import jax.numpy as jnp
from jax import lax
from jax.experimental import pallas as pl
from jax.experimental.pallas import tpu as pltpu
from jax.experimental.pallas import tpu_sc as plsc

N_NODES = 10000
D = 128
N_PAD = 10240
NC = 2
NS = 16
NW = NC * NS
K = 128
NB = 2
C = 80
CP = C + 2 * NB
ROWS_PER_TILE = N_PAD // NS
RING = 2 * NB
BM = 1024
E_SC = NW * C * K
EPW_H = 10240

_SC_MESH = plsc.VectorSubcoreMesh(core_axis_name="c", subcore_axis_name="s")



@functools.partial(
    pl.kernel,
    out_type=jax.ShapeDtypeStruct((NW, N_PAD), jnp.float32),
    mesh=_SC_MESH,
    scratch_types=[
        pltpu.VMEM((EPW_H,), jnp.int32),
        pltpu.VMEM((N_PAD,), jnp.float32),
    ],
    compiler_params=pltpu.CompilerParams(needs_layout_passes=False),
)
def _sc_degree_hist(dst_hbm, out_hbm, dst_v, hist_v):
    cid = lax.axis_index("c")
    sid = lax.axis_index("s")
    wid = sid * NC + cid
    pltpu.sync_copy(dst_hbm.at[wid], dst_v)

    zeros16 = jnp.zeros((16,), jnp.float32)

    def zero_body(i, carry):
        hist_v[pl.ds(i * 16, 16)] = zeros16
        return carry

    lax.fori_loop(0, N_PAD // 16, zero_body, 0)

    ones16 = jnp.ones((16,), jnp.float32)

    def hist_body(i, carry):
        idx = dst_v[pl.ds(i * 16, 16)]
        plsc.addupdate_scatter(hist_v, [idx], ones16)
        return carry

    lax.fori_loop(0, EPW_H // 16, hist_body, 0)
    pltpu.sync_copy(hist_v, out_hbm.at[wid])


@functools.partial(
    pl.kernel,
    out_type=jax.ShapeDtypeStruct((NC, N_PAD, D), jnp.float32),
    mesh=_SC_MESH,
    scratch_types=[
        pltpu.VMEM((RING, 2, K), jnp.int32),
        pltpu.VMEM((NB, K, D), jnp.float32),
        pltpu.VMEM_SHARED((N_PAD, D), jnp.float32),
    ] + [pltpu.SemaphoreType.DMA] * (3 * NB),
)
def _sc_edge_agg(hs_hbm, idx_hbm, out_hbm, idx_v, rows_v, acc_sh, *sems):
    cid = lax.axis_index("c")
    sid = lax.axis_index("s")
    wid = sid * NC + cid
    gsems = sems[0:NB]
    isems = sems[NB:2 * NB]
    ssems = sems[2 * NB:3 * NB]

    zeros16 = jnp.zeros((16,), jnp.float32)

    def zero_body(i, carry):
        for j in range(D // 16):
            rows_v[0, i, pl.ds(j * 16, 16)] = zeros16
        return carry

    lax.fori_loop(0, K, zero_body, 0)
    base = sid * ROWS_PER_TILE
    for j in range(ROWS_PER_TILE // K):
        pltpu.sync_copy(rows_v.at[0], acc_sh.at[pl.ds(base + j * K, K)])
    plsc.subcore_barrier()

    for s in range(NB):
        pltpu.sync_copy(idx_hbm.at[wid, s], idx_v.at[s])
    for j in range(NB):
        pltpu.async_copy(idx_hbm.at[wid, NB + j], idx_v.at[NB + j], isems[j])
    for b in range(NB):
        pltpu.async_copy(hs_hbm.at[idx_v.at[b, 0]], rows_v.at[b], gsems[b])

    def chunk_body(g, carry):
        for b in range(NB):
            cc = g * NB + b
            s0 = lax.rem(cc, RING)
            sg = lax.rem(cc + NB, RING)
            pltpu.make_async_copy(
                hs_hbm.at[idx_v.at[s0, 0]], rows_v.at[b], gsems[b]).wait()
            pltpu.async_copy(rows_v.at[b], acc_sh.at[idx_v.at[s0, 1]],
                             ssems[b], add=True)
            pltpu.make_async_copy(
                idx_hbm.at[wid, cc + NB], idx_v.at[sg], isems[b]).wait()
            pltpu.make_async_copy(rows_v.at[b], acc_sh.at[idx_v.at[s0, 1]],
                                  ssems[b]).wait()
            pltpu.async_copy(idx_hbm.at[wid, cc + 2 * NB], idx_v.at[s0],
                             isems[b])
            pltpu.async_copy(
                hs_hbm.at[idx_v.at[sg, 0]], rows_v.at[b], gsems[b])
        return carry

    lax.fori_loop(0, C // NB, chunk_body, 0)

    for b in range(NB):
        pltpu.make_async_copy(
            hs_hbm.at[idx_v.at[b, 0]], rows_v.at[b], gsems[b]).wait()
        pltpu.make_async_copy(
            idx_hbm.at[wid, C + NB + b], idx_v.at[NB + b], isems[b]).wait()

    plsc.subcore_barrier()

    for j in range(ROWS_PER_TILE // K):
        r0 = base + j * K
        pltpu.sync_copy(acc_sh.at[pl.ds(r0, K)], rows_v.at[0])
        pltpu.sync_copy(rows_v.at[0], out_hbm.at[cid, pl.ds(r0, K)])



def _tc_pre_body(hist_ref, x_ref, w1_ref, h1_ref, hs1_ref, dis_ref, inv_ref):
    deg = jnp.sum(hist_ref[...], axis=0) + 1.0
    dis = lax.rsqrt(deg)
    inv = 1.0 / deg
    h1 = jnp.dot(x_ref[...], w1_ref[...], preferred_element_type=jnp.float32)
    h1_ref[...] = h1
    hs1_ref[...] = h1 * dis[:, None]
    dis_ref[...] = dis
    inv_ref[...] = inv


def _tc_pre(hists, x_p, w1):
    return pl.pallas_call(
        _tc_pre_body,
        grid=(N_PAD // BM,),
        in_specs=[
            pl.BlockSpec((NW, BM), lambda i: (0, i)),
            pl.BlockSpec((BM, D), lambda i: (i, 0)),
            pl.BlockSpec((D, D), lambda i: (0, 0)),
        ],
        out_specs=[
            pl.BlockSpec((BM, D), lambda i: (i, 0)),
            pl.BlockSpec((BM, D), lambda i: (i, 0)),
            pl.BlockSpec((BM,), lambda i: (i,)),
            pl.BlockSpec((BM,), lambda i: (i,)),
        ],
        out_shape=[
            jax.ShapeDtypeStruct((N_PAD, D), jnp.float32),
            jax.ShapeDtypeStruct((N_PAD, D), jnp.float32),
            jax.ShapeDtypeStruct((N_PAD,), jnp.float32),
            jax.ShapeDtypeStruct((N_PAD,), jnp.float32),
        ],
    )(hists, x_p, w1)


def _tc_mid_body(p_ref, h1_ref, dis_ref, inv_ref, b1_ref, w2_ref,
                 h2_ref, hs2_ref):
    agg = p_ref[0] + p_ref[1]
    dis = dis_ref[...]
    a1 = (agg * dis[:, None] + h1_ref[...] * inv_ref[...][:, None]
          + b1_ref[...][None, :])
    h1o = jnp.maximum(a1, 0.0)
    h2 = jnp.dot(h1o, w2_ref[...], preferred_element_type=jnp.float32)
    h2_ref[...] = h2
    hs2_ref[...] = h2 * dis[:, None]


def _tc_mid(p1, h1, dis, inv, b1, w2):
    return pl.pallas_call(
        _tc_mid_body,
        grid=(N_PAD // BM,),
        in_specs=[
            pl.BlockSpec((NC, BM, D), lambda i: (0, i, 0)),
            pl.BlockSpec((BM, D), lambda i: (i, 0)),
            pl.BlockSpec((BM,), lambda i: (i,)),
            pl.BlockSpec((BM,), lambda i: (i,)),
            pl.BlockSpec((D,), lambda i: (0,)),
            pl.BlockSpec((D, D), lambda i: (0, 0)),
        ],
        out_specs=[
            pl.BlockSpec((BM, D), lambda i: (i, 0)),
            pl.BlockSpec((BM, D), lambda i: (i, 0)),
        ],
        out_shape=[
            jax.ShapeDtypeStruct((N_PAD, D), jnp.float32),
            jax.ShapeDtypeStruct((N_PAD, D), jnp.float32),
        ],
    )(p1, h1, dis, inv, b1, w2)


def _tc_post_body(p_ref, h2_ref, dis_ref, inv_ref, b2_ref, out_ref):
    agg = p_ref[0] + p_ref[1]
    out_ref[...] = (agg * dis_ref[...][:, None]
                    + h2_ref[...] * inv_ref[...][:, None]
                    + b2_ref[...][None, :])


def _tc_post(p2, h2, dis, inv, b2):
    return pl.pallas_call(
        _tc_post_body,
        grid=(N_PAD // BM,),
        in_specs=[
            pl.BlockSpec((NC, BM, D), lambda i: (0, i, 0)),
            pl.BlockSpec((BM, D), lambda i: (i, 0)),
            pl.BlockSpec((BM,), lambda i: (i,)),
            pl.BlockSpec((BM,), lambda i: (i,)),
            pl.BlockSpec((D,), lambda i: (0,)),
        ],
        out_specs=pl.BlockSpec((BM, D), lambda i: (i, 0)),
        out_shape=jax.ShapeDtypeStruct((N_PAD, D), jnp.float32),
    )(p2, h2, dis, inv, b2)



def kernel(x, edge_index, W1, b1, W2, b2):
    e = edge_index.shape[1]
    src = edge_index[0]
    dst = edge_index[1]

    pad_real = E_SC - e
    padv = jnp.full((pad_real,), N_NODES, jnp.int32)
    src_r = jnp.concatenate([src, padv]).reshape(NW, C, K)
    dst_r = jnp.concatenate([dst, padv]).reshape(NW, C, K)
    pad_chunks = jnp.full((NW, CP - C, K), N_NODES, jnp.int32)
    src_p = jnp.concatenate([src_r, pad_chunks], axis=1)
    dst_p = jnp.concatenate([dst_r, pad_chunks], axis=1)
    idx_comb = jnp.stack([src_p, dst_p], axis=2)

    pad_h = NW * EPW_H - e
    dst_h = jnp.concatenate(
        [dst, jnp.full((pad_h,), N_NODES, jnp.int32)]).reshape(NW, EPW_H)

    x_p = jnp.zeros((N_PAD, D), jnp.float32).at[:N_NODES].set(x)

    hists = _sc_degree_hist(dst_h)
    h1, hs1, dis, inv_deg = _tc_pre(hists, x_p, W1)
    p1 = _sc_edge_agg(hs1, idx_comb)
    h2, hs2 = _tc_mid(p1, h1, dis, inv_deg, b1, W2)
    p2 = _sc_edge_agg(hs2, idx_comb)
    out_p = _tc_post(p2, h2, dis, inv_deg, b2)
    return out_p[:N_NODES]

# --- scband reference (transcript-rebuilt; emitter-appended) ---
"""Pipeline reference for scband-gcn-model-11544872092166 (READ-ONLY COPY).

The authoritative reference and input builder live on the scoring server;
editing this copy changes nothing except your own understanding.
"""

import jax, jax.numpy as jnp
import numpy as np

N = 10000
E = 320000
D_IN = 128
D_HID = 128
D_OUT = 128


def _glorot(key, fan_in, fan_out):
    limit = (6.0 / (fan_in + fan_out)) ** 0.5
    return jax.random.uniform(key, (fan_in, fan_out), dtype=jnp.float32, minval=-limit, maxval=limit)


def setup_inputs(seed: int = 0) -> dict:
    key = jax.random.key(seed)
    k1, k2, k3, k4 = jax.random.split(key, 4)
    x = jax.random.normal(k1, (N, D_IN), dtype=jnp.float32)
    edge_index = jax.random.randint(k2, (2, E), 0, N, dtype=jnp.int32)
    W1 = _glorot(k3, D_IN, D_HID)
    b1 = jnp.zeros((D_HID,), dtype=jnp.float32)
    W2 = _glorot(k4, D_HID, D_OUT)
    b2 = jnp.zeros((D_OUT,), dtype=jnp.float32)
    return {"x": x, "edge_index": edge_index, "W1": W1, "b1": b1, "W2": W2, "b2": b2}


def _gcn_conv(x, edge_index, W, b):
    # Faithful PyG GCNConv: add self-loops, symmetric normalization, scatter-add aggregation, bias after aggregation.
    num_nodes = x.shape[0]
    loop = jnp.arange(num_nodes, dtype=edge_index.dtype)
    src = jnp.concatenate([edge_index[0], loop])
    dst = jnp.concatenate([edge_index[1], loop])
    ones = jnp.ones(src.shape[0], dtype=x.dtype)
    deg = jnp.zeros((num_nodes,), dtype=x.dtype).at[dst].add(ones)
    deg_inv_sqrt = jnp.power(deg, -0.5)
    deg_inv_sqrt = jnp.where(jnp.isinf(deg_inv_sqrt), 0.0, deg_inv_sqrt)
    norm = deg_inv_sqrt[src] * deg_inv_sqrt[dst]
    h = x @ W
    msg = h[src] * norm[:, None]
    out = jnp.zeros((num_nodes, W.shape[1]), dtype=x.dtype).at[dst].add(msg)
    return out + b


def reference(x, edge_index, W1, b1, W2, b2):
    h = _gcn_conv(x, edge_index, W1, b1)
    h = jax.nn.relu(h)
    # dropout is inactive (gcn.training == False)
    out = _gcn_conv(h, edge_index, W2, b2)
    return out

if __name__ == "__main__":
    import jax
    _d = setup_inputs()
    print(jax.jit(kernel)(*tuple(_d.values())))

</pallas_src>

<mosaic_0001>
#map = affine_map<(d0, d1) -> (0, 0)>
#map1 = affine_map<(d0, d1) -> (0, 0, 0, 0)>
#map2 = affine_map<(d0, d1) -> (0, 0, 0)>
module attributes {stable_mosaic.version = 14 : i64} {
  func.func @_sc_edge_agg(%arg0: i32, %arg1: i32, %arg2: memref<10240x128xf32, #tpu.memory_space<hbm>>, %arg3: memref<32x84x2x128xi32, #tpu.memory_space<hbm>>, %arg4: memref<2x10240x128xf32, #tpu.memory_space<hbm>>, %arg5: memref<4x2x128xi32, #tpu.memory_space<vmem>>, %arg6: memref<2x128x128xf32, #tpu.memory_space<vmem>>, %arg7: memref<10240x128xf32, #tpu.memory_space<vmem_shared>>, %arg8: memref<!tpu.dma_semaphore, #tpu.memory_space<semaphore_mem>>, %arg9: memref<!tpu.dma_semaphore, #tpu.memory_space<semaphore_mem>>, %arg10: memref<!tpu.dma_semaphore, #tpu.memory_space<semaphore_mem>>, %arg11: memref<!tpu.dma_semaphore, #tpu.memory_space<semaphore_mem>>, %arg12: memref<!tpu.dma_semaphore, #tpu.memory_space<semaphore_mem>>, %arg13: memref<!tpu.dma_semaphore, #tpu.memory_space<semaphore_mem>>) attributes {dimension_semantics = [#tpu.dimension_semantics<core_parallel>, #tpu.dimension_semantics<subcore_parallel>], iteration_bounds = array<i64: 2, 16>, scalar_prefetch = 0 : i64, scratch_operands = 9 : i64, tpu.core_type = #tpu.core_type<sc_vector_subcore>, window_params = [{transform_indices = #map}, {transform_indices = #map1}, {transform_indices = #map2}]} {
    %mul3A = arith.constant 2 : i32
    %mul3A_0 = arith.muli %arg1, %mul3A : i32
    %add3A = arith.addi %mul3A_0, %arg0 : i32
    %broadcast_in_dim3A = arith.constant 0.000000e+00 : f32
    %broadcast_in_dim3A_1 = vector.broadcast %broadcast_in_dim3A : f32 to vector<16xf32>
    %scan3A = arith.constant 0 : i32
    %scan3A_2 = arith.constant 0 : i32
    %scan3A_3 = arith.constant 128 : i32
    %scan3A_4 = arith.addi %scan3A_2, %scan3A_3 : i32
    %scan3A_5 = arith.constant 1 : i32
    scf.for %scan3A_176 = %scan3A_2 to %scan3A_4 step %scan3A_5  : i32 {
      %swap3A = arith.constant 0 : i32
      %swap3A_177 = arith.index_cast %swap3A : i32 to index
      %swap3A_178 = arith.index_cast %scan3A_176 : i32 to index
      %swap3A_179 = arith.constant 0 : index
      %swap3A_180 = tpu.vector_load %arg6[%swap3A_177, %swap3A_178, %swap3A_179] {strides = array<i32>} : memref<2x128x128xf32, #tpu.memory_space<vmem>>, vector<1x1x16xf32>,
      %swap3A_181 = vector.shape_cast %swap3A_180 : vector<1x1x16xf32> to vector<16xf32>
      %swap3A_182 = vector.shape_cast %broadcast_in_dim3A_1 : vector<16xf32> to vector<1x1x16xf32>
      tpu.vector_store %arg6[%swap3A_177, %swap3A_178, %swap3A_179], %swap3A_182 {strides = array<i32>} : memref<2x128x128xf32, #tpu.memory_space<vmem>>, vector<1x1x16xf32>,
      %swap3A_183 = arith.constant 0 : i32
      %swap3A_184 = arith.index_cast %swap3A_183 : i32 to index
      %swap3A_185 = arith.index_cast %scan3A_176 : i32 to index
      %swap3A_186 = arith.constant 16 : index
      %swap3A_187 = tpu.vector_load %arg6[%swap3A_184, %swap3A_185, %swap3A_186] {strides = array<i32>} : memref<2x128x128xf32, #tpu.memory_space<vmem>>, vector<1x1x16xf32>,
      %swap3A_188 = vector.shape_cast %swap3A_187 : vector<1x1x16xf32> to vector<16xf32>
      %swap3A_189 = vector.shape_cast %broadcast_in_dim3A_1 : vector<16xf32> to vector<1x1x16xf32>
      tpu.vector_store %arg6[%swap3A_184, %swap3A_185, %swap3A_186], %swap3A_189 {strides = array<i32>} : memref<2x128x128xf32, #tpu.memory_space<vmem>>, vector<1x1x16xf32>,
      %swap3A_190 = arith.constant 0 : i32
      %swap3A_191 = arith.index_cast %swap3A_190 : i32 to index
      %swap3A_192 = arith.index_cast %scan3A_176 : i32 to index
      %swap3A_193 = arith.constant 32 : index
      %swap3A_194 = tpu.vector_load %arg6[%swap3A_191, %swap3A_192, %swap3A_193] {strides = array<i32>} : memref<2x128x128xf32, #tpu.memory_space<vmem>>, vector<1x1x16xf32>,
      %swap3A_195 = vector.shape_cast %swap3A_194 : vector<1x1x16xf32> to vector<16xf32>
      %swap3A_196 = vector.shape_cast %broadcast_in_dim3A_1 : vector<16xf32> to vector<1x1x16xf32>
      tpu.vector_store %arg6[%swap3A_191, %swap3A_192, %swap3A_193], %swap3A_196 {strides = array<i32>} : memref<2x128x128xf32, #tpu.memory_space<vmem>>, vector<1x1x16xf32>,
      %swap3A_197 = arith.constant 0 : i32
      %swap3A_198 = arith.index_cast %swap3A_197 : i32 to index
      %swap3A_199 = arith.index_cast %scan3A_176 : i32 to index
      %swap3A_200 = arith.constant 48 : index
      %swap3A_201 = tpu.vector_load %arg6[%swap3A_198, %swap3A_199, %swap3A_200] {strides = array<i32>} : memref<2x128x128xf32, #tpu.memory_space<vmem>>, vector<1x1x16xf32>,
      %swap3A_202 = vector.shape_cast %swap3A_201 : vector<1x1x16xf32> to vector<16xf32>
      %swap3A_203 = vector.shape_cast %broadcast_in_dim3A_1 : vector<16xf32> to vector<1x1x16xf32>
      tpu.vector_store %arg6[%swap3A_198, %swap3A_199, %swap3A_200], %swap3A_203 {strides = array<i32>} : memref<2x128x128xf32, #tpu.memory_space<vmem>>, vector<1x1x16xf32>,
      %swap3A_204 = arith.constant 0 : i32
      %swap3A_205 = arith.index_cast %swap3A_204 : i32 to index
      %swap3A_206 = arith.index_cast %scan3A_176 : i32 to index
      %swap3A_207 = arith.constant 64 : index
      %swap3A_208 = tpu.vector_load %arg6[%swap3A_205, %swap3A_206, %swap3A_207] {strides = array<i32>} : memref<2x128x128xf32, #tpu.memory_space<vmem>>, vector<1x1x16xf32>,
      %swap3A_209 = vector.shape_cast %swap3A_208 : vector<1x1x16xf32> to vector<16xf32>
      %swap3A_210 = vector.shape_cast %broadcast_in_dim3A_1 : vector<16xf32> to vector<1x1x16xf32>
      tpu.vector_store %arg6[%swap3A_205, %swap3A_206, %swap3A_207], %swap3A_210 {strides = array<i32>} : memref<2x128x128xf32, #tpu.memory_space<vmem>>, vector<1x1x16xf32>,
      %swap3A_211 = arith.constant 0 : i32
      %swap3A_212 = arith.index_cast %swap3A_211 : i32 to index
      %swap3A_213 = arith.index_cast %scan3A_176 : i32 to index
      %swap3A_214 = arith.constant 80 : index
      %swap3A_215 = tpu.vector_load %arg6[%swap3A_212, %swap3A_213, %swap3A_214] {strides = array<i32>} : memref<2x128x128xf32, #tpu.memory_space<vmem>>, vector<1x1x16xf32>,
      %swap3A_216 = vector.shape_cast %swap3A_215 : vector<1x1x16xf32> to vector<16xf32>
      %swap3A_217 = vector.shape_cast %broadcast_in_dim3A_1 : vector<16xf32> to vector<1x1x16xf32>
      tpu.vector_store %arg6[%swap3A_212, %swap3A_213, %swap3A_214], %swap3A_217 {strides = array<i32>} : memref<2x128x128xf32, #tpu.memory_space<vmem>>, vector<1x1x16xf32>,
      %swap3A_218 = arith.constant 0 : i32
      %swap3A_219 = arith.index_cast %swap3A_218 : i32 to index
      %swap3A_220 = arith.index_cast %scan3A_176 : i32 to index
      %swap3A_221 = arith.constant 96 : index
      %swap3A_222 = tpu.vector_load %arg6[%swap3A_219, %swap3A_220, %swap3A_221] {strides = array<i32>} : memref<2x128x128xf32, #tpu.memory_space<vmem>>, vector<1x1x16xf32>,
      %swap3A_223 = vector.shape_cast %swap3A_222 : vector<1x1x16xf32> to vector<16xf32>
      %swap3A_224 = vector.shape_cast %broadcast_in_dim3A_1 : vector<16xf32> to vector<1x1x16xf32>
      tpu.vector_store %arg6[%swap3A_219, %swap3A_220, %swap3A_221], %swap3A_224 {strides = array<i32>} : memref<2x128x128xf32, #tpu.memory_space<vmem>>, vector<1x1x16xf32>,
      %swap3A_225 = arith.constant 0 : i32
      %swap3A_226 = arith.index_cast %swap3A_225 : i32 to index
      %swap3A_227 = arith.index_cast %scan3A_176 : i32 to index
      %swap3A_228 = arith.constant 112 : index
      %swap3A_229 = tpu.vector_load %arg6[%swap3A_226, %swap3A_227, %swap3A_228] {strides = array<i32>} : memref<2x128x128xf32, #tpu.memory_space<vmem>>, vector<1x1x16xf32>,
      %swap3A_230 = vector.shape_cast %swap3A_229 : vector<1x1x16xf32> to vector<16xf32>
      %swap3A_231 = vector.shape_cast %broadcast_in_dim3A_1 : vector<16xf32> to vector<1x1x16xf32>
      tpu.vector_store %arg6[%swap3A_226, %swap3A_227, %swap3A_228], %swap3A_231 {strides = array<i32>} : memref<2x128x128xf32, #tpu.memory_space<vmem>>, vector<1x1x16xf32>,
    }
    %scan3A_6 = arith.constant 128 : i32
    %mul3A_7 = arith.constant 640 : i32
    %mul3A_8 = arith.muli %arg1, %mul3A_7 : i32
    %add3A_9 = arith.constant 0 : i32
    %add3A_10 = arith.addi %mul3A_8, %add3A_9 : i32
    %run_scoped3A = arith.constant 0 : i32
    "tpu.region"() ({
      %run_scoped3A_176 = tpu.sem_alloc : memref<!tpu.dma_semaphore, #tpu.memory_space<semaphore_mem>>
      %dma_start3A_177 = arith.constant 0 : i32
      %dma_start3A_178 = arith.constant 0 : i32
      %dma_start3A_179 = tpu.memref_slice %arg6[%run_scoped3A, %dma_start3A_177, %dma_start3A_178] : memref<2x128x128xf32, #tpu.memory_space<vmem>> -> memref<1x128x128xf32, #tpu.memory_space<vmem>>
      %dma_start3A_180 = tpu.memref_squeeze %dma_start3A_179 : memref<1x128x128xf32, #tpu.memory_space<vmem>> -> memref<128x128xf32, #tpu.memory_space<vmem>>
      %dma_start3A_181 = arith.constant 0 : i32
      %dma_start3A_182 = tpu.memref_slice %arg7[%add3A_10, %dma_start3A_181] : memref<10240x128xf32, #tpu.memory_space<vmem_shared>> -> memref<128x128xf32, #tpu.memory_space<vmem_shared>>
      %dma_start3A_183 = arith.constant 0 : i32
      %dma_start3A_184 = tpu.memref_slice %arg7[%add3A_10, %dma_start3A_183] : memref<10240x128xf32, #tpu.memory_space<vmem_shared>> -> memref<128x128xf32, #tpu.memory_space<vmem_shared>>
      %dma_start3A_185 = arith.constant 0 : i32
      %dma_start3A_186 = arith.constant 0 : i32
      %dma_start3A_187 = tpu.memref_slice %arg6[%run_scoped3A, %dma_start3A_185, %dma_start3A_186] : memref<2x128x128xf32, #tpu.memory_space<vmem>> -> memref<1x128x128xf32, #tpu.memory_space<vmem>>
      %dma_start3A_188 = tpu.memref_squeeze %dma_start3A_187 : memref<1x128x128xf32, #tpu.memory_space<vmem>> -> memref<128x128xf32, #tpu.memory_space<vmem>>
      tpu.enqueue_dma source(%dma_start3A_188 : memref<128x128xf32, #tpu.memory_space<vmem>>) target(%dma_start3A_184 : memref<128x128xf32, #tpu.memory_space<vmem_shared>>) target_semaphore(%run_scoped3A_176 : memref<!tpu.dma_semaphore, #tpu.memory_space<semaphore_mem>>)
      %dma_wait3A_189 = arith.constant 0 : i32
      %dma_wait3A_190 = arith.constant 0 : i32
      %dma_wait3A_191 = tpu.memref_slice %arg6[%run_scoped3A, %dma_wait3A_189, %dma_wait3A_190] : memref<2x128x128xf32, #tpu.memory_space<vmem>> -> memref<1x128x128xf32, #tpu.memory_space<vmem>>
      %dma_wait3A_192 = tpu.memref_squeeze %dma_wait3A_191 : memref<1x128x128xf32, #tpu.memory_space<vmem>> -> memref<128x128xf32, #tpu.memory_space<vmem>>
      %dma_wait3A_193 = arith.constant 0 : i32
      %dma_wait3A_194 = tpu.memref_slice %arg7[%add3A_10, %dma_wait3A_193] : memref<10240x128xf32, #tpu.memory_space<vmem_shared>> -> memref<128x128xf32, #tpu.memory_space<vmem_shared>>
      %dma_wait3A_195 = arith.constant 0 : i32
      %dma_wait3A_196 = tpu.memref_slice %arg7[%add3A_10, %dma_wait3A_195] : memref<10240x128xf32, #tpu.memory_space<vmem_shared>> -> memref<128x128xf32, #tpu.memory_space<vmem_shared>>
      %dma_wait3A_197 = arith.constant 0 : i32
      %dma_wait3A_198 = arith.constant 0 : i32
      %dma_wait3A_199 = tpu.memref_slice %arg6[%run_scoped3A, %dma_wait3A_197, %dma_wait3A_198] : memref<2x128x128xf32, #tpu.memory_space<vmem>> -> memref<1x128x128xf32, #tpu.memory_space<vmem>>
      %dma_wait3A_200 = tpu.memref_squeeze %dma_wait3A_199 : memref<1x128x128xf32, #tpu.memory_space<vmem>> -> memref<128x128xf32, #tpu.memory_space<vmem>>
      tpu.wait_dma2 semaphore(%run_scoped3A_176 : memref<!tpu.dma_semaphore, #tpu.memory_space<semaphore_mem>>) src(%dma_wait3A_200 : memref<128x128xf32, #tpu.memory_space<vmem>>) dst(%dma_wait3A_196 : memref<128x128xf32, #tpu.memory_space<vmem_shared>>)
      tpu.yield
    }) : () -> ()
    %add3A_11 = arith.constant 128 : i32
    %add3A_12 = arith.addi %mul3A_8, %add3A_11 : i32
    %run_scoped3A_13 = arith.constant 0 : i32
    "tpu.region"() ({
      %run_scoped3A_176 = tpu.sem_alloc : memref<!tpu.dma_semaphore, #tpu.memory_space<semaphore_mem>>
      %dma_start3A_177 = arith.constant 0 : i32
      %dma_start3A_178 = arith.constant 0 : i32
      %dma_start3A_179 = tpu.memref_slice %arg6[%run_scoped3A_13, %dma_start3A_177, %dma_start3A_178] : memref<2x128x128xf32, #tpu.memory_space<vmem>> -> memref<1x128x128xf32, #tpu.memory_space<vmem>>
      %dma_start3A_180 = tpu.memref_squeeze %dma_start3A_179 : memref<1x128x128xf32, #tpu.memory_space<vmem>> -> memref<128x128xf32, #tpu.memory_space<vmem>>
      %dma_start3A_181 = arith.constant 0 : i32
      %dma_start3A_182 = tpu.memref_slice %arg7[%add3A_12, %dma_start3A_181] : memref<10240x128xf32, #tpu.memory_space<vmem_shared>> -> memref<128x128xf32, #tpu.memory_space<vmem_shared>>
      %dma_start3A_183 = arith.constant 0 : i32
      %dma_start3A_184 = tpu.memref_slice %arg7[%add3A_12, %dma_start3A_183] : memref<10240x128xf32, #tpu.memory_space<vmem_shared>> -> memref<128x128xf32, #tpu.memory_space<vmem_shared>>
      %dma_start3A_185 = arith.constant 0 : i32
      %dma_start3A_186 = arith.constant 0 : i32
      %dma_start3A_187 = tpu.memref_slice %arg6[%run_scoped3A_13, %dma_start3A_185, %dma_start3A_186] : memref<2x128x128xf32, #tpu.memory_space<vmem>> -> memref<1x128x128xf32, #tpu.memory_space<vmem>>
      %dma_start3A_188 = tpu.memref_squeeze %dma_start3A_187 : memref<1x128x128xf32, #tpu.memory_space<vmem>> -> memref<128x128xf32, #tpu.memory_space<vmem>>
      tpu.enqueue_dma source(%dma_start3A_188 : memref<128x128xf32, #tpu.memory_space<vmem>>) target(%dma_start3A_184 : memref<128x128xf32, #tpu.memory_space<vmem_shared>>) target_semaphore(%run_scoped3A_176 : memref<!tpu.dma_semaphore, #tpu.memory_space<semaphore_mem>>)
      %dma_wait3A_189 = arith.constant 0 : i32
      %dma_wait3A_190 = arith.constant 0 : i32
      %dma_wait3A_191 = tpu.memref_slice %arg6[%run_scoped3A_13, %dma_wait3A_189, %dma_wait3A_190] : memref<2x128x128xf32, #tpu.memory_space<vmem>> -> memref<1x128x128xf32, #tpu.memory_space<vmem>>
      %dma_wait3A_192 = tpu.memref_squeeze %dma_wait3A_191 : memref<1x128x128xf32, #tpu.memory_space<vmem>> -> memref<128x128xf32, #tpu.memory_space<vmem>>
      %dma_wait3A_193 = arith.constant 0 : i32
      %dma_wait3A_194 = tpu.memref_slice %arg7[%add3A_12, %dma_wait3A_193] : memref<10240x128xf32, #tpu.memory_space<vmem_shared>> -> memref<128x128xf32, #tpu.memory_space<vmem_shared>>
      %dma_wait3A_195 = arith.constant 0 : i32
      %dma_wait3A_196 = tpu.memref_slice %arg7[%add3A_12, %dma_wait3A_195] : memref<10240x128xf32, #tpu.memory_space<vmem_shared>> -> memref<128x128xf32, #tpu.memory_space<vmem_shared>>
      %dma_wait3A_197 = arith.constant 0 : i32
      %dma_wait3A_198 = arith.constant 0 : i32
      %dma_wait3A_199 = tpu.memref_slice %arg6[%run_scoped3A_13, %dma_wait3A_197, %dma_wait3A_198] : memref<2x128x128xf32, #tpu.memory_space<vmem>> -> memref<1x128x128xf32, #tpu.memory_space<vmem>>
      %dma_wait3A_200 = tpu.memref_squeeze %dma_wait3A_199 : memref<1x128x128xf32, #tpu.memory_space<vmem>> -> memref<128x128xf32, #tpu.memory_space<vmem>>
      tpu.wait_dma2 semaphore(%run_scoped3A_176 : memref<!tpu.dma_semaphore, #tpu.memory_space<semaphore_mem>>) src(%dma_wait3A_200 : memref<128x128xf32, #tpu.memory_space<vmem>>) dst(%dma_wait3A_196 : memref<128x128xf32, #tpu.memory_space<vmem_shared>>)
      tpu.yield
    }) : () -> ()
    %add3A_14 = arith.constant 256 : i32
    %add3A_15 = arith.addi %mul3A_8, %add3A_14 : i32
    %run_scoped3A_16 = arith.constant 0 : i32
    "tpu.region"() ({
      %run_scoped3A_176 = tpu.sem_alloc : memref<!tpu.dma_semaphore, #tpu.memory_space<semaphore_mem>>
      %dma_start3A_177 = arith.constant 0 : i32
      %dma_start3A_178 = arith.constant 0 : i32
      %dma_start3A_179 = tpu.memref_slice %arg6[%run_scoped3A_16, %dma_start3A_177, %dma_start3A_178] : memref<2x128x128xf32, #tpu.memory_space<vmem>> -> memref<1x128x128xf32, #tpu.memory_space<vmem>>
      %dma_start3A_180 = tpu.memref_squeeze %dma_start3A_179 : memref<1x128x128xf32, #tpu.memory_space<vmem>> -> memref<128x128xf32, #tpu.memory_space<vmem>>
      %dma_start3A_181 = arith.constant 0 : i32
      %dma_start3A_182 = tpu.memref_slice %arg7[%add3A_15, %dma_start3A_181] : memref<10240x128xf32, #tpu.memory_space<vmem_shared>> -> memref<128x128xf32, #tpu.memory_space<vmem_shared>>
      %dma_start3A_183 = arith.constant 0 : i32
      %dma_start3A_184 = tpu.memref_slice %arg7[%add3A_15, %dma_start3A_183] : memref<10240x128xf32, #tpu.memory_space<vmem_shared>> -> memref<128x128xf32, #tpu.memory_space<vmem_shared>>
      %dma_start3A_185 = arith.constant 0 : i32
      %dma_start3A_186 = arith.constant 0 : i32
      %dma_start3A_187 = tpu.memref_slice %arg6[%run_scoped3A_16, %dma_start3A_185, %dma_start3A_186] : memref<2x128x128xf32, #tpu.memory_space<vmem>> -> memref<1x128x128xf32, #tpu.memory_space<vmem>>
      %dma_start3A_188 = tpu.memref_squeeze %dma_start3A_187 : memref<1x128x128xf32, #tpu.memory_space<vmem>> -> memref<128x128xf32, #tpu.memory_space<vmem>>
      tpu.enqueue_dma source(%dma_start3A_188 : memref<128x128xf32, #tpu.memory_space<vmem>>) target(%dma_start3A_184 : memref<128x128xf32, #tpu.memory_space<vmem_shared>>) target_semaphore(%run_scoped3A_176 : memref<!tpu.dma_semaphore, #tpu.memory_space<semaphore_mem>>)
      %dma_wait3A_189 = arith.constant 0 : i32
      %dma_wait3A_190 = arith.constant 0 : i32
      %dma_wait3A_191 = tpu.memref_slice %arg6[%run_scoped3A_16, %dma_wait3A_189, %dma_wait3A_190] : memref<2x128x128xf32, #tpu.memory_space<vmem>> -> memref<1x128x128xf32, #tpu.memory_space<vmem>>
      %dma_wait3A_192 = tpu.memref_squeeze %dma_wait3A_191 : memref<1x128x128xf32, #tpu.memory_space<vmem>> -> memref<128x128xf32, #tpu.memory_space<vmem>>
      %dma_wait3A_193 = arith.constant 0 : i32
      %dma_wait3A_194 = tpu.memref_slice %arg7[%add3A_15, %dma_wait3A_193] : memref<10240x128xf32, #tpu.memory_space<vmem_shared>> -> memref<128x128xf32, #tpu.memory_space<vmem_shared>>
      %dma_wait3A_195 = arith.constant 0 : i32
      %dma_wait3A_196 = tpu.memref_slice %arg7[%add3A_15, %dma_wait3A_195] : memref<10240x128xf32, #tpu.memory_space<vmem_shared>> -> memref<128x128xf32, #tpu.memory_space<vmem_shared>>
      %dma_wait3A_197 = arith.constant 0 : i32
      %dma_wait3A_198 = arith.constant 0 : i32
      %dma_wait3A_199 = tpu.memref_slice %arg6[%run_scoped3A_16, %dma_wait3A_197, %dma_wait3A_198] : memref<2x128x128xf32, #tpu.memory_space<vmem>> -> memref<1x128x128xf32, #tpu.memory_space<vmem>>
      %dma_wait3A_200 = tpu.memref_squeeze %dma_wait3A_199 : memref<1x128x128xf32, #tpu.memory_space<vmem>> -> memref<128x128xf32, #tpu.memory_space<vmem>>
      tpu.wait_dma2 semaphore(%run_scoped3A_176 : memref<!tpu.dma_semaphore, #tpu.memory_space<semaphore_mem>>) src(%dma_wait3A_200 : memref<128x128xf32, #tpu.memory_space<vmem>>) dst(%dma_wait3A_196 : memref<128x128xf32, #tpu.memory_space<vmem_shared>>)
      tpu.yield
    }) : () -> ()
    %add3A_17 = arith.constant 384 : i32
    %add3A_18 = arith.addi %mul3A_8, %add3A_17 : i32
    %run_scoped3A_19 = arith.constant 0 : i32
    "tpu.region"() ({
      %run_scoped3A_176 = tpu.sem_alloc : memref<!tpu.dma_semaphore, #tpu.memory_space<semaphore_mem>>
      %dma_start3A_177 = arith.constant 0 : i32
      %dma_start3A_178 = arith.constant 0 : i32
      %dma_start3A_179 = tpu.memref_slice %arg6[%run_scoped3A_19, %dma_start3A_177, %dma_start3A_178] : memref<2x128x128xf32, #tpu.memory_space<vmem>> -> memref<1x128x128xf32, #tpu.memory_space<vmem>>
      %dma_start3A_180 = tpu.memref_squeeze %dma_start3A_179 : memref<1x128x128xf32, #tpu.memory_space<vmem>> -> memref<128x128xf32, #tpu.memory_space<vmem>>
      %dma_start3A_181 = arith.constant 0 : i32
      %dma_start3A_182 = tpu.memref_slice %arg7[%add3A_18, %dma_start3A_181] : memref<10240x128xf32, #tpu.memory_space<vmem_shared>> -> memref<128x128xf32, #tpu.memory_space<vmem_shared>>
      %dma_start3A_183 = arith.constant 0 : i32
      %dma_start3A_184 = tpu.memref_slice %arg7[%add3A_18, %dma_start3A_183] : memref<10240x128xf32, #tpu.memory_space<vmem_shared>> -> memref<128x128xf32, #tpu.memory_space<vmem_shared>>
      %dma_start3A_185 = arith.constant 0 : i32
      %dma_start3A_186 = arith.constant 0 : i32
      %dma_start3A_187 = tpu.memref_slice %arg6[%run_scoped3A_19, %dma_start3A_185, %dma_start3A_186] : memref<2x128x128xf32, #tpu.memory_space<vmem>> -> memref<1x128x128xf32, #tpu.memory_space<vmem>>
      %dma_start3A_188 = tpu.memref_squeeze %dma_start3A_187 : memref<1x128x128xf32, #tpu.memory_space<vmem>> -> memref<128x128xf32, #tpu.memory_space<vmem>>
      tpu.enqueue_dma source(%dma_start3A_188 : memref<128x128xf32, #tpu.memory_space<vmem>>) target(%dma_start3A_184 : memref<128x128xf32, #tpu.memory_space<vmem_shared>>) target_semaphore(%run_scoped3A_176 : memref<!tpu.dma_semaphore, #tpu.memory_space<semaphore_mem>>)
      %dma_wait3A_189 = arith.constant 0 : i32
      %dma_wait3A_190 = arith.constant 0 : i32
      %dma_wait3A_191 = tpu.memref_slice %arg6[%run_scoped3A_19, %dma_wait3A_189, %dma_wait3A_190] : memref<2x128x128xf32, #tpu.memory_space<vmem>> -> memref<1x128x128xf32, #tpu.memory_space<vmem>>
      %dma_wait3A_192 = tpu.memref_squeeze %dma_wait3A_191 : memref<1x128x128xf32, #tpu.memory_space<vmem>> -> memref<128x128xf32, #tpu.memory_space<vmem>>
      %dma_wait3A_193 = arith.constant 0 : i32
      %dma_wait3A_194 = tpu.memref_slice %arg7[%add3A_18, %dma_wait3A_193] : memref<10240x128xf32, #tpu.memory_space<vmem_shared>> -> memref<128x128xf32, #tpu.memory_space<vmem_shared>>
      %dma_wait3A_195 = arith.constant 0 : i32
      %dma_wait3A_196 = tpu.memref_slice %arg7[%add3A_18, %dma_wait3A_195] : memref<10240x128xf32, #tpu.memory_space<vmem_shared>> -> memref<128x128xf32, #tpu.memory_space<vmem_shared>>
      %dma_wait3A_197 = arith.constant 0 : i32
      %dma_wait3A_198 = arith.constant 0 : i32
      %dma_wait3A_199 = tpu.memref_slice %arg6[%run_scoped3A_19, %dma_wait3A_197, %dma_wait3A_198] : memref<2x128x128xf32, #tpu.memory_space<vmem>> -> memref<1x128x128xf32, #tpu.memory_space<vmem>>
      %dma_wait3A_200 = tpu.memref_squeeze %dma_wait3A_199 : memref<1x128x128xf32, #tpu.memory_space<vmem>> -> memref<128x128xf32, #tpu.memory_space<vmem>>
      tpu.wait_dma2 semaphore(%run_scoped3A_176 : memref<!tpu.dma_semaphore, #tpu.memory_space<semaphore_mem>>) src(%dma_wait3A_200 : memref<128x128xf32, #tpu.memory_space<vmem>>) dst(%dma_wait3A_196 : memref<128x128xf32, #tpu.memory_space<vmem_shared>>)
      tpu.yield
    }) : () -> ()
    %add3A_20 = arith.constant 512 : i32
    %add3A_21 = arith.addi %mul3A_8, %add3A_20 : i32
    %run_scoped3A_22 = arith.constant 0 : i32
    "tpu.region"() ({
      %run_scoped3A_176 = tpu.sem_alloc : memref<!tpu.dma_semaphore, #tpu.memory_space<semaphore_mem>>
      %dma_start3A_177 = arith.constant 0 : i32
      %dma_start3A_178 = arith.constant 0 : i32
      %dma_start3A_179 = tpu.memref_slice %arg6[%run_scoped3A_22, %dma_start3A_177, %dma_start3A_178] : memref<2x128x128xf32, #tpu.memory_space<vmem>> -> memref<1x128x128xf32, #tpu.memory_space<vmem>>
      %dma_start3A_180 = tpu.memref_squeeze %dma_start3A_179 : memref<1x128x128xf32, #tpu.memory_space<vmem>> -> memref<128x128xf32, #tpu.memory_space<vmem>>
      %dma_start3A_181 = arith.constant 0 : i32
      %dma_start3A_182 = tpu.memref_slice %arg7[%add3A_21, %dma_start3A_181] : memref<10240x128xf32, #tpu.memory_space<vmem_shared>> -> memref<128x128xf32, #tpu.memory_space<vmem_shared>>
      %dma_start3A_183 = arith.constant 0 : i32
      %dma_start3A_184 = tpu.memref_slice %arg7[%add3A_21, %dma_start3A_183] : memref<10240x128xf32, #tpu.memory_space<vmem_shared>> -> memref<128x128xf32, #tpu.memory_space<vmem_shared>>
      %dma_start3A_185 = arith.constant 0 : i32
      %dma_start3A_186 = arith.constant 0 : i32
      %dma_start3A_187 = tpu.memref_slice %arg6[%run_scoped3A_22, %dma_start3A_185, %dma_start3A_186] : memref<2x128x128xf32, #tpu.memory_space<vmem>> -> memref<1x128x128xf32, #tpu.memory_space<vmem>>
      %dma_start3A_188 = tpu.memref_squeeze %dma_start3A_187 : memref<1x128x128xf32, #tpu.memory_space<vmem>> -> memref<128x128xf32, #tpu.memory_space<vmem>>
      tpu.enqueue_dma source(%dma_start3A_188 : memref<128x128xf32, #tpu.memory_space<vmem>>) target(%dma_start3A_184 : memref<128x128xf32, #tpu.memory_space<vmem_shared>>) target_semaphore(%run_scoped3A_176 : memref<!tpu.dma_semaphore, #tpu.memory_space<semaphore_mem>>)
      %dma_wait3A_189 = arith.constant 0 : i32
      %dma_wait3A_190 = arith.constant 0 : i32
      %dma_wait3A_191 = tpu.memref_slice %arg6[%run_scoped3A_22, %dma_wait3A_189, %dma_wait3A_190] : memref<2x128x128xf32, #tpu.memory_space<vmem>> -> memref<1x128x128xf32, #tpu.memory_space<vmem>>
      %dma_wait3A_192 = tpu.memref_squeeze %dma_wait3A_191 : memref<1x128x128xf32, #tpu.memory_space<vmem>> -> memref<128x128xf32, #tpu.memory_space<vmem>>
      %dma_wait3A_193 = arith.constant 0 : i32
      %dma_wait3A_194 = tpu.memref_slice %arg7[%add3A_21, %dma_wait3A_193] : memref<10240x128xf32, #tpu.memory_space<vmem_shared>> -> memref<128x128xf32, #tpu.memory_space<vmem_shared>>
      %dma_wait3A_195 = arith.constant 0 : i32
      %dma_wait3A_196 = tpu.memref_slice %arg7[%add3A_21, %dma_wait3A_195] : memref<10240x128xf32, #tpu.memory_space<vmem_shared>> -> memref<128x128xf32, #tpu.memory_space<vmem_shared>>
      %dma_wait3A_197 = arith.constant 0 : i32
      %dma_wait3A_198 = arith.constant 0 : i32
      %dma_wait3A_199 = tpu.memref_slice %arg6[%run_scoped3A_22, %dma_wait3A_197, %dma_wait3A_198] : memref<2x128x128xf32, #tpu.memory_space<vmem>> -> memref<1x128x128xf32, #tpu.memory_space<vmem>>
      %dma_wait3A_200 = tpu.memref_squeeze %dma_wait3A_199 : memref<1x128x128xf32, #tpu.memory_space<vmem>> -> memref<128x128xf32, #tpu.memory_space<vmem>>
      tpu.wait_dma2 semaphore(%run_scoped3A_176 : memref<!tpu.dma_semaphore, #tpu.memory_space<semaphore_mem>>) src(%dma_wait3A_200 : memref<128x128xf32, #tpu.memory_space<vmem>>) dst(%dma_wait3A_196 : memref<128x128xf32, #tpu.memory_space<vmem_shared>>)
      tpu.yield
    }) : () -> ()
    %barrier3A = arith.constant 0 : index
    tpu.barrier barrier_id(%barrier3A)
    %run_scoped3A_23 = arith.constant 0 : i32
    %run_scoped3A_24 = arith.constant 0 : i32
    "tpu.region"() ({
      %run_scoped3A_176 = tpu.sem_alloc : memref<!tpu.dma_semaphore, #tpu.memory_space<semaphore_mem>>
      %dma_start3A_177 = arith.constant 0 : i32
      %dma_start3A_178 = arith.constant 0 : i32
      %dma_start3A_179 = tpu.memref_slice %arg5[%run_scoped3A_24, %dma_start3A_177, %dma_start3A_178] : memref<4x2x128xi32, #tpu.memory_space<vmem>> -> memref<1x2x128xi32, #tpu.memory_space<vmem>>
      %dma_start3A_180 = tpu.memref_squeeze %dma_start3A_179 : memref<1x2x128xi32, #tpu.memory_space<vmem>> -> memref<2x128xi32, #tpu.memory_space<vmem>>
      %dma_start3A_181 = arith.constant 0 : i32
      %dma_start3A_182 = arith.constant 0 : i32
      %dma_start3A_183 = tpu.memref_slice %arg3[%add3A, %run_scoped3A_23, %dma_start3A_181, %dma_start3A_182] : memref<32x84x2x128xi32, #tpu.memory_space<hbm>> -> memref<1x1x2x128xi32, #tpu.memory_space<hbm>>
      %dma_start3A_184 = tpu.memref_squeeze %dma_start3A_183 : memref<1x1x2x128xi32, #tpu.memory_space<hbm>> -> memref<2x128xi32, #tpu.memory_space<hbm>>
      %dma_start3A_185 = arith.constant 0 : i32
      %dma_start3A_186 = arith.constant 0 : i32
      %dma_start3A_187 = tpu.memref_slice %arg5[%run_scoped3A_24, %dma_start3A_185, %dma_start3A_186] : memref<4x2x128xi32, #tpu.memory_space<vmem>> -> memref<1x2x128xi32, #tpu.memory_space<vmem>>
      %dma_start3A_188 = tpu.memref_squeeze %dma_start3A_187 : memref<1x2x128xi32, #tpu.memory_space<vmem>> -> memref<2x128xi32, #tpu.memory_space<vmem>>
      %dma_start3A_189 = arith.constant 0 : i32
      %dma_start3A_190 = arith.constant 0 : i32
      %dma_start3A_191 = tpu.memref_slice %arg3[%add3A, %run_scoped3A_23, %dma_start3A_189, %dma_start3A_190] : memref<32x84x2x128xi32, #tpu.memory_space<hbm>> -> memref<1x1x2x128xi32, #tpu.memory_space<hbm>>
      %dma_start3A_192 = tpu.memref_squeeze %dma_start3A_191 : memref<1x1x2x128xi32, #tpu.memory_space<hbm>> -> memref<2x128xi32, #tpu.memory_space<hbm>>
      tpu.enqueue_dma source(%dma_start3A_192 : memref<2x128xi32, #tpu.memory_space<hbm>>) target(%dma_start3A_188 : memref<2x128xi32, #tpu.memory_space<vmem>>) target_semaphore(%run_scoped3A_176 : memref<!tpu.dma_semaphore, #tpu.memory_space<semaphore_mem>>)
      %dma_wait3A_193 = arith.constant 0 : i32
      %dma_wait3A_194 = arith.constant 0 : i32
      %dma_wait3A_195 = tpu.memref_slice %arg5[%run_scoped3A_24, %dma_wait3A_193, %dma_wait3A_194] : memref<4x2x128xi32, #tpu.memory_space<vmem>> -> memref<1x2x128xi32, #tpu.memory_space<vmem>>
      %dma_wait3A_196 = tpu.memref_squeeze %dma_wait3A_195 : memref<1x2x128xi32, #tpu.memory_space<vmem>> -> memref<2x128xi32, #tpu.memory_space<vmem>>
      %dma_wait3A_197 = arith.constant 0 : i32
      %dma_wait3A_198 = arith.constant 0 : i32
      %dma_wait3A_199 = tpu.memref_slice %arg3[%add3A, %run_scoped3A_23, %dma_wait3A_197, %dma_wait3A_198] : memref<32x84x2x128xi32, #tpu.memory_space<hbm>> -> memref<1x1x2x128xi32, #tpu.memory_space<hbm>>
      %dma_wait3A_200 = tpu.memref_squeeze %dma_wait3A_199 : memref<1x1x2x128xi32, #tpu.memory_space<hbm>> -> memref<2x128xi32, #tpu.memory_space<hbm>>
      %dma_wait3A_201 = arith.constant 0 : i32
      %dma_wait3A_202 = arith.constant 0 : i32
      %dma_wait3A_203 = tpu.memref_slice %arg5[%run_scoped3A_24, %dma_wait3A_201, %dma_wait3A_202] : memref<4x2x128xi32, #tpu.memory_space<vmem>> -> memref<1x2x128xi32, #tpu.memory_space<vmem>>
      %dma_wait3A_204 = tpu.memref_squeeze %dma_wait3A_203 : memref<1x2x128xi32, #tpu.memory_space<vmem>> -> memref<2x128xi32, #tpu.memory_space<vmem>>
      %dma_wait3A_205 = arith.constant 0 : i32
      %dma_wait3A_206 = arith.constant 0 : i32
      %dma_wait3A_207 = tpu.memref_slice %arg3[%add3A, %run_scoped3A_23, %dma_wait3A_205, %dma_wait3A_206] : memref<32x84x2x128xi32, #tpu.memory_space<hbm>> -> memref<1x1x2x128xi32, #tpu.memory_space<hbm>>
      %dma_wait3A_208 = tpu.memref_squeeze %dma_wait3A_207 : memref<1x1x2x128xi32, #tpu.memory_space<hbm>> -> memref<2x128xi32, #tpu.memory_space<hbm>>
      tpu.wait_dma2 semaphore(%run_scoped3A_176 : memref<!tpu.dma_semaphore, #tpu.memory_space<semaphore_mem>>) src(%dma_wait3A_208 : memref<2x128xi32, #tpu.memory_space<hbm>>) dst(%dma_wait3A_204 : memref<2x128xi32, #tpu.memory_space<vmem>>)
      tpu.yield
    }) : () -> ()
    %run_scoped3A_25 = arith.constant 1 : i32
    %run_scoped3A_26 = arith.constant 1 : i32
    "tpu.region"() ({
      %run_scoped3A_176 = tpu.sem_alloc : memref<!tpu.dma_semaphore, #tpu.memory_space<semaphore_mem>>
      %dma_start3A_177 = arith.constant 0 : i32
      %dma_start3A_178 = arith.constant 0 : i32
      %dma_start3A_179 = tpu.memref_slice %arg5[%run_scoped3A_26, %dma_start3A_177, %dma_start3A_178] : memref<4x2x128xi32, #tpu.memory_space<vmem>> -> memref<1x2x128xi32, #tpu.memory_space<vmem>>
      %dma_start3A_180 = tpu.memref_squeeze %dma_start3A_179 : memref<1x2x128xi32, #tpu.memory_space<vmem>> -> memref<2x128xi32, #tpu.memory_space<vmem>>
      %dma_start3A_181 = arith.constant 0 : i32
      %dma_start3A_182 = arith.constant 0 : i32
      %dma_start3A_183 = tpu.memref_slice %arg3[%add3A, %run_scoped3A_25, %dma_start3A_181, %dma_start3A_182] : memref<32x84x2x128xi32, #tpu.memory_space<hbm>> -> memref<1x1x2x128xi32, #tpu.memory_space<hbm>>
      %dma_start3A_184 = tpu.memref_squeeze %dma_start3A_183 : memref<1x1x2x128xi32, #tpu.memory_space<hbm>> -> memref<2x128xi32, #tpu.memory_space<hbm>>
      %dma_start3A_185 = arith.constant 0 : i32
      %dma_start3A_186 = arith.constant 0 : i32
      %dma_start3A_187 = tpu.memref_slice %arg5[%run_scoped3A_26, %dma_start3A_185, %dma_start3A_186] : memref<4x2x128xi32, #tpu.memory_space<vmem>> -> memref<1x2x128xi32, #tpu.memory_space<vmem>>
      %dma_start3A_188 = tpu.memref_squeeze %dma_start3A_187 : memref<1x2x128xi32, #tpu.memory_space<vmem>> -> memref<2x128xi32, #tpu.memory_space<vmem>>
      %dma_start3A_189 = arith.constant 0 : i32
      %dma_start3A_190 = arith.constant 0 : i32
      %dma_start3A_191 = tpu.memref_slice %arg3[%add3A, %run_scoped3A_25, %dma_start3A_189, %dma_start3A_190] : memref<32x84x2x128xi32, #tpu.memory_space<hbm>> -> memref<1x1x2x128xi32, #tpu.memory_space<hbm>>
      %dma_start3A_192 = tpu.memref_squeeze %dma_start3A_191 : memref<1x1x2x128xi32, #tpu.memory_space<hbm>> -> memref<2x128xi32, #tpu.memory_space<hbm>>
      tpu.enqueue_dma source(%dma_start3A_192 : memref<2x128xi32, #tpu.memory_space<hbm>>) target(%dma_start3A_188 : memref<2x128xi32, #tpu.memory_space<vmem>>) target_semaphore(%run_scoped3A_176 : memref<!tpu.dma_semaphore, #tpu.memory_space<semaphore_mem>>)
      %dma_wait3A_193 = arith.constant 0 : i32
      %dma_wait3A_194 = arith.constant 0 : i32
      %dma_wait3A_195 = tpu.memref_slice %arg5[%run_scoped3A_26, %dma_wait3A_193, %dma_wait3A_194] : memref<4x2x128xi32, #tpu.memory_space<vmem>> -> memref<1x2x128xi32, #tpu.memory_space<vmem>>
      %dma_wait3A_196 = tpu.memref_squeeze %dma_wait3A_195 : memref<1x2x128xi32, #tpu.memory_space<vmem>> -> memref<2x128xi32, #tpu.memory_space<vmem>>
      %dma_wait3A_197 = arith.constant 0 : i32
      %dma_wait3A_198 = arith.constant 0 : i32
      %dma_wait3A_199 = tpu.memref_slice %arg3[%add3A, %run_scoped3A_25, %dma_wait3A_197, %dma_wait3A_198] : memref<32x84x2x128xi32, #tpu.memory_space<hbm>> -> memref<1x1x2x128xi32, #tpu.memory_space<hbm>>
      %dma_wait3A_200 = tpu.memref_squeeze %dma_wait3A_199 : memref<1x1x2x128xi32, #tpu.memory_space<hbm>> -> memref<2x128xi32, #tpu.memory_space<hbm>>
      %dma_wait3A_201 = arith.constant 0 : i32
      %dma_wait3A_202 = arith.constant 0 : i32
      %dma_wait3A_203 = tpu.memref_slice %arg5[%run_scoped3A_26, %dma_wait3A_201, %dma_wait3A_202] : memref<4x2x128xi32, #tpu.memory_space<vmem>> -> memref<1x2x128xi32, #tpu.memory_space<vmem>>
      %dma_wait3A_204 = tpu.memref_squeeze %dma_wait3A_203 : memref<1x2x128xi32, #tpu.memory_space<vmem>> -> memref<2x128xi32, #tpu.memory_space<vmem>>
      %dma_wait3A_205 = arith.constant 0 : i32
      %dma_wait3A_206 = arith.constant 0 : i32
      %dma_wait3A_207 = tpu.memref_slice %arg3[%add3A, %run_scoped3A_25, %dma_wait3A_205, %dma_wait3A_206] : memref<32x84x2x128xi32, #tpu.memory_space<hbm>> -> memref<1x1x2x128xi32, #tpu.memory_space<hbm>>
      %dma_wait3A_208 = tpu.memref_squeeze %dma_wait3A_207 : memref<1x1x2x128xi32, #tpu.memory_space<hbm>> -> memref<2x128xi32, #tpu.memory_space<hbm>>
      tpu.wait_dma2 semaphore(%run_scoped3A_176 : memref<!tpu.dma_semaphore, #tpu.memory_space<semaphore_mem>>) src(%dma_wait3A_208 : memref<2x128xi32, #tpu.memory_space<hbm>>) dst(%dma_wait3A_204 : memref<2x128xi32, #tpu.memory_space<vmem>>)
      tpu.yield
    }) : () -> ()
    %dma_start3A = arith.constant 2 : i32
    %dma_start3A_27 = arith.constant 2 : i32
    %dma_start3A_28 = arith.constant 0 : i32
    %dma_start3A_29 = arith.constant 0 : i32
    %dma_start3A_30 = tpu.memref_slice %arg5[%dma_start3A_27, %dma_start3A_28, %dma_start3A_29] : memref<4x2x128xi32, #tpu.memory_space<vmem>> -> memref<1x2x128xi32, #tpu.memory_space<vmem>>
    %dma_start3A_31 = tpu.memref_squeeze %dma_start3A_30 : memref<1x2x128xi32, #tpu.memory_space<vmem>> -> memref<2x128xi32, #tpu.memory_space<vmem>>
    %dma_start3A_32 = arith.constant 0 : i32
    %dma_start3A_33 = arith.constant 0 : i32
    %dma_start3A_34 = tpu.memref_slice %arg3[%add3A, %dma_start3A, %dma_start3A_32, %dma_start3A_33] : memref<32x84x2x128xi32, #tpu.memory_space<hbm>> -> memref<1x1x2x128xi32, #tpu.memory_space<hbm>>
    %dma_start3A_35 = tpu.memref_squeeze %dma_start3A_34 : memref<1x1x2x128xi32, #tpu.memory_space<hbm>> -> memref<2x128xi32, #tpu.memory_space<hbm>>
    %dma_start3A_36 = arith.constant 0 : i32
    %dma_start3A_37 = arith.constant 0 : i32
    %dma_start3A_38 = tpu.memref_slice %arg5[%dma_start3A_27, %dma_start3A_36, %dma_start3A_37] : memref<4x2x128xi32, #tpu.memory_space<vmem>> -> memref<1x2x128xi32, #tpu.memory_space<vmem>>
    %dma_start3A_39 = tpu.memref_squeeze %dma_start3A_38 : memref<1x2x128xi32, #tpu.memory_space<vmem>> -> memref<2x128xi32, #tpu.memory_space<vmem>>
    %dma_start3A_40 = arith.constant 0 : i32
    %dma_start3A_41 = arith.constant 0 : i32
    %dma_start3A_42 = tpu.memref_slice %arg3[%add3A, %dma_start3A, %dma_start3A_40, %dma_start3A_41] : memref<32x84x2x128xi32, #tpu.memory_space<hbm>> -> memref<1x1x2x128xi32, #tpu.memory_space<hbm>>
    %dma_start3A_43 = tpu.memref_squeeze %dma_start3A_42 : memref<1x1x2x128xi32, #tpu.memory_space<hbm>> -> memref<2x128xi32, #tpu.memory_space<hbm>>
    tpu.enqueue_dma source(%dma_start3A_43 : memref<2x128xi32, #tpu.memory_space<hbm>>) target(%dma_start3A_39 : memref<2x128xi32, #tpu.memory_space<vmem>>) target_semaphore(%arg10 : memref<!tpu.dma_semaphore, #tpu.memory_space<semaphore_mem>>)
    %dma_start3A_44 = arith.constant 3 : i32
    %dma_start3A_45 = arith.constant 3 : i32
    %dma_start3A_46 = arith.constant 0 : i32
    %dma_start3A_47 = arith.constant 0 : i32
    %dma_start3A_48 = tpu.memref_slice %arg5[%dma_start3A_45, %dma_start3A_46, %dma_start3A_47] : memref<4x2x128xi32, #tpu.memory_space<vmem>> -> memref<1x2x128xi32, #tpu.memory_space<vmem>>
    %dma_start3A_49 = tpu.memref_squeeze %dma_start3A_48 : memref<1x2x128xi32, #tpu.memory_space<vmem>> -> memref<2x128xi32, #tpu.memory_space<vmem>>
    %dma_start3A_50 = arith.constant 0 : i32
    %dma_start3A_51 = arith.constant 0 : i32
    %dma_start3A_52 = tpu.memref_slice %arg3[%add3A, %dma_start3A_44, %dma_start3A_50, %dma_start3A_51] : memref<32x84x2x128xi32, #tpu.memory_space<hbm>> -> memref<1x1x2x128xi32, #tpu.memory_space<hbm>>
    %dma_start3A_53 = tpu.memref_squeeze %dma_start3A_52 : memref<1x1x2x128xi32, #tpu.memory_space<hbm>> -> memref<2x128xi32, #tpu.memory_space<hbm>>
    %dma_start3A_54 = arith.constant 0 : i32
    %dma_start3A_55 = arith.constant 0 : i32
    %dma_start3A_56 = tpu.memref_slice %arg5[%dma_start3A_45, %dma_start3A_54, %dma_start3A_55] : memref<4x2x128xi32, #tpu.memory_space<vmem>> -> memref<1x2x128xi32, #tpu.memory_space<vmem>>
    %dma_start3A_57 = tpu.memref_squeeze %dma_start3A_56 : memref<1x2x128xi32, #tpu.memory_space<vmem>> -> memref<2x128xi32, #tpu.memory_space<vmem>>
    %dma_start3A_58 = arith.constant 0 : i32
    %dma_start3A_59 = arith.constant 0 : i32
    %dma_start3A_60 = tpu.memref_slice %arg3[%add3A, %dma_start3A_44, %dma_start3A_58, %dma_start3A_59] : memref<32x84x2x128xi32, #tpu.memory_space<hbm>> -> memref<1x1x2x128xi32, #tpu.memory_space<hbm>>
    %dma_start3A_61 = tpu.memref_squeeze %dma_start3A_60 : memref<1x1x2x128xi32, #tpu.memory_space<hbm>> -> memref<2x128xi32, #tpu.memory_space<hbm>>
    tpu.enqueue_dma source(%dma_start3A_61 : memref<2x128xi32, #tpu.memory_space<hbm>>) target(%dma_start3A_57 : memref<2x128xi32, #tpu.memory_space<vmem>>) target_semaphore(%arg11 : memref<!tpu.dma_semaphore, #tpu.memory_space<semaphore_mem>>)
    %dma_start3A_62 = arith.constant 0 : i32
    %dma_start3A_63 = arith.constant 0 : i32
    %dma_start3A_64 = arith.constant 0 : i32
    %dma_start3A_65 = arith.constant 0 : i32
    %dma_start3A_66 = arith.constant 0 : i32
    %dma_start3A_67 = tpu.memref_slice %arg6[%dma_start3A_64, %dma_start3A_65, %dma_start3A_66] : memref<2x128x128xf32, #tpu.memory_space<vmem>> -> memref<1x128x128xf32, #tpu.memory_space<vmem>>
    %dma_start3A_68 = tpu.memref_squeeze %dma_start3A_67 : memref<1x128x128xf32, #tpu.memory_space<vmem>> -> memref<128x128xf32, #tpu.memory_space<vmem>>
    %dma_start3A_69 = arith.constant 0 : i32
    %dma_start3A_70 = tpu.memref_slice %arg5[%dma_start3A_62, %dma_start3A_63, %dma_start3A_69] : memref<4x2x128xi32, #tpu.memory_space<vmem>> -> memref<1x1x128xi32, #tpu.memory_space<vmem>>
    %dma_start3A_71 = tpu.memref_squeeze %dma_start3A_70 : memref<1x1x128xi32, #tpu.memory_space<vmem>> -> memref<128xi32, #tpu.memory_space<vmem>>
    %dma_start3A_72 = arith.constant 0 : i32
    %dma_start3A_73 = arith.constant 0 : i32
    %dma_start3A_74 = tpu.memref_slice %arg2[%dma_start3A_72, %dma_start3A_73] : memref<10240x128xf32, #tpu.memory_space<hbm>> -> memref<10240x128xf32, #tpu.memory_space<hbm>>
    tpu.enqueue_indirect_dma source(%dma_start3A_74 : memref<10240x128xf32, #tpu.memory_space<hbm>>) target(%dma_start3A_68 : memref<128x128xf32, #tpu.memory_space<vmem>>) offsets(%dma_start3A_71 : memref<128xi32, #tpu.memory_space<vmem>>) semaphore(%arg8 : memref<!tpu.dma_semaphore, #tpu.memory_space<semaphore_mem>>)
    %dma_start3A_75 = arith.constant 1 : i32
    %dma_start3A_76 = arith.constant 0 : i32
    %dma_start3A_77 = arith.constant 1 : i32
    %dma_start3A_78 = arith.constant 0 : i32
    %dma_start3A_79 = arith.constant 0 : i32
    %dma_start3A_80 = tpu.memref_slice %arg6[%dma_start3A_77, %dma_start3A_78, %dma_start3A_79] : memref<2x128x128xf32, #tpu.memory_space<vmem>> -> memref<1x128x128xf32, #tpu.memory_space<vmem>>
    %dma_start3A_81 = tpu.memref_squeeze %dma_start3A_80 : memref<1x128x128xf32, #tpu.memory_space<vmem>> -> memref<128x128xf32, #tpu.memory_space<vmem>>
    %dma_start3A_82 = arith.constant 0 : i32
    %dma_start3A_83 = tpu.memref_slice %arg5[%dma_start3A_75, %dma_start3A_76, %dma_start3A_82] : memref<4x2x128xi32, #tpu.memory_space<vmem>> -> memref<1x1x128xi32, #tpu.memory_space<vmem>>
    %dma_start3A_84 = tpu.memref_squeeze %dma_start3A_83 : memref<1x1x128xi32, #tpu.memory_space<vmem>> -> memref<128xi32, #tpu.memory_space<vmem>>
    %dma_start3A_85 = arith.constant 0 : i32
    %dma_start3A_86 = arith.constant 0 : i32
    %dma_start3A_87 = tpu.memref_slice %arg2[%dma_start3A_85, %dma_start3A_86] : memref<10240x128xf32, #tpu.memory_space<hbm>> -> memref<10240x128xf32, #tpu.memory_space<hbm>>
    tpu.enqueue_indirect_dma source(%dma_start3A_87 : memref<10240x128xf32, #tpu.memory_space<hbm>>) target(%dma_start3A_81 : memref<128x128xf32, #tpu.memory_space<vmem>>) offsets(%dma_start3A_84 : memref<128xi32, #tpu.memory_space<vmem>>) semaphore(%arg9 : memref<!tpu.dma_semaphore, #tpu.memory_space<semaphore_mem>>)
    %scan3A_88 = arith.constant 0 : i32
    %scan3A_89 = arith.constant 0 : i32
    %scan3A_90 = arith.constant 40 : i32
    %scan3A_91 = arith.addi %scan3A_89, %scan3A_90 : i32
    %scan3A_92 = arith.constant 1 : i32
    scf.for %scan3A_176 = %scan3A_89 to %scan3A_91 step %scan3A_92  : i32 {
      %mul3A_177 = arith.constant 2 : i32
      %mul3A_178 = arith.muli %scan3A_176, %mul3A_177 : i32
      %add3A_179 = arith.constant 0 : i32
      %add3A_180 = arith.addi %mul3A_178, %add3A_179 : i32
      %rem3A = arith.constant 4 : i32
      %rem3A_181 = arith.remsi %add3A_180, %rem3A : i32
      %add3A_182 = arith.constant 2 : i32
      %add3A_183 = arith.addi %add3A_180, %add3A_182 : i32
      %rem3A_184 = arith.constant 4 : i32
      %rem3A_185 = arith.remsi %add3A_183, %rem3A_184 : i32
      %dma_wait3A_186 = arith.constant 0 : i32
      %dma_wait3A_187 = arith.constant 0 : i32
      %dma_wait3A_188 = arith.constant 0 : i32
      %dma_wait3A_189 = arith.constant 0 : i32
      %dma_wait3A_190 = tpu.memref_slice %arg6[%dma_wait3A_187, %dma_wait3A_188, %dma_wait3A_189] : memref<2x128x128xf32, #tpu.memory_space<vmem>> -> memref<1x128x128xf32, #tpu.memory_space<vmem>>
      %dma_wait3A_191 = tpu.memref_squeeze %dma_wait3A_190 : memref<1x128x128xf32, #tpu.memory_space<vmem>> -> memref<128x128xf32, #tpu.memory_space<vmem>>
      %dma_wait3A_192 = arith.constant 0 : i32
      %dma_wait3A_193 = tpu.memref_slice %arg5[%rem3A_181, %dma_wait3A_186, %dma_wait3A_192] : memref<4x2x128xi32, #tpu.memory_space<vmem>> -> memref<1x1x128xi32, #tpu.memory_space<vmem>>
      %dma_wait3A_194 = tpu.memref_squeeze %dma_wait3A_193 : memref<1x1x128xi32, #tpu.memory_space<vmem>> -> memref<128xi32, #tpu.memory_space<vmem>>
      %dma_wait3A_195 = arith.constant 0 : i32
      %dma_wait3A_196 = arith.constant 0 : i32
      %dma_wait3A_197 = tpu.memref_slice %arg2[%dma_wait3A_195, %dma_wait3A_196] : memref<10240x128xf32, #tpu.memory_space<hbm>> -> memref<10240x128xf32, #tpu.memory_space<hbm>>
      tpu.wait_indirect_dma semaphore(%arg8 : memref<!tpu.dma_semaphore, #tpu.memory_space<semaphore_mem>>) src(%dma_wait3A_197 : memref<10240x128xf32, #tpu.memory_space<hbm>>) dst(%dma_wait3A_191 : memref<128x128xf32, #tpu.memory_space<vmem>>)
      %dma_start3A_198 = arith.constant 0 : i32
      %dma_start3A_199 = arith.constant 1 : i32
      %dma_start3A_200 = arith.constant 0 : i32
      %dma_start3A_201 = arith.constant 0 : i32
      %dma_start3A_202 = tpu.memref_slice %arg6[%dma_start3A_198, %dma_start3A_200, %dma_start3A_201] : memref<2x128x128xf32, #tpu.memory_space<vmem>> -> memref<1x128x128xf32, #tpu.memory_space<vmem>>
      %dma_start3A_203 = tpu.memref_squeeze %dma_start3A_202 : memref<1x128x128xf32, #tpu.memory_space<vmem>> -> memref<128x128xf32, #tpu.memory_space<vmem>>
      %dma_start3A_204 = arith.constant 0 : i32
      %dma_start3A_205 = tpu.memref_slice %arg5[%rem3A_181, %dma_start3A_199, %dma_start3A_204] : memref<4x2x128xi32, #tpu.memory_space<vmem>> -> memref<1x1x128xi32, #tpu.memory_space<vmem>>
      %dma_start3A_206 = tpu.memref_squeeze %dma_start3A_205 : memref<1x1x128xi32, #tpu.memory_space<vmem>> -> memref<128xi32, #tpu.memory_space<vmem>>
      %dma_start3A_207 = arith.constant 0 : i32
      %dma_start3A_208 = arith.constant 0 : i32
      %dma_start3A_209 = tpu.memref_slice %arg7[%dma_start3A_207, %dma_start3A_208] : memref<10240x128xf32, #tpu.memory_space<vmem_shared>> -> memref<10240x128xf32, #tpu.memory_space<vmem_shared>>
      tpu.enqueue_indirect_dma source(%dma_start3A_203 : memref<128x128xf32, #tpu.memory_space<vmem>>) target(%dma_start3A_209 : memref<10240x128xf32, #tpu.memory_space<vmem_shared>>) offsets(%dma_start3A_206 : memref<128xi32, #tpu.memory_space<vmem>>) semaphore(%arg12 : memref<!tpu.dma_semaphore, #tpu.memory_space<semaphore_mem>>) {add = true}
      %add3A_210 = arith.constant 2 : i32
      %add3A_211 = arith.addi %add3A_180, %add3A_210 : i32
      %dma_wait3A_212 = arith.constant 0 : i32
      %dma_wait3A_213 = arith.constant 0 : i32
      %dma_wait3A_214 = tpu.memref_slice %arg5[%rem3A_185, %dma_wait3A_212, %dma_wait3A_213] : memref<4x2x128xi32, #tpu.memory_space<vmem>> -> memref<1x2x128xi32, #tpu.memory_space<vmem>>
      %dma_wait3A_215 = tpu.memref_squeeze %dma_wait3A_214 : memref<1x2x128xi32, #tpu.memory_space<vmem>> -> memref<2x128xi32, #tpu.memory_space<vmem>>
      %dma_wait3A_216 = arith.constant 0 : i32
      %dma_wait3A_217 = arith.constant 0 : i32
      %dma_wait3A_218 = tpu.memref_slice %arg3[%add3A, %add3A_211, %dma_wait3A_216, %dma_wait3A_217] : memref<32x84x2x128xi32, #tpu.memory_space<hbm>> -> memref<1x1x2x128xi32, #tpu.memory_space<hbm>>
      %dma_wait3A_219 = tpu.memref_squeeze %dma_wait3A_218 : memref<1x1x2x128xi32, #tpu.memory_space<hbm>> -> memref<2x128xi32, #tpu.memory_space<hbm>>
      %dma_wait3A_220 = arith.constant 0 : i32
      %dma_wait3A_221 = arith.constant 0 : i32
      %dma_wait3A_222 = tpu.memref_slice %arg5[%rem3A_185, %dma_wait3A_220, %dma_wait3A_221] : memref<4x2x128xi32, #tpu.memory_space<vmem>> -> memref<1x2x128xi32, #tpu.memory_space<vmem>>
      %dma_wait3A_223 = tpu.memref_squeeze %dma_wait3A_222 : memref<1x2x128xi32, #tpu.memory_space<vmem>> -> memref<2x128xi32, #tpu.memory_space<vmem>>
      %dma_wait3A_224 = arith.constant 0 : i32
      %dma_wait3A_225 = arith.constant 0 : i32
      %dma_wait3A_226 = tpu.memref_slice %arg3[%add3A, %add3A_211, %dma_wait3A_224, %dma_wait3A_225] : memref<32x84x2x128xi32, #tpu.memory_space<hbm>> -> memref<1x1x2x128xi32, #tpu.memory_space<hbm>>
      %dma_wait3A_227 = tpu.memref_squeeze %dma_wait3A_226 : memref<1x1x2x128xi32, #tpu.memory_space<hbm>> -> memref<2x128xi32, #tpu.memory_space<hbm>>
      tpu.wait_dma2 semaphore(%arg10 : memref<!tpu.dma_semaphore, #tpu.memory_space<semaphore_mem>>) src(%dma_wait3A_227 : memref<2x128xi32, #tpu.memory_space<hbm>>) dst(%dma_wait3A_223 : memref<2x128xi32, #tpu.memory_space<vmem>>)
      %dma_wait3A_228 = arith.constant 0 : i32
      %dma_wait3A_229 = arith.constant 1 : i32
      %dma_wait3A_230 = arith.constant 0 : i32
      %dma_wait3A_231 = arith.constant 0 : i32
      %dma_wait3A_232 = tpu.memref_slice %arg6[%dma_wait3A_228, %dma_wait3A_230, %dma_wait3A_231] : memref<2x128x128xf32, #tpu.memory_space<vmem>> -> memref<1x128x128xf32, #tpu.memory_space<vmem>>
      %dma_wait3A_233 = tpu.memref_squeeze %dma_wait3A_232 : memref<1x128x128xf32, #tpu.memory_space<vmem>> -> memref<128x128xf32, #tpu.memory_space<vmem>>
      %dma_wait3A_234 = arith.constant 0 : i32
      %dma_wait3A_235 = tpu.memref_slice %arg5[%rem3A_181, %dma_wait3A_229, %dma_wait3A_234] : memref<4x2x128xi32, #tpu.memory_space<vmem>> -> memref<1x1x128xi32, #tpu.memory_space<vmem>>
      %dma_wait3A_236 = tpu.memref_squeeze %dma_wait3A_235 : memref<1x1x128xi32, #tpu.memory_space<vmem>> -> memref<128xi32, #tpu.memory_space<vmem>>
      %dma_wait3A_237 = arith.constant 0 : i32
      %dma_wait3A_238 = arith.constant 0 : i32
      %dma_wait3A_239 = tpu.memref_slice %arg7[%dma_wait3A_237, %dma_wait3A_238] : memref<10240x128xf32, #tpu.memory_space<vmem_shared>> -> memref<10240x128xf32, #tpu.memory_space<vmem_shared>>
      tpu.wait_indirect_dma semaphore(%arg12 : memref<!tpu.dma_semaphore, #tpu.memory_space<semaphore_mem>>) src(%dma_wait3A_233 : memref<128x128xf32, #tpu.memory_space<vmem>>) dst(%dma_wait3A_239 : memref<10240x128xf32, #tpu.memory_space<vmem_shared>>)
      %add3A_240 = arith.constant 4 : i32
      %add3A_241 = arith.addi %add3A_180, %add3A_240 : i32
      %dma_start3A_242 = arith.constant 0 : i32
      %dma_start3A_243 = arith.constant 0 : i32
      %dma_start3A_244 = tpu.memref_slice %arg5[%rem3A_181, %dma_start3A_242, %dma_start3A_243] : memref<4x2x128xi32, #tpu.memory_space<vmem>> -> memref<1x2x128xi32, #tpu.memory_space<vmem>>
      %dma_start3A_245 = tpu.memref_squeeze %dma_start3A_244 : memref<1x2x128xi32, #tpu.memory_space<vmem>> -> memref<2x128xi32, #tpu.memory_space<vmem>>
      %dma_start3A_246 = arith.constant 0 : i32
      %dma_start3A_247 = arith.constant 0 : i32
      %dma_start3A_248 = tpu.memref_slice %arg3[%add3A, %add3A_241, %dma_start3A_246, %dma_start3A_247] : memref<32x84x2x128xi32, #tpu.memory_space<hbm>> -> memref<1x1x2x128xi32, #tpu.memory_space<hbm>>
      %dma_start3A_249 = tpu.memref_squeeze %dma_start3A_248 : memref<1x1x2x128xi32, #tpu.memory_space<hbm>> -> memref<2x128xi32, #tpu.memory_space<hbm>>
      %dma_start3A_250 = arith.constant 0 : i32
      %dma_start3A_251 = arith.constant 0 : i32
      %dma_start3A_252 = tpu.memref_slice %arg5[%rem3A_181, %dma_start3A_250, %dma_start3A_251] : memref<4x2x128xi32, #tpu.memory_space<vmem>> -> memref<1x2x128xi32, #tpu.memory_space<vmem>>
      %dma_start3A_253 = tpu.memref_squeeze %dma_start3A_252 : memref<1x2x128xi32, #tpu.memory_space<vmem>> -> memref<2x128xi32, #tpu.memory_space<vmem>>
      %dma_start3A_254 = arith.constant 0 : i32
      %dma_start3A_255 = arith.constant 0 : i32
      %dma_start3A_256 = tpu.memref_slice %arg3[%add3A, %add3A_241, %dma_start3A_254, %dma_start3A_255] : memref<32x84x2x128xi32, #tpu.memory_space<hbm>> -> memref<1x1x2x128xi32, #tpu.memory_space<hbm>>
      %dma_start3A_257 = tpu.memref_squeeze %dma_start3A_256 : memref<1x1x2x128xi32, #tpu.memory_space<hbm>> -> memref<2x128xi32, #tpu.memory_space<hbm>>
      tpu.enqueue_dma source(%dma_start3A_257 : memref<2x128xi32, #tpu.memory_space<hbm>>) target(%dma_start3A_253 : memref<2x128xi32, #tpu.memory_space<vmem>>) target_semaphore(%arg10 : memref<!tpu.dma_semaphore, #tpu.memory_space<semaphore_mem>>)
      %dma_start3A_258 = arith.constant 0 : i32
      %dma_start3A_259 = arith.constant 0 : i32
      %dma_start3A_260 = arith.constant 0 : i32
      %dma_start3A_261 = arith.constant 0 : i32
      %dma_start3A_262 = tpu.memref_slice %arg6[%dma_start3A_259, %dma_start3A_260, %dma_start3A_261] : memref<2x128x128xf32, #tpu.memory_space<vmem>> -> memref<1x128x128xf32, #tpu.memory_space<vmem>>
      %dma_start3A_263 = tpu.memref_squeeze %dma_start3A_262 : memref<1x128x128xf32, #tpu.memory_space<vmem>> -> memref<128x128xf32, #tpu.memory_space<vmem>>
      %dma_start3A_264 = arith.constant 0 : i32
      %dma_start3A_265 = tpu.memref_slice %arg5[%rem3A_185, %dma_start3A_258, %dma_start3A_264] : memref<4x2x128xi32, #tpu.memory_space<vmem>> -> memref<1x1x128xi32, #tpu.memory_space<vmem>>
      %dma_start3A_266 = tpu.memref_squeeze %dma_start3A_265 : memref<1x1x128xi32, #tpu.memory_space<vmem>> -> memref<128xi32, #tpu.memory_space<vmem>>
      %dma_start3A_267 = arith.constant 0 : i32
      %dma_start3A_268 = arith.constant 0 : i32
      %dma_start3A_269 = tpu.memref_slice %arg2[%dma_start3A_267, %dma_start3A_268] : memref<10240x128xf32, #tpu.memory_space<hbm>> -> memref<10240x128xf32, #tpu.memory_space<hbm>>
      tpu.enqueue_indirect_dma source(%dma_start3A_269 : memref<10240x128xf32, #tpu.memory_space<hbm>>) target(%dma_start3A_263 : memref<128x128xf32, #tpu.memory_space<vmem>>) offsets(%dma_start3A_266 : memref<128xi32, #tpu.memory_space<vmem>>) semaphore(%arg8 : memref<!tpu.dma_semaphore, #tpu.memory_space<semaphore_mem>>)
      %mul3A_270 = arith.constant 2 : i32
      %mul3A_271 = arith.muli %scan3A_176, %mul3A_270 : i32
      %add3A_272 = arith.constant 1 : i32
      %add3A_273 = arith.addi %mul3A_271, %add3A_272 : i32
      %rem3A_274 = arith.constant 4 : i32
      %rem3A_275 = arith.remsi %add3A_273, %rem3A_274 : i32
      %add3A_276 = arith.constant 2 : i32
      %add3A_277 = arith.addi %add3A_273, %add3A_276 : i32
      %rem3A_278 = arith.constant 4 : i32
      %rem3A_279 = arith.remsi %add3A_277, %rem3A_278 : i32
      %dma_wait3A_280 = arith.constant 0 : i32
      %dma_wait3A_281 = arith.constant 1 : i32
      %dma_wait3A_282 = arith.constant 0 : i32
      %dma_wait3A_283 = arith.constant 0 : i32
      %dma_wait3A_284 = tpu.memref_slice %arg6[%dma_wait3A_281, %dma_wait3A_282, %dma_wait3A_283] : memref<2x128x128xf32, #tpu.memory_space<vmem>> -> memref<1x128x128xf32, #tpu.memory_space<vmem>>
      %dma_wait3A_285 = tpu.memref_squeeze %dma_wait3A_284 : memref<1x128x128xf32, #tpu.memory_space<vmem>> -> memref<128x128xf32, #tpu.memory_space<vmem>>
      %dma_wait3A_286 = arith.constant 0 : i32
      %dma_wait3A_287 = tpu.memref_slice %arg5[%rem3A_275, %dma_wait3A_280, %dma_wait3A_286] : memref<4x2x128xi32, #tpu.memory_space<vmem>> -> memref<1x1x128xi32, #tpu.memory_space<vmem>>
      %dma_wait3A_288 = tpu.memref_squeeze %dma_wait3A_287 : memref<1x1x128xi32, #tpu.memory_space<vmem>> -> memref<128xi32, #tpu.memory_space<vmem>>
      %dma_wait3A_289 = arith.constant 0 : i32
      %dma_wait3A_290 = arith.constant 0 : i32
      %dma_wait3A_291 = tpu.memref_slice %arg2[%dma_wait3A_289, %dma_wait3A_290] : memref<10240x128xf32, #tpu.memory_space<hbm>> -> memref<10240x128xf32, #tpu.memory_space<hbm>>
      tpu.wait_indirect_dma semaphore(%arg9 : memref<!tpu.dma_semaphore, #tpu.memory_space<semaphore_mem>>) src(%dma_wait3A_291 : memref<10240x128xf32, #tpu.memory_space<hbm>>) dst(%dma_wait3A_285 : memref<128x128xf32, #tpu.memory_space<vmem>>)
      %dma_start3A_292 = arith.constant 1 : i32
      %dma_start3A_293 = arith.constant 1 : i32
      %dma_start3A_294 = arith.constant 0 : i32
      %dma_start3A_295 = arith.constant 0 : i32
      %dma_start3A_296 = tpu.memref_slice %arg6[%dma_start3A_292, %dma_start3A_294, %dma_start3A_295] : memref<2x128x128xf32, #tpu.memory_space<vmem>> -> memref<1x128x128xf32, #tpu.memory_space<vmem>>
      %dma_start3A_297 = tpu.memref_squeeze %dma_start3A_296 : memref<1x128x128xf32, #tpu.memory_space<vmem>> -> memref<128x128xf32, #tpu.memory_space<vmem>>
      %dma_start3A_298 = arith.constant 0 : i32
      %dma_start3A_299 = tpu.memref_slice %arg5[%rem3A_275, %dma_start3A_293, %dma_start3A_298] : memref<4x2x128xi32, #tpu.memory_space<vmem>> -> memref<1x1x128xi32, #tpu.memory_space<vmem>>
      %dma_start3A_300 = tpu.memref_squeeze %dma_start3A_299 : memref<1x1x128xi32, #tpu.memory_space<vmem>> -> memref<128xi32, #tpu.memory_space<vmem>>
      %dma_start3A_301 = arith.constant 0 : i32
      %dma_start3A_302 = arith.constant 0 : i32
      %dma_start3A_303 = tpu.memref_slice %arg7[%dma_start3A_301, %dma_start3A_302] : memref<10240x128xf32, #tpu.memory_space<vmem_shared>> -> memref<10240x128xf32, #tpu.memory_space<vmem_shared>>
      tpu.enqueue_indirect_dma source(%dma_start3A_297 : memref<128x128xf32, #tpu.memory_space<vmem>>) target(%dma_start3A_303 : memref<10240x128xf32, #tpu.memory_space<vmem_shared>>) offsets(%dma_start3A_300 : memref<128xi32, #tpu.memory_space<vmem>>) semaphore(%arg13 : memref<!tpu.dma_semaphore, #tpu.memory_space<semaphore_mem>>) {add = true}
      %add3A_304 = arith.constant 2 : i32
      %add3A_305 = arith.addi %add3A_273, %add3A_304 : i32
      %dma_wait3A_306 = arith.constant 0 : i32
      %dma_wait3A_307 = arith.constant 0 : i32
      %dma_wait3A_308 = tpu.memref_slice %arg5[%rem3A_279, %dma_wait3A_306, %dma_wait3A_307] : memref<4x2x128xi32, #tpu.memory_space<vmem>> -> memref<1x2x128xi32, #tpu.memory_space<vmem>>
      %dma_wait3A_309 = tpu.memref_squeeze %dma_wait3A_308 : memref<1x2x128xi32, #tpu.memory_space<vmem>> -> memref<2x128xi32, #tpu.memory_space<vmem>>
      %dma_wait3A_310 = arith.constant 0 : i32
      %dma_wait3A_311 = arith.constant 0 : i32
      %dma_wait3A_312 = tpu.memref_slice %arg3[%add3A, %add3A_305, %dma_wait3A_310, %dma_wait3A_311] : memref<32x84x2x128xi32, #tpu.memory_space<hbm>> -> memref<1x1x2x128xi32, #tpu.memory_space<hbm>>
      %dma_wait3A_313 = tpu.memref_squeeze %dma_wait3A_312 : memref<1x1x2x128xi32, #tpu.memory_space<hbm>> -> memref<2x128xi32, #tpu.memory_space<hbm>>
      %dma_wait3A_314 = arith.constant 0 : i32
      %dma_wait3A_315 = arith.constant 0 : i32
      %dma_wait3A_316 = tpu.memref_slice %arg5[%rem3A_279, %dma_wait3A_314, %dma_wait3A_315] : memref<4x2x128xi32, #tpu.memory_space<vmem>> -> memref<1x2x128xi32, #tpu.memory_space<vmem>>
      %dma_wait3A_317 = tpu.memref_squeeze %dma_wait3A_316 : memref<1x2x128xi32, #tpu.memory_space<vmem>> -> memref<2x128xi32, #tpu.memory_space<vmem>>
      %dma_wait3A_318 = arith.constant 0 : i32
      %dma_wait3A_319 = arith.constant 0 : i32
      %dma_wait3A_320 = tpu.memref_slice %arg3[%add3A, %add3A_305, %dma_wait3A_318, %dma_wait3A_319] : memref<32x84x2x128xi32, #tpu.memory_space<hbm>> -> memref<1x1x2x128xi32, #tpu.memory_space<hbm>>
      %dma_wait3A_321 = tpu.memref_squeeze %dma_wait3A_320 : memref<1x1x2x128xi32, #tpu.memory_space<hbm>> -> memref<2x128xi32, #tpu.memory_space<hbm>>
      tpu.wait_dma2 semaphore(%arg11 : memref<!tpu.dma_semaphore, #tpu.memory_space<semaphore_mem>>) src(%dma_wait3A_321 : memref<2x128xi32, #tpu.memory_space<hbm>>) dst(%dma_wait3A_317 : memref<2x128xi32, #tpu.memory_space<vmem>>)
      %dma_wait3A_322 = arith.constant 1 : i32
      %dma_wait3A_323 = arith.constant 1 : i32
      %dma_wait3A_324 = arith.constant 0 : i32
      %dma_wait3A_325 = arith.constant 0 : i32
      %dma_wait3A_326 = tpu.memref_slice %arg6[%dma_wait3A_322, %dma_wait3A_324, %dma_wait3A_325] : memref<2x128x128xf32, #tpu.memory_space<vmem>> -> memref<1x128x128xf32, #tpu.memory_space<vmem>>
      %dma_wait3A_327 = tpu.memref_squeeze %dma_wait3A_326 : memref<1x128x128xf32, #tpu.memory_space<vmem>> -> memref<128x128xf32, #tpu.memory_space<vmem>>
      %dma_wait3A_328 = arith.constant 0 : i32
      %dma_wait3A_329 = tpu.memref_slice %arg5[%rem3A_275, %dma_wait3A_323, %dma_wait3A_328] : memref<4x2x128xi32, #tpu.memory_space<vmem>> -> memref<1x1x128xi32, #tpu.memory_space<vmem>>
      %dma_wait3A_330 = tpu.memref_squeeze %dma_wait3A_329 : memref<1x1x128xi32, #tpu.memory_space<vmem>> -> memref<128xi32, #tpu.memory_space<vmem>>
      %dma_wait3A_331 = arith.constant 0 : i32
      %dma_wait3A_332 = arith.constant 0 : i32
      %dma_wait3A_333 = tpu.memref_slice %arg7[%dma_wait3A_331, %dma_wait3A_332] : memref<10240x128xf32, #tpu.memory_space<vmem_shared>> -> memref<10240x128xf32, #tpu.memory_space<vmem_shared>>
      tpu.wait_indirect_dma semaphore(%arg13 : memref<!tpu.dma_semaphore, #tpu.memory_space<semaphore_mem>>) src(%dma_wait3A_327 : memref<128x128xf32, #tpu.memory_space<vmem>>) dst(%dma_wait3A_333 : memref<10240x128xf32, #tpu.memory_space<vmem_shared>>)
      %add3A_334 = arith.constant 4 : i32
      %add3A_335 = arith.addi %add3A_273, %add3A_334 : i32
      %dma_start3A_336 = arith.constant 0 : i32
      %dma_start3A_337 = arith.constant 0 : i32
      %dma_start3A_338 = tpu.memref_slice %arg5[%rem3A_275, %dma_start3A_336, %dma_start3A_337] : memref<4x2x128xi32, #tpu.memory_space<vmem>> -> memref<1x2x128xi32, #tpu.memory_space<vmem>>
      %dma_start3A_339 = tpu.memref_squeeze %dma_start3A_338 : memref<1x2x128xi32, #tpu.memory_space<vmem>> -> memref<2x128xi32, #tpu.memory_space<vmem>>
      %dma_start3A_340 = arith.constant 0 : i32
      %dma_start3A_341 = arith.constant 0 : i32
      %dma_start3A_342 = tpu.memref_slice %arg3[%add3A, %add3A_335, %dma_start3A_340, %dma_start3A_341] : memref<32x84x2x128xi32, #tpu.memory_space<hbm>> -> memref<1x1x2x128xi32, #tpu.memory_space<hbm>>
      %dma_start3A_343 = tpu.memref_squeeze %dma_start3A_342 : memref<1x1x2x128xi32, #tpu.memory_space<hbm>> -> memref<2x128xi32, #tpu.memory_space<hbm>>
      %dma_start3A_344 = arith.constant 0 : i32
      %dma_start3A_345 = arith.constant 0 : i32
      %dma_start3A_346 = tpu.memref_slice %arg5[%rem3A_275, %dma_start3A_344, %dma_start3A_345] : memref<4x2x128xi32, #tpu.memory_space<vmem>> -> memref<1x2x128xi32, #tpu.memory_space<vmem>>
      %dma_start3A_347 = tpu.memref_squeeze %dma_start3A_346 : memref<1x2x128xi32, #tpu.memory_space<vmem>> -> memref<2x128xi32, #tpu.memory_space<vmem>>
      %dma_start3A_348 = arith.constant 0 : i32
      %dma_start3A_349 = arith.constant 0 : i32
      %dma_start3A_350 = tpu.memref_slice %arg3[%add3A, %add3A_335, %dma_start3A_348, %dma_start3A_349] : memref<32x84x2x128xi32, #tpu.memory_space<hbm>> -> memref<1x1x2x128xi32, #tpu.memory_space<hbm>>
      %dma_start3A_351 = tpu.memref_squeeze %dma_start3A_350 : memref<1x1x2x128xi32, #tpu.memory_space<hbm>> -> memref<2x128xi32, #tpu.memory_space<hbm>>
      tpu.enqueue_dma source(%dma_start3A_351 : memref<2x128xi32, #tpu.memory_space<hbm>>) target(%dma_start3A_347 : memref<2x128xi32, #tpu.memory_space<vmem>>) target_semaphore(%arg11 : memref<!tpu.dma_semaphore, #tpu.memory_space<semaphore_mem>>)
      %dma_start3A_352 = arith.constant 0 : i32
      %dma_start3A_353 = arith.constant 1 : i32
      %dma_start3A_354 = arith.constant 0 : i32
      %dma_start3A_355 = arith.constant 0 : i32
      %dma_start3A_356 = tpu.memref_slice %arg6[%dma_start3A_353, %dma_start3A_354, %dma_start3A_355] : memref<2x128x128xf32, #tpu.memory_space<vmem>> -> memref<1x128x128xf32, #tpu.memory_space<vmem>>
      %dma_start3A_357 = tpu.memref_squeeze %dma_start3A_356 : memref<1x128x128xf32, #tpu.memory_space<vmem>> -> memref<128x128xf32, #tpu.memory_space<vmem>>
      %dma_start3A_358 = arith.constant 0 : i32
      %dma_start3A_359 = tpu.memref_slice %arg5[%rem3A_279, %dma_start3A_352, %dma_start3A_358] : memref<4x2x128xi32, #tpu.memory_space<vmem>> -> memref<1x1x128xi32, #tpu.memory_space<vmem>>
      %dma_start3A_360 = tpu.memref_squeeze %dma_start3A_359 : memref<1x1x128xi32, #tpu.memory_space<vmem>> -> memref<128xi32, #tpu.memory_space<vmem>>
      %dma_start3A_361 = arith.constant 0 : i32
      %dma_start3A_362 = arith.constant 0 : i32
      %dma_start3A_363 = tpu.memref_slice %arg2[%dma_start3A_361, %dma_start3A_362] : memref<10240x128xf32, #tpu.memory_space<hbm>> -> memref<10240x128xf32, #tpu.memory_space<hbm>>
      tpu.enqueue_indirect_dma source(%dma_start3A_363 : memref<10240x128xf32, #tpu.memory_space<hbm>>) target(%dma_start3A_357 : memref<128x128xf32, #tpu.memory_space<vmem>>) offsets(%dma_start3A_360 : memref<128xi32, #tpu.memory_space<vmem>>) semaphore(%arg9 : memref<!tpu.dma_semaphore, #tpu.memory_space<semaphore_mem>>)
    }
    %scan3A_93 = arith.constant 40 : i32
    %dma_wait3A = arith.constant 0 : i32
    %dma_wait3A_94 = arith.constant 0 : i32
    %dma_wait3A_95 = arith.constant 0 : i32
    %dma_wait3A_96 = arith.constant 0 : i32
    %dma_wait3A_97 = arith.constant 0 : i32
    %dma_wait3A_98 = tpu.memref_slice %arg6[%dma_wait3A_95, %dma_wait3A_96, %dma_wait3A_97] : memref<2x128x128xf32, #tpu.memory_space<vmem>> -> memref<1x128x128xf32, #tpu.memory_space<vmem>>
    %dma_wait3A_99 = tpu.memref_squeeze %dma_wait3A_98 : memref<1x128x128xf32, #tpu.memory_space<vmem>> -> memref<128x128xf32, #tpu.memory_space<vmem>>
    %dma_wait3A_100 = arith.constant 0 : i32
    %dma_wait3A_101 = tpu.memref_slice %arg5[%dma_wait3A, %dma_wait3A_94, %dma_wait3A_100] : memref<4x2x128xi32, #tpu.memory_space<vmem>> -> memref<1x1x128xi32, #tpu.memory_space<vmem>>
    %dma_wait3A_102 = tpu.memref_squeeze %dma_wait3A_101 : memref<1x1x128xi32, #tpu.memory_space<vmem>> -> memref<128xi32, #tpu.memory_space<vmem>>
    %dma_wait3A_103 = arith.constant 0 : i32
    %dma_wait3A_104 = arith.constant 0 : i32
    %dma_wait3A_105 = tpu.memref_slice %arg2[%dma_wait3A_103, %dma_wait3A_104] : memref<10240x128xf32, #tpu.memory_space<hbm>> -> memref<10240x128xf32, #tpu.memory_space<hbm>>
    tpu.wait_indirect_dma semaphore(%arg8 : memref<!tpu.dma_semaphore, #tpu.memory_space<semaphore_mem>>) src(%dma_wait3A_105 : memref<10240x128xf32, #tpu.memory_space<hbm>>) dst(%dma_wait3A_99 : memref<128x128xf32, #tpu.memory_space<vmem>>)
    %dma_wait3A_106 = arith.constant 82 : i32
    %dma_wait3A_107 = arith.constant 2 : i32
    %dma_wait3A_108 = arith.constant 0 : i32
    %dma_wait3A_109 = arith.constant 0 : i32
    %dma_wait3A_110 = tpu.memref_slice %arg5[%dma_wait3A_107, %dma_wait3A_108, %dma_wait3A_109] : memref<4x2x128xi32, #tpu.memory_space<vmem>> -> memref<1x2x128xi32, #tpu.memory_space<vmem>>
    %dma_wait3A_111 = tpu.memref_squeeze %dma_wait3A_110 : memref<1x2x128xi32, #tpu.memory_space<vmem>> -> memref<2x128xi32, #tpu.memory_space<vmem>>
    %dma_wait3A_112 = arith.constant 0 : i32
    %dma_wait3A_113 = arith.constant 0 : i32
    %dma_wait3A_114 = tpu.memref_slice %arg3[%add3A, %dma_wait3A_106, %dma_wait3A_112, %dma_wait3A_113] : memref<32x84x2x128xi32, #tpu.memory_space<hbm>> -> memref<1x1x2x128xi32, #tpu.memory_space<hbm>>
    %dma_wait3A_115 = tpu.memref_squeeze %dma_wait3A_114 : memref<1x1x2x128xi32, #tpu.memory_space<hbm>> -> memref<2x128xi32, #tpu.memory_space<hbm>>
    %dma_wait3A_116 = arith.constant 0 : i32
    %dma_wait3A_117 = arith.constant 0 : i32
    %dma_wait3A_118 = tpu.memref_slice %arg5[%dma_wait3A_107, %dma_wait3A_116, %dma_wait3A_117] : memref<4x2x128xi32, #tpu.memory_space<vmem>> -> memref<1x2x128xi32, #tpu.memory_space<vmem>>
    %dma_wait3A_119 = tpu.memref_squeeze %dma_wait3A_118 : memref<1x2x128xi32, #tpu.memory_space<vmem>> -> memref<2x128xi32, #tpu.memory_space<vmem>>
    %dma_wait3A_120 = arith.constant 0 : i32
    %dma_wait3A_121 = arith.constant 0 : i32
    %dma_wait3A_122 = tpu.memref_slice %arg3[%add3A, %dma_wait3A_106, %dma_wait3A_120, %dma_wait3A_121] : memref<32x84x2x128xi32, #tpu.memory_space<hbm>> -> memref<1x1x2x128xi32, #tpu.memory_space<hbm>>
    %dma_wait3A_123 = tpu.memref_squeeze %dma_wait3A_122 : memref<1x1x2x128xi32, #tpu.memory_space<hbm>> -> memref<2x128xi32, #tpu.memory_space<hbm>>
    tpu.wait_dma2 semaphore(%arg10 : memref<!tpu.dma_semaphore, #tpu.memory_space<semaphore_mem>>) src(%dma_wait3A_123 : memref<2x128xi32, #tpu.memory_space<hbm>>) dst(%dma_wait3A_119 : memref<2x128xi32, #tpu.memory_space<vmem>>)
    %dma_wait3A_124 = arith.constant 1 : i32
    %dma_wait3A_125 = arith.constant 0 : i32
    %dma_wait3A_126 = arith.constant 1 : i32
    %dma_wait3A_127 = arith.constant 0 : i32
    %dma_wait3A_128 = arith.constant 0 : i32
    %dma_wait3A_129 = tpu.memref_slice %arg6[%dma_wait3A_126, %dma_wait3A_127, %dma_wait3A_128] : memref<2x128x128xf32, #tpu.memory_space<vmem>> -> memref<1x128x128xf32, #tpu.memory_space<vmem>>
    %dma_wait3A_130 = tpu.memref_squeeze %dma_wait3A_129 : memref<1x128x128xf32, #tpu.memory_space<vmem>> -> memref<128x128xf32, #tpu.memory_space<vmem>>
    %dma_wait3A_131 = arith.constant 0 : i32
    %dma_wait3A_132 = tpu.memref_slice %arg5[%dma_wait3A_124, %dma_wait3A_125, %dma_wait3A_131] : memref<4x2x128xi32, #tpu.memory_space<vmem>> -> memref<1x1x128xi32, #tpu.memory_space<vmem>>
    %dma_wait3A_133 = tpu.memref_squeeze %dma_wait3A_132 : memref<1x1x128xi32, #tpu.memory_space<vmem>> -> memref<128xi32, #tpu.memory_space<vmem>>
    %dma_wait3A_134 = arith.constant 0 : i32
    %dma_wait3A_135 = arith.constant 0 : i32
    %dma_wait3A_136 = tpu.memref_slice %arg2[%dma_wait3A_134, %dma_wait3A_135] : memref<10240x128xf32, #tpu.memory_space<hbm>> -> memref<10240x128xf32, #tpu.memory_space<hbm>>
    tpu.wait_indirect_dma semaphore(%arg9 : memref<!tpu.dma_semaphore, #tpu.memory_space<semaphore_mem>>) src(%dma_wait3A_136 : memref<10240x128xf32, #tpu.memory_space<hbm>>) dst(%dma_wait3A_130 : memref<128x128xf32, #tpu.memory_space<vmem>>)
    %dma_wait3A_137 = arith.constant 83 : i32
    %dma_wait3A_138 = arith.constant 3 : i32
    %dma_wait3A_139 = arith.constant 0 : i32
    %dma_wait3A_140 = arith.constant 0 : i32
    %dma_wait3A_141 = tpu.memref_slice %arg5[%dma_wait3A_138, %dma_wait3A_139, %dma_wait3A_140] : memref<4x2x128xi32, #tpu.memory_space<vmem>> -> memref<1x2x128xi32, #tpu.memory_space<vmem>>
    %dma_wait3A_142 = tpu.memref_squeeze %dma_wait3A_141 : memref<1x2x128xi32, #tpu.memory_space<vmem>> -> memref<2x128xi32, #tpu.memory_space<vmem>>
    %dma_wait3A_143 = arith.constant 0 : i32
    %dma_wait3A_144 = arith.constant 0 : i32
    %dma_wait3A_145 = tpu.memref_slice %arg3[%add3A, %dma_wait3A_137, %dma_wait3A_143, %dma_wait3A_144] : memref<32x84x2x128xi32, #tpu.memory_space<hbm>> -> memref<1x1x2x128xi32, #tpu.memory_space<hbm>>
    %dma_wait3A_146 = tpu.memref_squeeze %dma_wait3A_145 : memref<1x1x2x128xi32, #tpu.memory_space<hbm>> -> memref<2x128xi32, #tpu.memory_space<hbm>>
    %dma_wait3A_147 = arith.constant 0 : i32
    %dma_wait3A_148 = arith.constant 0 : i32
    %dma_wait3A_149 = tpu.memref_slice %arg5[%dma_wait3A_138, %dma_wait3A_147, %dma_wait3A_148] : memref<4x2x128xi32, #tpu.memory_space<vmem>> -> memref<1x2x128xi32, #tpu.memory_space<vmem>>
    %dma_wait3A_150 = tpu.memref_squeeze %dma_wait3A_149 : memref<1x2x128xi32, #tpu.memory_space<vmem>> -> memref<2x128xi32, #tpu.memory_space<vmem>>
    %dma_wait3A_151 = arith.constant 0 : i32
    %dma_wait3A_152 = arith.constant 0 : i32
    %dma_wait3A_153 = tpu.memref_slice %arg3[%add3A, %dma_wait3A_137, %dma_wait3A_151, %dma_wait3A_152] : memref<32x84x2x128xi32, #tpu.memory_space<hbm>> -> memref<1x1x2x128xi32, #tpu.memory_space<hbm>>
    %dma_wait3A_154 = tpu.memref_squeeze %dma_wait3A_153 : memref<1x1x2x128xi32, #tpu.memory_space<hbm>> -> memref<2x128xi32, #tpu.memory_space<hbm>>
    tpu.wait_dma2 semaphore(%arg11 : memref<!tpu.dma_semaphore, #tpu.memory_space<semaphore_mem>>) src(%dma_wait3A_154 : memref<2x128xi32, #tpu.memory_space<hbm>>) dst(%dma_wait3A_150 : memref<2x128xi32, #tpu.memory_space<vmem>>)
    %barrier3A_155 = arith.constant 0 : index
    tpu.barrier barrier_id(%barrier3A_155)
    %add3A_156 = arith.constant 0 : i32
    %add3A_157 = arith.addi %mul3A_8, %add3A_156 : i32
    %run_scoped3A_158 = arith.constant 0 : i32
    "tpu.region"() ({
      %run_scoped3A_176 = tpu.sem_alloc : memref<!tpu.dma_semaphore, #tpu.memory_space<semaphore_mem>>
      %dma_start3A_177 = arith.constant 0 : i32
      %dma_start3A_178 = arith.constant 0 : i32
      %dma_start3A_179 = tpu.memref_slice %arg6[%run_scoped3A_158, %dma_start3A_177, %dma_start3A_178] : memref<2x128x128xf32, #tpu.memory_space<vmem>> -> memref<1x128x128xf32, #tpu.memory_space<vmem>>
      %dma_start3A_180 = tpu.memref_squeeze %dma_start3A_179 : memref<1x128x128xf32, #tpu.memory_space<vmem>> -> memref<128x128xf32, #tpu.memory_space<vmem>>
      %dma_start3A_181 = arith.constant 0 : i32
      %dma_start3A_182 = tpu.memref_slice %arg7[%add3A_157, %dma_start3A_181] : memref<10240x128xf32, #tpu.memory_space<vmem_shared>> -> memref<128x128xf32, #tpu.memory_space<vmem_shared>>
      %dma_start3A_183 = arith.constant 0 : i32
      %dma_start3A_184 = arith.constant 0 : i32
      %dma_start3A_185 = tpu.memref_slice %arg6[%run_scoped3A_158, %dma_start3A_183, %dma_start3A_184] : memref<2x128x128xf32, #tpu.memory_space<vmem>> -> memref<1x128x128xf32, #tpu.memory_space<vmem>>
      %dma_start3A_186 = tpu.memref_squeeze %dma_start3A_185 : memref<1x128x128xf32, #tpu.memory_space<vmem>> -> memref<128x128xf32, #tpu.memory_space<vmem>>
      %dma_start3A_187 = arith.constant 0 : i32
      %dma_start3A_188 = tpu.memref_slice %arg7[%add3A_157, %dma_start3A_187] : memref<10240x128xf32, #tpu.memory_space<vmem_shared>> -> memref<128x128xf32, #tpu.memory_space<vmem_shared>>
      tpu.enqueue_dma source(%dma_start3A_188 : memref<128x128xf32, #tpu.memory_space<vmem_shared>>) target(%dma_start3A_186 : memref<128x128xf32, #tpu.memory_space<vmem>>) target_semaphore(%run_scoped3A_176 : memref<!tpu.dma_semaphore, #tpu.memory_space<semaphore_mem>>)
      %dma_wait3A_189 = arith.constant 0 : i32
      %dma_wait3A_190 = arith.constant 0 : i32
      %dma_wait3A_191 = tpu.memref_slice %arg6[%run_scoped3A_158, %dma_wait3A_189, %dma_wait3A_190] : memref<2x128x128xf32, #tpu.memory_space<vmem>> -> memref<1x128x128xf32, #tpu.memory_space<vmem>>
      %dma_wait3A_192 = tpu.memref_squeeze %dma_wait3A_191 : memref<1x128x128xf32, #tpu.memory_space<vmem>> -> memref<128x128xf32, #tpu.memory_space<vmem>>
      %dma_wait3A_193 = arith.constant 0 : i32
      %dma_wait3A_194 = tpu.memref_slice %arg7[%add3A_157, %dma_wait3A_193] : memref<10240x128xf32, #tpu.memory_space<vmem_shared>> -> memref<128x128xf32, #tpu.memory_space<vmem_shared>>
      %dma_wait3A_195 = arith.constant 0 : i32
      %dma_wait3A_196 = arith.constant 0 : i32
      %dma_wait3A_197 = tpu.memref_slice %arg6[%run_scoped3A_158, %dma_wait3A_195, %dma_wait3A_196] : memref<2x128x128xf32, #tpu.memory_space<vmem>> -> memref<1x128x128xf32, #tpu.memory_space<vmem>>
      %dma_wait3A_198 = tpu.memref_squeeze %dma_wait3A_197 : memref<1x128x128xf32, #tpu.memory_space<vmem>> -> memref<128x128xf32, #tpu.memory_space<vmem>>
      %dma_wait3A_199 = arith.constant 0 : i32
      %dma_wait3A_200 = tpu.memref_slice %arg7[%add3A_157, %dma_wait3A_199] : memref<10240x128xf32, #tpu.memory_space<vmem_shared>> -> memref<128x128xf32, #tpu.memory_space<vmem_shared>>
      tpu.wait_dma2 semaphore(%run_scoped3A_176 : memref<!tpu.dma_semaphore, #tpu.memory_space<semaphore_mem>>) src(%dma_wait3A_200 : memref<128x128xf32, #tpu.memory_space<vmem_shared>>) dst(%dma_wait3A_198 : memref<128x128xf32, #tpu.memory_space<vmem>>)
      tpu.yield
    }) : () -> ()
    %run_scoped3A_159 = arith.constant 0 : i32
    "tpu.region"() ({
      %run_scoped3A_176 = tpu.sem_alloc : memref<!tpu.dma_semaphore, #tpu.memory_space<semaphore_mem>>
      %dma_start3A_177 = arith.constant 0 : i32
      %dma_start3A_178 = arith.constant 0 : i32
      %dma_start3A_179 = tpu.memref_slice %arg6[%run_scoped3A_159, %dma_start3A_177, %dma_start3A_178] : memref<2x128x128xf32, #tpu.memory_space<vmem>> -> memref<1x128x128xf32, #tpu.memory_space<vmem>>
      %dma_start3A_180 = tpu.memref_squeeze %dma_start3A_179 : memref<1x128x128xf32, #tpu.memory_space<vmem>> -> memref<128x128xf32, #tpu.memory_space<vmem>>
      %dma_start3A_181 = arith.constant 0 : i32
      %dma_start3A_182 = tpu.memref_slice %arg4[%arg0, %add3A_157, %dma_start3A_181] : memref<2x10240x128xf32, #tpu.memory_space<hbm>> -> memref<1x128x128xf32, #tpu.memory_space<hbm>>
      %dma_start3A_183 = tpu.memref_squeeze %dma_start3A_182 : memref<1x128x128xf32, #tpu.memory_space<hbm>> -> memref<128x128xf32, #tpu.memory_space<hbm>>
      %dma_start3A_184 = arith.constant 0 : i32
      %dma_start3A_185 = tpu.memref_slice %arg4[%arg0, %add3A_157, %dma_start3A_184] : memref<2x10240x128xf32, #tpu.memory_space<hbm>> -> memref<1x128x128xf32, #tpu.memory_space<hbm>>
      %dma_start3A_186 = tpu.memref_squeeze %dma_start3A_185 : memref<1x128x128xf32, #tpu.memory_space<hbm>> -> memref<128x128xf32, #tpu.memory_space<hbm>>
      %dma_start3A_187 = arith.constant 0 : i32
      %dma_start3A_188 = arith.constant 0 : i32
      %dma_start3A_189 = tpu.memref_slice %arg6[%run_scoped3A_159, %dma_start3A_187, %dma_start3A_188] : memref<2x128x128xf32, #tpu.memory_space<vmem>> -> memref<1x128x128xf32, #tpu.memory_space<vmem>>
      %dma_start3A_190 = tpu.memref_squeeze %dma_start3A_189 : memref<1x128x128xf32, #tpu.memory_space<vmem>> -> memref<128x128xf32, #tpu.memory_space<vmem>>
      tpu.enqueue_dma source(%dma_start3A_190 : memref<128x128xf32, #tpu.memory_space<vmem>>) target(%dma_start3A_186 : memref<128x128xf32, #tpu.memory_space<hbm>>) target_semaphore(%run_scoped3A_176 : memref<!tpu.dma_semaphore, #tpu.memory_space<semaphore_mem>>)
      %dma_wait3A_191 = arith.constant 0 : i32
      %dma_wait3A_192 = arith.constant 0 : i32
      %dma_wait3A_193 = tpu.memref_slice %arg6[%run_scoped3A_159, %dma_wait3A_191, %dma_wait3A_192] : memref<2x128x128xf32, #tpu.memory_space<vmem>> -> memref<1x128x128xf32, #tpu.memory_space<vmem>>
      %dma_wait3A_194 = tpu.memref_squeeze %dma_wait3A_193 : memref<1x128x128xf32, #tpu.memory_space<vmem>> -> memref<128x128xf32, #tpu.memory_space<vmem>>
      %dma_wait3A_195 = arith.constant 0 : i32
      %dma_wait3A_196 = tpu.memref_slice %arg4[%arg0, %add3A_157, %dma_wait3A_195] : memref<2x10240x128xf32, #tpu.memory_space<hbm>> -> memref<1x128x128xf32, #tpu.memory_space<hbm>>
      %dma_wait3A_197 = tpu.memref_squeeze %dma_wait3A_196 : memref<1x128x128xf32, #tpu.memory_space<hbm>> -> memref<128x128xf32, #tpu.memory_space<hbm>>
      %dma_wait3A_198 = arith.constant 0 : i32
      %dma_wait3A_199 = tpu.memref_slice %arg4[%arg0, %add3A_157, %dma_wait3A_198] : memref<2x10240x128xf32, #tpu.memory_space<hbm>> -> memref<1x128x128xf32, #tpu.memory_space<hbm>>
      %dma_wait3A_200 = tpu.memref_squeeze %dma_wait3A_199 : memref<1x128x128xf32, #tpu.memory_space<hbm>> -> memref<128x128xf32, #tpu.memory_space<hbm>>
      %dma_wait3A_201 = arith.constant 0 : i32
      %dma_wait3A_202 = arith.constant 0 : i32
      %dma_wait3A_203 = tpu.memref_slice %arg6[%run_scoped3A_159, %dma_wait3A_201, %dma_wait3A_202] : memref<2x128x128xf32, #tpu.memory_space<vmem>> -> memref<1x128x128xf32, #tpu.memory_space<vmem>>
      %dma_wait3A_204 = tpu.memref_squeeze %dma_wait3A_203 : memref<1x128x128xf32, #tpu.memory_space<vmem>> -> memref<128x128xf32, #tpu.memory_space<vmem>>
      tpu.wait_dma2 semaphore(%run_scoped3A_176 : memref<!tpu.dma_semaphore, #tpu.memory_space<semaphore_mem>>) src(%dma_wait3A_204 : memref<128x128xf32, #tpu.memory_space<vmem>>) dst(%dma_wait3A_200 : memref<128x128xf32, #tpu.memory_space<hbm>>)
      tpu.yield
    }) : () -> ()
    %add3A_160 = arith.constant 128 : i32
    %add3A_161 = arith.addi %mul3A_8, %add3A_160 : i32
    %run_scoped3A_162 = arith.constant 0 : i32
    "tpu.region"() ({
      %run_scoped3A_176 = tpu.sem_alloc : memref<!tpu.dma_semaphore, #tpu.memory_space<semaphore_mem>>
      %dma_start3A_177 = arith.constant 0 : i32
      %dma_start3A_178 = arith.constant 0 : i32
      %dma_start3A_179 = tpu.memref_slice %arg6[%run_scoped3A_162, %dma_start3A_177, %dma_start3A_178] : memref<2x128x128xf32, #tpu.memory_space<vmem>> -> memref<1x128x128xf32, #tpu.memory_space<vmem>>
      %dma_start3A_180 = tpu.memref_squeeze %dma_start3A_179 : memref<1x128x128xf32, #tpu.memory_space<vmem>> -> memref<128x128xf32, #tpu.memory_space<vmem>>
      %dma_start3A_181 = arith.constant 0 : i32
      %dma_start3A_182 = tpu.memref_slice %arg7[%add3A_161, %dma_start3A_181] : memref<10240x128xf32, #tpu.memory_space<vmem_shared>> -> memref<128x128xf32, #tpu.memory_space<vmem_shared>>
      %dma_start3A_183 = arith.constant 0 : i32
      %dma_start3A_184 = arith.constant 0 : i32
      %dma_start3A_185 = tpu.memref_slice %arg6[%run_scoped3A_162, %dma_start3A_183, %dma_start3A_184] : memref<2x128x128xf32, #tpu.memory_space<vmem>> -> memref<1x128x128xf32, #tpu.memory_space<vmem>>
      %dma_start3A_186 = tpu.memref_squeeze %dma_start3A_185 : memref<1x128x128xf32, #tpu.memory_space<vmem>> -> memref<128x128xf32, #tpu.memory_space<vmem>>
      %dma_start3A_187 = arith.constant 0 : i32
      %dma_start3A_188 = tpu.memref_slice %arg7[%add3A_161, %dma_start3A_187] : memref<10240x128xf32, #tpu.memory_space<vmem_shared>> -> memref<128x128xf32, #tpu.memory_space<vmem_shared>>
      tpu.enqueue_dma source(%dma_start3A_188 : memref<128x128xf32, #tpu.memory_space<vmem_shared>>) target(%dma_start3A_186 : memref<128x128xf32, #tpu.memory_space<vmem>>) target_semaphore(%run_scoped3A_176 : memref<!tpu.dma_semaphore, #tpu.memory_space<semaphore_mem>>)
      %dma_wait3A_189 = arith.constant 0 : i32
      %dma_wait3A_190 = arith.constant 0 : i32
      %dma_wait3A_191 = tpu.memref_slice %arg6[%run_scoped3A_162, %dma_wait3A_189, %dma_wait3A_190] : memref<2x128x128xf32, #tpu.memory_space<vmem>> -> memref<1x128x128xf32, #tpu.memory_space<vmem>>
      %dma_wait3A_192 = tpu.memref_squeeze %dma_wait3A_191 : memref<1x128x128xf32, #tpu.memory_space<vmem>> -> memref<128x128xf32, #tpu.memory_space<vmem>>
      %dma_wait3A_193 = arith.constant 0 : i32
      %dma_wait3A_194 = tpu.memref_slice %arg7[%add3A_161, %dma_wait3A_193] : memref<10240x128xf32, #tpu.memory_space<vmem_shared>> -> memref<128x128xf32, #tpu.memory_space<vmem_shared>>
      %dma_wait3A_195 = arith.constant 0 : i32
      %dma_wait3A_196 = arith.constant 0 : i32
      %dma_wait3A_197 = tpu.memref_slice %arg6[%run_scoped3A_162, %dma_wait3A_195, %dma_wait3A_196] : memref<2x128x128xf32, #tpu.memory_space<vmem>> -> memref<1x128x128xf32, #tpu.memory_space<vmem>>
      %dma_wait3A_198 = tpu.memref_squeeze %dma_wait3A_197 : memref<1x128x128xf32, #tpu.memory_space<vmem>> -> memref<128x128xf32, #tpu.memory_space<vmem>>
      %dma_wait3A_199 = arith.constant 0 : i32
      %dma_wait3A_200 = tpu.memref_slice %arg7[%add3A_161, %dma_wait3A_199] : memref<10240x128xf32, #tpu.memory_space<vmem_shared>> -> memref<128x128xf32, #tpu.memory_space<vmem_shared>>
      tpu.wait_dma2 semaphore(%run_scoped3A_176 : memref<!tpu.dma_semaphore, #tpu.memory_space<semaphore_mem>>) src(%dma_wait3A_200 : memref<128x128xf32, #tpu.memory_space<vmem_shared>>) dst(%dma_wait3A_198 : memref<128x128xf32, #tpu.memory_space<vmem>>)
      tpu.yield
    }) : () -> ()
    %run_scoped3A_163 = arith.constant 0 : i32
    "tpu.region"() ({
      %run_scoped3A_176 = tpu.sem_alloc : memref<!tpu.dma_semaphore, #tpu.memory_space<semaphore_mem>>
      %dma_start3A_177 = arith.constant 0 : i32
      %dma_start3A_178 = arith.constant 0 : i32
      %dma_start3A_179 = tpu.memref_slice %arg6[%run_scoped3A_163, %dma_start3A_177, %dma_start3A_178] : memref<2x128x128xf32, #tpu.memory_space<vmem>> -> memref<1x128x128xf32, #tpu.memory_space<vmem>>
      %dma_start3A_180 = tpu.memref_squeeze %dma_start3A_179 : memref<1x128x128xf32, #tpu.memory_space<vmem>> -> memref<128x128xf32, #tpu.memory_space<vmem>>
      %dma_start3A_181 = arith.constant 0 : i32
      %dma_start3A_182 = tpu.memref_slice %arg4[%arg0, %add3A_161, %dma_start3A_181] : memref<2x10240x128xf32, #tpu.memory_space<hbm>> -> memref<1x128x128xf32, #tpu.memory_space<hbm>>
      %dma_start3A_183 = tpu.memref_squeeze %dma_start3A_182 : memref<1x128x128xf32, #tpu.memory_space<hbm>> -> memref<128x128xf32, #tpu.memory_space<hbm>>
      %dma_start3A_184 = arith.constant 0 : i32
      %dma_start3A_185 = tpu.memref_slice %arg4[%arg0, %add3A_161, %dma_start3A_184] : memref<2x10240x128xf32, #tpu.memory_space<hbm>> -> memref<1x128x128xf32, #tpu.memory_space<hbm>>
      %dma_start3A_186 = tpu.memref_squeeze %dma_start3A_185 : memref<1x128x128xf32, #tpu.memory_space<hbm>> -> memref<128x128xf32, #tpu.memory_space<hbm>>
      %dma_start3A_187 = arith.constant 0 : i32
      %dma_start3A_188 = arith.constant 0 : i32
      %dma_start3A_189 = tpu.memref_slice %arg6[%run_scoped3A_163, %dma_start3A_187, %dma_start3A_188] : memref<2x128x128xf32, #tpu.memory_space<vmem>> -> memref<1x128x128xf32, #tpu.memory_space<vmem>>
      %dma_start3A_190 = tpu.memref_squeeze %dma_start3A_189 : memref<1x128x128xf32, #tpu.memory_space<vmem>> -> memref<128x128xf32, #tpu.memory_space<vmem>>
      tpu.enqueue_dma source(%dma_start3A_190 : memref<128x128xf32, #tpu.memory_space<vmem>>) target(%dma_start3A_186 : memref<128x128xf32, #tpu.memory_space<hbm>>) target_semaphore(%run_scoped3A_176 : memref<!tpu.dma_semaphore, #tpu.memory_space<semaphore_mem>>)
      %dma_wait3A_191 = arith.constant 0 : i32
      %dma_wait3A_192 = arith.constant 0 : i32
      %dma_wait3A_193 = tpu.memref_slice %arg6[%run_scoped3A_163, %dma_wait3A_191, %dma_wait3A_192] : memref<2x128x128xf32, #tpu.memory_space<vmem>> -> memref<1x128x128xf32, #tpu.memory_space<vmem>>
      %dma_wait3A_194 = tpu.memref_squeeze %dma_wait3A_193 : memref<1x128x128xf32, #tpu.memory_space<vmem>> -> memref<128x128xf32, #tpu.memory_space<vmem>>
      %dma_wait3A_195 = arith.constant 0 : i32
      %dma_wait3A_196 = tpu.memref_slice %arg4[%arg0, %add3A_161, %dma_wait3A_195] : memref<2x10240x128xf32, #tpu.memory_space<hbm>> -> memref<1x128x128xf32, #tpu.memory_space<hbm>>
      %dma_wait3A_197 = tpu.memref_squeeze %dma_wait3A_196 : memref<1x128x128xf32, #tpu.memory_space<hbm>> -> memref<128x128xf32, #tpu.memory_space<hbm>>
      %dma_wait3A_198 = arith.constant 0 : i32
      %dma_wait3A_199 = tpu.memref_slice %arg4[%arg0, %add3A_161, %dma_wait3A_198] : memref<2x10240x128xf32, #tpu.memory_space<hbm>> -> memref<1x128x128xf32, #tpu.memory_space<hbm>>
      %dma_wait3A_200 = tpu.memref_squeeze %dma_wait3A_199 : memref<1x128x128xf32, #tpu.memory_space<hbm>> -> memref<128x128xf32, #tpu.memory_space<hbm>>
      %dma_wait3A_201 = arith.constant 0 : i32
      %dma_wait3A_202 = arith.constant 0 : i32
      %dma_wait3A_203 = tpu.memref_slice %arg6[%run_scoped3A_163, %dma_wait3A_201, %dma_wait3A_202] : memref<2x128x128xf32, #tpu.memory_space<vmem>> -> memref<1x128x128xf32, #tpu.memory_space<vmem>>
      %dma_wait3A_204 = tpu.memref_squeeze %dma_wait3A_203 : memref<1x128x128xf32, #tpu.memory_space<vmem>> -> memref<128x128xf32, #tpu.memory_space<vmem>>
      tpu.wait_dma2 semaphore(%run_scoped3A_176 : memref<!tpu.dma_semaphore, #tpu.memory_space<semaphore_mem>>) src(%dma_wait3A_204 : memref<128x128xf32, #tpu.memory_space<vmem>>) dst(%dma_wait3A_200 : memref<128x128xf32, #tpu.memory_space<hbm>>)
      tpu.yield
    }) : () -> ()
    %add3A_164 = arith.constant 256 : i32
    %add3A_165 = arith.addi %mul3A_8, %add3A_164 : i32
    %run_scoped3A_166 = arith.constant 0 : i32
    "tpu.region"() ({
      %run_scoped3A_176 = tpu.sem_alloc : memref<!tpu.dma_semaphore, #tpu.memory_space<semaphore_mem>>
      %dma_start3A_177 = arith.constant 0 : i32
      %dma_start3A_178 = arith.constant 0 : i32
      %dma_start3A_179 = tpu.memref_slice %arg6[%run_scoped3A_166, %dma_start3A_177, %dma_start3A_178] : memref<2x128x128xf32, #tpu.memory_space<vmem>> -> memref<1x128x128xf32, #tpu.memory_space<vmem>>
      %dma_start3A_180 = tpu.memref_squeeze %dma_start3A_179 : memref<1x128x128xf32, #tpu.memory_space<vmem>> -> memref<128x128xf32, #tpu.memory_space<vmem>>
      %dma_start3A_181 = arith.constant 0 : i32
      %dma_start3A_182 = tpu.memref_slice %arg7[%add3A_165, %dma_start3A_181] : memref<10240x128xf32, #tpu.memory_space<vmem_shared>> -> memref<128x128xf32, #tpu.memory_space<vmem_shared>>
      %dma_start3A_183 = arith.constant 0 : i32
      %dma_start3A_184 = arith.constant 0 : i32
      %dma_start3A_185 = tpu.memref_slice %arg6[%run_scoped3A_166, %dma_start3A_183, %dma_start3A_184] : memref<2x128x128xf32, #tpu.memory_space<vmem>> -> memref<1x128x128xf32, #tpu.memory_space<vmem>>
      %dma_start3A_186 = tpu.memref_squeeze %dma_start3A_185 : memref<1x128x128xf32, #tpu.memory_space<vmem>> -> memref<128x128xf32, #tpu.memory_space<vmem>>
      %dma_start3A_187 = arith.constant 0 : i32
      %dma_start3A_188 = tpu.memref_slice %arg7[%add3A_165, %dma_start3A_187] : memref<10240x128xf32, #tpu.memory_space<vmem_shared>> -> memref<128x128xf32, #tpu.memory_space<vmem_shared>>
      tpu.enqueue_dma source(%dma_start3A_188 : memref<128x128xf32, #tpu.memory_space<vmem_shared>>) target(%dma_start3A_186 : memref<128x128xf32, #tpu.memory_space<vmem>>) target_semaphore(%run_scoped3A_176 : memref<!tpu.dma_semaphore, #tpu.memory_space<semaphore_mem>>)
      %dma_wait3A_189 = arith.constant 0 : i32
      %dma_wait3A_190 = arith.constant 0 : i32
      %dma_wait3A_191 = tpu.memref_slice %arg6[%run_scoped3A_166, %dma_wait3A_189, %dma_wait3A_190] : memref<2x128x128xf32, #tpu.memory_space<vmem>> -> memref<1x128x128xf32, #tpu.memory_space<vmem>>
      %dma_wait3A_192 = tpu.memref_squeeze %dma_wait3A_191 : memref<1x128x128xf32, #tpu.memory_space<vmem>> -> memref<128x128xf32, #tpu.memory_space<vmem>>
      %dma_wait3A_193 = arith.constant 0 : i32
      %dma_wait3A_194 = tpu.memref_slice %arg7[%add3A_165, %dma_wait3A_193] : memref<10240x128xf32, #tpu.memory_space<vmem_shared>> -> memref<128x128xf32, #tpu.memory_space<vmem_shared>>
      %dma_wait3A_195 = arith.constant 0 : i32
      %dma_wait3A_196 = arith.constant 0 : i32
      %dma_wait3A_197 = tpu.memref_slice %arg6[%run_scoped3A_166, %dma_wait3A_195, %dma_wait3A_196] : memref<2x128x128xf32, #tpu.memory_space<vmem>> -> memref<1x128x128xf32, #tpu.memory_space<vmem>>
      %dma_wait3A_198 = tpu.memref_squeeze %dma_wait3A_197 : memref<1x128x128xf32, #tpu.memory_space<vmem>> -> memref<128x128xf32, #tpu.memory_space<vmem>>
      %dma_wait3A_199 = arith.constant 0 : i32
      %dma_wait3A_200 = tpu.memref_slice %arg7[%add3A_165, %dma_wait3A_199] : memref<10240x128xf32, #tpu.memory_space<vmem_shared>> -> memref<128x128xf32, #tpu.memory_space<vmem_shared>>
      tpu.wait_dma2 semaphore(%run_scoped3A_176 : memref<!tpu.dma_semaphore, #tpu.memory_space<semaphore_mem>>) src(%dma_wait3A_200 : memref<128x128xf32, #tpu.memory_space<vmem_shared>>) dst(%dma_wait3A_198 : memref<128x128xf32, #tpu.memory_space<vmem>>)
      tpu.yield
    }) : () -> ()
    %run_scoped3A_167 = arith.constant 0 : i32
    "tpu.region"() ({
      %run_scoped3A_176 = tpu.sem_alloc : memref<!tpu.dma_semaphore, #tpu.memory_space<semaphore_mem>>
      %dma_start3A_177 = arith.constant 0 : i32
      %dma_start3A_178 = arith.constant 0 : i32
      %dma_start3A_179 = tpu.memref_slice %arg6[%run_scoped3A_167, %dma_start3A_177, %dma_start3A_178] : memref<2x128x128xf32, #tpu.memory_space<vmem>> -> memref<1x128x128xf32, #tpu.memory_space<vmem>>
      %dma_start3A_180 = tpu.memref_squeeze %dma_start3A_179 : memref<1x128x128xf32, #tpu.memory_space<vmem>> -> memref<128x128xf32, #tpu.memory_space<vmem>>
      %dma_start3A_181 = arith.constant 0 : i32
      %dma_start3A_182 = tpu.memref_slice %arg4[%arg0, %add3A_165, %dma_start3A_181] : memref<2x10240x128xf32, #tpu.memory_space<hbm>> -> memref<1x128x128xf32, #tpu.memory_space<hbm>>
      %dma_start3A_183 = tpu.memref_squeeze %dma_start3A_182 : memref<1x128x128xf32, #tpu.memory_space<hbm>> -> memref<128x128xf32, #tpu.memory_space<hbm>>
      %dma_start3A_184 = arith.constant 0 : i32
      %dma_start3A_185 = tpu.memref_slice %arg4[%arg0, %add3A_165, %dma_start3A_184] : memref<2x10240x128xf32, #tpu.memory_space<hbm>> -> memref<1x128x128xf32, #tpu.memory_space<hbm>>
      %dma_start3A_186 = tpu.memref_squeeze %dma_start3A_185 : memref<1x128x128xf32, #tpu.memory_space<hbm>> -> memref<128x128xf32, #tpu.memory_space<hbm>>
      %dma_start3A_187 = arith.constant 0 : i32
      %dma_start3A_188 = arith.constant 0 : i32
      %dma_start3A_189 = tpu.memref_slice %arg6[%run_scoped3A_167, %dma_start3A_187, %dma_start3A_188] : memref<2x128x128xf32, #tpu.memory_space<vmem>> -> memref<1x128x128xf32, #tpu.memory_space<vmem>>
      %dma_start3A_190 = tpu.memref_squeeze %dma_start3A_189 : memref<1x128x128xf32, #tpu.memory_space<vmem>> -> memref<128x128xf32, #tpu.memory_space<vmem>>
      tpu.enqueue_dma source(%dma_start3A_190 : memref<128x128xf32, #tpu.memory_space<vmem>>) target(%dma_start3A_186 : memref<128x128xf32, #tpu.memory_space<hbm>>) target_semaphore(%run_scoped3A_176 : memref<!tpu.dma_semaphore, #tpu.memory_space<semaphore_mem>>)
      %dma_wait3A_191 = arith.constant 0 : i32
      %dma_wait3A_192 = arith.constant 0 : i32
      %dma_wait3A_193 = tpu.memref_slice %arg6[%run_scoped3A_167, %dma_wait3A_191, %dma_wait3A_192] : memref<2x128x128xf32, #tpu.memory_space<vmem>> -> memref<1x128x128xf32, #tpu.memory_space<vmem>>
      %dma_wait3A_194 = tpu.memref_squeeze %dma_wait3A_193 : memref<1x128x128xf32, #tpu.memory_space<vmem>> -> memref<128x128xf32, #tpu.memory_space<vmem>>
      %dma_wait3A_195 = arith.constant 0 : i32
      %dma_wait3A_196 = tpu.memref_slice %arg4[%arg0, %add3A_165, %dma_wait3A_195] : memref<2x10240x128xf32, #tpu.memory_space<hbm>> -> memref<1x128x128xf32, #tpu.memory_space<hbm>>
      %dma_wait3A_197 = tpu.memref_squeeze %dma_wait3A_196 : memref<1x128x128xf32, #tpu.memory_space<hbm>> -> memref<128x128xf32, #tpu.memory_space<hbm>>
      %dma_wait3A_198 = arith.constant 0 : i32
      %dma_wait3A_199 = tpu.memref_slice %arg4[%arg0, %add3A_165, %dma_wait3A_198] : memref<2x10240x128xf32, #tpu.memory_space<hbm>> -> memref<1x128x128xf32, #tpu.memory_space<hbm>>
      %dma_wait3A_200 = tpu.memref_squeeze %dma_wait3A_199 : memref<1x128x128xf32, #tpu.memory_space<hbm>> -> memref<128x128xf32, #tpu.memory_space<hbm>>
      %dma_wait3A_201 = arith.constant 0 : i32
      %dma_wait3A_202 = arith.constant 0 : i32
      %dma_wait3A_203 = tpu.memref_slice %arg6[%run_scoped3A_167, %dma_wait3A_201, %dma_wait3A_202] : memref<2x128x128xf32, #tpu.memory_space<vmem>> -> memref<1x128x128xf32, #tpu.memory_space<vmem>>
      %dma_wait3A_204 = tpu.memref_squeeze %dma_wait3A_203 : memref<1x128x128xf32, #tpu.memory_space<vmem>> -> memref<128x128xf32, #tpu.memory_space<vmem>>
      tpu.wait_dma2 semaphore(%run_scoped3A_176 : memref<!tpu.dma_semaphore, #tpu.memory_space<semaphore_mem>>) src(%dma_wait3A_204 : memref<128x128xf32, #tpu.memory_space<vmem>>) dst(%dma_wait3A_200 : memref<128x128xf32, #tpu.memory_space<hbm>>)
      tpu.yield
    }) : () -> ()
    %add3A_168 = arith.constant 384 : i32
    %add3A_169 = arith.addi %mul3A_8, %add3A_168 : i32
    %run_scoped3A_170 = arith.constant 0 : i32
    "tpu.region"() ({
      %run_scoped3A_176 = tpu.sem_alloc : memref<!tpu.dma_semaphore, #tpu.memory_space<semaphore_mem>>
      %dma_start3A_177 = arith.constant 0 : i32
      %dma_start3A_178 = arith.constant 0 : i32
      %dma_start3A_179 = tpu.memref_slice %arg6[%run_scoped3A_170, %dma_start3A_177, %dma_start3A_178] : memref<2x128x128xf32, #tpu.memory_space<vmem>> -> memref<1x128x128xf32, #tpu.memory_space<vmem>>
      %dma_start3A_180 = tpu.memref_squeeze %dma_start3A_179 : memref<1x128x128xf32, #tpu.memory_space<vmem>> -> memref<128x128xf32, #tpu.memory_space<vmem>>
      %dma_start3A_181 = arith.constant 0 : i32
      %dma_start3A_182 = tpu.memref_slice %arg7[%add3A_169, %dma_start3A_181] : memref<10240x128xf32, #tpu.memory_space<vmem_shared>> -> memref<128x128xf32, #tpu.memory_space<vmem_shared>>
      %dma_start3A_183 = arith.constant 0 : i32
      %dma_start3A_184 = arith.constant 0 : i32
      %dma_start3A_185 = tpu.memref_slice %arg6[%run_scoped3A_170, %dma_start3A_183, %dma_start3A_184] : memref<2x128x128xf32, #tpu.memory_space<vmem>> -> memref<1x128x128xf32, #tpu.memory_space<vmem>>
      %dma_start3A_186 = tpu.memref_squeeze %dma_start3A_185 : memref<1x128x128xf32, #tpu.memory_space<vmem>> -> memref<128x128xf32, #tpu.memory_space<vmem>>
      %dma_start3A_187 = arith.constant 0 : i32
      %dma_start3A_188 = tpu.memref_slice %arg7[%add3A_169, %dma_start3A_187] : memref<10240x128xf32, #tpu.memory_space<vmem_shared>> -> memref<128x128xf32, #tpu.memory_space<vmem_shared>>
      tpu.enqueue_dma source(%dma_start3A_188 : memref<128x128xf32, #tpu.memory_space<vmem_shared>>) target(%dma_start3A_186 : memref<128x128xf32, #tpu.memory_space<vmem>>) target_semaphore(%run_scoped3A_176 : memref<!tpu.dma_semaphore, #tpu.memory_space<semaphore_mem>>)
      %dma_wait3A_189 = arith.constant 0 : i32
      %dma_wait3A_190 = arith.constant 0 : i32
      %dma_wait3A_191 = tpu.memref_slice %arg6[%run_scoped3A_170, %dma_wait3A_189, %dma_wait3A_190] : memref<2x128x128xf32, #tpu.memory_space<vmem>> -> memref<1x128x128xf32, #tpu.memory_space<vmem>>
      %dma_wait3A_192 = tpu.memref_squeeze %dma_wait3A_191 : memref<1x128x128xf32, #tpu.memory_space<vmem>> -> memref<128x128xf32, #tpu.memory_space<vmem>>
      %dma_wait3A_193 = arith.constant 0 : i32
      %dma_wait3A_194 = tpu.memref_slice %arg7[%add3A_169, %dma_wait3A_193] : memref<10240x128xf32, #tpu.memory_space<vmem_shared>> -> memref<128x128xf32, #tpu.memory_space<vmem_shared>>
      %dma_wait3A_195 = arith.constant 0 : i32
      %dma_wait3A_196 = arith.constant 0 : i32
      %dma_wait3A_197 = tpu.memref_slice %arg6[%run_scoped3A_170, %dma_wait3A_195, %dma_wait3A_196] : memref<2x128x128xf32, #tpu.memory_space<vmem>> -> memref<1x128x128xf32, #tpu.memory_space<vmem>>
      %dma_wait3A_198 = tpu.memref_squeeze %dma_wait3A_197 : memref<1x128x128xf32, #tpu.memory_space<vmem>> -> memref<128x128xf32, #tpu.memory_space<vmem>>
      %dma_wait3A_199 = arith.constant 0 : i32
      %dma_wait3A_200 = tpu.memref_slice %arg7[%add3A_169, %dma_wait3A_199] : memref<10240x128xf32, #tpu.memory_space<vmem_shared>> -> memref<128x128xf32, #tpu.memory_space<vmem_shared>>
      tpu.wait_dma2 semaphore(%run_scoped3A_176 : memref<!tpu.dma_semaphore, #tpu.memory_space<semaphore_mem>>) src(%dma_wait3A_200 : memref<128x128xf32, #tpu.memory_space<vmem_shared>>) dst(%dma_wait3A_198 : memref<128x128xf32, #tpu.memory_space<vmem>>)
      tpu.yield
    }) : () -> ()
    %run_scoped3A_171 = arith.constant 0 : i32
    "tpu.region"() ({
      %run_scoped3A_176 = tpu.sem_alloc : memref<!tpu.dma_semaphore, #tpu.memory_space<semaphore_mem>>
      %dma_start3A_177 = arith.constant 0 : i32
      %dma_start3A_178 = arith.constant 0 : i32
      %dma_start3A_179 = tpu.memref_slice %arg6[%run_scoped3A_171, %dma_start3A_177, %dma_start3A_178] : memref<2x128x128xf32, #tpu.memory_space<vmem>> -> memref<1x128x128xf32, #tpu.memory_space<vmem>>
      %dma_start3A_180 = tpu.memref_squeeze %dma_start3A_179 : memref<1x128x128xf32, #tpu.memory_space<vmem>> -> memref<128x128xf32, #tpu.memory_space<vmem>>
      %dma_start3A_181 = arith.constant 0 : i32
      %dma_start3A_182 = tpu.memref_slice %arg4[%arg0, %add3A_169, %dma_start3A_181] : memref<2x10240x128xf32, #tpu.memory_space<hbm>> -> memref<1x128x128xf32, #tpu.memory_space<hbm>>
      %dma_start3A_183 = tpu.memref_squeeze %dma_start3A_182 : memref<1x128x128xf32, #tpu.memory_space<hbm>> -> memref<128x128xf32, #tpu.memory_space<hbm>>
      %dma_start3A_184 = arith.constant 0 : i32
      %dma_start3A_185 = tpu.memref_slice %arg4[%arg0, %add3A_169, %dma_start3A_184] : memref<2x10240x128xf32, #tpu.memory_space<hbm>> -> memref<1x128x128xf32, #tpu.memory_space<hbm>>
      %dma_start3A_186 = tpu.memref_squeeze %dma_start3A_185 : memref<1x128x128xf32, #tpu.memory_space<hbm>> -> memref<128x128xf32, #tpu.memory_space<hbm>>
      %dma_start3A_187 = arith.constant 0 : i32
      %dma_start3A_188 = arith.constant 0 : i32
      %dma_start3A_189 = tpu.memref_slice %arg6[%run_scoped3A_171, %dma_start3A_187, %dma_start3A_188] : memref<2x128x128xf32, #tpu.memory_space<vmem>> -> memref<1x128x128xf32, #tpu.memory_space<vmem>>
      %dma_start3A_190 = tpu.memref_squeeze %dma_start3A_189 : memref<1x128x128xf32, #tpu.memory_space<vmem>> -> memref<128x128xf32, #tpu.memory_space<vmem>>
      tpu.enqueue_dma source(%dma_start3A_190 : memref<128x128xf32, #tpu.memory_space<vmem>>) target(%dma_start3A_186 : memref<128x128xf32, #tpu.memory_space<hbm>>) target_semaphore(%run_scoped3A_176 : memref<!tpu.dma_semaphore, #tpu.memory_space<semaphore_mem>>)
      %dma_wait3A_191 = arith.constant 0 : i32
      %dma_wait3A_192 = arith.constant 0 : i32
      %dma_wait3A_193 = tpu.memref_slice %arg6[%run_scoped3A_171, %dma_wait3A_191, %dma_wait3A_192] : memref<2x128x128xf32, #tpu.memory_space<vmem>> -> memref<1x128x128xf32, #tpu.memory_space<vmem>>
      %dma_wait3A_194 = tpu.memref_squeeze %dma_wait3A_193 : memref<1x128x128xf32, #tpu.memory_space<vmem>> -> memref<128x128xf32, #tpu.memory_space<vmem>>
      %dma_wait3A_195 = arith.constant 0 : i32
      %dma_wait3A_196 = tpu.memref_slice %arg4[%arg0, %add3A_169, %dma_wait3A_195] : memref<2x10240x128xf32, #tpu.memory_space<hbm>> -> memref<1x128x128xf32, #tpu.memory_space<hbm>>
      %dma_wait3A_197 = tpu.memref_squeeze %dma_wait3A_196 : memref<1x128x128xf32, #tpu.memory_space<hbm>> -> memref<128x128xf32, #tpu.memory_space<hbm>>
      %dma_wait3A_198 = arith.constant 0 : i32
      %dma_wait3A_199 = tpu.memref_slice %arg4[%arg0, %add3A_169, %dma_wait3A_198] : memref<2x10240x128xf32, #tpu.memory_space<hbm>> -> memref<1x128x128xf32, #tpu.memory_space<hbm>>
      %dma_wait3A_200 = tpu.memref_squeeze %dma_wait3A_199 : memref<1x128x128xf32, #tpu.memory_space<hbm>> -> memref<128x128xf32, #tpu.memory_space<hbm>>
      %dma_wait3A_201 = arith.constant 0 : i32
      %dma_wait3A_202 = arith.constant 0 : i32
      %dma_wait3A_203 = tpu.memref_slice %arg6[%run_scoped3A_171, %dma_wait3A_201, %dma_wait3A_202] : memref<2x128x128xf32, #tpu.memory_space<vmem>> -> memref<1x128x128xf32, #tpu.memory_space<vmem>>
      %dma_wait3A_204 = tpu.memref_squeeze %dma_wait3A_203 : memref<1x128x128xf32, #tpu.memory_space<vmem>> -> memref<128x128xf32, #tpu.memory_space<vmem>>
      tpu.wait_dma2 semaphore(%run_scoped3A_176 : memref<!tpu.dma_semaphore, #tpu.memory_space<semaphore_mem>>) src(%dma_wait3A_204 : memref<128x128xf32, #tpu.memory_space<vmem>>) dst(%dma_wait3A_200 : memref<128x128xf32, #tpu.memory_space<hbm>>)
      tpu.yield
    }) : () -> ()
    %add3A_172 = arith.constant 512 : i32
    %add3A_173 = arith.addi %mul3A_8, %add3A_172 : i32
    %run_scoped3A_174 = arith.constant 0 : i32
    "tpu.region"() ({
      %run_scoped3A_176 = tpu.sem_alloc : memref<!tpu.dma_semaphore, #tpu.memory_space<semaphore_mem>>
      %dma_start3A_177 = arith.constant 0 : i32
      %dma_start3A_178 = arith.constant 0 : i32
      %dma_start3A_179 = tpu.memref_slice %arg6[%run_scoped3A_174, %dma_start3A_177, %dma_start3A_178] : memref<2x128x128xf32, #tpu.memory_space<vmem>> -> memref<1x128x128xf32, #tpu.memory_space<vmem>>
      %dma_start3A_180 = tpu.memref_squeeze %dma_start3A_179 : memref<1x128x128xf32, #tpu.memory_space<vmem>> -> memref<128x128xf32, #tpu.memory_space<vmem>>
      %dma_start3A_181 = arith.constant 0 : i32
      %dma_start3A_182 = tpu.memref_slice %arg7[%add3A_173, %dma_start3A_181] : memref<10240x128xf32, #tpu.memory_space<vmem_shared>> -> memref<128x128xf32, #tpu.memory_space<vmem_shared>>
      %dma_start3A_183 = arith.constant 0 : i32
      %dma_start3A_184 = arith.constant 0 : i32
      %dma_start3A_185 = tpu.memref_slice %arg6[%run_scoped3A_174, %dma_start3A_183, %dma_start3A_184] : memref<2x128x128xf32, #tpu.memory_space<vmem>> -> memref<1x128x128xf32, #tpu.memory_space<vmem>>
      %dma_start3A_186 = tpu.memref_squeeze %dma_start3A_185 : memref<1x128x128xf32, #tpu.memory_space<vmem>> -> memref<128x128xf32, #tpu.memory_space<vmem>>
      %dma_start3A_187 = arith.constant 0 : i32
      %dma_start3A_188 = tpu.memref_slice %arg7[%add3A_173, %dma_start3A_187] : memref<10240x128xf32, #tpu.memory_space<vmem_shared>> -> memref<128x128xf32, #tpu.memory_space<vmem_shared>>
      tpu.enqueue_dma source(%dma_start3A_188 : memref<128x128xf32, #tpu.memory_space<vmem_shared>>) target(%dma_start3A_186 : memref<128x128xf32, #tpu.memory_space<vmem>>) target_semaphore(%run_scoped3A_176 : memref<!tpu.dma_semaphore, #tpu.memory_space<semaphore_mem>>)
      %dma_wait3A_189 = arith.constant 0 : i32
      %dma_wait3A_190 = arith.constant 0 : i32
      %dma_wait3A_191 = tpu.memref_slice %arg6[%run_scoped3A_174, %dma_wait3A_189, %dma_wait3A_190] : memref<2x128x128xf32, #tpu.memory_space<vmem>> -> memref<1x128x128xf32, #tpu.memory_space<vmem>>
      %dma_wait3A_192 = tpu.memref_squeeze %dma_wait3A_191 : memref<1x128x128xf32, #tpu.memory_space<vmem>> -> memref<128x128xf32, #tpu.memory_space<vmem>>
      %dma_wait3A_193 = arith.constant 0 : i32
      %dma_wait3A_194 = tpu.memref_slice %arg7[%add3A_173, %dma_wait3A_193] : memref<10240x128xf32, #tpu.memory_space<vmem_shared>> -> memref<128x128xf32, #tpu.memory_space<vmem_shared>>
      %dma_wait3A_195 = arith.constant 0 : i32
      %dma_wait3A_196 = arith.constant 0 : i32
      %dma_wait3A_197 = tpu.memref_slice %arg6[%run_scoped3A_174, %dma_wait3A_195, %dma_wait3A_196] : memref<2x128x128xf32, #tpu.memory_space<vmem>> -> memref<1x128x128xf32, #tpu.memory_space<vmem>>
      %dma_wait3A_198 = tpu.memref_squeeze %dma_wait3A_197 : memref<1x128x128xf32, #tpu.memory_space<vmem>> -> memref<128x128xf32, #tpu.memory_space<vmem>>
      %dma_wait3A_199 = arith.constant 0 : i32
      %dma_wait3A_200 = tpu.memref_slice %arg7[%add3A_173, %dma_wait3A_199] : memref<10240x128xf32, #tpu.memory_space<vmem_shared>> -> memref<128x128xf32, #tpu.memory_space<vmem_shared>>
      tpu.wait_dma2 semaphore(%run_scoped3A_176 : memref<!tpu.dma_semaphore, #tpu.memory_space<semaphore_mem>>) src(%dma_wait3A_200 : memref<128x128xf32, #tpu.memory_space<vmem_shared>>) dst(%dma_wait3A_198 : memref<128x128xf32, #tpu.memory_space<vmem>>)
      tpu.yield
    }) : () -> ()
    %run_scoped3A_175 = arith.constant 0 : i32
    "tpu.region"() ({
      %run_scoped3A_176 = tpu.sem_alloc : memref<!tpu.dma_semaphore, #tpu.memory_space<semaphore_mem>>
      %dma_start3A_177 = arith.constant 0 : i32
      %dma_start3A_178 = arith.constant 0 : i32
      %dma_start3A_179 = tpu.memref_slice %arg6[%run_scoped3A_175, %dma_start3A_177, %dma_start3A_178] : memref<2x128x128xf32, #tpu.memory_space<vmem>> -> memref<1x128x128xf32, #tpu.memory_space<vmem>>
      %dma_start3A_180 = tpu.memref_squeeze %dma_start3A_179 : memref<1x128x128xf32, #tpu.memory_space<vmem>> -> memref<128x128xf32, #tpu.memory_space<vmem>>
      %dma_start3A_181 = arith.constant 0 : i32
      %dma_start3A_182 = tpu.memref_slice %arg4[%arg0, %add3A_173, %dma_start3A_181] : memref<2x10240x128xf32, #tpu.memory_space<hbm>> -> memref<1x128x128xf32, #tpu.memory_space<hbm>>
      %dma_start3A_183 = tpu.memref_squeeze %dma_start3A_182 : memref<1x128x128xf32, #tpu.memory_space<hbm>> -> memref<128x128xf32, #tpu.memory_space<hbm>>
      %dma_start3A_184 = arith.constant 0 : i32
      %dma_start3A_185 = tpu.memref_slice %arg4[%arg0, %add3A_173, %dma_start3A_184] : memref<2x10240x128xf32, #tpu.memory_space<hbm>> -> memref<1x128x128xf32, #tpu.memory_space<hbm>>
      %dma_start3A_186 = tpu.memref_squeeze %dma_start3A_185 : memref<1x128x128xf32, #tpu.memory_space<hbm>> -> memref<128x128xf32, #tpu.memory_space<hbm>>
      %dma_start3A_187 = arith.constant 0 : i32
      %dma_start3A_188 = arith.constant 0 : i32
      %dma_start3A_189 = tpu.memref_slice %arg6[%run_scoped3A_175, %dma_start3A_187, %dma_start3A_188] : memref<2x128x128xf32, #tpu.memory_space<vmem>> -> memref<1x128x128xf32, #tpu.memory_space<vmem>>
      %dma_start3A_190 = tpu.memref_squeeze %dma_start3A_189 : memref<1x128x128xf32, #tpu.memory_space<vmem>> -> memref<128x128xf32, #tpu.memory_space<vmem>>
      tpu.enqueue_dma source(%dma_start3A_190 : memref<128x128xf32, #tpu.memory_space<vmem>>) target(%dma_start3A_186 : memref<128x128xf32, #tpu.memory_space<hbm>>) target_semaphore(%run_scoped3A_176 : memref<!tpu.dma_semaphore, #tpu.memory_space<semaphore_mem>>)
      %dma_wait3A_191 = arith.constant 0 : i32
      %dma_wait3A_192 = arith.constant 0 : i32
      %dma_wait3A_193 = tpu.memref_slice %arg6[%run_scoped3A_175, %dma_wait3A_191, %dma_wait3A_192] : memref<2x128x128xf32, #tpu.memory_space<vmem>> -> memref<1x128x128xf32, #tpu.memory_space<vmem>>
      %dma_wait3A_194 = tpu.memref_squeeze %dma_wait3A_193 : memref<1x128x128xf32, #tpu.memory_space<vmem>> -> memref<128x128xf32, #tpu.memory_space<vmem>>
      %dma_wait3A_195 = arith.constant 0 : i32
      %dma_wait3A_196 = tpu.memref_slice %arg4[%arg0, %add3A_173, %dma_wait3A_195] : memref<2x10240x128xf32, #tpu.memory_space<hbm>> -> memref<1x128x128xf32, #tpu.memory_space<hbm>>
      %dma_wait3A_197 = tpu.memref_squeeze %dma_wait3A_196 : memref<1x128x128xf32, #tpu.memory_space<hbm>> -> memref<128x128xf32, #tpu.memory_space<hbm>>
      %dma_wait3A_198 = arith.constant 0 : i32
      %dma_wait3A_199 = tpu.memref_slice %arg4[%arg0, %add3A_173, %dma_wait3A_198] : memref<2x10240x128xf32, #tpu.memory_space<hbm>> -> memref<1x128x128xf32, #tpu.memory_space<hbm>>
      %dma_wait3A_200 = tpu.memref_squeeze %dma_wait3A_199 : memref<1x128x128xf32, #tpu.memory_space<hbm>> -> memref<128x128xf32, #tpu.memory_space<hbm>>
      %dma_wait3A_201 = arith.constant 0 : i32
      %dma_wait3A_202 = arith.constant 0 : i32
      %dma_wait3A_203 = tpu.memref_slice %arg6[%run_scoped3A_175, %dma_wait3A_201, %dma_wait3A_202] : memref<2x128x128xf32, #tpu.memory_space<vmem>> -> memref<1x128x128xf32, #tpu.memory_space<vmem>>
      %dma_wait3A_204 = tpu.memref_squeeze %dma_wait3A_203 : memref<1x128x128xf32, #tpu.memory_space<vmem>> -> memref<128x128xf32, #tpu.memory_space<vmem>>
      tpu.wait_dma2 semaphore(%run_scoped3A_176 : memref<!tpu.dma_semaphore, #tpu.memory_space<semaphore_mem>>) src(%dma_wait3A_204 : memref<128x128xf32, #tpu.memory_space<vmem>>) dst(%dma_wait3A_200 : memref<128x128xf32, #tpu.memory_space<hbm>>)
      tpu.yield
    }) : () -> ()
    return
  }
}

#map = affine_map<(d0, d1) -> (0, 0)>
module attributes {stable_mosaic.version = 14 : i64} {
  func.func @_sc_degree_hist(%arg0: i32, %arg1: i32, %arg2: memref<32x10240xi32, #tpu.memory_space<hbm>>, %arg3: memref<32x10240xf32, #tpu.memory_space<hbm>>, %arg4: memref<10240xi32, #tpu.memory_space<vmem>>, %arg5: memref<10240xf32, #tpu.memory_space<vmem>>) attributes {dimension_semantics = [#tpu.dimension_semantics<core_parallel>, #tpu.dimension_semantics<subcore_parallel>], iteration_bounds = array<i64: 2, 16>, scalar_prefetch = 0 : i64, scratch_operands = 2 : i64, tpu.core_type = #tpu.core_type<sc_vector_subcore>, window_params = [{transform_indices = #map}, {transform_indices = #map}]} {
    %mul3A = arith.constant 2 : i32
    %mul3A_0 = arith.muli %arg1, %mul3A : i32
    %add3A = arith.addi %mul3A_0, %arg0 : i32
    "tpu.region"() ({
      %run_scoped3A = tpu.sem_alloc : memref<!tpu.dma_semaphore, #tpu.memory_space<semaphore_mem>>
      %dma_start3A = arith.constant 0 : i32
      %dma_start3A_15 = tpu.memref_slice %arg2[%add3A, %dma_start3A] : memref<32x10240xi32, #tpu.memory_space<hbm>> -> memref<1x10240xi32, #tpu.memory_space<hbm>>
      %dma_start3A_16 = tpu.memref_squeeze %dma_start3A_15 : memref<1x10240xi32, #tpu.memory_space<hbm>> -> memref<10240xi32, #tpu.memory_space<hbm>>
      %dma_start3A_17 = arith.constant 0 : i32
      %dma_start3A_18 = tpu.memref_slice %arg2[%add3A, %dma_start3A_17] : memref<32x10240xi32, #tpu.memory_space<hbm>> -> memref<1x10240xi32, #tpu.memory_space<hbm>>
      %dma_start3A_19 = tpu.memref_squeeze %dma_start3A_18 : memref<1x10240xi32, #tpu.memory_space<hbm>> -> memref<10240xi32, #tpu.memory_space<hbm>>
      tpu.enqueue_dma source(%dma_start3A_19 : memref<10240xi32, #tpu.memory_space<hbm>>) target(%arg4 : memref<10240xi32, #tpu.memory_space<vmem>>) target_semaphore(%run_scoped3A : memref<!tpu.dma_semaphore, #tpu.memory_space<semaphore_mem>>)
      %dma_wait3A = arith.constant 0 : i32
      %dma_wait3A_20 = tpu.memref_slice %arg2[%add3A, %dma_wait3A] : memref<32x10240xi32, #tpu.memory_space<hbm>> -> memref<1x10240xi32, #tpu.memory_space<hbm>>
      %dma_wait3A_21 = tpu.memref_squeeze %dma_wait3A_20 : memref<1x10240xi32, #tpu.memory_space<hbm>> -> memref<10240xi32, #tpu.memory_space<hbm>>
      %dma_wait3A_22 = arith.constant 0 : i32
      %dma_wait3A_23 = tpu.memref_slice %arg2[%add3A, %dma_wait3A_22] : memref<32x10240xi32, #tpu.memory_space<hbm>> -> memref<1x10240xi32, #tpu.memory_space<hbm>>
      %dma_wait3A_24 = tpu.memref_squeeze %dma_wait3A_23 : memref<1x10240xi32, #tpu.memory_space<hbm>> -> memref<10240xi32, #tpu.memory_space<hbm>>
      tpu.wait_dma2 semaphore(%run_scoped3A : memref<!tpu.dma_semaphore, #tpu.memory_space<semaphore_mem>>) src(%dma_wait3A_24 : memref<10240xi32, #tpu.memory_space<hbm>>) dst(%arg4 : memref<10240xi32, #tpu.memory_space<vmem>>)
      tpu.yield
    }) : () -> ()
    %broadcast_in_dim3A = arith.constant 0.000000e+00 : f32
    %broadcast_in_dim3A_1 = vector.broadcast %broadcast_in_dim3A : f32 to vector<16xf32>
    %scan3A = arith.constant 0 : i32
    %scan3A_2 = arith.constant 0 : i32
    %scan3A_3 = arith.constant 640 : i32
    %scan3A_4 = arith.addi %scan3A_2, %scan3A_3 : i32
    %scan3A_5 = arith.constant 1 : i32
    scf.for %scan3A_15 = %scan3A_2 to %scan3A_4 step %scan3A_5  : i32 {
      %mul3A_16 = arith.constant 16 : i32
      %mul3A_17 = arith.muli %scan3A_15, %mul3A_16 : i32
      %swap3A = arith.index_cast %mul3A_17 : i32 to index
      %swap3A_18 = tpu.vector_load %arg5[%swap3A] {strides = array<i32>} : memref<10240xf32, #tpu.memory_space<vmem>>, vector<16xf32>,
      tpu.vector_store %arg5[%swap3A], %broadcast_in_dim3A_1 {strides = array<i32>} : memref<10240xf32, #tpu.memory_space<vmem>>, vector<16xf32>,
    }
    %scan3A_6 = arith.constant 640 : i32
    %broadcast_in_dim3A_7 = arith.constant 1.000000e+00 : f32
    %broadcast_in_dim3A_8 = vector.broadcast %broadcast_in_dim3A_7 : f32 to vector<16xf32>
    %scan3A_9 = arith.constant 0 : i32
    %scan3A_10 = arith.constant 0 : i32
    %scan3A_11 = arith.constant 640 : i32
    %scan3A_12 = arith.addi %scan3A_10, %scan3A_11 : i32
    %scan3A_13 = arith.constant 1 : i32
    scf.for %scan3A_15 = %scan3A_10 to %scan3A_12 step %scan3A_13  : i32 {
      %mul3A_16 = arith.constant 16 : i32
      %mul3A_17 = arith.muli %scan3A_15, %mul3A_16 : i32
      %get3A = arith.index_cast %mul3A_17 : i32 to index
      %get3A_18 = tpu.vector_load %arg4[%get3A] {strides = array<i32>} : memref<10240xi32, #tpu.memory_space<vmem>>, vector<16xi32>,
      tpu.vector_store_idx %arg5[%get3A_18], %broadcast_in_dim3A_8 {add = true} : memref<10240xf32, #tpu.memory_space<vmem>>[vector<16xi32>], vector<16xf32>,
    }
    %scan3A_14 = arith.constant 640 : i32
    "tpu.region"() ({
      %run_scoped3A = tpu.sem_alloc : memref<!tpu.dma_semaphore, #tpu.memory_space<semaphore_mem>>
      %dma_start3A = arith.constant 0 : i32
      %dma_start3A_15 = tpu.memref_slice %arg3[%add3A, %dma_start3A] : memref<32x10240xf32, #tpu.memory_space<hbm>> -> memref<1x10240xf32, #tpu.memory_space<hbm>>
      %dma_start3A_16 = tpu.memref_squeeze %dma_start3A_15 : memref<1x10240xf32, #tpu.memory_space<hbm>> -> memref<10240xf32, #tpu.memory_space<hbm>>
      %dma_start3A_17 = arith.constant 0 : i32
      %dma_start3A_18 = tpu.memref_slice %arg3[%add3A, %dma_start3A_17] : memref<32x10240xf32, #tpu.memory_space<hbm>> -> memref<1x10240xf32, #tpu.memory_space<hbm>>
      %dma_start3A_19 = tpu.memref_squeeze %dma_start3A_18 : memref<1x10240xf32, #tpu.memory_space<hbm>> -> memref<10240xf32, #tpu.memory_space<hbm>>
      tpu.enqueue_dma source(%arg5 : memref<10240xf32, #tpu.memory_space<vmem>>) target(%dma_start3A_19 : memref<10240xf32, #tpu.memory_space<hbm>>) target_semaphore(%run_scoped3A : memref<!tpu.dma_semaphore, #tpu.memory_space<semaphore_mem>>)
      %dma_wait3A = arith.constant 0 : i32
      %dma_wait3A_20 = tpu.memref_slice %arg3[%add3A, %dma_wait3A] : memref<32x10240xf32, #tpu.memory_space<hbm>> -> memref<1x10240xf32, #tpu.memory_space<hbm>>
      %dma_wait3A_21 = tpu.memref_squeeze %dma_wait3A_20 : memref<1x10240xf32, #tpu.memory_space<hbm>> -> memref<10240xf32, #tpu.memory_space<hbm>>
      %dma_wait3A_22 = arith.constant 0 : i32
      %dma_wait3A_23 = tpu.memref_slice %arg3[%add3A, %dma_wait3A_22] : memref<32x10240xf32, #tpu.memory_space<hbm>> -> memref<1x10240xf32, #tpu.memory_space<hbm>>
      %dma_wait3A_24 = tpu.memref_squeeze %dma_wait3A_23 : memref<1x10240xf32, #tpu.memory_space<hbm>> -> memref<10240xf32, #tpu.memory_space<hbm>>
      tpu.wait_dma2 semaphore(%run_scoped3A : memref<!tpu.dma_semaphore, #tpu.memory_space<semaphore_mem>>) src(%arg5 : memref<10240xf32, #tpu.memory_space<vmem>>) dst(%dma_wait3A_24 : memref<10240xf32, #tpu.memory_space<hbm>>)
      tpu.yield
    }) : () -> ()
    return
  }
}

#map = affine_map<(d0, d1) -> (0, 0)>
#map1 = affine_map<(d0, d1) -> (0, 0, 0, 0)>
#map2 = affine_map<(d0, d1) -> (0, 0, 0)>
module attributes {stable_mosaic.version = 14 : i64} {
  func.func @_sc_edge_agg(%arg0: i32, %arg1: i32, %arg2: memref<10240x128xf32, #tpu.memory_space<hbm>>, %arg3: memref<32x84x2x128xi32, #tpu.memory_space<hbm>>, %arg4: memref<2x10240x128xf32, #tpu.memory_space<hbm>>, %arg5: memref<4x2x128xi32, #tpu.memory_space<vmem>>, %arg6: memref<2x128x128xf32, #tpu.memory_space<vmem>>, %arg7: memref<10240x128xf32, #tpu.memory_space<vmem_shared>>, %arg8: memref<!tpu.dma_semaphore, #tpu.memory_space<semaphore_mem>>, %arg9: memref<!tpu.dma_semaphore, #tpu.memory_space<semaphore_mem>>, %arg10: memref<!tpu.dma_semaphore, #tpu.memory_space<semaphore_mem>>, %arg11: memref<!tpu.dma_semaphore, #tpu.memory_space<semaphore_mem>>, %arg12: memref<!tpu.dma_semaphore, #tpu.memory_space<semaphore_mem>>, %arg13: memref<!tpu.dma_semaphore, #tpu.memory_space<semaphore_mem>>) attributes {dimension_semantics = [#tpu.dimension_semantics<core_parallel>, #tpu.dimension_semantics<subcore_parallel>], iteration_bounds = array<i64: 2, 16>, scalar_prefetch = 0 : i64, scratch_operands = 9 : i64, tpu.core_type = #tpu.core_type<sc_vector_subcore>, window_params = [{transform_indices = #map}, {transform_indices = #map1}, {transform_indices = #map2}]} {
    %mul3A = arith.constant 2 : i32
    %mul3A_0 = arith.muli %arg1, %mul3A : i32
    %add3A = arith.addi %mul3A_0, %arg0 : i32
    %broadcast_in_dim3A = arith.constant 0.000000e+00 : f32
    %broadcast_in_dim3A_1 = vector.broadcast %broadcast_in_dim3A : f32 to vector<16xf32>
    %scan3A = arith.constant 0 : i32
    %scan3A_2 = arith.constant 0 : i32
    %scan3A_3 = arith.constant 128 : i32
    %scan3A_4 = arith.addi %scan3A_2, %scan3A_3 : i32
    %scan3A_5 = arith.constant 1 : i32
    scf.for %scan3A_176 = %scan3A_2 to %scan3A_4 step %scan3A_5  : i32 {
      %swap3A = arith.constant 0 : i32
      %swap3A_177 = arith.index_cast %swap3A : i32 to index
      %swap3A_178 = arith.index_cast %scan3A_176 : i32 to index
      %swap3A_179 = arith.constant 0 : index
      %swap3A_180 = tpu.vector_load %arg6[%swap3A_177, %swap3A_178, %swap3A_179] {strides = array<i32>} : memref<2x128x128xf32, #tpu.memory_space<vmem>>, vector<1x1x16xf32>,
      %swap3A_181 = vector.shape_cast %swap3A_180 : vector<1x1x16xf32> to vector<16xf32>
      %swap3A_182 = vector.shape_cast %broadcast_in_dim3A_1 : vector<16xf32> to vector<1x1x16xf32>
      tpu.vector_store %arg6[%swap3A_177, %swap3A_178, %swap3A_179], %swap3A_182 {strides = array<i32>} : memref<2x128x128xf32, #tpu.memory_space<vmem>>, vector<1x1x16xf32>,
      %swap3A_183 = arith.constant 0 : i32
      %swap3A_184 = arith.index_cast %swap3A_183 : i32 to index
      %swap3A_185 = arith.index_cast %scan3A_176 : i32 to index
      %swap3A_186 = arith.constant 16 : index
      %swap3A_187 = tpu.vector_load %arg6[%swap3A_184, %swap3A_185, %swap3A_186] {strides = array<i32>} : memref<2x128x128xf32, #tpu.memory_space<vmem>>, vector<1x1x16xf32>,
      %swap3A_188 = vector.shape_cast %swap3A_187 : vector<1x1x16xf32> to vector<16xf32>
      %swap3A_189 = vector.shape_cast %broadcast_in_dim3A_1 : vector<16xf32> to vector<1x1x16xf32>
      tpu.vector_store %arg6[%swap3A_184, %swap3A_185, %swap3A_186], %swap3A_189 {strides = array<i32>} : memref<2x128x128xf32, #tpu.memory_space<vmem>>, vector<1x1x16xf32>,
      %swap3A_190 = arith.constant 0 : i32
      %swap3A_191 = arith.index_cast %swap3A_190 : i32 to index
      %swap3A_192 = arith.index_cast %scan3A_176 : i32 to index
      %swap3A_193 = arith.constant 32 : index
      %swap3A_194 = tpu.vector_load %arg6[%swap3A_191, %swap3A_192, %swap3A_193] {strides = array<i32>} : memref<2x128x128xf32, #tpu.memory_space<vmem>>, vector<1x1x16xf32>,
      %swap3A_195 = vector.shape_cast %swap3A_194 : vector<1x1x16xf32> to vector<16xf32>
      %swap3A_196 = vector.shape_cast %broadcast_in_dim3A_1 : vector<16xf32> to vector<1x1x16xf32>
      tpu.vector_store %arg6[%swap3A_191, %swap3A_192, %swap3A_193], %swap3A_196 {strides = array<i32>} : memref<2x128x128xf32, #tpu.memory_space<vmem>>, vector<1x1x16xf32>,
      %swap3A_197 = arith.constant 0 : i32
      %swap3A_198 = arith.index_cast %swap3A_197 : i32 to index
      %swap3A_199 = arith.index_cast %scan3A_176 : i32 to index
      %swap3A_200 = arith.constant 48 : index
      %swap3A_201 = tpu.vector_load %arg6[%swap3A_198, %swap3A_199, %swap3A_200] {strides = array<i32>} : memref<2x128x128xf32, #tpu.memory_space<vmem>>, vector<1x1x16xf32>,
      %swap3A_202 = vector.shape_cast %swap3A_201 : vector<1x1x16xf32> to vector<16xf32>
      %swap3A_203 = vector.shape_cast %broadcast_in_dim3A_1 : vector<16xf32> to vector<1x1x16xf32>
      tpu.vector_store %arg6[%swap3A_198, %swap3A_199, %swap3A_200], %swap3A_203 {strides = array<i32>} : memref<2x128x128xf32, #tpu.memory_space<vmem>>, vector<1x1x16xf32>,
      %swap3A_204 = arith.constant 0 : i32
      %swap3A_205 = arith.index_cast %swap3A_204 : i32 to index
      %swap3A_206 = arith.index_cast %scan3A_176 : i32 to index
      %swap3A_207 = arith.constant 64 : index
      %swap3A_208 = tpu.vector_load %arg6[%swap3A_205, %swap3A_206, %swap3A_207] {strides = array<i32>} : memref<2x128x128xf32, #tpu.memory_space<vmem>>, vector<1x1x16xf32>,
      %swap3A_209 = vector.shape_cast %swap3A_208 : vector<1x1x16xf32> to vector<16xf32>
      %swap3A_210 = vector.shape_cast %broadcast_in_dim3A_1 : vector<16xf32> to vector<1x1x16xf32>
      tpu.vector_store %arg6[%swap3A_205, %swap3A_206, %swap3A_207], %swap3A_210 {strides = array<i32>} : memref<2x128x128xf32, #tpu.memory_space<vmem>>, vector<1x1x16xf32>,
      %swap3A_211 = arith.constant 0 : i32
      %swap3A_212 = arith.index_cast %swap3A_211 : i32 to index
      %swap3A_213 = arith.index_cast %scan3A_176 : i32 to index
      %swap3A_214 = arith.constant 80 : index
      %swap3A_215 = tpu.vector_load %arg6[%swap3A_212, %swap3A_213, %swap3A_214] {strides = array<i32>} : memref<2x128x128xf32, #tpu.memory_space<vmem>>, vector<1x1x16xf32>,
      %swap3A_216 = vector.shape_cast %swap3A_215 : vector<1x1x16xf32> to vector<16xf32>
      %swap3A_217 = vector.shape_cast %broadcast_in_dim3A_1 : vector<16xf32> to vector<1x1x16xf32>
      tpu.vector_store %arg6[%swap3A_212, %swap3A_213, %swap3A_214], %swap3A_217 {strides = array<i32>} : memref<2x128x128xf32, #tpu.memory_space<vmem>>, vector<1x1x16xf32>,
      %swap3A_218 = arith.constant 0 : i32
      %swap3A_219 = arith.index_cast %swap3A_218 : i32 to index
      %swap3A_220 = arith.index_cast %scan3A_176 : i32 to index
      %swap3A_221 = arith.constant 96 : index
      %swap3A_222 = tpu.vector_load %arg6[%swap3A_219, %swap3A_220, %swap3A_221] {strides = array<i32>} : memref<2x128x128xf32, #tpu.memory_space<vmem>>, vector<1x1x16xf32>,
      %swap3A_223 = vector.shape_cast %swap3A_222 : vector<1x1x16xf32> to vector<16xf32>
      %swap3A_224 = vector.shape_cast %broadcast_in_dim3A_1 : vector<16xf32> to vector<1x1x16xf32>
      tpu.vector_store %arg6[%swap3A_219, %swap3A_220, %swap3A_221], %swap3A_224 {strides = array<i32>} : memref<2x128x128xf32, #tpu.memory_space<vmem>>, vector<1x1x16xf32>,
      %swap3A_225 = arith.constant 0 : i32
      %swap3A_226 = arith.index_cast %swap3A_225 : i32 to index
      %swap3A_227 = arith.index_cast %scan3A_176 : i32 to index
      %swap3A_228 = arith.constant 112 : index
      %swap3A_229 = tpu.vector_load %arg6[%swap3A_226, %swap3A_227, %swap3A_228] {strides = array<i32>} : memref<2x128x128xf32, #tpu.memory_space<vmem>>, vector<1x1x16xf32>,
      %swap3A_230 = vector.shape_cast %swap3A_229 : vector<1x1x16xf32> to vector<16xf32>
      %swap3A_231 = vector.shape_cast %broadcast_in_dim3A_1 : vector<16xf32> to vector<1x1x16xf32>
      tpu.vector_store %arg6[%swap3A_226, %swap3A_227, %swap3A_228], %swap3A_231 {strides = array<i32>} : memref<2x128x128xf32, #tpu.memory_space<vmem>>, vector<1x1x16xf32>,
    }
    %scan3A_6 = arith.constant 128 : i32
    %mul3A_7 = arith.constant 640 : i32
    %mul3A_8 = arith.muli %arg1, %mul3A_7 : i32
    %add3A_9 = arith.constant 0 : i32
    %add3A_10 = arith.addi %mul3A_8, %add3A_9 : i32
    %run_scoped3A = arith.constant 0 : i32
    "tpu.region"() ({
      %run_scoped3A_176 = tpu.sem_alloc : memref<!tpu.dma_semaphore, #tpu.memory_space<semaphore_mem>>
      %dma_start3A_177 = arith.constant 0 : i32
      %dma_start3A_178 = arith.constant 0 : i32
      %dma_start3A_179 = tpu.memref_slice %arg6[%run_scoped3A, %dma_start3A_177, %dma_start3A_178] : memref<2x128x128xf32, #tpu.memory_space<vmem>> -> memref<1x128x128xf32, #tpu.memory_space<vmem>>
      %dma_start3A_180 = tpu.memref_squeeze %dma_start3A_179 : memref<1x128x128xf32, #tpu.memory_space<vmem>> -> memref<128x128xf32, #tpu.memory_space<vmem>>
      %dma_start3A_181 = arith.constant 0 : i32
      %dma_start3A_182 = tpu.memref_slice %arg7[%add3A_10, %dma_start3A_181] : memref<10240x128xf32, #tpu.memory_space<vmem_shared>> -> memref<128x128xf32, #tpu.memory_space<vmem_shared>>
      %dma_start3A_183 = arith.constant 0 : i32
      %dma_start3A_184 = tpu.memref_slice %arg7[%add3A_10, %dma_start3A_183] : memref<10240x128xf32, #tpu.memory_space<vmem_shared>> -> memref<128x128xf32, #tpu.memory_space<vmem_shared>>
      %dma_start3A_185 = arith.constant 0 : i32
      %dma_start3A_186 = arith.constant 0 : i32
      %dma_start3A_187 = tpu.memref_slice %arg6[%run_scoped3A, %dma_start3A_185, %dma_start3A_186] : memref<2x128x128xf32, #tpu.memory_space<vmem>> -> memref<1x128x128xf32, #tpu.memory_space<vmem>>
      %dma_start3A_188 = tpu.memref_squeeze %dma_start3A_187 : memref<1x128x128xf32, #tpu.memory_space<vmem>> -> memref<128x128xf32, #tpu.memory_space<vmem>>
      tpu.enqueue_dma source(%dma_start3A_188 : memref<128x128xf32, #tpu.memory_space<vmem>>) target(%dma_start3A_184 : memref<128x128xf32, #tpu.memory_space<vmem_shared>>) target_semaphore(%run_scoped3A_176 : memref<!tpu.dma_semaphore, #tpu.memory_space<semaphore_mem>>)
      %dma_wait3A_189 = arith.constant 0 : i32
      %dma_wait3A_190 = arith.constant 0 : i32
      %dma_wait3A_191 = tpu.memref_slice %arg6[%run_scoped3A, %dma_wait3A_189, %dma_wait3A_190] : memref<2x128x128xf32, #tpu.memory_space<vmem>> -> memref<1x128x128xf32, #tpu.memory_space<vmem>>
      %dma_wait3A_192 = tpu.memref_squeeze %dma_wait3A_191 : memref<1x128x128xf32, #tpu.memory_space<vmem>> -> memref<128x128xf32, #tpu.memory_space<vmem>>
      %dma_wait3A_193 = arith.constant 0 : i32
      %dma_wait3A_194 = tpu.memref_slice %arg7[%add3A_10, %dma_wait3A_193] : memref<10240x128xf32, #tpu.memory_space<vmem_shared>> -> memref<128x128xf32, #tpu.memory_space<vmem_shared>>
      %dma_wait3A_195 = arith.constant 0 : i32
      %dma_wait3A_196 = tpu.memref_slice %arg7[%add3A_10, %dma_wait3A_195] : memref<10240x128xf32, #tpu.memory_space<vmem_shared>> -> memref<128x128xf32, #tpu.memory_space<vmem_shared>>
      %dma_wait3A_197 = arith.constant 0 : i32
      %dma_wait3A_198 = arith.constant 0 : i32
      %dma_wait3A_199 = tpu.memref_slice %arg6[%run_scoped3A, %dma_wait3A_197, %dma_wait3A_198] : memref<2x128x128xf32, #tpu.memory_space<vmem>> -> memref<1x128x128xf32, #tpu.memory_space<vmem>>
      %dma_wait3A_200 = tpu.memref_squeeze %dma_wait3A_199 : memref<1x128x128xf32, #tpu.memory_space<vmem>> -> memref<128x128xf32, #tpu.memory_space<vmem>>
      tpu.wait_dma2 semaphore(%run_scoped3A_176 : memref<!tpu.dma_semaphore, #tpu.memory_space<semaphore_mem>>) src(%dma_wait3A_200 : memref<128x128xf32, #tpu.memory_space<vmem>>) dst(%dma_wait3A_196 : memref<128x128xf32, #tpu.memory_space<vmem_shared>>)
      tpu.yield
    }) : () -> ()
    %add3A_11 = arith.constant 128 : i32
    %add3A_12 = arith.addi %mul3A_8, %add3A_11 : i32
    %run_scoped3A_13 = arith.constant 0 : i32
    "tpu.region"() ({
      %run_scoped3A_176 = tpu.sem_alloc : memref<!tpu.dma_semaphore, #tpu.memory_space<semaphore_mem>>
      %dma_start3A_177 = arith.constant 0 : i32
      %dma_start3A_178 = arith.constant 0 : i32
      %dma_start3A_179 = tpu.memref_slice %arg6[%run_scoped3A_13, %dma_start3A_177, %dma_start3A_178] : memref<2x128x128xf32, #tpu.memory_space<vmem>> -> memref<1x128x128xf32, #tpu.memory_space<vmem>>
      %dma_start3A_180 = tpu.memref_squeeze %dma_start3A_179 : memref<1x128x128xf32, #tpu.memory_space<vmem>> -> memref<128x128xf32, #tpu.memory_space<vmem>>
      %dma_start3A_181 = arith.constant 0 : i32
      %dma_start3A_182 = tpu.memref_slice %arg7[%add3A_12, %dma_start3A_181] : memref<10240x128xf32, #tpu.memory_space<vmem_shared>> -> memref<128x128xf32, #tpu.memory_space<vmem_shared>>
      %dma_start3A_183 = arith.constant 0 : i32
      %dma_start3A_184 = tpu.memref_slice %arg7[%add3A_12, %dma_start3A_183] : memref<10240x128xf32, #tpu.memory_space<vmem_shared>> -> memref<128x128xf32, #tpu.memory_space<vmem_shared>>
      %dma_start3A_185 = arith.constant 0 : i32
      %dma_start3A_186 = arith.constant 0 : i32
      %dma_start3A_187 = tpu.memref_slice %arg6[%run_scoped3A_13, %dma_start3A_185, %dma_start3A_186] : memref<2x128x128xf32, #tpu.memory_space<vmem>> -> memref<1x128x128xf32, #tpu.memory_space<vmem>>
      %dma_start3A_188 = tpu.memref_squeeze %dma_start3A_187 : memref<1x128x128xf32, #tpu.memory_space<vmem>> -> memref<128x128xf32, #tpu.memory_space<vmem>>
      tpu.enqueue_dma source(%dma_start3A_188 : memref<128x128xf32, #tpu.memory_space<vmem>>) target(%dma_start3A_184 : memref<128x128xf32, #tpu.memory_space<vmem_shared>>) target_semaphore(%run_scoped3A_176 : memref<!tpu.dma_semaphore, #tpu.memory_space<semaphore_mem>>)
      %dma_wait3A_189 = arith.constant 0 : i32
      %dma_wait3A_190 = arith.constant 0 : i32
      %dma_wait3A_191 = tpu.memref_slice %arg6[%run_scoped3A_13, %dma_wait3A_189, %dma_wait3A_190] : memref<2x128x128xf32, #tpu.memory_space<vmem>> -> memref<1x128x128xf32, #tpu.memory_space<vmem>>
      %dma_wait3A_192 = tpu.memref_squeeze %dma_wait3A_191 : memref<1x128x128xf32, #tpu.memory_space<vmem>> -> memref<128x128xf32, #tpu.memory_space<vmem>>
      %dma_wait3A_193 = arith.constant 0 : i32
      %dma_wait3A_194 = tpu.memref_slice %arg7[%add3A_12, %dma_wait3A_193] : memref<10240x128xf32, #tpu.memory_space<vmem_shared>> -> memref<128x128xf32, #tpu.memory_space<vmem_shared>>
      %dma_wait3A_195 = arith.constant 0 : i32
      %dma_wait3A_196 = tpu.memref_slice %arg7[%add3A_12, %dma_wait3A_195] : memref<10240x128xf32, #tpu.memory_space<vmem_shared>> -> memref<128x128xf32, #tpu.memory_space<vmem_shared>>
      %dma_wait3A_197 = arith.constant 0 : i32
      %dma_wait3A_198 = arith.constant 0 : i32
      %dma_wait3A_199 = tpu.memref_slice %arg6[%run_scoped3A_13, %dma_wait3A_197, %dma_wait3A_198] : memref<2x128x128xf32, #tpu.memory_space<vmem>> -> memref<1x128x128xf32, #tpu.memory_space<vmem>>
      %dma_wait3A_200 = tpu.memref_squeeze %dma_wait3A_199 : memref<1x128x128xf32, #tpu.memory_space<vmem>> -> memref<128x128xf32, #tpu.memory_space<vmem>>
      tpu.wait_dma2 semaphore(%run_scoped3A_176 : memref<!tpu.dma_semaphore, #tpu.memory_space<semaphore_mem>>) src(%dma_wait3A_200 : memref<128x128xf32, #tpu.memory_space<vmem>>) dst(%dma_wait3A_196 : memref<128x128xf32, #tpu.memory_space<vmem_shared>>)
      tpu.yield
    }) : () -> ()
    %add3A_14 = arith.constant 256 : i32
    %add3A_15 = arith.addi %mul3A_8, %add3A_14 : i32
    %run_scoped3A_16 = arith.constant 0 : i32
    "tpu.region"() ({
      %run_scoped3A_176 = tpu.sem_alloc : memref<!tpu.dma_semaphore, #tpu.memory_space<semaphore_mem>>
      %dma_start3A_177 = arith.constant 0 : i32
      %dma_start3A_178 = arith.constant 0 : i32
      %dma_start3A_179 = tpu.memref_slice %arg6[%run_scoped3A_16, %dma_start3A_177, %dma_start3A_178] : memref<2x128x128xf32, #tpu.memory_space<vmem>> -> memref<1x128x128xf32, #tpu.memory_space<vmem>>
      %dma_start3A_180 = tpu.memref_squeeze %dma_start3A_179 : memref<1x128x128xf32, #tpu.memory_space<vmem>> -> memref<128x128xf32, #tpu.memory_space<vmem>>
      %dma_start3A_181 = arith.constant 0 : i32
      %dma_start3A_182 = tpu.memref_slice %arg7[%add3A_15, %dma_start3A_181] : memref<10240x128xf32, #tpu.memory_space<vmem_shared>> -> memref<128x128xf32, #tpu.memory_space<vmem_shared>>
      %dma_start3A_183 = arith.constant 0 : i32
      %dma_start3A_184 = tpu.memref_slice %arg7[%add3A_15, %dma_start3A_183] : memref<10240x128xf32, #tpu.memory_space<vmem_shared>> -> memref<128x128xf32, #tpu.memory_space<vmem_shared>>
      %dma_start3A_185 = arith.constant 0 : i32
      %dma_start3A_186 = arith.constant 0 : i32
      %dma_start3A_187 = tpu.memref_slice %arg6[%run_scoped3A_16, %dma_start3A_185, %dma_start3A_186] : memref<2x128x128xf32, #tpu.memory_space<vmem>> -> memref<1x128x128xf32, #tpu.memory_space<vmem>>
      %dma_start3A_188 = tpu.memref_squeeze %dma_start3A_187 : memref<1x128x128xf32, #tpu.memory_space<vmem>> -> memref<128x128xf32, #tpu.memory_space<vmem>>
      tpu.enqueue_dma source(%dma_start3A_188 : memref<128x128xf32, #tpu.memory_space<vmem>>) target(%dma_start3A_184 : memref<128x128xf32, #tpu.memory_space<vmem_shared>>) target_semaphore(%run_scoped3A_176 : memref<!tpu.dma_semaphore, #tpu.memory_space<semaphore_mem>>)
      %dma_wait3A_189 = arith.constant 0 : i32
      %dma_wait3A_190 = arith.constant 0 : i32
      %dma_wait3A_191 = tpu.memref_slice %arg6[%run_scoped3A_16, %dma_wait3A_189, %dma_wait3A_190] : memref<2x128x128xf32, #tpu.memory_space<vmem>> -> memref<1x128x128xf32, #tpu.memory_space<vmem>>
      %dma_wait3A_192 = tpu.memref_squeeze %dma_wait3A_191 : memref<1x128x128xf32, #tpu.memory_space<vmem>> -> memref<128x128xf32, #tpu.memory_space<vmem>>
      %dma_wait3A_193 = arith.constant 0 : i32
      %dma_wait3A_194 = tpu.memref_slice %arg7[%add3A_15, %dma_wait3A_193] : memref<10240x128xf32, #tpu.memory_space<vmem_shared>> -> memref<128x128xf32, #tpu.memory_space<vmem_shared>>
      %dma_wait3A_195 = arith.constant 0 : i32
      %dma_wait3A_196 = tpu.memref_slice %arg7[%add3A_15, %dma_wait3A_195] : memref<10240x128xf32, #tpu.memory_space<vmem_shared>> -> memref<128x128xf32, #tpu.memory_space<vmem_shared>>
      %dma_wait3A_197 = arith.constant 0 : i32
      %dma_wait3A_198 = arith.constant 0 : i32
      %dma_wait3A_199 = tpu.memref_slice %arg6[%run_scoped3A_16, %dma_wait3A_197, %dma_wait3A_198] : memref<2x128x128xf32, #tpu.memory_space<vmem>> -> memref<1x128x128xf32, #tpu.memory_space<vmem>>
      %dma_wait3A_200 = tpu.memref_squeeze %dma_wait3A_199 : memref<1x128x128xf32, #tpu.memory_space<vmem>> -> memref<128x128xf32, #tpu.memory_space<vmem>>
      tpu.wait_dma2 semaphore(%run_scoped3A_176 : memref<!tpu.dma_semaphore, #tpu.memory_space<semaphore_mem>>) src(%dma_wait3A_200 : memref<128x128xf32, #tpu.memory_space<vmem>>) dst(%dma_wait3A_196 : memref<128x128xf32, #tpu.memory_space<vmem_shared>>)
      tpu.yield
    }) : () -> ()
    %add3A_17 = arith.constant 384 : i32
    %add3A_18 = arith.addi %mul3A_8, %add3A_17 : i32
    %run_scoped3A_19 = arith.constant 0 : i32
    "tpu.region"() ({
      %run_scoped3A_176 = tpu.sem_alloc : memref<!tpu.dma_semaphore, #tpu.memory_space<semaphore_mem>>
      %dma_start3A_177 = arith.constant 0 : i32
      %dma_start3A_178 = arith.constant 0 : i32
      %dma_start3A_179 = tpu.memref_slice %arg6[%run_scoped3A_19, %dma_start3A_177, %dma_start3A_178] : memref<2x128x128xf32, #tpu.memory_space<vmem>> -> memref<1x128x128xf32, #tpu.memory_space<vmem>>
      %dma_start3A_180 = tpu.memref_squeeze %dma_start3A_179 : memref<1x128x128xf32, #tpu.memory_space<vmem>> -> memref<128x128xf32, #tpu.memory_space<vmem>>
      %dma_start3A_181 = arith.constant 0 : i32
      %dma_start3A_182 = tpu.memref_slice %arg7[%add3A_18, %dma_start3A_181] : memref<10240x128xf32, #tpu.memory_space<vmem_shared>> -> memref<128x128xf32, #tpu.memory_space<vmem_shared>>
      %dma_start3A_183 = arith.constant 0 : i32
      %dma_start3A_184 = tpu.memref_slice %arg7[%add3A_18, %dma_start3A_183] : memref<10240x128xf32, #tpu.memory_space<vmem_shared>> -> memref<128x128xf32, #tpu.memory_space<vmem_shared>>
      %dma_start3A_185 = arith.constant 0 : i32
      %dma_start3A_186 = arith.constant 0 : i32
      %dma_start3A_187 = tpu.memref_slice %arg6[%run_scoped3A_19, %dma_start3A_185, %dma_start3A_186] : memref<2x128x128xf32, #tpu.memory_space<vmem>> -> memref<1x128x128xf32, #tpu.memory_space<vmem>>
      %dma_start3A_188 = tpu.memref_squeeze %dma_start3A_187 : memref<1x128x128xf32, #tpu.memory_space<vmem>> -> memref<128x128xf32, #tpu.memory_space<vmem>>
      tpu.enqueue_dma source(%dma_start3A_188 : memref<128x128xf32, #tpu.memory_space<vmem>>) target(%dma_start3A_184 : memref<128x128xf32, #tpu.memory_space<vmem_shared>>) target_semaphore(%run_scoped3A_176 : memref<!tpu.dma_semaphore, #tpu.memory_space<semaphore_mem>>)
      %dma_wait3A_189 = arith.constant 0 : i32
      %dma_wait3A_190 = arith.constant 0 : i32
      %dma_wait3A_191 = tpu.memref_slice %arg6[%run_scoped3A_19, %dma_wait3A_189, %dma_wait3A_190] : memref<2x128x128xf32, #tpu.memory_space<vmem>> -> memref<1x128x128xf32, #tpu.memory_space<vmem>>
      %dma_wait3A_192 = tpu.memref_squeeze %dma_wait3A_191 : memref<1x128x128xf32, #tpu.memory_space<vmem>> -> memref<128x128xf32, #tpu.memory_space<vmem>>
      %dma_wait3A_193 = arith.constant 0 : i32
      %dma_wait3A_194 = tpu.memref_slice %arg7[%add3A_18, %dma_wait3A_193] : memref<10240x128xf32, #tpu.memory_space<vmem_shared>> -> memref<128x128xf32, #tpu.memory_space<vmem_shared>>
      %dma_wait3A_195 = arith.constant 0 : i32
      %dma_wait3A_196 = tpu.memref_slice %arg7[%add3A_18, %dma_wait3A_195] : memref<10240x128xf32, #tpu.memory_space<vmem_shared>> -> memref<128x128xf32, #tpu.memory_space<vmem_shared>>
      %dma_wait3A_197 = arith.constant 0 : i32
      %dma_wait3A_198 = arith.constant 0 : i32
      %dma_wait3A_199 = tpu.memref_slice %arg6[%run_scoped3A_19, %dma_wait3A_197, %dma_wait3A_198] : memref<2x128x128xf32, #tpu.memory_space<vmem>> -> memref<1x128x128xf32, #tpu.memory_space<vmem>>
      %dma_wait3A_200 = tpu.memref_squeeze %dma_wait3A_199 : memref<1x128x128xf32, #tpu.memory_space<vmem>> -> memref<128x128xf32, #tpu.memory_space<vmem>>
      tpu.wait_dma2 semaphore(%run_scoped3A_176 : memref<!tpu.dma_semaphore, #tpu.memory_space<semaphore_mem>>) src(%dma_wait3A_200 : memref<128x128xf32, #tpu.memory_space<vmem>>) dst(%dma_wait3A_196 : memref<128x128xf32, #tpu.memory_space<vmem_shared>>)
      tpu.yield
    }) : () -> ()
    %add3A_20 = arith.constant 512 : i32
    %add3A_21 = arith.addi %mul3A_8, %add3A_20 : i32
    %run_scoped3A_22 = arith.constant 0 : i32
    "tpu.region"() ({
      %run_scoped3A_176 = tpu.sem_alloc : memref<!tpu.dma_semaphore, #tpu.memory_space<semaphore_mem>>
      %dma_start3A_177 = arith.constant 0 : i32
      %dma_start3A_178 = arith.constant 0 : i32
      %dma_start3A_179 = tpu.memref_slice %arg6[%run_scoped3A_22, %dma_start3A_177, %dma_start3A_178] : memref<2x128x128xf32, #tpu.memory_space<vmem>> -> memref<1x128x128xf32, #tpu.memory_space<vmem>>
      %dma_start3A_180 = tpu.memref_squeeze %dma_start3A_179 : memref<1x128x128xf32, #tpu.memory_space<vmem>> -> memref<128x128xf32, #tpu.memory_space<vmem>>
      %dma_start3A_181 = arith.constant 0 : i32
      %dma_start3A_182 = tpu.memref_slice %arg7[%add3A_21, %dma_start3A_181] : memref<10240x128xf32, #tpu.memory_space<vmem_shared>> -> memref<128x128xf32, #tpu.memory_space<vmem_shared>>
      %dma_start3A_183 = arith.constant 0 : i32
      %dma_start3A_184 = tpu.memref_slice %arg7[%add3A_21, %dma_start3A_183] : memref<10240x128xf32, #tpu.memory_space<vmem_shared>> -> memref<128x128xf32, #tpu.memory_space<vmem_shared>>
      %dma_start3A_185 = arith.constant 0 : i32
      %dma_start3A_186 = arith.constant 0 : i32
      %dma_start3A_187 = tpu.memref_slice %arg6[%run_scoped3A_22, %dma_start3A_185, %dma_start3A_186] : memref<2x128x128xf32, #tpu.memory_space<vmem>> -> memref<1x128x128xf32, #tpu.memory_space<vmem>>
      %dma_start3A_188 = tpu.memref_squeeze %dma_start3A_187 : memref<1x128x128xf32, #tpu.memory_space<vmem>> -> memref<128x128xf32, #tpu.memory_space<vmem>>
      tpu.enqueue_dma source(%dma_start3A_188 : memref<128x128xf32, #tpu.memory_space<vmem>>) target(%dma_start3A_184 : memref<128x128xf32, #tpu.memory_space<vmem_shared>>) target_semaphore(%run_scoped3A_176 : memref<!tpu.dma_semaphore, #tpu.memory_space<semaphore_mem>>)
      %dma_wait3A_189 = arith.constant 0 : i32
      %dma_wait3A_190 = arith.constant 0 : i32
      %dma_wait3A_191 = tpu.memref_slice %arg6[%run_scoped3A_22, %dma_wait3A_189, %dma_wait3A_190] : memref<2x128x128xf32, #tpu.memory_space<vmem>> -> memref<1x128x128xf32, #tpu.memory_space<vmem>>
      %dma_wait3A_192 = tpu.memref_squeeze %dma_wait3A_191 : memref<1x128x128xf32, #tpu.memory_space<vmem>> -> memref<128x128xf32, #tpu.memory_space<vmem>>
      %dma_wait3A_193 = arith.constant 0 : i32
      %dma_wait3A_194 = tpu.memref_slice %arg7[%add3A_21, %dma_wait3A_193] : memref<10240x128xf32, #tpu.memory_space<vmem_shared>> -> memref<128x128xf32, #tpu.memory_space<vmem_shared>>
      %dma_wait3A_195 = arith.constant 0 : i32
      %dma_wait3A_196 = tpu.memref_slice %arg7[%add3A_21, %dma_wait3A_195] : memref<10240x128xf32, #tpu.memory_space<vmem_shared>> -> memref<128x128xf32, #tpu.memory_space<vmem_shared>>
      %dma_wait3A_197 = arith.constant 0 : i32
      %dma_wait3A_198 = arith.constant 0 : i32
      %dma_wait3A_199 = tpu.memref_slice %arg6[%run_scoped3A_22, %dma_wait3A_197, %dma_wait3A_198] : memref<2x128x128xf32, #tpu.memory_space<vmem>> -> memref<1x128x128xf32, #tpu.memory_space<vmem>>
      %dma_wait3A_200 = tpu.memref_squeeze %dma_wait3A_199 : memref<1x128x128xf32, #tpu.memory_space<vmem>> -> memref<128x128xf32, #tpu.memory_space<vmem>>
      tpu.wait_dma2 semaphore(%run_scoped3A_176 : memref<!tpu.dma_semaphore, #tpu.memory_space<semaphore_mem>>) src(%dma_wait3A_200 : memref<128x128xf32, #tpu.memory_space<vmem>>) dst(%dma_wait3A_196 : memref<128x128xf32, #tpu.memory_space<vmem_shared>>)
      tpu.yield
    }) : () -> ()
    %barrier3A = arith.constant 0 : index
    tpu.barrier barrier_id(%barrier3A)
    %run_scoped3A_23 = arith.constant 0 : i32
    %run_scoped3A_24 = arith.constant 0 : i32
    "tpu.region"() ({
      %run_scoped3A_176 = tpu.sem_alloc : memref<!tpu.dma_semaphore, #tpu.memory_space<semaphore_mem>>
      %dma_start3A_177 = arith.constant 0 : i32
      %dma_start3A_178 = arith.constant 0 : i32
      %dma_start3A_179 = tpu.memref_slice %arg5[%run_scoped3A_24, %dma_start3A_177, %dma_start3A_178] : memref<4x2x128xi32, #tpu.memory_space<vmem>> -> memref<1x2x128xi32, #tpu.memory_space<vmem>>
      %dma_start3A_180 = tpu.memref_squeeze %dma_start3A_179 : memref<1x2x128xi32, #tpu.memory_space<vmem>> -> memref<2x128xi32, #tpu.memory_space<vmem>>
      %dma_start3A_181 = arith.constant 0 : i32
      %dma_start3A_182 = arith.constant 0 : i32
      %dma_start3A_183 = tpu.memref_slice %arg3[%add3A, %run_scoped3A_23, %dma_start3A_181, %dma_start3A_182] : memref<32x84x2x128xi32, #tpu.memory_space<hbm>> -> memref<1x1x2x128xi32, #tpu.memory_space<hbm>>
      %dma_start3A_184 = tpu.memref_squeeze %dma_start3A_183 : memref<1x1x2x128xi32, #tpu.memory_space<hbm>> -> memref<2x128xi32, #tpu.memory_space<hbm>>
      %dma_start3A_185 = arith.constant 0 : i32
      %dma_start3A_186 = arith.constant 0 : i32
      %dma_start3A_187 = tpu.memref_slice %arg5[%run_scoped3A_24, %dma_start3A_185, %dma_start3A_186] : memref<4x2x128xi32, #tpu.memory_space<vmem>> -> memref<1x2x128xi32, #tpu.memory_space<vmem>>
      %dma_start3A_188 = tpu.memref_squeeze %dma_start3A_187 : memref<1x2x128xi32, #tpu.memory_space<vmem>> -> memref<2x128xi32, #tpu.memory_space<vmem>>
      %dma_start3A_189 = arith.constant 0 : i32
      %dma_start3A_190 = arith.constant 0 : i32
      %dma_start3A_191 = tpu.memref_slice %arg3[%add3A, %run_scoped3A_23, %dma_start3A_189, %dma_start3A_190] : memref<32x84x2x128xi32, #tpu.memory_space<hbm>> -> memref<1x1x2x128xi32, #tpu.memory_space<hbm>>
      %dma_start3A_192 = tpu.memref_squeeze %dma_start3A_191 : memref<1x1x2x128xi32, #tpu.memory_space<hbm>> -> memref<2x128xi32, #tpu.memory_space<hbm>>
      tpu.enqueue_dma source(%dma_start3A_192 : memref<2x128xi32, #tpu.memory_space<hbm>>) target(%dma_start3A_188 : memref<2x128xi32, #tpu.memory_space<vmem>>) target_semaphore(%run_scoped3A_176 : memref<!tpu.dma_semaphore, #tpu.memory_space<semaphore_mem>>)
      %dma_wait3A_193 = arith.constant 0 : i32
      %dma_wait3A_194 = arith.constant 0 : i32
      %dma_wait3A_195 = tpu.memref_slice %arg5[%run_scoped3A_24, %dma_wait3A_193, %dma_wait3A_194] : memref<4x2x128xi32, #tpu.memory_space<vmem>> -> memref<1x2x128xi32, #tpu.memory_space<vmem>>
      %dma_wait3A_196 = tpu.memref_squeeze %dma_wait3A_195 : memref<1x2x128xi32, #tpu.memory_space<vmem>> -> memref<2x128xi32, #tpu.memory_space<vmem>>
      %dma_wait3A_197 = arith.constant 0 : i32
      %dma_wait3A_198 = arith.constant 0 : i32
      %dma_wait3A_199 = tpu.memref_slice %arg3[%add3A, %run_scoped3A_23, %dma_wait3A_197, %dma_wait3A_198] : memref<32x84x2x128xi32, #tpu.memory_space<hbm>> -> memref<1x1x2x128xi32, #tpu.memory_space<hbm>>
      %dma_wait3A_200 = tpu.memref_squeeze %dma_wait3A_199 : memref<1x1x2x128xi32, #tpu.memory_space<hbm>> -> memref<2x128xi32, #tpu.memory_space<hbm>>
      %dma_wait3A_201 = arith.constant 0 : i32
      %dma_wait3A_202 = arith.constant 0 : i32
      %dma_wait3A_203 = tpu.memref_slice %arg5[%run_scoped3A_24, %dma_wait3A_201, %dma_wait3A_202] : memref<4x2x128xi32, #tpu.memory_space<vmem>> -> memref<1x2x128xi32, #tpu.memory_space<vmem>>
      %dma_wait3A_204 = tpu.memref_squeeze %dma_wait3A_203 : memref<1x2x128xi32, #tpu.memory_space<vmem>> -> memref<2x128xi32, #tpu.memory_space<vmem>>
      %dma_wait3A_205 = arith.constant 0 : i32
      %dma_wait3A_206 = arith.constant 0 : i32
      %dma_wait3A_207 = tpu.memref_slice %arg3[%add3A, %run_scoped3A_23, %dma_wait3A_205, %dma_wait3A_206] : memref<32x84x2x128xi32, #tpu.memory_space<hbm>> -> memref<1x1x2x128xi32, #tpu.memory_space<hbm>>
      %dma_wait3A_208 = tpu.memref_squeeze %dma_wait3A_207 : memref<1x1x2x128xi32, #tpu.memory_space<hbm>> -> memref<2x128xi32, #tpu.memory_space<hbm>>
      tpu.wait_dma2 semaphore(%run_scoped3A_176 : memref<!tpu.dma_semaphore, #tpu.memory_space<semaphore_mem>>) src(%dma_wait3A_208 : memref<2x128xi32, #tpu.memory_space<hbm>>) dst(%dma_wait3A_204 : memref<2x128xi32, #tpu.memory_space<vmem>>)
      tpu.yield
    }) : () -> ()
    %run_scoped3A_25 = arith.constant 1 : i32
    %run_scoped3A_26 = arith.constant 1 : i32
    "tpu.region"() ({
      %run_scoped3A_176 = tpu.sem_alloc : memref<!tpu.dma_semaphore, #tpu.memory_space<semaphore_mem>>
      %dma_start3A_177 = arith.constant 0 : i32
      %dma_start3A_178 = arith.constant 0 : i32
      %dma_start3A_179 = tpu.memref_slice %arg5[%run_scoped3A_26, %dma_start3A_177, %dma_start3A_178] : memref<4x2x128xi32, #tpu.memory_space<vmem>> -> memref<1x2x128xi32, #tpu.memory_space<vmem>>
      %dma_start3A_180 = tpu.memref_squeeze %dma_start3A_179 : memref<1x2x128xi32, #tpu.memory_space<vmem>> -> memref<2x128xi32, #tpu.memory_space<vmem>>
      %dma_start3A_181 = arith.constant 0 : i32
      %dma_start3A_182 = arith.constant 0 : i32
      %dma_start3A_183 = tpu.memref_slice %arg3[%add3A, %run_scoped3A_25, %dma_start3A_181, %dma_start3A_182] : memref<32x84x2x128xi32, #tpu.memory_space<hbm>> -> memref<1x1x2x128xi32, #tpu.memory_space<hbm>>
      %dma_start3A_184 = tpu.memref_squeeze %dma_start3A_183 : memref<1x1x2x128xi32, #tpu.memory_space<hbm>> -> memref<2x128xi32, #tpu.memory_space<hbm>>
      %dma_start3A_185 = arith.constant 0 : i32
      %dma_start3A_186 = arith.constant 0 : i32
      %dma_start3A_187 = tpu.memref_slice %arg5[%run_scoped3A_26, %dma_start3A_185, %dma_start3A_186] : memref<4x2x128xi32, #tpu.memory_space<vmem>> -> memref<1x2x128xi32, #tpu.memory_space<vmem>>
      %dma_start3A_188 = tpu.memref_squeeze %dma_start3A_187 : memref<1x2x128xi32, #tpu.memory_space<vmem>> -> memref<2x128xi32, #tpu.memory_space<vmem>>
      %dma_start3A_189 = arith.constant 0 : i32
      %dma_start3A_190 = arith.constant 0 : i32
      %dma_start3A_191 = tpu.memref_slice %arg3[%add3A, %run_scoped3A_25, %dma_start3A_189, %dma_start3A_190] : memref<32x84x2x128xi32, #tpu.memory_space<hbm>> -> memref<1x1x2x128xi32, #tpu.memory_space<hbm>>
      %dma_start3A_192 = tpu.memref_squeeze %dma_start3A_191 : memref<1x1x2x128xi32, #tpu.memory_space<hbm>> -> memref<2x128xi32, #tpu.memory_space<hbm>>
      tpu.enqueue_dma source(%dma_start3A_192 : memref<2x128xi32, #tpu.memory_space<hbm>>) target(%dma_start3A_188 : memref<2x128xi32, #tpu.memory_space<vmem>>) target_semaphore(%run_scoped3A_176 : memref<!tpu.dma_semaphore, #tpu.memory_space<semaphore_mem>>)
      %dma_wait3A_193 = arith.constant 0 : i32
      %dma_wait3A_194 = arith.constant 0 : i32
      %dma_wait3A_195 = tpu.memref_slice %arg5[%run_scoped3A_26, %dma_wait3A_193, %dma_wait3A_194] : memref<4x2x128xi32, #tpu.memory_space<vmem>> -> memref<1x2x128xi32, #tpu.memory_space<vmem>>
      %dma_wait3A_196 = tpu.memref_squeeze %dma_wait3A_195 : memref<1x2x128xi32, #tpu.memory_space<vmem>> -> memref<2x128xi32, #tpu.memory_space<vmem>>
      %dma_wait3A_197 = arith.constant 0 : i32
      %dma_wait3A_198 = arith.constant 0 : i32
      %dma_wait3A_199 = tpu.memref_slice %arg3[%add3A, %run_scoped3A_25, %dma_wait3A_197, %dma_wait3A_198] : memref<32x84x2x128xi32, #tpu.memory_space<hbm>> -> memref<1x1x2x128xi32, #tpu.memory_space<hbm>>
      %dma_wait3A_200 = tpu.memref_squeeze %dma_wait3A_199 : memref<1x1x2x128xi32, #tpu.memory_space<hbm>> -> memref<2x128xi32, #tpu.memory_space<hbm>>
      %dma_wait3A_201 = arith.constant 0 : i32
      %dma_wait3A_202 = arith.constant 0 : i32
      %dma_wait3A_203 = tpu.memref_slice %arg5[%run_scoped3A_26, %dma_wait3A_201, %dma_wait3A_202] : memref<4x2x128xi32, #tpu.memory_space<vmem>> -> memref<1x2x128xi32, #tpu.memory_space<vmem>>
      %dma_wait3A_204 = tpu.memref_squeeze %dma_wait3A_203 : memref<1x2x128xi32, #tpu.memory_space<vmem>> -> memref<2x128xi32, #tpu.memory_space<vmem>>
      %dma_wait3A_205 = arith.constant 0 : i32
      %dma_wait3A_206 = arith.constant 0 : i32
      %dma_wait3A_207 = tpu.memref_slice %arg3[%add3A, %run_scoped3A_25, %dma_wait3A_205, %dma_wait3A_206] : memref<32x84x2x128xi32, #tpu.memory_space<hbm>> -> memref<1x1x2x128xi32, #tpu.memory_space<hbm>>
      %dma_wait3A_208 = tpu.memref_squeeze %dma_wait3A_207 : memref<1x1x2x128xi32, #tpu.memory_space<hbm>> -> memref<2x128xi32, #tpu.memory_space<hbm>>
      tpu.wait_dma2 semaphore(%run_scoped3A_176 : memref<!tpu.dma_semaphore, #tpu.memory_space<semaphore_mem>>) src(%dma_wait3A_208 : memref<2x128xi32, #tpu.memory_space<hbm>>) dst(%dma_wait3A_204 : memref<2x128xi32, #tpu.memory_space<vmem>>)
      tpu.yield
    }) : () -> ()
    %dma_start3A = arith.constant 2 : i32
    %dma_start3A_27 = arith.constant 2 : i32
    %dma_start3A_28 = arith.constant 0 : i32
    %dma_start3A_29 = arith.constant 0 : i32
    %dma_start3A_30 = tpu.memref_slice %arg5[%dma_start3A_27, %dma_start3A_28, %dma_start3A_29] : memref<4x2x128xi32, #tpu.memory_space<vmem>> -> memref<1x2x128xi32, #tpu.memory_space<vmem>>
    %dma_start3A_31 = tpu.memref_squeeze %dma_start3A_30 : memref<1x2x128xi32, #tpu.memory_space<vmem>> -> memref<2x128xi32, #tpu.memory_space<vmem>>
    %dma_start3A_32 = arith.constant 0 : i32
    %dma_start3A_33 = arith.constant 0 : i32
    %dma_start3A_34 = tpu.memref_slice %arg3[%add3A, %dma_start3A, %dma_start3A_32, %dma_start3A_33] : memref<32x84x2x128xi32, #tpu.memory_space<hbm>> -> memref<1x1x2x128xi32, #tpu.memory_space<hbm>>
    %dma_start3A_35 = tpu.memref_squeeze %dma_start3A_34 : memref<1x1x2x128xi32, #tpu.memory_space<hbm>> -> memref<2x128xi32, #tpu.memory_space<hbm>>
    %dma_start3A_36 = arith.constant 0 : i32
    %dma_start3A_37 = arith.constant 0 : i32
    %dma_start3A_38 = tpu.memref_slice %arg5[%dma_start3A_27, %dma_start3A_36, %dma_start3A_37] : memref<4x2x128xi32, #tpu.memory_space<vmem>> -> memref<1x2x128xi32, #tpu.memory_space<vmem>>
    %dma_start3A_39 = tpu.memref_squeeze %dma_start3A_38 : memref<1x2x128xi32, #tpu.memory_space<vmem>> -> memref<2x128xi32, #tpu.memory_space<vmem>>
    %dma_start3A_40 = arith.constant 0 : i32
    %dma_start3A_41 = arith.constant 0 : i32
    %dma_start3A_42 = tpu.memref_slice %arg3[%add3A, %dma_start3A, %dma_start3A_40, %dma_start3A_41] : memref<32x84x2x128xi32, #tpu.memory_space<hbm>> -> memref<1x1x2x128xi32, #tpu.memory_space<hbm>>
    %dma_start3A_43 = tpu.memref_squeeze %dma_start3A_42 : memref<1x1x2x128xi32, #tpu.memory_space<hbm>> -> memref<2x128xi32, #tpu.memory_space<hbm>>
    tpu.enqueue_dma source(%dma_start3A_43 : memref<2x128xi32, #tpu.memory_space<hbm>>) target(%dma_start3A_39 : memref<2x128xi32, #tpu.memory_space<vmem>>) target_semaphore(%arg10 : memref<!tpu.dma_semaphore, #tpu.memory_space<semaphore_mem>>)
    %dma_start3A_44 = arith.constant 3 : i32
    %dma_start3A_45 = arith.constant 3 : i32
    %dma_start3A_46 = arith.constant 0 : i32
    %dma_start3A_47 = arith.constant 0 : i32
    %dma_start3A_48 = tpu.memref_slice %arg5[%dma_start3A_45, %dma_start3A_46, %dma_start3A_47] : memref<4x2x128xi32, #tpu.memory_space<vmem>> -> memref<1x2x128xi32, #tpu.memory_space<vmem>>
    %dma_start3A_49 = tpu.memref_squeeze %dma_start3A_48 : memref<1x2x128xi32, #tpu.memory_space<vmem>> -> memref<2x128xi32, #tpu.memory_space<vmem>>
    %dma_start3A_50 = arith.constant 0 : i32
    %dma_start3A_51 = arith.constant 0 : i32
    %dma_start3A_52 = tpu.memref_slice %arg3[%add3A, %dma_start3A_44, %dma_start3A_50, %dma_start3A_51] : memref<32x84x2x128xi32, #tpu.memory_space<hbm>> -> memref<1x1x2x128xi32, #tpu.memory_space<hbm>>
    %dma_start3A_53 = tpu.memref_squeeze %dma_start3A_52 : memref<1x1x2x128xi32, #tpu.memory_space<hbm>> -> memref<2x128xi32, #tpu.memory_space<hbm>>
    %dma_start3A_54 = arith.constant 0 : i32
    %dma_start3A_55 = arith.constant 0 : i32
    %dma_start3A_56 = tpu.memref_slice %arg5[%dma_start3A_45, %dma_start3A_54, %dma_start3A_55] : memref<4x2x128xi32, #tpu.memory_space<vmem>> -> memref<1x2x128xi32, #tpu.memory_space<vmem>>
    %dma_start3A_57 = tpu.memref_squeeze %dma_start3A_56 : memref<1x2x128xi32, #tpu.memory_space<vmem>> -> memref<2x128xi32, #tpu.memory_space<vmem>>
    %dma_start3A_58 = arith.constant 0 : i32
    %dma_start3A_59 = arith.constant 0 : i32
    %dma_start3A_60 = tpu.memref_slice %arg3[%add3A, %dma_start3A_44, %dma_start3A_58, %dma_start3A_59] : memref<32x84x2x128xi32, #tpu.memory_space<hbm>> -> memref<1x1x2x128xi32, #tpu.memory_space<hbm>>
    %dma_start3A_61 = tpu.memref_squeeze %dma_start3A_60 : memref<1x1x2x128xi32, #tpu.memory_space<hbm>> -> memref<2x128xi32, #tpu.memory_space<hbm>>
    tpu.enqueue_dma source(%dma_start3A_61 : memref<2x128xi32, #tpu.memory_space<hbm>>) target(%dma_start3A_57 : memref<2x128xi32, #tpu.memory_space<vmem>>) target_semaphore(%arg11 : memref<!tpu.dma_semaphore, #tpu.memory_space<semaphore_mem>>)
    %dma_start3A_62 = arith.constant 0 : i32
    %dma_start3A_63 = arith.constant 0 : i32
    %dma_start3A_64 = arith.constant 0 : i32
    %dma_start3A_65 = arith.constant 0 : i32
    %dma_start3A_66 = arith.constant 0 : i32
    %dma_start3A_67 = tpu.memref_slice %arg6[%dma_start3A_64, %dma_start3A_65, %dma_start3A_66] : memref<2x128x128xf32, #tpu.memory_space<vmem>> -> memref<1x128x128xf32, #tpu.memory_space<vmem>>
    %dma_start3A_68 = tpu.memref_squeeze %dma_start3A_67 : memref<1x128x128xf32, #tpu.memory_space<vmem>> -> memref<128x128xf32, #tpu.memory_space<vmem>>
    %dma_start3A_69 = arith.constant 0 : i32
    %dma_start3A_70 = tpu.memref_slice %arg5[%dma_start3A_62, %dma_start3A_63, %dma_start3A_69] : memref<4x2x128xi32, #tpu.memory_space<vmem>> -> memref<1x1x128xi32, #tpu.memory_space<vmem>>
    %dma_start3A_71 = tpu.memref_squeeze %dma_start3A_70 : memref<1x1x128xi32, #tpu.memory_space<vmem>> -> memref<128xi32, #tpu.memory_space<vmem>>
    %dma_start3A_72 = arith.constant 0 : i32
    %dma_start3A_73 = arith.constant 0 : i32
    %dma_start3A_74 = tpu.memref_slice %arg2[%dma_start3A_72, %dma_start3A_73] : memref<10240x128xf32, #tpu.memory_space<hbm>> -> memref<10240x128xf32, #tpu.memory_space<hbm>>
    tpu.enqueue_indirect_dma source(%dma_start3A_74 : memref<10240x128xf32, #tpu.memory_space<hbm>>) target(%dma_start3A_68 : memref<128x128xf32, #tpu.memory_space<vmem>>) offsets(%dma_start3A_71 : memref<128xi32, #tpu.memory_space<vmem>>) semaphore(%arg8 : memref<!tpu.dma_semaphore, #tpu.memory_space<semaphore_mem>>)
    %dma_start3A_75 = arith.constant 1 : i32
    %dma_start3A_76 = arith.constant 0 : i32
    %dma_start3A_77 = arith.constant 1 : i32
    %dma_start3A_78 = arith.constant 0 : i32
    %dma_start3A_79 = arith.constant 0 : i32
    %dma_start3A_80 = tpu.memref_slice %arg6[%dma_start3A_77, %dma_start3A_78, %dma_start3A_79] : memref<2x128x128xf32, #tpu.memory_space<vmem>> -> memref<1x128x128xf32, #tpu.memory_space<vmem>>
    %dma_start3A_81 = tpu.memref_squeeze %dma_start3A_80 : memref<1x128x128xf32, #tpu.memory_space<vmem>> -> memref<128x128xf32, #tpu.memory_space<vmem>>
    %dma_start3A_82 = arith.constant 0 : i32
    %dma_start3A_83 = tpu.memref_slice %arg5[%dma_start3A_75, %dma_start3A_76, %dma_start3A_82] : memref<4x2x128xi32, #tpu.memory_space<vmem>> -> memref<1x1x128xi32, #tpu.memory_space<vmem>>
    %dma_start3A_84 = tpu.memref_squeeze %dma_start3A_83 : memref<1x1x128xi32, #tpu.memory_space<vmem>> -> memref<128xi32, #tpu.memory_space<vmem>>
    %dma_start3A_85 = arith.constant 0 : i32
    %dma_start3A_86 = arith.constant 0 : i32
    %dma_start3A_87 = tpu.memref_slice %arg2[%dma_start3A_85, %dma_start3A_86] : memref<10240x128xf32, #tpu.memory_space<hbm>> -> memref<10240x128xf32, #tpu.memory_space<hbm>>
    tpu.enqueue_indirect_dma source(%dma_start3A_87 : memref<10240x128xf32, #tpu.memory_space<hbm>>) target(%dma_start3A_81 : memref<128x128xf32, #tpu.memory_space<vmem>>) offsets(%dma_start3A_84 : memref<128xi32, #tpu.memory_space<vmem>>) semaphore(%arg9 : memref<!tpu.dma_semaphore, #tpu.memory_space<semaphore_mem>>)
    %scan3A_88 = arith.constant 0 : i32
    %scan3A_89 = arith.constant 0 : i32
    %scan3A_90 = arith.constant 40 : i32
    %scan3A_91 = arith.addi %scan3A_89, %scan3A_90 : i32
    %scan3A_92 = arith.constant 1 : i32
    scf.for %scan3A_176 = %scan3A_89 to %scan3A_91 step %scan3A_92  : i32 {
      %mul3A_177 = arith.constant 2 : i32
      %mul3A_178 = arith.muli %scan3A_176, %mul3A_177 : i32
      %add3A_179 = arith.constant 0 : i32
      %add3A_180 = arith.addi %mul3A_178, %add3A_179 : i32
      %rem3A = arith.constant 4 : i32
      %rem3A_181 = arith.remsi %add3A_180, %rem3A : i32
      %add3A_182 = arith.constant 2 : i32
      %add3A_183 = arith.addi %add3A_180, %add3A_182 : i32
      %rem3A_184 = arith.constant 4 : i32
      %rem3A_185 = arith.remsi %add3A_183, %rem3A_184 : i32
      %dma_wait3A_186 = arith.constant 0 : i32
      %dma_wait3A_187 = arith.constant 0 : i32
      %dma_wait3A_188 = arith.constant 0 : i32
      %dma_wait3A_189 = arith.constant 0 : i32
      %dma_wait3A_190 = tpu.memref_slice %arg6[%dma_wait3A_187, %dma_wait3A_188, %dma_wait3A_189] : memref<2x128x128xf32, #tpu.memory_space<vmem>> -> memref<1x128x128xf32, #tpu.memory_space<vmem>>
      %dma_wait3A_191 = tpu.memref_squeeze %dma_wait3A_190 : memref<1x128x128xf32, #tpu.memory_space<vmem>> -> memref<128x128xf32, #tpu.memory_space<vmem>>
      %dma_wait3A_192 = arith.constant 0 : i32
      %dma_wait3A_193 = tpu.memref_slice %arg5[%rem3A_181, %dma_wait3A_186, %dma_wait3A_192] : memref<4x2x128xi32, #tpu.memory_space<vmem>> -> memref<1x1x128xi32, #tpu.memory_space<vmem>>
      %dma_wait3A_194 = tpu.memref_squeeze %dma_wait3A_193 : memref<1x1x128xi32, #tpu.memory_space<vmem>> -> memref<128xi32, #tpu.memory_space<vmem>>
      %dma_wait3A_195 = arith.constant 0 : i32
      %dma_wait3A_196 = arith.constant 0 : i32
      %dma_wait3A_197 = tpu.memref_slice %arg2[%dma_wait3A_195, %dma_wait3A_196] : memref<10240x128xf32, #tpu.memory_space<hbm>> -> memref<10240x128xf32, #tpu.memory_space<hbm>>
      tpu.wait_indirect_dma semaphore(%arg8 : memref<!tpu.dma_semaphore, #tpu.memory_space<semaphore_mem>>) src(%dma_wait3A_197 : memref<10240x128xf32, #tpu.memory_space<hbm>>) dst(%dma_wait3A_191 : memref<128x128xf32, #tpu.memory_space<vmem>>)
      %dma_start3A_198 = arith.constant 0 : i32
      %dma_start3A_199 = arith.constant 1 : i32
      %dma_start3A_200 = arith.constant 0 : i32
      %dma_start3A_201 = arith.constant 0 : i32
      %dma_start3A_202 = tpu.memref_slice %arg6[%dma_start3A_198, %dma_start3A_200, %dma_start3A_201] : memref<2x128x128xf32, #tpu.memory_space<vmem>> -> memref<1x128x128xf32, #tpu.memory_space<vmem>>
      %dma_start3A_203 = tpu.memref_squeeze %dma_start3A_202 : memref<1x128x128xf32, #tpu.memory_space<vmem>> -> memref<128x128xf32, #tpu.memory_space<vmem>>
      %dma_start3A_204 = arith.constant 0 : i32
      %dma_start3A_205 = tpu.memref_slice %arg5[%rem3A_181, %dma_start3A_199, %dma_start3A_204] : memref<4x2x128xi32, #tpu.memory_space<vmem>> -> memref<1x1x128xi32, #tpu.memory_space<vmem>>
      %dma_start3A_206 = tpu.memref_squeeze %dma_start3A_205 : memref<1x1x128xi32, #tpu.memory_space<vmem>> -> memref<128xi32, #tpu.memory_space<vmem>>
      %dma_start3A_207 = arith.constant 0 : i32
      %dma_start3A_208 = arith.constant 0 : i32
      %dma_start3A_209 = tpu.memref_slice %arg7[%dma_start3A_207, %dma_start3A_208] : memref<10240x128xf32, #tpu.memory_space<vmem_shared>> -> memref<10240x128xf32, #tpu.memory_space<vmem_shared>>
      tpu.enqueue_indirect_dma source(%dma_start3A_203 : memref<128x128xf32, #tpu.memory_space<vmem>>) target(%dma_start3A_209 : memref<10240x128xf32, #tpu.memory_space<vmem_shared>>) offsets(%dma_start3A_206 : memref<128xi32, #tpu.memory_space<vmem>>) semaphore(%arg12 : memref<!tpu.dma_semaphore, #tpu.memory_space<semaphore_mem>>) {add = true}
      %add3A_210 = arith.constant 2 : i32
      %add3A_211 = arith.addi %add3A_180, %add3A_210 : i32
      %dma_wait3A_212 = arith.constant 0 : i32
      %dma_wait3A_213 = arith.constant 0 : i32
      %dma_wait3A_214 = tpu.memref_slice %arg5[%rem3A_185, %dma_wait3A_212, %dma_wait3A_213] : memref<4x2x128xi32, #tpu.memory_space<vmem>> -> memref<1x2x128xi32, #tpu.memory_space<vmem>>
      %dma_wait3A_215 = tpu.memref_squeeze %dma_wait3A_214 : memref<1x2x128xi32, #tpu.memory_space<vmem>> -> memref<2x128xi32, #tpu.memory_space<vmem>>
      %dma_wait3A_216 = arith.constant 0 : i32
      %dma_wait3A_217 = arith.constant 0 : i32
      %dma_wait3A_218 = tpu.memref_slice %arg3[%add3A, %add3A_211, %dma_wait3A_216, %dma_wait3A_217] : memref<32x84x2x128xi32, #tpu.memory_space<hbm>> -> memref<1x1x2x128xi32, #tpu.memory_space<hbm>>
      %dma_wait3A_219 = tpu.memref_squeeze %dma_wait3A_218 : memref<1x1x2x128xi32, #tpu.memory_space<hbm>> -> memref<2x128xi32, #tpu.memory_space<hbm>>
      %dma_wait3A_220 = arith.constant 0 : i32
      %dma_wait3A_221 = arith.constant 0 : i32
      %dma_wait3A_222 = tpu.memref_slice %arg5[%rem3A_185, %dma_wait3A_220, %dma_wait3A_221] : memref<4x2x128xi32, #tpu.memory_space<vmem>> -> memref<1x2x128xi32, #tpu.memory_space<vmem>>
      %dma_wait3A_223 = tpu.memref_squeeze %dma_wait3A_222 : memref<1x2x128xi32, #tpu.memory_space<vmem>> -> memref<2x128xi32, #tpu.memory_space<vmem>>
      %dma_wait3A_224 = arith.constant 0 : i32
      %dma_wait3A_225 = arith.constant 0 : i32
      %dma_wait3A_226 = tpu.memref_slice %arg3[%add3A, %add3A_211, %dma_wait3A_224, %dma_wait3A_225] : memref<32x84x2x128xi32, #tpu.memory_space<hbm>> -> memref<1x1x2x128xi32, #tpu.memory_space<hbm>>
      %dma_wait3A_227 = tpu.memref_squeeze %dma_wait3A_226 : memref<1x1x2x128xi32, #tpu.memory_space<hbm>> -> memref<2x128xi32, #tpu.memory_space<hbm>>
      tpu.wait_dma2 semaphore(%arg10 : memref<!tpu.dma_semaphore, #tpu.memory_space<semaphore_mem>>) src(%dma_wait3A_227 : memref<2x128xi32, #tpu.memory_space<hbm>>) dst(%dma_wait3A_223 : memref<2x128xi32, #tpu.memory_space<vmem>>)
      %dma_wait3A_228 = arith.constant 0 : i32
      %dma_wait3A_229 = arith.constant 1 : i32
      %dma_wait3A_230 = arith.constant 0 : i32
      %dma_wait3A_231 = arith.constant 0 : i32
      %dma_wait3A_232 = tpu.memref_slice %arg6[%dma_wait3A_228, %dma_wait3A_230, %dma_wait3A_231] : memref<2x128x128xf32, #tpu.memory_space<vmem>> -> memref<1x128x128xf32, #tpu.memory_space<vmem>>
      %dma_wait3A_233 = tpu.memref_squeeze %dma_wait3A_232 : memref<1x128x128xf32, #tpu.memory_space<vmem>> -> memref<128x128xf32, #tpu.memory_space<vmem>>
      %dma_wait3A_234 = arith.constant 0 : i32
      %dma_wait3A_235 = tpu.memref_slice %arg5[%rem3A_181, %dma_wait3A_229, %dma_wait3A_234] : memref<4x2x128xi32, #tpu.memory_space<vmem>> -> memref<1x1x128xi32, #tpu.memory_space<vmem>>
      %dma_wait3A_236 = tpu.memref_squeeze %dma_wait3A_235 : memref<1x1x128xi32, #tpu.memory_space<vmem>> -> memref<128xi32, #tpu.memory_space<vmem>>
      %dma_wait3A_237 = arith.constant 0 : i32
      %dma_wait3A_238 = arith.constant 0 : i32
      %dma_wait3A_239 = tpu.memref_slice %arg7[%dma_wait3A_237, %dma_wait3A_238] : memref<10240x128xf32, #tpu.memory_space<vmem_shared>> -> memref<10240x128xf32, #tpu.memory_space<vmem_shared>>
      tpu.wait_indirect_dma semaphore(%arg12 : memref<!tpu.dma_semaphore, #tpu.memory_space<semaphore_mem>>) src(%dma_wait3A_233 : memref<128x128xf32, #tpu.memory_space<vmem>>) dst(%dma_wait3A_239 : memref<10240x128xf32, #tpu.memory_space<vmem_shared>>)
      %add3A_240 = arith.constant 4 : i32
      %add3A_241 = arith.addi %add3A_180, %add3A_240 : i32
      %dma_start3A_242 = arith.constant 0 : i32
      %dma_start3A_243 = arith.constant 0 : i32
      %dma_start3A_244 = tpu.memref_slice %arg5[%rem3A_181, %dma_start3A_242, %dma_start3A_243] : memref<4x2x128xi32, #tpu.memory_space<vmem>> -> memref<1x2x128xi32, #tpu.memory_space<vmem>>
      %dma_start3A_245 = tpu.memref_squeeze %dma_start3A_244 : memref<1x2x128xi32, #tpu.memory_space<vmem>> -> memref<2x128xi32, #tpu.memory_space<vmem>>
      %dma_start3A_246 = arith.constant 0 : i32
      %dma_start3A_247 = arith.constant 0 : i32
      %dma_start3A_248 = tpu.memref_slice %arg3[%add3A, %add3A_241, %dma_start3A_246, %dma_start3A_247] : memref<32x84x2x128xi32, #tpu.memory_space<hbm>> -> memref<1x1x2x128xi32, #tpu.memory_space<hbm>>
      %dma_start3A_249 = tpu.memref_squeeze %dma_start3A_248 : memref<1x1x2x128xi32, #tpu.memory_space<hbm>> -> memref<2x128xi32, #tpu.memory_space<hbm>>
      %dma_start3A_250 = arith.constant 0 : i32
      %dma_start3A_251 = arith.constant 0 : i32
      %dma_start3A_252 = tpu.memref_slice %arg5[%rem3A_181, %dma_start3A_250, %dma_start3A_251] : memref<4x2x128xi32, #tpu.memory_space<vmem>> -> memref<1x2x128xi32, #tpu.memory_space<vmem>>
      %dma_start3A_253 = tpu.memref_squeeze %dma_start3A_252 : memref<1x2x128xi32, #tpu.memory_space<vmem>> -> memref<2x128xi32, #tpu.memory_space<vmem>>
      %dma_start3A_254 = arith.constant 0 : i32
      %dma_start3A_255 = arith.constant 0 : i32
      %dma_start3A_256 = tpu.memref_slice %arg3[%add3A, %add3A_241, %dma_start3A_254, %dma_start3A_255] : memref<32x84x2x128xi32, #tpu.memory_space<hbm>> -> memref<1x1x2x128xi32, #tpu.memory_space<hbm>>
      %dma_start3A_257 = tpu.memref_squeeze %dma_start3A_256 : memref<1x1x2x128xi32, #tpu.memory_space<hbm>> -> memref<2x128xi32, #tpu.memory_space<hbm>>
      tpu.enqueue_dma source(%dma_start3A_257 : memref<2x128xi32, #tpu.memory_space<hbm>>) target(%dma_start3A_253 : memref<2x128xi32, #tpu.memory_space<vmem>>) target_semaphore(%arg10 : memref<!tpu.dma_semaphore, #tpu.memory_space<semaphore_mem>>)
      %dma_start3A_258 = arith.constant 0 : i32
      %dma_start3A_259 = arith.constant 0 : i32
      %dma_start3A_260 = arith.constant 0 : i32
      %dma_start3A_261 = arith.constant 0 : i32
      %dma_start3A_262 = tpu.memref_slice %arg6[%dma_start3A_259, %dma_start3A_260, %dma_start3A_261] : memref<2x128x128xf32, #tpu.memory_space<vmem>> -> memref<1x128x128xf32, #tpu.memory_space<vmem>>
      %dma_start3A_263 = tpu.memref_squeeze %dma_start3A_262 : memref<1x128x128xf32, #tpu.memory_space<vmem>> -> memref<128x128xf32, #tpu.memory_space<vmem>>
      %dma_start3A_264 = arith.constant 0 : i32
      %dma_start3A_265 = tpu.memref_slice %arg5[%rem3A_185, %dma_start3A_258, %dma_start3A_264] : memref<4x2x128xi32, #tpu.memory_space<vmem>> -> memref<1x1x128xi32, #tpu.memory_space<vmem>>
      %dma_start3A_266 = tpu.memref_squeeze %dma_start3A_265 : memref<1x1x128xi32, #tpu.memory_space<vmem>> -> memref<128xi32, #tpu.memory_space<vmem>>
      %dma_start3A_267 = arith.constant 0 : i32
      %dma_start3A_268 = arith.constant 0 : i32
      %dma_start3A_269 = tpu.memref_slice %arg2[%dma_start3A_267, %dma_start3A_268] : memref<10240x128xf32, #tpu.memory_space<hbm>> -> memref<10240x128xf32, #tpu.memory_space<hbm>>
      tpu.enqueue_indirect_dma source(%dma_start3A_269 : memref<10240x128xf32, #tpu.memory_space<hbm>>) target(%dma_start3A_263 : memref<128x128xf32, #tpu.memory_space<vmem>>) offsets(%dma_start3A_266 : memref<128xi32, #tpu.memory_space<vmem>>) semaphore(%arg8 : memref<!tpu.dma_semaphore, #tpu.memory_space<semaphore_mem>>)
      %mul3A_270 = arith.constant 2 : i32
      %mul3A_271 = arith.muli %scan3A_176, %mul3A_270 : i32
      %add3A_272 = arith.constant 1 : i32
      %add3A_273 = arith.addi %mul3A_271, %add3A_272 : i32
      %rem3A_274 = arith.constant 4 : i32
      %rem3A_275 = arith.remsi %add3A_273, %rem3A_274 : i32
      %add3A_276 = arith.constant 2 : i32
      %add3A_277 = arith.addi %add3A_273, %add3A_276 : i32
      %rem3A_278 = arith.constant 4 : i32
      %rem3A_279 = arith.remsi %add3A_277, %rem3A_278 : i32
      %dma_wait3A_280 = arith.constant 0 : i32
      %dma_wait3A_281 = arith.constant 1 : i32
      %dma_wait3A_282 = arith.constant 0 : i32
      %dma_wait3A_283 = arith.constant 0 : i32
      %dma_wait3A_284 = tpu.memref_slice %arg6[%dma_wait3A_281, %dma_wait3A_282, %dma_wait3A_283] : memref<2x128x128xf32, #tpu.memory_space<vmem>> -> memref<1x128x128xf32, #tpu.memory_space<vmem>>
      %dma_wait3A_285 = tpu.memref_squeeze %dma_wait3A_284 : memref<1x128x128xf32, #tpu.memory_space<vmem>> -> memref<128x128xf32, #tpu.memory_space<vmem>>
      %dma_wait3A_286 = arith.constant 0 : i32
      %dma_wait3A_287 = tpu.memref_slice %arg5[%rem3A_275, %dma_wait3A_280, %dma_wait3A_286] : memref<4x2x128xi32, #tpu.memory_space<vmem>> -> memref<1x1x128xi32, #tpu.memory_space<vmem>>
      %dma_wait3A_288 = tpu.memref_squeeze %dma_wait3A_287 : memref<1x1x128xi32, #tpu.memory_space<vmem>> -> memref<128xi32, #tpu.memory_space<vmem>>
      %dma_wait3A_289 = arith.constant 0 : i32
      %dma_wait3A_290 = arith.constant 0 : i32
      %dma_wait3A_291 = tpu.memref_slice %arg2[%dma_wait3A_289, %dma_wait3A_290] : memref<10240x128xf32, #tpu.memory_space<hbm>> -> memref<10240x128xf32, #tpu.memory_space<hbm>>
      tpu.wait_indirect_dma semaphore(%arg9 : memref<!tpu.dma_semaphore, #tpu.memory_space<semaphore_mem>>) src(%dma_wait3A_291 : memref<10240x128xf32, #tpu.memory_space<hbm>>) dst(%dma_wait3A_285 : memref<128x128xf32, #tpu.memory_space<vmem>>)
      %dma_start3A_292 = arith.constant 1 : i32
      %dma_start3A_293 = arith.constant 1 : i32
      %dma_start3A_294 = arith.constant 0 : i32
      %dma_start3A_295 = arith.constant 0 : i32
      %dma_start3A_296 = tpu.memref_slice %arg6[%dma_start3A_292, %dma_start3A_294, %dma_start3A_295] : memref<2x128x128xf32, #tpu.memory_space<vmem>> -> memref<1x128x128xf32, #tpu.memory_space<vmem>>
      %dma_start3A_297 = tpu.memref_squeeze %dma_start3A_296 : memref<1x128x128xf32, #tpu.memory_space<vmem>> -> memref<128x128xf32, #tpu.memory_space<vmem>>
      %dma_start3A_298 = arith.constant 0 : i32
      %dma_start3A_299 = tpu.memref_slice %arg5[%rem3A_275, %dma_start3A_293, %dma_start3A_298] : memref<4x2x128xi32, #tpu.memory_space<vmem>> -> memref<1x1x128xi32, #tpu.memory_space<vmem>>
      %dma_start3A_300 = tpu.memref_squeeze %dma_start3A_299 : memref<1x1x128xi32, #tpu.memory_space<vmem>> -> memref<128xi32, #tpu.memory_space<vmem>>
      %dma_start3A_301 = arith.constant 0 : i32
      %dma_start3A_302 = arith.constant 0 : i32
      %dma_start3A_303 = tpu.memref_slice %arg7[%dma_start3A_301, %dma_start3A_302] : memref<10240x128xf32, #tpu.memory_space<vmem_shared>> -> memref<10240x128xf32, #tpu.memory_space<vmem_shared>>
      tpu.enqueue_indirect_dma source(%dma_start3A_297 : memref<128x128xf32, #tpu.memory_space<vmem>>) target(%dma_start3A_303 : memref<10240x128xf32, #tpu.memory_space<vmem_shared>>) offsets(%dma_start3A_300 : memref<128xi32, #tpu.memory_space<vmem>>) semaphore(%arg13 : memref<!tpu.dma_semaphore, #tpu.memory_space<semaphore_mem>>) {add = true}
      %add3A_304 = arith.constant 2 : i32
      %add3A_305 = arith.addi %add3A_273, %add3A_304 : i32
      %dma_wait3A_306 = arith.constant 0 : i32
      %dma_wait3A_307 = arith.constant 0 : i32
      %dma_wait3A_308 = tpu.memref_slice %arg5[%rem3A_279, %dma_wait3A_306, %dma_wait3A_307] : memref<4x2x128xi32, #tpu.memory_space<vmem>> -> memref<1x2x128xi32, #tpu.memory_space<vmem>>
      %dma_wait3A_309 = tpu.memref_squeeze %dma_wait3A_308 : memref<1x2x128xi32, #tpu.memory_space<vmem>> -> memref<2x128xi32, #tpu.memory_space<vmem>>
      %dma_wait3A_310 = arith.constant 0 : i32
      %dma_wait3A_311 = arith.constant 0 : i32
      %dma_wait3A_312 = tpu.memref_slice %arg3[%add3A, %add3A_305, %dma_wait3A_310, %dma_wait3A_311] : memref<32x84x2x128xi32, #tpu.memory_space<hbm>> -> memref<1x1x2x128xi32, #tpu.memory_space<hbm>>
      %dma_wait3A_313 = tpu.memref_squeeze %dma_wait3A_312 : memref<1x1x2x128xi32, #tpu.memory_space<hbm>> -> memref<2x128xi32, #tpu.memory_space<hbm>>
      %dma_wait3A_314 = arith.constant 0 : i32
      %dma_wait3A_315 = arith.constant 0 : i32
      %dma_wait3A_316 = tpu.memref_slice %arg5[%rem3A_279, %dma_wait3A_314, %dma_wait3A_315] : memref<4x2x128xi32, #tpu.memory_space<vmem>> -> memref<1x2x128xi32, #tpu.memory_space<vmem>>
      %dma_wait3A_317 = tpu.memref_squeeze %dma_wait3A_316 : memref<1x2x128xi32, #tpu.memory_space<vmem>> -> memref<2x128xi32, #tpu.memory_space<vmem>>
      %dma_wait3A_318 = arith.constant 0 : i32
      %dma_wait3A_319 = arith.constant 0 : i32
      %dma_wait3A_320 = tpu.memref_slice %arg3[%add3A, %add3A_305, %dma_wait3A_318, %dma_wait3A_319] : memref<32x84x2x128xi32, #tpu.memory_space<hbm>> -> memref<1x1x2x128xi32, #tpu.memory_space<hbm>>
      %dma_wait3A_321 = tpu.memref_squeeze %dma_wait3A_320 : memref<1x1x2x128xi32, #tpu.memory_space<hbm>> -> memref<2x128xi32, #tpu.memory_space<hbm>>
      tpu.wait_dma2 semaphore(%arg11 : memref<!tpu.dma_semaphore, #tpu.memory_space<semaphore_mem>>) src(%dma_wait3A_321 : memref<2x128xi32, #tpu.memory_space<hbm>>) dst(%dma_wait3A_317 : memref<2x128xi32, #tpu.memory_space<vmem>>)
      %dma_wait3A_322 = arith.constant 1 : i32
      %dma_wait3A_323 = arith.constant 1 : i32
      %dma_wait3A_324 = arith.constant 0 : i32
      %dma_wait3A_325 = arith.constant 0 : i32
      %dma_wait3A_326 = tpu.memref_slice %arg6[%dma_wait3A_322, %dma_wait3A_324, %dma_wait3A_325] : memref<2x128x128xf32, #tpu.memory_space<vmem>> -> memref<1x128x128xf32, #tpu.memory_space<vmem>>
      %dma_wait3A_327 = tpu.memref_squeeze %dma_wait3A_326 : memref<1x128x128xf32, #tpu.memory_space<vmem>> -> memref<128x128xf32, #tpu.memory_space<vmem>>
      %dma_wait3A_328 = arith.constant 0 : i32
      %dma_wait3A_329 = tpu.memref_slice %arg5[%rem3A_275, %dma_wait3A_323, %dma_wait3A_328] : memref<4x2x128xi32, #tpu.memory_space<vmem>> -> memref<1x1x128xi32, #tpu.memory_space<vmem>>
      %dma_wait3A_330 = tpu.memref_squeeze %dma_wait3A_329 : memref<1x1x128xi32, #tpu.memory_space<vmem>> -> memref<128xi32, #tpu.memory_space<vmem>>
      %dma_wait3A_331 = arith.constant 0 : i32
      %dma_wait3A_332 = arith.constant 0 : i32
      %dma_wait3A_333 = tpu.memref_slice %arg7[%dma_wait3A_331, %dma_wait3A_332] : memref<10240x128xf32, #tpu.memory_space<vmem_shared>> -> memref<10240x128xf32, #tpu.memory_space<vmem_shared>>
      tpu.wait_indirect_dma semaphore(%arg13 : memref<!tpu.dma_semaphore, #tpu.memory_space<semaphore_mem>>) src(%dma_wait3A_327 : memref<128x128xf32, #tpu.memory_space<vmem>>) dst(%dma_wait3A_333 : memref<10240x128xf32, #tpu.memory_space<vmem_shared>>)
      %add3A_334 = arith.constant 4 : i32
      %add3A_335 = arith.addi %add3A_273, %add3A_334 : i32
      %dma_start3A_336 = arith.constant 0 : i32
      %dma_start3A_337 = arith.constant 0 : i32
      %dma_start3A_338 = tpu.memref_slice %arg5[%rem3A_275, %dma_start3A_336, %dma_start3A_337] : memref<4x2x128xi32, #tpu.memory_space<vmem>> -> memref<1x2x128xi32, #tpu.memory_space<vmem>>
      %dma_start3A_339 = tpu.memref_squeeze %dma_start3A_338 : memref<1x2x128xi32, #tpu.memory_space<vmem>> -> memref<2x128xi32, #tpu.memory_space<vmem>>
      %dma_start3A_340 = arith.constant 0 : i32
      %dma_start3A_341 = arith.constant 0 : i32
      %dma_start3A_342 = tpu.memref_slice %arg3[%add3A, %add3A_335, %dma_start3A_340, %dma_start3A_341] : memref<32x84x2x128xi32, #tpu.memory_space<hbm>> -> memref<1x1x2x128xi32, #tpu.memory_space<hbm>>
      %dma_start3A_343 = tpu.memref_squeeze %dma_start3A_342 : memref<1x1x2x128xi32, #tpu.memory_space<hbm>> -> memref<2x128xi32, #tpu.memory_space<hbm>>
      %dma_start3A_344 = arith.constant 0 : i32
      %dma_start3A_345 = arith.constant 0 : i32
      %dma_start3A_346 = tpu.memref_slice %arg5[%rem3A_275, %dma_start3A_344, %dma_start3A_345] : memref<4x2x128xi32, #tpu.memory_space<vmem>> -> memref<1x2x128xi32, #tpu.memory_space<vmem>>
      %dma_start3A_347 = tpu.memref_squeeze %dma_start3A_346 : memref<1x2x128xi32, #tpu.memory_space<vmem>> -> memref<2x128xi32, #tpu.memory_space<vmem>>
      %dma_start3A_348 = arith.constant 0 : i32
      %dma_start3A_349 = arith.constant 0 : i32
      %dma_start3A_350 = tpu.memref_slice %arg3[%add3A, %add3A_335, %dma_start3A_348, %dma_start3A_349] : memref<32x84x2x128xi32, #tpu.memory_space<hbm>> -> memref<1x1x2x128xi32, #tpu.memory_space<hbm>>
      %dma_start3A_351 = tpu.memref_squeeze %dma_start3A_350 : memref<1x1x2x128xi32, #tpu.memory_space<hbm>> -> memref<2x128xi32, #tpu.memory_space<hbm>>
      tpu.enqueue_dma source(%dma_start3A_351 : memref<2x128xi32, #tpu.memory_space<hbm>>) target(%dma_start3A_347 : memref<2x128xi32, #tpu.memory_space<vmem>>) target_semaphore(%arg11 : memref<!tpu.dma_semaphore, #tpu.memory_space<semaphore_mem>>)
      %dma_start3A_352 = arith.constant 0 : i32
      %dma_start3A_353 = arith.constant 1 : i32
      %dma_start3A_354 = arith.constant 0 : i32
      %dma_start3A_355 = arith.constant 0 : i32
      %dma_start3A_356 = tpu.memref_slice %arg6[%dma_start3A_353, %dma_start3A_354, %dma_start3A_355] : memref<2x128x128xf32, #tpu.memory_space<vmem>> -> memref<1x128x128xf32, #tpu.memory_space<vmem>>
      %dma_start3A_357 = tpu.memref_squeeze %dma_start3A_356 : memref<1x128x128xf32, #tpu.memory_space<vmem>> -> memref<128x128xf32, #tpu.memory_space<vmem>>
      %dma_start3A_358 = arith.constant 0 : i32
      %dma_start3A_359 = tpu.memref_slice %arg5[%rem3A_279, %dma_start3A_352, %dma_start3A_358] : memref<4x2x128xi32, #tpu.memory_space<vmem>> -> memref<1x1x128xi32, #tpu.memory_space<vmem>>
      %dma_start3A_360 = tpu.memref_squeeze %dma_start3A_359 : memref<1x1x128xi32, #tpu.memory_space<vmem>> -> memref<128xi32, #tpu.memory_space<vmem>>
      %dma_start3A_361 = arith.constant 0 : i32
      %dma_start3A_362 = arith.constant 0 : i32
      %dma_start3A_363 = tpu.memref_slice %arg2[%dma_start3A_361, %dma_start3A_362] : memref<10240x128xf32, #tpu.memory_space<hbm>> -> memref<10240x128xf32, #tpu.memory_space<hbm>>
      tpu.enqueue_indirect_dma source(%dma_start3A_363 : memref<10240x128xf32, #tpu.memory_space<hbm>>) target(%dma_start3A_357 : memref<128x128xf32, #tpu.memory_space<vmem>>) offsets(%dma_start3A_360 : memref<128xi32, #tpu.memory_space<vmem>>) semaphore(%arg9 : memref<!tpu.dma_semaphore, #tpu.memory_space<semaphore_mem>>)
    }
    %scan3A_93 = arith.constant 40 : i32
    %dma_wait3A = arith.constant 0 : i32
    %dma_wait3A_94 = arith.constant 0 : i32
    %dma_wait3A_95 = arith.constant 0 : i32
    %dma_wait3A_96 = arith.constant 0 : i32
    %dma_wait3A_97 = arith.constant 0 : i32
    %dma_wait3A_98 = tpu.memref_slice %arg6[%dma_wait3A_95, %dma_wait3A_96, %dma_wait3A_97] : memref<2x128x128xf32, #tpu.memory_space<vmem>> -> memref<1x128x128xf32, #tpu.memory_space<vmem>>
    %dma_wait3A_99 = tpu.memref_squeeze %dma_wait3A_98 : memref<1x128x128xf32, #tpu.memory_space<vmem>> -> memref<128x128xf32, #tpu.memory_space<vmem>>
    %dma_wait3A_100 = arith.constant 0 : i32
    %dma_wait3A_101 = tpu.memref_slice %arg5[%dma_wait3A, %dma_wait3A_94, %dma_wait3A_100] : memref<4x2x128xi32, #tpu.memory_space<vmem>> -> memref<1x1x128xi32, #tpu.memory_space<vmem>>
    %dma_wait3A_102 = tpu.memref_squeeze %dma_wait3A_101 : memref<1x1x128xi32, #tpu.memory_space<vmem>> -> memref<128xi32, #tpu.memory_space<vmem>>
    %dma_wait3A_103 = arith.constant 0 : i32
    %dma_wait3A_104 = arith.constant 0 : i32
    %dma_wait3A_105 = tpu.memref_slice %arg2[%dma_wait3A_103, %dma_wait3A_104] : memref<10240x128xf32, #tpu.memory_space<hbm>> -> memref<10240x128xf32, #tpu.memory_space<hbm>>
    tpu.wait_indirect_dma semaphore(%arg8 : memref<!tpu.dma_semaphore, #tpu.memory_space<semaphore_mem>>) src(%dma_wait3A_105 : memref<10240x128xf32, #tpu.memory_space<hbm>>) dst(%dma_wait3A_99 : memref<128x128xf32, #tpu.memory_space<vmem>>)
    %dma_wait3A_106 = arith.constant 82 : i32
    %dma_wait3A_107 = arith.constant 2 : i32
    %dma_wait3A_108 = arith.constant 0 : i32
    %dma_wait3A_109 = arith.constant 0 : i32
    %dma_wait3A_110 = tpu.memref_slice %arg5[%dma_wait3A_107, %dma_wait3A_108, %dma_wait3A_109] : memref<4x2x128xi32, #tpu.memory_space<vmem>> -> memref<1x2x128xi32, #tpu.memory_space<vmem>>
    %dma_wait3A_111 = tpu.memref_squeeze %dma_wait3A_110 : memref<1x2x128xi32, #tpu.memory_space<vmem>> -> memref<2x128xi32, #tpu.memory_space<vmem>>
    %dma_wait3A_112 = arith.constant 0 : i32
    %dma_wait3A_113 = arith.constant 0 : i32
    %dma_wait3A_114 = tpu.memref_slice %arg3[%add3A, %dma_wait3A_106, %dma_wait3A_112, %dma_wait3A_113] : memref<32x84x2x128xi32, #tpu.memory_space<hbm>> -> memref<1x1x2x128xi32, #tpu.memory_space<hbm>>
    %dma_wait3A_115 = tpu.memref_squeeze %dma_wait3A_114 : memref<1x1x2x128xi32, #tpu.memory_space<hbm>> -> memref<2x128xi32, #tpu.memory_space<hbm>>
    %dma_wait3A_116 = arith.constant 0 : i32
    %dma_wait3A_117 = arith.constant 0 : i32
    %dma_wait3A_118 = tpu.memref_slice %arg5[%dma_wait3A_107, %dma_wait3A_116, %dma_wait3A_117] : memref<4x2x128xi32, #tpu.memory_space<vmem>> -> memref<1x2x128xi32, #tpu.memory_space<vmem>>
    %dma_wait3A_119 = tpu.memref_squeeze %dma_wait3A_118 : memref<1x2x128xi32, #tpu.memory_space<vmem>> -> memref<2x128xi32, #tpu.memory_space<vmem>>
    %dma_wait3A_120 = arith.constant 0 : i32
    %dma_wait3A_121 = arith.constant 0 : i32
    %dma_wait3A_122 = tpu.memref_slice %arg3[%add3A, %dma_wait3A_106, %dma_wait3A_120, %dma_wait3A_121] : memref<32x84x2x128xi32, #tpu.memory_space<hbm>> -> memref<1x1x2x128xi32, #tpu.memory_space<hbm>>
    %dma_wait3A_123 = tpu.memref_squeeze %dma_wait3A_122 : memref<1x1x2x128xi32, #tpu.memory_space<hbm>> -> memref<2x128xi32, #tpu.memory_space<hbm>>
    tpu.wait_dma2 semaphore(%arg10 : memref<!tpu.dma_semaphore, #tpu.memory_space<semaphore_mem>>) src(%dma_wait3A_123 : memref<2x128xi32, #tpu.memory_space<hbm>>) dst(%dma_wait3A_119 : memref<2x128xi32, #tpu.memory_space<vmem>>)
    %dma_wait3A_124 = arith.constant 1 : i32
    %dma_wait3A_125 = arith.constant 0 : i32
    %dma_wait3A_126 = arith.constant 1 : i32
    %dma_wait3A_127 = arith.constant 0 : i32
    %dma_wait3A_128 = arith.constant 0 : i32
    %dma_wait3A_129 = tpu.memref_slice %arg6[%dma_wait3A_126, %dma_wait3A_127, %dma_wait3A_128] : memref<2x128x128xf32, #tpu.memory_space<vmem>> -> memref<1x128x128xf32, #tpu.memory_space<vmem>>
    %dma_wait3A_130 = tpu.memref_squeeze %dma_wait3A_129 : memref<1x128x128xf32, #tpu.memory_space<vmem>> -> memref<128x128xf32, #tpu.memory_space<vmem>>
    %dma_wait3A_131 = arith.constant 0 : i32
    %dma_wait3A_132 = tpu.memref_slice %arg5[%dma_wait3A_124, %dma_wait3A_125, %dma_wait3A_131] : memref<4x2x128xi32, #tpu.memory_space<vmem>> -> memref<1x1x128xi32, #tpu.memory_space<vmem>>
    %dma_wait3A_133 = tpu.memref_squeeze %dma_wait3A_132 : memref<1x1x128xi32, #tpu.memory_space<vmem>> -> memref<128xi32, #tpu.memory_space<vmem>>
    %dma_wait3A_134 = arith.constant 0 : i32
    %dma_wait3A_135 = arith.constant 0 : i32
    %dma_wait3A_136 = tpu.memref_slice %arg2[%dma_wait3A_134, %dma_wait3A_135] : memref<10240x128xf32, #tpu.memory_space<hbm>> -> memref<10240x128xf32, #tpu.memory_space<hbm>>
    tpu.wait_indirect_dma semaphore(%arg9 : memref<!tpu.dma_semaphore, #tpu.memory_space<semaphore_mem>>) src(%dma_wait3A_136 : memref<10240x128xf32, #tpu.memory_space<hbm>>) dst(%dma_wait3A_130 : memref<128x128xf32, #tpu.memory_space<vmem>>)
    %dma_wait3A_137 = arith.constant 83 : i32
    %dma_wait3A_138 = arith.constant 3 : i32
    %dma_wait3A_139 = arith.constant 0 : i32
    %dma_wait3A_140 = arith.constant 0 : i32
    %dma_wait3A_141 = tpu.memref_slice %arg5[%dma_wait3A_138, %dma_wait3A_139, %dma_wait3A_140] : memref<4x2x128xi32, #tpu.memory_space<vmem>> -> memref<1x2x128xi32, #tpu.memory_space<vmem>>
    %dma_wait3A_142 = tpu.memref_squeeze %dma_wait3A_141 : memref<1x2x128xi32, #tpu.memory_space<vmem>> -> memref<2x128xi32, #tpu.memory_space<vmem>>
    %dma_wait3A_143 = arith.constant 0 : i32
    %dma_wait3A_144 = arith.constant 0 : i32
    %dma_wait3A_145 = tpu.memref_slice %arg3[%add3A, %dma_wait3A_137, %dma_wait3A_143, %dma_wait3A_144] : memref<32x84x2x128xi32, #tpu.memory_space<hbm>> -> memref<1x1x2x128xi32, #tpu.memory_space<hbm>>
    %dma_wait3A_146 = tpu.memref_squeeze %dma_wait3A_145 : memref<1x1x2x128xi32, #tpu.memory_space<hbm>> -> memref<2x128xi32, #tpu.memory_space<hbm>>
    %dma_wait3A_147 = arith.constant 0 : i32
    %dma_wait3A_148 = arith.constant 0 : i32
    %dma_wait3A_149 = tpu.memref_slice %arg5[%dma_wait3A_138, %dma_wait3A_147, %dma_wait3A_148] : memref<4x2x128xi32, #tpu.memory_space<vmem>> -> memref<1x2x128xi32, #tpu.memory_space<vmem>>
    %dma_wait3A_150 = tpu.memref_squeeze %dma_wait3A_149 : memref<1x2x128xi32, #tpu.memory_space<vmem>> -> memref<2x128xi32, #tpu.memory_space<vmem>>
    %dma_wait3A_151 = arith.constant 0 : i32
    %dma_wait3A_152 = arith.constant 0 : i32
    %dma_wait3A_153 = tpu.memref_slice %arg3[%add3A, %dma_wait3A_137, %dma_wait3A_151, %dma_wait3A_152] : memref<32x84x2x128xi32, #tpu.memory_space<hbm>> -> memref<1x1x2x128xi32, #tpu.memory_space<hbm>>
    %dma_wait3A_154 = tpu.memref_squeeze %dma_wait3A_153 : memref<1x1x2x128xi32, #tpu.memory_space<hbm>> -> memref<2x128xi32, #tpu.memory_space<hbm>>
    tpu.wait_dma2 semaphore(%arg11 : memref<!tpu.dma_semaphore, #tpu.memory_space<semaphore_mem>>) src(%dma_wait3A_154 : memref<2x128xi32, #tpu.memory_space<hbm>>) dst(%dma_wait3A_150 : memref<2x128xi32, #tpu.memory_space<vmem>>)
    %barrier3A_155 = arith.constant 0 : index
    tpu.barrier barrier_id(%barrier3A_155)
    %add3A_156 = arith.constant 0 : i32
    %add3A_157 = arith.addi %mul3A_8, %add3A_156 : i32
    %run_scoped3A_158 = arith.constant 0 : i32
    "tpu.region"() ({
      %run_scoped3A_176 = tpu.sem_alloc : memref<!tpu.dma_semaphore, #tpu.memory_space<semaphore_mem>>
      %dma_start3A_177 = arith.constant 0 : i32
      %dma_start3A_178 = arith.constant 0 : i32
      %dma_start3A_179 = tpu.memref_slice %arg6[%run_scoped3A_158, %dma_start3A_177, %dma_start3A_178] : memref<2x128x128xf32, #tpu.memory_space<vmem>> -> memref<1x128x128xf32, #tpu.memory_space<vmem>>
      %dma_start3A_180 = tpu.memref_squeeze %dma_start3A_179 : memref<1x128x128xf32, #tpu.memory_space<vmem>> -> memref<128x128xf32, #tpu.memory_space<vmem>>
      %dma_start3A_181 = arith.constant 0 : i32
      %dma_start3A_182 = tpu.memref_slice %arg7[%add3A_157, %dma_start3A_181] : memref<10240x128xf32, #tpu.memory_space<vmem_shared>> -> memref<128x128xf32, #tpu.memory_space<vmem_shared>>
      %dma_start3A_183 = arith.constant 0 : i32
      %dma_start3A_184 = arith.constant 0 : i32
      %dma_start3A_185 = tpu.memref_slice %arg6[%run_scoped3A_158, %dma_start3A_183, %dma_start3A_184] : memref<2x128x128xf32, #tpu.memory_space<vmem>> -> memref<1x128x128xf32, #tpu.memory_space<vmem>>
      %dma_start3A_186 = tpu.memref_squeeze %dma_start3A_185 : memref<1x128x128xf32, #tpu.memory_space<vmem>> -> memref<128x128xf32, #tpu.memory_space<vmem>>
      %dma_start3A_187 = arith.constant 0 : i32
      %dma_start3A_188 = tpu.memref_slice %arg7[%add3A_157, %dma_start3A_187] : memref<10240x128xf32, #tpu.memory_space<vmem_shared>> -> memref<128x128xf32, #tpu.memory_space<vmem_shared>>
      tpu.enqueue_dma source(%dma_start3A_188 : memref<128x128xf32, #tpu.memory_space<vmem_shared>>) target(%dma_start3A_186 : memref<128x128xf32, #tpu.memory_space<vmem>>) target_semaphore(%run_scoped3A_176 : memref<!tpu.dma_semaphore, #tpu.memory_space<semaphore_mem>>)
      %dma_wait3A_189 = arith.constant 0 : i32
      %dma_wait3A_190 = arith.constant 0 : i32
      %dma_wait3A_191 = tpu.memref_slice %arg6[%run_scoped3A_158, %dma_wait3A_189, %dma_wait3A_190] : memref<2x128x128xf32, #tpu.memory_space<vmem>> -> memref<1x128x128xf32, #tpu.memory_space<vmem>>
      %dma_wait3A_192 = tpu.memref_squeeze %dma_wait3A_191 : memref<1x128x128xf32, #tpu.memory_space<vmem>> -> memref<128x128xf32, #tpu.memory_space<vmem>>
      %dma_wait3A_193 = arith.constant 0 : i32
      %dma_wait3A_194 = tpu.memref_slice %arg7[%add3A_157, %dma_wait3A_193] : memref<10240x128xf32, #tpu.memory_space<vmem_shared>> -> memref<128x128xf32, #tpu.memory_space<vmem_shared>>
      %dma_wait3A_195 = arith.constant 0 : i32
      %dma_wait3A_196 = arith.constant 0 : i32
      %dma_wait3A_197 = tpu.memref_slice %arg6[%run_scoped3A_158, %dma_wait3A_195, %dma_wait3A_196] : memref<2x128x128xf32, #tpu.memory_space<vmem>> -> memref<1x128x128xf32, #tpu.memory_space<vmem>>
      %dma_wait3A_198 = tpu.memref_squeeze %dma_wait3A_197 : memref<1x128x128xf32, #tpu.memory_space<vmem>> -> memref<128x128xf32, #tpu.memory_space<vmem>>
      %dma_wait3A_199 = arith.constant 0 : i32
      %dma_wait3A_200 = tpu.memref_slice %arg7[%add3A_157, %dma_wait3A_199] : memref<10240x128xf32, #tpu.memory_space<vmem_shared>> -> memref<128x128xf32, #tpu.memory_space<vmem_shared>>
      tpu.wait_dma2 semaphore(%run_scoped3A_176 : memref<!tpu.dma_semaphore, #tpu.memory_space<semaphore_mem>>) src(%dma_wait3A_200 : memref<128x128xf32, #tpu.memory_space<vmem_shared>>) dst(%dma_wait3A_198 : memref<128x128xf32, #tpu.memory_space<vmem>>)
      tpu.yield
    }) : () -> ()
    %run_scoped3A_159 = arith.constant 0 : i32
    "tpu.region"() ({
      %run_scoped3A_176 = tpu.sem_alloc : memref<!tpu.dma_semaphore, #tpu.memory_space<semaphore_mem>>
      %dma_start3A_177 = arith.constant 0 : i32
      %dma_start3A_178 = arith.constant 0 : i32
      %dma_start3A_179 = tpu.memref_slice %arg6[%run_scoped3A_159, %dma_start3A_177, %dma_start3A_178] : memref<2x128x128xf32, #tpu.memory_space<vmem>> -> memref<1x128x128xf32, #tpu.memory_space<vmem>>
      %dma_start3A_180 = tpu.memref_squeeze %dma_start3A_179 : memref<1x128x128xf32, #tpu.memory_space<vmem>> -> memref<128x128xf32, #tpu.memory_space<vmem>>
      %dma_start3A_181 = arith.constant 0 : i32
      %dma_start3A_182 = tpu.memref_slice %arg4[%arg0, %add3A_157, %dma_start3A_181] : memref<2x10240x128xf32, #tpu.memory_space<hbm>> -> memref<1x128x128xf32, #tpu.memory_space<hbm>>
      %dma_start3A_183 = tpu.memref_squeeze %dma_start3A_182 : memref<1x128x128xf32, #tpu.memory_space<hbm>> -> memref<128x128xf32, #tpu.memory_space<hbm>>
      %dma_start3A_184 = arith.constant 0 : i32
      %dma_start3A_185 = tpu.memref_slice %arg4[%arg0, %add3A_157, %dma_start3A_184] : memref<2x10240x128xf32, #tpu.memory_space<hbm>> -> memref<1x128x128xf32, #tpu.memory_space<hbm>>
      %dma_start3A_186 = tpu.memref_squeeze %dma_start3A_185 : memref<1x128x128xf32, #tpu.memory_space<hbm>> -> memref<128x128xf32, #tpu.memory_space<hbm>>
      %dma_start3A_187 = arith.constant 0 : i32
      %dma_start3A_188 = arith.constant 0 : i32
      %dma_start3A_189 = tpu.memref_slice %arg6[%run_scoped3A_159, %dma_start3A_187, %dma_start3A_188] : memref<2x128x128xf32, #tpu.memory_space<vmem>> -> memref<1x128x128xf32, #tpu.memory_space<vmem>>
      %dma_start3A_190 = tpu.memref_squeeze %dma_start3A_189 : memref<1x128x128xf32, #tpu.memory_space<vmem>> -> memref<128x128xf32, #tpu.memory_space<vmem>>
      tpu.enqueue_dma source(%dma_start3A_190 : memref<128x128xf32, #tpu.memory_space<vmem>>) target(%dma_start3A_186 : memref<128x128xf32, #tpu.memory_space<hbm>>) target_semaphore(%run_scoped3A_176 : memref<!tpu.dma_semaphore, #tpu.memory_space<semaphore_mem>>)
      %dma_wait3A_191 = arith.constant 0 : i32
      %dma_wait3A_192 = arith.constant 0 : i32
      %dma_wait3A_193 = tpu.memref_slice %arg6[%run_scoped3A_159, %dma_wait3A_191, %dma_wait3A_192] : memref<2x128x128xf32, #tpu.memory_space<vmem>> -> memref<1x128x128xf32, #tpu.memory_space<vmem>>
      %dma_wait3A_194 = tpu.memref_squeeze %dma_wait3A_193 : memref<1x128x128xf32, #tpu.memory_space<vmem>> -> memref<128x128xf32, #tpu.memory_space<vmem>>
      %dma_wait3A_195 = arith.constant 0 : i32
      %dma_wait3A_196 = tpu.memref_slice %arg4[%arg0, %add3A_157, %dma_wait3A_195] : memref<2x10240x128xf32, #tpu.memory_space<hbm>> -> memref<1x128x128xf32, #tpu.memory_space<hbm>>
      %dma_wait3A_197 = tpu.memref_squeeze %dma_wait3A_196 : memref<1x128x128xf32, #tpu.memory_space<hbm>> -> memref<128x128xf32, #tpu.memory_space<hbm>>
      %dma_wait3A_198 = arith.constant 0 : i32
      %dma_wait3A_199 = tpu.memref_slice %arg4[%arg0, %add3A_157, %dma_wait3A_198] : memref<2x10240x128xf32, #tpu.memory_space<hbm>> -> memref<1x128x128xf32, #tpu.memory_space<hbm>>
      %dma_wait3A_200 = tpu.memref_squeeze %dma_wait3A_199 : memref<1x128x128xf32, #tpu.memory_space<hbm>> -> memref<128x128xf32, #tpu.memory_space<hbm>>
      %dma_wait3A_201 = arith.constant 0 : i32
      %dma_wait3A_202 = arith.constant 0 : i32
      %dma_wait3A_203 = tpu.memref_slice %arg6[%run_scoped3A_159, %dma_wait3A_201, %dma_wait3A_202] : memref<2x128x128xf32, #tpu.memory_space<vmem>> -> memref<1x128x128xf32, #tpu.memory_space<vmem>>
      %dma_wait3A_204 = tpu.memref_squeeze %dma_wait3A_203 : memref<1x128x128xf32, #tpu.memory_space<vmem>> -> memref<128x128xf32, #tpu.memory_space<vmem>>
      tpu.wait_dma2 semaphore(%run_scoped3A_176 : memref<!tpu.dma_semaphore, #tpu.memory_space<semaphore_mem>>) src(%dma_wait3A_204 : memref<128x128xf32, #tpu.memory_space<vmem>>) dst(%dma_wait3A_200 : memref<128x128xf32, #tpu.memory_space<hbm>>)
      tpu.yield
    }) : () -> ()
    %add3A_160 = arith.constant 128 : i32
    %add3A_161 = arith.addi %mul3A_8, %add3A_160 : i32
    %run_scoped3A_162 = arith.constant 0 : i32
    "tpu.region"() ({
      %run_scoped3A_176 = tpu.sem_alloc : memref<!tpu.dma_semaphore, #tpu.memory_space<semaphore_mem>>
      %dma_start3A_177 = arith.constant 0 : i32
      %dma_start3A_178 = arith.constant 0 : i32
      %dma_start3A_179 = tpu.memref_slice %arg6[%run_scoped3A_162, %dma_start3A_177, %dma_start3A_178] : memref<2x128x128xf32, #tpu.memory_space<vmem>> -> memref<1x128x128xf32, #tpu.memory_space<vmem>>
      %dma_start3A_180 = tpu.memref_squeeze %dma_start3A_179 : memref<1x128x128xf32, #tpu.memory_space<vmem>> -> memref<128x128xf32, #tpu.memory_space<vmem>>
      %dma_start3A_181 = arith.constant 0 : i32
      %dma_start3A_182 = tpu.memref_slice %arg7[%add3A_161, %dma_start3A_181] : memref<10240x128xf32, #tpu.memory_space<vmem_shared>> -> memref<128x128xf32, #tpu.memory_space<vmem_shared>>
      %dma_start3A_183 = arith.constant 0 : i32
      %dma_start3A_184 = arith.constant 0 : i32
      %dma_start3A_185 = tpu.memref_slice %arg6[%run_scoped3A_162, %dma_start3A_183, %dma_start3A_184] : memref<2x128x128xf32, #tpu.memory_space<vmem>> -> memref<1x128x128xf32, #tpu.memory_space<vmem>>
      %dma_start3A_186 = tpu.memref_squeeze %dma_start3A_185 : memref<1x128x128xf32, #tpu.memory_space<vmem>> -> memref<128x128xf32, #tpu.memory_space<vmem>>
      %dma_start3A_187 = arith.constant 0 : i32
      %dma_start3A_188 = tpu.memref_slice %arg7[%add3A_161, %dma_start3A_187] : memref<10240x128xf32, #tpu.memory_space<vmem_shared>> -> memref<128x128xf32, #tpu.memory_space<vmem_shared>>
      tpu.enqueue_dma source(%dma_start3A_188 : memref<128x128xf32, #tpu.memory_space<vmem_shared>>) target(%dma_start3A_186 : memref<128x128xf32, #tpu.memory_space<vmem>>) target_semaphore(%run_scoped3A_176 : memref<!tpu.dma_semaphore, #tpu.memory_space<semaphore_mem>>)
      %dma_wait3A_189 = arith.constant 0 : i32
      %dma_wait3A_190 = arith.constant 0 : i32
      %dma_wait3A_191 = tpu.memref_slice %arg6[%run_scoped3A_162, %dma_wait3A_189, %dma_wait3A_190] : memref<2x128x128xf32, #tpu.memory_space<vmem>> -> memref<1x128x128xf32, #tpu.memory_space<vmem>>
      %dma_wait3A_192 = tpu.memref_squeeze %dma_wait3A_191 : memref<1x128x128xf32, #tpu.memory_space<vmem>> -> memref<128x128xf32, #tpu.memory_space<vmem>>
      %dma_wait3A_193 = arith.constant 0 : i32
      %dma_wait3A_194 = tpu.memref_slice %arg7[%add3A_161, %dma_wait3A_193] : memref<10240x128xf32, #tpu.memory_space<vmem_shared>> -> memref<128x128xf32, #tpu.memory_space<vmem_shared>>
      %dma_wait3A_195 = arith.constant 0 : i32
      %dma_wait3A_196 = arith.constant 0 : i32
      %dma_wait3A_197 = tpu.memref_slice %arg6[%run_scoped3A_162, %dma_wait3A_195, %dma_wait3A_196] : memref<2x128x128xf32, #tpu.memory_space<vmem>> -> memref<1x128x128xf32, #tpu.memory_space<vmem>>
      %dma_wait3A_198 = tpu.memref_squeeze %dma_wait3A_197 : memref<1x128x128xf32, #tpu.memory_space<vmem>> -> memref<128x128xf32, #tpu.memory_space<vmem>>
      %dma_wait3A_199 = arith.constant 0 : i32
      %dma_wait3A_200 = tpu.memref_slice %arg7[%add3A_161, %dma_wait3A_199] : memref<10240x128xf32, #tpu.memory_space<vmem_shared>> -> memref<128x128xf32, #tpu.memory_space<vmem_shared>>
      tpu.wait_dma2 semaphore(%run_scoped3A_176 : memref<!tpu.dma_semaphore, #tpu.memory_space<semaphore_mem>>) src(%dma_wait3A_200 : memref<128x128xf32, #tpu.memory_space<vmem_shared>>) dst(%dma_wait3A_198 : memref<128x128xf32, #tpu.memory_space<vmem>>)
      tpu.yield
    }) : () -> ()
    %run_scoped3A_163 = arith.constant 0 : i32
    "tpu.region"() ({
      %run_scoped3A_176 = tpu.sem_alloc : memref<!tpu.dma_semaphore, #tpu.memory_space<semaphore_mem>>
      %dma_start3A_177 = arith.constant 0 : i32
      %dma_start3A_178 = arith.constant 0 : i32
      %dma_start3A_179 = tpu.memref_slice %arg6[%run_scoped3A_163, %dma_start3A_177, %dma_start3A_178] : memref<2x128x128xf32, #tpu.memory_space<vmem>> -> memref<1x128x128xf32, #tpu.memory_space<vmem>>
      %dma_start3A_180 = tpu.memref_squeeze %dma_start3A_179 : memref<1x128x128xf32, #tpu.memory_space<vmem>> -> memref<128x128xf32, #tpu.memory_space<vmem>>
      %dma_start3A_181 = arith.constant 0 : i32
      %dma_start3A_182 = tpu.memref_slice %arg4[%arg0, %add3A_161, %dma_start3A_181] : memref<2x10240x128xf32, #tpu.memory_space<hbm>> -> memref<1x128x128xf32, #tpu.memory_space<hbm>>
      %dma_start3A_183 = tpu.memref_squeeze %dma_start3A_182 : memref<1x128x128xf32, #tpu.memory_space<hbm>> -> memref<128x128xf32, #tpu.memory_space<hbm>>
      %dma_start3A_184 = arith.constant 0 : i32
      %dma_start3A_185 = tpu.memref_slice %arg4[%arg0, %add3A_161, %dma_start3A_184] : memref<2x10240x128xf32, #tpu.memory_space<hbm>> -> memref<1x128x128xf32, #tpu.memory_space<hbm>>
      %dma_start3A_186 = tpu.memref_squeeze %dma_start3A_185 : memref<1x128x128xf32, #tpu.memory_space<hbm>> -> memref<128x128xf32, #tpu.memory_space<hbm>>
      %dma_start3A_187 = arith.constant 0 : i32
      %dma_start3A_188 = arith.constant 0 : i32
      %dma_start3A_189 = tpu.memref_slice %arg6[%run_scoped3A_163, %dma_start3A_187, %dma_start3A_188] : memref<2x128x128xf32, #tpu.memory_space<vmem>> -> memref<1x128x128xf32, #tpu.memory_space<vmem>>
      %dma_start3A_190 = tpu.memref_squeeze %dma_start3A_189 : memref<1x128x128xf32, #tpu.memory_space<vmem>> -> memref<128x128xf32, #tpu.memory_space<vmem>>
      tpu.enqueue_dma source(%dma_start3A_190 : memref<128x128xf32, #tpu.memory_space<vmem>>) target(%dma_start3A_186 : memref<128x128xf32, #tpu.memory_space<hbm>>) target_semaphore(%run_scoped3A_176 : memref<!tpu.dma_semaphore, #tpu.memory_space<semaphore_mem>>)
      %dma_wait3A_191 = arith.constant 0 : i32
      %dma_wait3A_192 = arith.constant 0 : i32
      %dma_wait3A_193 = tpu.memref_slice %arg6[%run_scoped3A_163, %dma_wait3A_191, %dma_wait3A_192] : memref<2x128x128xf32, #tpu.memory_space<vmem>> -> memref<1x128x128xf32, #tpu.memory_space<vmem>>
      %dma_wait3A_194 = tpu.memref_squeeze %dma_wait3A_193 : memref<1x128x128xf32, #tpu.memory_space<vmem>> -> memref<128x128xf32, #tpu.memory_space<vmem>>
      %dma_wait3A_195 = arith.constant 0 : i32
      %dma_wait3A_196 = tpu.memref_slice %arg4[%arg0, %add3A_161, %dma_wait3A_195] : memref<2x10240x128xf32, #tpu.memory_space<hbm>> -> memref<1x128x128xf32, #tpu.memory_space<hbm>>
      %dma_wait3A_197 = tpu.memref_squeeze %dma_wait3A_196 : memref<1x128x128xf32, #tpu.memory_space<hbm>> -> memref<128x128xf32, #tpu.memory_space<hbm>>
      %dma_wait3A_198 = arith.constant 0 : i32
      %dma_wait3A_199 = tpu.memref_slice %arg4[%arg0, %add3A_161, %dma_wait3A_198] : memref<2x10240x128xf32, #tpu.memory_space<hbm>> -> memref<1x128x128xf32, #tpu.memory_space<hbm>>
      %dma_wait3A_200 = tpu.memref_squeeze %dma_wait3A_199 : memref<1x128x128xf32, #tpu.memory_space<hbm>> -> memref<128x128xf32, #tpu.memory_space<hbm>>
      %dma_wait3A_201 = arith.constant 0 : i32
      %dma_wait3A_202 = arith.constant 0 : i32
      %dma_wait3A_203 = tpu.memref_slice %arg6[%run_scoped3A_163, %dma_wait3A_201, %dma_wait3A_202] : memref<2x128x128xf32, #tpu.memory_space<vmem>> -> memref<1x128x128xf32, #tpu.memory_space<vmem>>
      %dma_wait3A_204 = tpu.memref_squeeze %dma_wait3A_203 : memref<1x128x128xf32, #tpu.memory_space<vmem>> -> memref<128x128xf32, #tpu.memory_space<vmem>>
      tpu.wait_dma2 semaphore(%run_scoped3A_176 : memref<!tpu.dma_semaphore, #tpu.memory_space<semaphore_mem>>) src(%dma_wait3A_204 : memref<128x128xf32, #tpu.memory_space<vmem>>) dst(%dma_wait3A_200 : memref<128x128xf32, #tpu.memory_space<hbm>>)
      tpu.yield
    }) : () -> ()
    %add3A_164 = arith.constant 256 : i32
    %add3A_165 = arith.addi %mul3A_8, %add3A_164 : i32
    %run_scoped3A_166 = arith.constant 0 : i32
    "tpu.region"() ({
      %run_scoped3A_176 = tpu.sem_alloc : memref<!tpu.dma_semaphore, #tpu.memory_space<semaphore_mem>>
      %dma_start3A_177 = arith.constant 0 : i32
      %dma_start3A_178 = arith.constant 0 : i32
      %dma_start3A_179 = tpu.memref_slice %arg6[%run_scoped3A_166, %dma_start3A_177, %dma_start3A_178] : memref<2x128x128xf32, #tpu.memory_space<vmem>> -> memref<1x128x128xf32, #tpu.memory_space<vmem>>
      %dma_start3A_180 = tpu.memref_squeeze %dma_start3A_179 : memref<1x128x128xf32, #tpu.memory_space<vmem>> -> memref<128x128xf32, #tpu.memory_space<vmem>>
      %dma_start3A_181 = arith.constant 0 : i32
      %dma_start3A_182 = tpu.memref_slice %arg7[%add3A_165, %dma_start3A_181] : memref<10240x128xf32, #tpu.memory_space<vmem_shared>> -> memref<128x128xf32, #tpu.memory_space<vmem_shared>>
      %dma_start3A_183 = arith.constant 0 : i32
      %dma_start3A_184 = arith.constant 0 : i32
      %dma_start3A_185 = tpu.memref_slice %arg6[%run_scoped3A_166, %dma_start3A_183, %dma_start3A_184] : memref<2x128x128xf32, #tpu.memory_space<vmem>> -> memref<1x128x128xf32, #tpu.memory_space<vmem>>
      %dma_start3A_186 = tpu.memref_squeeze %dma_start3A_185 : memref<1x128x128xf32, #tpu.memory_space<vmem>> -> memref<128x128xf32, #tpu.memory_space<vmem>>
      %dma_start3A_187 = arith.constant 0 : i32
      %dma_start3A_188 = tpu.memref_slice %arg7[%add3A_165, %dma_start3A_187] : memref<10240x128xf32, #tpu.memory_space<vmem_shared>> -> memref<128x128xf32, #tpu.memory_space<vmem_shared>>
      tpu.enqueue_dma source(%dma_start3A_188 : memref<128x128xf32, #tpu.memory_space<vmem_shared>>) target(%dma_start3A_186 : memref<128x128xf32, #tpu.memory_space<vmem>>) target_semaphore(%run_scoped3A_176 : memref<!tpu.dma_semaphore, #tpu.memory_space<semaphore_mem>>)
      %dma_wait3A_189 = arith.constant 0 : i32
      %dma_wait3A_190 = arith.constant 0 : i32
      %dma_wait3A_191 = tpu.memref_slice %arg6[%run_scoped3A_166, %dma_wait3A_189, %dma_wait3A_190] : memref<2x128x128xf32, #tpu.memory_space<vmem>> -> memref<1x128x128xf32, #tpu.memory_space<vmem>>
      %dma_wait3A_192 = tpu.memref_squeeze %dma_wait3A_191 : memref<1x128x128xf32, #tpu.memory_space<vmem>> -> memref<128x128xf32, #tpu.memory_space<vmem>>
      %dma_wait3A_193 = arith.constant 0 : i32
      %dma_wait3A_194 = tpu.memref_slice %arg7[%add3A_165, %dma_wait3A_193] : memref<10240x128xf32, #tpu.memory_space<vmem_shared>> -> memref<128x128xf32, #tpu.memory_space<vmem_shared>>
      %dma_wait3A_195 = arith.constant 0 : i32
      %dma_wait3A_196 = arith.constant 0 : i32
      %dma_wait3A_197 = tpu.memref_slice %arg6[%run_scoped3A_166, %dma_wait3A_195, %dma_wait3A_196] : memref<2x128x128xf32, #tpu.memory_space<vmem>> -> memref<1x128x128xf32, #tpu.memory_space<vmem>>
      %dma_wait3A_198 = tpu.memref_squeeze %dma_wait3A_197 : memref<1x128x128xf32, #tpu.memory_space<vmem>> -> memref<128x128xf32, #tpu.memory_space<vmem>>
      %dma_wait3A_199 = arith.constant 0 : i32
      %dma_wait3A_200 = tpu.memref_slice %arg7[%add3A_165, %dma_wait3A_199] : memref<10240x128xf32, #tpu.memory_space<vmem_shared>> -> memref<128x128xf32, #tpu.memory_space<vmem_shared>>
      tpu.wait_dma2 semaphore(%run_scoped3A_176 : memref<!tpu.dma_semaphore, #tpu.memory_space<semaphore_mem>>) src(%dma_wait3A_200 : memref<128x128xf32, #tpu.memory_space<vmem_shared>>) dst(%dma_wait3A_198 : memref<128x128xf32, #tpu.memory_space<vmem>>)
      tpu.yield
    }) : () -> ()
    %run_scoped3A_167 = arith.constant 0 : i32
    "tpu.region"() ({
      %run_scoped3A_176 = tpu.sem_alloc : memref<!tpu.dma_semaphore, #tpu.memory_space<semaphore_mem>>
      %dma_start3A_177 = arith.constant 0 : i32
      %dma_start3A_178 = arith.constant 0 : i32
      %dma_start3A_179 = tpu.memref_slice %arg6[%run_scoped3A_167, %dma_start3A_177, %dma_start3A_178] : memref<2x128x128xf32, #tpu.memory_space<vmem>> -> memref<1x128x128xf32, #tpu.memory_space<vmem>>
      %dma_start3A_180 = tpu.memref_squeeze %dma_start3A_179 : memref<1x128x128xf32, #tpu.memory_space<vmem>> -> memref<128x128xf32, #tpu.memory_space<vmem>>
      %dma_start3A_181 = arith.constant 0 : i32
      %dma_start3A_182 = tpu.memref_slice %arg4[%arg0, %add3A_165, %dma_start3A_181] : memref<2x10240x128xf32, #tpu.memory_space<hbm>> -> memref<1x128x128xf32, #tpu.memory_space<hbm>>
      %dma_start3A_183 = tpu.memref_squeeze %dma_start3A_182 : memref<1x128x128xf32, #tpu.memory_space<hbm>> -> memref<128x128xf32, #tpu.memory_space<hbm>>
      %dma_start3A_184 = arith.constant 0 : i32
      %dma_start3A_185 = tpu.memref_slice %arg4[%arg0, %add3A_165, %dma_start3A_184] : memref<2x10240x128xf32, #tpu.memory_space<hbm>> -> memref<1x128x128xf32, #tpu.memory_space<hbm>>
      %dma_start3A_186 = tpu.memref_squeeze %dma_start3A_185 : memref<1x128x128xf32, #tpu.memory_space<hbm>> -> memref<128x128xf32, #tpu.memory_space<hbm>>
      %dma_start3A_187 = arith.constant 0 : i32
      %dma_start3A_188 = arith.constant 0 : i32
      %dma_start3A_189 = tpu.memref_slice %arg6[%run_scoped3A_167, %dma_start3A_187, %dma_start3A_188] : memref<2x128x128xf32, #tpu.memory_space<vmem>> -> memref<1x128x128xf32, #tpu.memory_space<vmem>>
      %dma_start3A_190 = tpu.memref_squeeze %dma_start3A_189 : memref<1x128x128xf32, #tpu.memory_space<vmem>> -> memref<128x128xf32, #tpu.memory_space<vmem>>
      tpu.enqueue_dma source(%dma_start3A_190 : memref<128x128xf32, #tpu.memory_space<vmem>>) target(%dma_start3A_186 : memref<128x128xf32, #tpu.memory_space<hbm>>) target_semaphore(%run_scoped3A_176 : memref<!tpu.dma_semaphore, #tpu.memory_space<semaphore_mem>>)
      %dma_wait3A_191 = arith.constant 0 : i32
      %dma_wait3A_192 = arith.constant 0 : i32
      %dma_wait3A_193 = tpu.memref_slice %arg6[%run_scoped3A_167, %dma_wait3A_191, %dma_wait3A_192] : memref<2x128x128xf32, #tpu.memory_space<vmem>> -> memref<1x128x128xf32, #tpu.memory_space<vmem>>
      %dma_wait3A_194 = tpu.memref_squeeze %dma_wait3A_193 : memref<1x128x128xf32, #tpu.memory_space<vmem>> -> memref<128x128xf32, #tpu.memory_space<vmem>>
      %dma_wait3A_195 = arith.constant 0 : i32
      %dma_wait3A_196 = tpu.memref_slice %arg4[%arg0, %add3A_165, %dma_wait3A_195] : memref<2x10240x128xf32, #tpu.memory_space<hbm>> -> memref<1x128x128xf32, #tpu.memory_space<hbm>>
      %dma_wait3A_197 = tpu.memref_squeeze %dma_wait3A_196 : memref<1x128x128xf32, #tpu.memory_space<hbm>> -> memref<128x128xf32, #tpu.memory_space<hbm>>
      %dma_wait3A_198 = arith.constant 0 : i32
      %dma_wait3A_199 = tpu.memref_slice %arg4[%arg0, %add3A_165, %dma_wait3A_198] : memref<2x10240x128xf32, #tpu.memory_space<hbm>> -> memref<1x128x128xf32, #tpu.memory_space<hbm>>
      %dma_wait3A_200 = tpu.memref_squeeze %dma_wait3A_199 : memref<1x128x128xf32, #tpu.memory_space<hbm>> -> memref<128x128xf32, #tpu.memory_space<hbm>>
      %dma_wait3A_201 = arith.constant 0 : i32
      %dma_wait3A_202 = arith.constant 0 : i32
      %dma_wait3A_203 = tpu.memref_slice %arg6[%run_scoped3A_167, %dma_wait3A_201, %dma_wait3A_202] : memref<2x128x128xf32, #tpu.memory_space<vmem>> -> memref<1x128x128xf32, #tpu.memory_space<vmem>>
      %dma_wait3A_204 = tpu.memref_squeeze %dma_wait3A_203 : memref<1x128x128xf32, #tpu.memory_space<vmem>> -> memref<128x128xf32, #tpu.memory_space<vmem>>
      tpu.wait_dma2 semaphore(%run_scoped3A_176 : memref<!tpu.dma_semaphore, #tpu.memory_space<semaphore_mem>>) src(%dma_wait3A_204 : memref<128x128xf32, #tpu.memory_space<vmem>>) dst(%dma_wait3A_200 : memref<128x128xf32, #tpu.memory_space<hbm>>)
      tpu.yield
    }) : () -> ()
    %add3A_168 = arith.constant 384 : i32
    %add3A_169 = arith.addi %mul3A_8, %add3A_168 : i32
    %run_scoped3A_170 = arith.constant 0 : i32
    "tpu.region"() ({
      %run_scoped3A_176 = tpu.sem_alloc : memref<!tpu.dma_semaphore, #tpu.memory_space<semaphore_mem>>
      %dma_start3A_177 = arith.constant 0 : i32
      %dma_start3A_178 = arith.constant 0 : i32
      %dma_start3A_179 = tpu.memref_slice %arg6[%run_scoped3A_170, %dma_start3A_177, %dma_start3A_178] : memref<2x128x128xf32, #tpu.memory_space<vmem>> -> memref<1x128x128xf32, #tpu.memory_space<vmem>>
      %dma_start3A_180 = tpu.memref_squeeze %dma_start3A_179 : memref<1x128x128xf32, #tpu.memory_space<vmem>> -> memref<128x128xf32, #tpu.memory_space<vmem>>
      %dma_start3A_181 = arith.constant 0 : i32
      %dma_start3A_182 = tpu.memref_slice %arg7[%add3A_169, %dma_start3A_181] : memref<10240x128xf32, #tpu.memory_space<vmem_shared>> -> memref<128x128xf32, #tpu.memory_space<vmem_shared>>
      %dma_start3A_183 = arith.constant 0 : i32
      %dma_start3A_184 = arith.constant 0 : i32
      %dma_start3A_185 = tpu.memref_slice %arg6[%run_scoped3A_170, %dma_start3A_183, %dma_start3A_184] : memref<2x128x128xf32, #tpu.memory_space<vmem>> -> memref<1x128x128xf32, #tpu.memory_space<vmem>>
      %dma_start3A_186 = tpu.memref_squeeze %dma_start3A_185 : memref<1x128x128xf32, #tpu.memory_space<vmem>> -> memref<128x128xf32, #tpu.memory_space<vmem>>
      %dma_start3A_187 = arith.constant 0 : i32
      %dma_start3A_188 = tpu.memref_slice %arg7[%add3A_169, %dma_start3A_187] : memref<10240x128xf32, #tpu.memory_space<vmem_shared>> -> memref<128x128xf32, #tpu.memory_space<vmem_shared>>
      tpu.enqueue_dma source(%dma_start3A_188 : memref<128x128xf32, #tpu.memory_space<vmem_shared>>) target(%dma_start3A_186 : memref<128x128xf32, #tpu.memory_space<vmem>>) target_semaphore(%run_scoped3A_176 : memref<!tpu.dma_semaphore, #tpu.memory_space<semaphore_mem>>)
      %dma_wait3A_189 = arith.constant 0 : i32
      %dma_wait3A_190 = arith.constant 0 : i32
      %dma_wait3A_191 = tpu.memref_slice %arg6[%run_scoped3A_170, %dma_wait3A_189, %dma_wait3A_190] : memref<2x128x128xf32, #tpu.memory_space<vmem>> -> memref<1x128x128xf32, #tpu.memory_space<vmem>>
      %dma_wait3A_192 = tpu.memref_squeeze %dma_wait3A_191 : memref<1x128x128xf32, #tpu.memory_space<vmem>> -> memref<128x128xf32, #tpu.memory_space<vmem>>
      %dma_wait3A_193 = arith.constant 0 : i32
      %dma_wait3A_194 = tpu.memref_slice %arg7[%add3A_169, %dma_wait3A_193] : memref<10240x128xf32, #tpu.memory_space<vmem_shared>> -> memref<128x128xf32, #tpu.memory_space<vmem_shared>>
      %dma_wait3A_195 = arith.constant 0 : i32
      %dma_wait3A_196 = arith.constant 0 : i32
      %dma_wait3A_197 = tpu.memref_slice %arg6[%run_scoped3A_170, %dma_wait3A_195, %dma_wait3A_196] : memref<2x128x128xf32, #tpu.memory_space<vmem>> -> memref<1x128x128xf32, #tpu.memory_space<vmem>>
      %dma_wait3A_198 = tpu.memref_squeeze %dma_wait3A_197 : memref<1x128x128xf32, #tpu.memory_space<vmem>> -> memref<128x128xf32, #tpu.memory_space<vmem>>
      %dma_wait3A_199 = arith.constant 0 : i32
      %dma_wait3A_200 = tpu.memref_slice %arg7[%add3A_169, %dma_wait3A_199] : memref<10240x128xf32, #tpu.memory_space<vmem_shared>> -> memref<128x128xf32, #tpu.memory_space<vmem_shared>>
      tpu.wait_dma2 semaphore(%run_scoped3A_176 : memref<!tpu.dma_semaphore, #tpu.memory_space<semaphore_mem>>) src(%dma_wait3A_200 : memref<128x128xf32, #tpu.memory_space<vmem_shared>>) dst(%dma_wait3A_198 : memref<128x128xf32, #tpu.memory_space<vmem>>)
      tpu.yield
    }) : () -> ()
    %run_scoped3A_171 = arith.constant 0 : i32
    "tpu.region"() ({
      %run_scoped3A_176 = tpu.sem_alloc : memref<!tpu.dma_semaphore, #tpu.memory_space<semaphore_mem>>
      %dma_start3A_177 = arith.constant 0 : i32
      %dma_start3A_178 = arith.constant 0 : i32
      %dma_start3A_179 = tpu.memref_slice %arg6[%run_scoped3A_171, %dma_start3A_177, %dma_start3A_178] : memref<2x128x128xf32, #tpu.memory_space<vmem>> -> memref<1x128x128xf32, #tpu.memory_space<vmem>>
      %dma_start3A_180 = tpu.memref_squeeze %dma_start3A_179 : memref<1x128x128xf32, #tpu.memory_space<vmem>> -> memref<128x128xf32, #tpu.memory_space<vmem>>
      %dma_start3A_181 = arith.constant 0 : i32
      %dma_start3A_182 = tpu.memref_slice %arg4[%arg0, %add3A_169, %dma_start3A_181] : memref<2x10240x128xf32, #tpu.memory_space<hbm>> -> memref<1x128x128xf32, #tpu.memory_space<hbm>>
      %dma_start3A_183 = tpu.memref_squeeze %dma_start3A_182 : memref<1x128x128xf32, #tpu.memory_space<hbm>> -> memref<128x128xf32, #tpu.memory_space<hbm>>
      %dma_start3A_184 = arith.constant 0 : i32
      %dma_start3A_185 = tpu.memref_slice %arg4[%arg0, %add3A_169, %dma_start3A_184] : memref<2x10240x128xf32, #tpu.memory_space<hbm>> -> memref<1x128x128xf32, #tpu.memory_space<hbm>>
      %dma_start3A_186 = tpu.memref_squeeze %dma_start3A_185 : memref<1x128x128xf32, #tpu.memory_space<hbm>> -> memref<128x128xf32, #tpu.memory_space<hbm>>
      %dma_start3A_187 = arith.constant 0 : i32
      %dma_start3A_188 = arith.constant 0 : i32
      %dma_start3A_189 = tpu.memref_slice %arg6[%run_scoped3A_171, %dma_start3A_187, %dma_start3A_188] : memref<2x128x128xf32, #tpu.memory_space<vmem>> -> memref<1x128x128xf32, #tpu.memory_space<vmem>>
      %dma_start3A_190 = tpu.memref_squeeze %dma_start3A_189 : memref<1x128x128xf32, #tpu.memory_space<vmem>> -> memref<128x128xf32, #tpu.memory_space<vmem>>
      tpu.enqueue_dma source(%dma_start3A_190 : memref<128x128xf32, #tpu.memory_space<vmem>>) target(%dma_start3A_186 : memref<128x128xf32, #tpu.memory_space<hbm>>) target_semaphore(%run_scoped3A_176 : memref<!tpu.dma_semaphore, #tpu.memory_space<semaphore_mem>>)
      %dma_wait3A_191 = arith.constant 0 : i32
      %dma_wait3A_192 = arith.constant 0 : i32
      %dma_wait3A_193 = tpu.memref_slice %arg6[%run_scoped3A_171, %dma_wait3A_191, %dma_wait3A_192] : memref<2x128x128xf32, #tpu.memory_space<vmem>> -> memref<1x128x128xf32, #tpu.memory_space<vmem>>
      %dma_wait3A_194 = tpu.memref_squeeze %dma_wait3A_193 : memref<1x128x128xf32, #tpu.memory_space<vmem>> -> memref<128x128xf32, #tpu.memory_space<vmem>>
      %dma_wait3A_195 = arith.constant 0 : i32
      %dma_wait3A_196 = tpu.memref_slice %arg4[%arg0, %add3A_169, %dma_wait3A_195] : memref<2x10240x128xf32, #tpu.memory_space<hbm>> -> memref<1x128x128xf32, #tpu.memory_space<hbm>>
      %dma_wait3A_197 = tpu.memref_squeeze %dma_wait3A_196 : memref<1x128x128xf32, #tpu.memory_space<hbm>> -> memref<128x128xf32, #tpu.memory_space<hbm>>
      %dma_wait3A_198 = arith.constant 0 : i32
      %dma_wait3A_199 = tpu.memref_slice %arg4[%arg0, %add3A_169, %dma_wait3A_198] : memref<2x10240x128xf32, #tpu.memory_space<hbm>> -> memref<1x128x128xf32, #tpu.memory_space<hbm>>
      %dma_wait3A_200 = tpu.memref_squeeze %dma_wait3A_199 : memref<1x128x128xf32, #tpu.memory_space<hbm>> -> memref<128x128xf32, #tpu.memory_space<hbm>>
      %dma_wait3A_201 = arith.constant 0 : i32
      %dma_wait3A_202 = arith.constant 0 : i32
      %dma_wait3A_203 = tpu.memref_slice %arg6[%run_scoped3A_171, %dma_wait3A_201, %dma_wait3A_202] : memref<2x128x128xf32, #tpu.memory_space<vmem>> -> memref<1x128x128xf32, #tpu.memory_space<vmem>>
      %dma_wait3A_204 = tpu.memref_squeeze %dma_wait3A_203 : memref<1x128x128xf32, #tpu.memory_space<vmem>> -> memref<128x128xf32, #tpu.memory_space<vmem>>
      tpu.wait_dma2 semaphore(%run_scoped3A_176 : memref<!tpu.dma_semaphore, #tpu.memory_space<semaphore_mem>>) src(%dma_wait3A_204 : memref<128x128xf32, #tpu.memory_space<vmem>>) dst(%dma_wait3A_200 : memref<128x128xf32, #tpu.memory_space<hbm>>)
      tpu.yield
    }) : () -> ()
    %add3A_172 = arith.constant 512 : i32
    %add3A_173 = arith.addi %mul3A_8, %add3A_172 : i32
    %run_scoped3A_174 = arith.constant 0 : i32
    "tpu.region"() ({
      %run_scoped3A_176 = tpu.sem_alloc : memref<!tpu.dma_semaphore, #tpu.memory_space<semaphore_mem>>
      %dma_start3A_177 = arith.constant 0 : i32
      %dma_start3A_178 = arith.constant 0 : i32
      %dma_start3A_179 = tpu.memref_slice %arg6[%run_scoped3A_174, %dma_start3A_177, %dma_start3A_178] : memref<2x128x128xf32, #tpu.memory_space<vmem>> -> memref<1x128x128xf32, #tpu.memory_space<vmem>>
      %dma_start3A_180 = tpu.memref_squeeze %dma_start3A_179 : memref<1x128x128xf32, #tpu.memory_space<vmem>> -> memref<128x128xf32, #tpu.memory_space<vmem>>
      %dma_start3A_181 = arith.constant 0 : i32
      %dma_start3A_182 = tpu.memref_slice %arg7[%add3A_173, %dma_start3A_181] : memref<10240x128xf32, #tpu.memory_space<vmem_shared>> -> memref<128x128xf32, #tpu.memory_space<vmem_shared>>
      %dma_start3A_183 = arith.constant 0 : i32
      %dma_start3A_184 = arith.constant 0 : i32
      %dma_start3A_185 = tpu.memref_slice %arg6[%run_scoped3A_174, %dma_start3A_183, %dma_start3A_184] : memref<2x128x128xf32, #tpu.memory_space<vmem>> -> memref<1x128x128xf32, #tpu.memory_space<vmem>>
      %dma_start3A_186 = tpu.memref_squeeze %dma_start3A_185 : memref<1x128x128xf32, #tpu.memory_space<vmem>> -> memref<128x128xf32, #tpu.memory_space<vmem>>
      %dma_start3A_187 = arith.constant 0 : i32
      %dma_start3A_188 = tpu.memref_slice %arg7[%add3A_173, %dma_start3A_187] : memref<10240x128xf32, #tpu.memory_space<vmem_shared>> -> memref<128x128xf32, #tpu.memory_space<vmem_shared>>
      tpu.enqueue_dma source(%dma_start3A_188 : memref<128x128xf32, #tpu.memory_space<vmem_shared>>) target(%dma_start3A_186 : memref<128x128xf32, #tpu.memory_space<vmem>>) target_semaphore(%run_scoped3A_176 : memref<!tpu.dma_semaphore, #tpu.memory_space<semaphore_mem>>)
      %dma_wait3A_189 = arith.constant 0 : i32
      %dma_wait3A_190 = arith.constant 0 : i32
      %dma_wait3A_191 = tpu.memref_slice %arg6[%run_scoped3A_174, %dma_wait3A_189, %dma_wait3A_190] : memref<2x128x128xf32, #tpu.memory_space<vmem>> -> memref<1x128x128xf32, #tpu.memory_space<vmem>>
      %dma_wait3A_192 = tpu.memref_squeeze %dma_wait3A_191 : memref<1x128x128xf32, #tpu.memory_space<vmem>> -> memref<128x128xf32, #tpu.memory_space<vmem>>
      %dma_wait3A_193 = arith.constant 0 : i32
      %dma_wait3A_194 = tpu.memref_slice %arg7[%add3A_173, %dma_wait3A_193] : memref<10240x128xf32, #tpu.memory_space<vmem_shared>> -> memref<128x128xf32, #tpu.memory_space<vmem_shared>>
      %dma_wait3A_195 = arith.constant 0 : i32
      %dma_wait3A_196 = arith.constant 0 : i32
      %dma_wait3A_197 = tpu.memref_slice %arg6[%run_scoped3A_174, %dma_wait3A_195, %dma_wait3A_196] : memref<2x128x128xf32, #tpu.memory_space<vmem>> -> memref<1x128x128xf32, #tpu.memory_space<vmem>>
      %dma_wait3A_198 = tpu.memref_squeeze %dma_wait3A_197 : memref<1x128x128xf32, #tpu.memory_space<vmem>> -> memref<128x128xf32, #tpu.memory_space<vmem>>
      %dma_wait3A_199 = arith.constant 0 : i32
      %dma_wait3A_200 = tpu.memref_slice %arg7[%add3A_173, %dma_wait3A_199] : memref<10240x128xf32, #tpu.memory_space<vmem_shared>> -> memref<128x128xf32, #tpu.memory_space<vmem_shared>>
      tpu.wait_dma2 semaphore(%run_scoped3A_176 : memref<!tpu.dma_semaphore, #tpu.memory_space<semaphore_mem>>) src(%dma_wait3A_200 : memref<128x128xf32, #tpu.memory_space<vmem_shared>>) dst(%dma_wait3A_198 : memref<128x128xf32, #tpu.memory_space<vmem>>)
      tpu.yield
    }) : () -> ()
    %run_scoped3A_175 = arith.constant 0 : i32
    "tpu.region"() ({
      %run_scoped3A_176 = tpu.sem_alloc : memref<!tpu.dma_semaphore, #tpu.memory_space<semaphore_mem>>
      %dma_start3A_177 = arith.constant 0 : i32
      %dma_start3A_178 = arith.constant 0 : i32
      %dma_start3A_179 = tpu.memref_slice %arg6[%run_scoped3A_175, %dma_start3A_177, %dma_start3A_178] : memref<2x128x128xf32, #tpu.memory_space<vmem>> -> memref<1x128x128xf32, #tpu.memory_space<vmem>>
      %dma_start3A_180 = tpu.memref_squeeze %dma_start3A_179 : memref<1x128x128xf32, #tpu.memory_space<vmem>> -> memref<128x128xf32, #tpu.memory_space<vmem>>
      %dma_start3A_181 = arith.constant 0 : i32
      %dma_start3A_182 = tpu.memref_slice %arg4[%arg0, %add3A_173, %dma_start3A_181] : memref<2x10240x128xf32, #tpu.memory_space<hbm>> -> memref<1x128x128xf32, #tpu.memory_space<hbm>>
      %dma_start3A_183 = tpu.memref_squeeze %dma_start3A_182 : memref<1x128x128xf32, #tpu.memory_space<hbm>> -> memref<128x128xf32, #tpu.memory_space<hbm>>
      %dma_start3A_184 = arith.constant 0 : i32
      %dma_start3A_185 = tpu.memref_slice %arg4[%arg0, %add3A_173, %dma_start3A_184] : memref<2x10240x128xf32, #tpu.memory_space<hbm>> -> memref<1x128x128xf32, #tpu.memory_space<hbm>>
      %dma_start3A_186 = tpu.memref_squeeze %dma_start3A_185 : memref<1x128x128xf32, #tpu.memory_space<hbm>> -> memref<128x128xf32, #tpu.memory_space<hbm>>
      %dma_start3A_187 = arith.constant 0 : i32
      %dma_start3A_188 = arith.constant 0 : i32
      %dma_start3A_189 = tpu.memref_slice %arg6[%run_scoped3A_175, %dma_start3A_187, %dma_start3A_188] : memref<2x128x128xf32, #tpu.memory_space<vmem>> -> memref<1x128x128xf32, #tpu.memory_space<vmem>>
      %dma_start3A_190 = tpu.memref_squeeze %dma_start3A_189 : memref<1x128x128xf32, #tpu.memory_space<vmem>> -> memref<128x128xf32, #tpu.memory_space<vmem>>
      tpu.enqueue_dma source(%dma_start3A_190 : memref<128x128xf32, #tpu.memory_space<vmem>>) target(%dma_start3A_186 : memref<128x128xf32, #tpu.memory_space<hbm>>) target_semaphore(%run_scoped3A_176 : memref<!tpu.dma_semaphore, #tpu.memory_space<semaphore_mem>>)
      %dma_wait3A_191 = arith.constant 0 : i32
      %dma_wait3A_192 = arith.constant 0 : i32
      %dma_wait3A_193 = tpu.memref_slice %arg6[%run_scoped3A_175, %dma_wait3A_191, %dma_wait3A_192] : memref<2x128x128xf32, #tpu.memory_space<vmem>> -> memref<1x128x128xf32, #tpu.memory_space<vmem>>
      %dma_wait3A_194 = tpu.memref_squeeze %dma_wait3A_193 : memref<1x128x128xf32, #tpu.memory_space<vmem>> -> memref<128x128xf32, #tpu.memory_space<vmem>>
      %dma_wait3A_195 = arith.constant 0 : i32
      %dma_wait3A_196 = tpu.memref_slice %arg4[%arg0, %add3A_173, %dma_wait3A_195] : memref<2x10240x128xf32, #tpu.memory_space<hbm>> -> memref<1x128x128xf32, #tpu.memory_space<hbm>>
      %dma_wait3A_197 = tpu.memref_squeeze %dma_wait3A_196 : memref<1x128x128xf32, #tpu.memory_space<hbm>> -> memref<128x128xf32, #tpu.memory_space<hbm>>
      %dma_wait3A_198 = arith.constant 0 : i32
      %dma_wait3A_199 = tpu.memref_slice %arg4[%arg0, %add3A_173, %dma_wait3A_198] : memref<2x10240x128xf32, #tpu.memory_space<hbm>> -> memref<1x128x128xf32, #tpu.memory_space<hbm>>
      %dma_wait3A_200 = tpu.memref_squeeze %dma_wait3A_199 : memref<1x128x128xf32, #tpu.memory_space<hbm>> -> memref<128x128xf32, #tpu.memory_space<hbm>>
      %dma_wait3A_201 = arith.constant 0 : i32
      %dma_wait3A_202 = arith.constant 0 : i32
      %dma_wait3A_203 = tpu.memref_slice %arg6[%run_scoped3A_175, %dma_wait3A_201, %dma_wait3A_202] : memref<2x128x128xf32, #tpu.memory_space<vmem>> -> memref<1x128x128xf32, #tpu.memory_space<vmem>>
      %dma_wait3A_204 = tpu.memref_squeeze %dma_wait3A_203 : memref<1x128x128xf32, #tpu.memory_space<vmem>> -> memref<128x128xf32, #tpu.memory_space<vmem>>
      tpu.wait_dma2 semaphore(%run_scoped3A_176 : memref<!tpu.dma_semaphore, #tpu.memory_space<semaphore_mem>>) src(%dma_wait3A_204 : memref<128x128xf32, #tpu.memory_space<vmem>>) dst(%dma_wait3A_200 : memref<128x128xf32, #tpu.memory_space<hbm>>)
      tpu.yield
    }) : () -> ()
    return
  }
}

module attributes {stable_mosaic.version = 14 : i64} {
  func.func @_tc_pre_body(%arg0: i32, %arg1: memref<32x1024xf32, #tpu.memory_space<vmem>>, %arg2: memref<1024x128xf32, #tpu.memory_space<vmem>>, %arg3: memref<128x128xf32, #tpu.memory_space<vmem>>, %arg4: memref<1024x128xf32, #tpu.memory_space<vmem>>, %arg5: memref<1024x128xf32, #tpu.memory_space<vmem>>, %arg6: memref<1024xf32, #tpu.memory_space<vmem>>, %arg7: memref<1024xf32, #tpu.memory_space<vmem>>) attributes {dimension_semantics = [#tpu.dimension_semantics<arbitrary>], iteration_bounds = array<i64: 10>, scalar_prefetch = 0 : i64, scratch_operands = 0 : i64, tpu.core_type = #tpu.core_type<tc>, window_params = [{transform_indices = @transform_0, window_bounds = array<i64: 32, 1024>}, {transform_indices = @transform_1, window_bounds = array<i64: 1024, 128>}, {pipeline_mode = #tpu.pipeline_mode<synchronous>, transform_indices = @transform_2, window_bounds = array<i64: 128, 128>}, {transform_indices = @transform_3, window_bounds = array<i64: 1024, 128>}, {transform_indices = @transform_4, window_bounds = array<i64: 1024, 128>}, {transform_indices = @transform_5, window_bounds = array<i64: 1024>}, {transform_indices = @transform_6, window_bounds = array<i64: 1024>}]} {
    %get3A = arith.constant 0 : index
    %get3A_0 = arith.constant 0 : index
    %get3A_1 = vector.load %arg1[%get3A, %get3A_0] : memref<32x1024xf32, #tpu.memory_space<vmem>>, vector<32x1024xf32>
    %reduce_sum3A = arith.constant dense<0.000000e+00> : vector<1024xf32>
    %reduce_sum3A_2 = vector.multi_reduction <add>, %get3A_1, %reduce_sum3A [0] : vector<32x1024xf32> to vector<1024xf32>
    %add3A = arith.constant 1.000000e+00 : f32
    %add3A_3 = vector.broadcast %add3A : f32 to vector<1024xf32>
    %add3A_4 = arith.addf %reduce_sum3A_2, %add3A_3 : vector<1024xf32>
    %rsqrt3A = math.rsqrt %add3A_4 : vector<1024xf32>
    %div3A = arith.constant 1.000000e+00 : f32
    %div3A_5 = vector.broadcast %div3A : f32 to vector<1024xf32>
    %div3A_6 = arith.divf %div3A_5, %add3A_4 : vector<1024xf32>
    %get3A_7 = arith.constant 0 : index
    %get3A_8 = arith.constant 0 : index
    %get3A_9 = vector.load %arg2[%get3A_7, %get3A_8] : memref<1024x128xf32, #tpu.memory_space<vmem>>, vector<1024x128xf32>
    %get3A_10 = arith.constant 0 : index
    %get3A_11 = arith.constant 0 : index
    %get3A_12 = vector.load %arg3[%get3A_10, %get3A_11] : memref<128x128xf32, #tpu.memory_space<vmem>>, vector<128x128xf32>
    %dot_general3A = arith.constant dense<0.000000e+00> : vector<1024x128xf32>
    %dot_general3A_13 = tpu.matmul %get3A_9, %get3A_12, %dot_general3A {dimension_numbers = #tpu.dot_dimension_numbers<[1], [0], [0], [1], [0, 0, 1, 1], [], []>, transpose_lhs_hint = false} : vector<1024x128xf32>, vector<128x128xf32>, vector<1024x128xf32> -> vector<1024x128xf32>
    %swap3A = arith.constant 0 : index
    %swap3A_14 = arith.constant 0 : index
    %swap3A_15 = vector.load %arg4[%swap3A, %swap3A_14] : memref<1024x128xf32, #tpu.memory_space<vmem>>, vector<1024x128xf32>
    tpu.vector_store %arg4[%swap3A, %swap3A_14], %dot_general3A_13 {strides = array<i32>} : memref<1024x128xf32, #tpu.memory_space<vmem>>, vector<1024x128xf32>,
    %broadcast_in_dim3A = vector.shape_cast %rsqrt3A : vector<1024xf32> to vector<1024x1xf32>
    %mul3A = vector.broadcast %broadcast_in_dim3A : vector<1024x1xf32> to vector<1024x128xf32>
    %mul3A_16 = arith.mulf %dot_general3A_13, %mul3A : vector<1024x128xf32>
    %swap3A_17 = arith.constant 0 : index
    %swap3A_18 = arith.constant 0 : index
    %swap3A_19 = vector.load %arg5[%swap3A_17, %swap3A_18] : memref<1024x128xf32, #tpu.memory_space<vmem>>, vector<1024x128xf32>
    tpu.vector_store %arg5[%swap3A_17, %swap3A_18], %mul3A_16 {strides = array<i32>} : memref<1024x128xf32, #tpu.memory_space<vmem>>, vector<1024x128xf32>,
    %swap3A_20 = arith.constant 0 : index
    %swap3A_21 = vector.load %arg6[%swap3A_20] : memref<1024xf32, #tpu.memory_space<vmem>>, vector<1024xf32>
    tpu.vector_store %arg6[%swap3A_20], %rsqrt3A {strides = array<i32>} : memref<1024xf32, #tpu.memory_space<vmem>>, vector<1024xf32>,
    %swap3A_22 = arith.constant 0 : index
    %swap3A_23 = vector.load %arg7[%swap3A_22] : memref<1024xf32, #tpu.memory_space<vmem>>, vector<1024xf32>
    tpu.vector_store %arg7[%swap3A_22], %div3A_6 {strides = array<i32>} : memref<1024xf32, #tpu.memory_space<vmem>>, vector<1024xf32>,
    return
  }
  func.func @transform_0(%arg0: i32) -> (i32, i32) {
    %c0_i32 = arith.constant 0 : i32
    %c0_i32_0 = arith.constant 0 : i32
    return %c0_i32, %arg0 : i32, i32
  }
  func.func @transform_1(%arg0: i32) -> (i32, i32) {
    %c0_i32 = arith.constant 0 : i32
    %c0_i32_0 = arith.constant 0 : i32
    return %arg0, %c0_i32 : i32, i32
  }
  func.func @transform_2(%arg0: i32) -> (i32, i32) {
    %c0_i32 = arith.constant 0 : i32
    %c0_i32_0 = arith.constant 0 : i32
    %c0_i32_1 = arith.constant 0 : i32
    return %c0_i32, %c0_i32_0 : i32, i32
  }
  func.func @transform_3(%arg0: i32) -> (i32, i32) {
    %c0_i32 = arith.constant 0 : i32
    %c0_i32_0 = arith.constant 0 : i32
    return %arg0, %c0_i32 : i32, i32
  }
  func.func @transform_4(%arg0: i32) -> (i32, i32) {
    %c0_i32 = arith.constant 0 : i32
    %c0_i32_0 = arith.constant 0 : i32
    return %arg0, %c0_i32 : i32, i32
  }
  func.func @transform_5(%arg0: i32) -> i32 {
    %c0_i32 = arith.constant 0 : i32
    return %arg0 : i32
  }
  func.func @transform_6(%arg0: i32) -> i32 {
    %c0_i32 = arith.constant 0 : i32
    return %arg0 : i32
  }
}

module attributes {stable_mosaic.version = 14 : i64} {
  func.func @_tc_mid_body(%arg0: i32, %arg1: memref<2x1024x128xf32, #tpu.memory_space<vmem>>, %arg2: memref<1024x128xf32, #tpu.memory_space<vmem>>, %arg3: memref<1024xf32, #tpu.memory_space<vmem>>, %arg4: memref<1024xf32, #tpu.memory_space<vmem>>, %arg5: memref<128xf32, #tpu.memory_space<vmem>>, %arg6: memref<128x128xf32, #tpu.memory_space<vmem>>, %arg7: memref<1024x128xf32, #tpu.memory_space<vmem>>, %arg8: memref<1024x128xf32, #tpu.memory_space<vmem>>) attributes {dimension_semantics = [#tpu.dimension_semantics<arbitrary>], iteration_bounds = array<i64: 10>, scalar_prefetch = 0 : i64, scratch_operands = 0 : i64, tpu.core_type = #tpu.core_type<tc>, window_params = [{transform_indices = @transform_0, window_bounds = array<i64: 2, 1024, 128>}, {transform_indices = @transform_1, window_bounds = array<i64: 1024, 128>}, {transform_indices = @transform_2, window_bounds = array<i64: 1024>}, {transform_indices = @transform_3, window_bounds = array<i64: 1024>}, {pipeline_mode = #tpu.pipeline_mode<synchronous>, transform_indices = @transform_4, window_bounds = array<i64: 128>}, {pipeline_mode = #tpu.pipeline_mode<synchronous>, transform_indices = @transform_5, window_bounds = array<i64: 128, 128>}, {transform_indices = @transform_6, window_bounds = array<i64: 1024, 128>}, {transform_indices = @transform_7, window_bounds = array<i64: 1024, 128>}]} {
    %get3A = arith.constant 0 : index
    %get3A_0 = arith.constant 0 : index
    %get3A_1 = arith.constant 0 : index
    %get3A_2 = vector.load %arg1[%get3A, %get3A_0, %get3A_1] : memref<2x1024x128xf32, #tpu.memory_space<vmem>>, vector<1x1024x128xf32>
    %get3A_3 = vector.shape_cast %get3A_2 : vector<1x1024x128xf32> to vector<1024x128xf32>
    %get3A_4 = arith.constant 1 : index
    %get3A_5 = arith.constant 0 : index
    %get3A_6 = arith.constant 0 : index
    %get3A_7 = vector.load %arg1[%get3A_4, %get3A_5, %get3A_6] : memref<2x1024x128xf32, #tpu.memory_space<vmem>>, vector<1x1024x128xf32>
    %get3A_8 = vector.shape_cast %get3A_7 : vector<1x1024x128xf32> to vector<1024x128xf32>
    %add3A = arith.addf %get3A_3, %get3A_8 : vector<1024x128xf32>
    %get3A_9 = arith.constant 0 : index
    %get3A_10 = vector.load %arg3[%get3A_9] : memref<1024xf32, #tpu.memory_space<vmem>>, vector<1024xf32>
    %broadcast_in_dim3A = vector.shape_cast %get3A_10 : vector<1024xf32> to vector<1024x1xf32>
    %mul3A = vector.broadcast %broadcast_in_dim3A : vector<1024x1xf32> to vector<1024x128xf32>
    %mul3A_11 = arith.mulf %add3A, %mul3A : vector<1024x128xf32>
    %get3A_12 = arith.constant 0 : index
    %get3A_13 = arith.constant 0 : index
    %get3A_14 = vector.load %arg2[%get3A_12, %get3A_13] : memref<1024x128xf32, #tpu.memory_space<vmem>>, vector<1024x128xf32>
    %get3A_15 = arith.constant 0 : index
    %get3A_16 = vector.load %arg4[%get3A_15] : memref<1024xf32, #tpu.memory_space<vmem>>, vector<1024xf32>
    %broadcast_in_dim3A_17 = vector.shape_cast %get3A_16 : vector<1024xf32> to vector<1024x1xf32>
    %mul3A_18 = vector.broadcast %broadcast_in_dim3A_17 : vector<1024x1xf32> to vector<1024x128xf32>
    %mul3A_19 = arith.mulf %get3A_14, %mul3A_18 : vector<1024x128xf32>
    %add3A_20 = arith.addf %mul3A_11, %mul3A_19 : vector<1024x128xf32>
    %get3A_21 = arith.constant 0 : index
    %get3A_22 = vector.load %arg5[%get3A_21] : memref<128xf32, #tpu.memory_space<vmem>>, vector<128xf32>
    %broadcast_in_dim3A_23 = vector.shape_cast %get3A_22 : vector<128xf32> to vector<1x128xf32>
    %add3A_24 = vector.broadcast %broadcast_in_dim3A_23 : vector<1x128xf32> to vector<1024x128xf32>
    %add3A_25 = arith.addf %add3A_20, %add3A_24 : vector<1024x128xf32>
    %max3A = arith.constant 0.000000e+00 : f32
    %max3A_26 = vector.broadcast %max3A : f32 to vector<1024x128xf32>
    %max3A_27 = arith.maximumf %add3A_25, %max3A_26 : vector<1024x128xf32>
    %get3A_28 = arith.constant 0 : index
    %get3A_29 = arith.constant 0 : index
    %get3A_30 = vector.load %arg6[%get3A_28, %get3A_29] : memref<128x128xf32, #tpu.memory_space<vmem>>, vector<128x128xf32>
    %dot_general3A = arith.constant dense<0.000000e+00> : vector<1024x128xf32>
    %dot_general3A_31 = tpu.matmul %max3A_27, %get3A_30, %dot_general3A {dimension_numbers = #tpu.dot_dimension_numbers<[1], [0], [0], [1], [0, 0, 1, 1], [], []>, transpose_lhs_hint = false} : vector<1024x128xf32>, vector<128x128xf32>, vector<1024x128xf32> -> vector<1024x128xf32>
    %swap3A = arith.constant 0 : index
    %swap3A_32 = arith.constant 0 : index
    %swap3A_33 = vector.load %arg7[%swap3A, %swap3A_32] : memref<1024x128xf32, #tpu.memory_space<vmem>>, vector<1024x128xf32>
    tpu.vector_store %arg7[%swap3A, %swap3A_32], %dot_general3A_31 {strides = array<i32>} : memref<1024x128xf32, #tpu.memory_space<vmem>>, vector<1024x128xf32>,
    %broadcast_in_dim3A_34 = vector.shape_cast %get3A_10 : vector<1024xf32> to vector<1024x1xf32>
    %mul3A_35 = vector.broadcast %broadcast_in_dim3A_34 : vector<1024x1xf32> to vector<1024x128xf32>
    %mul3A_36 = arith.mulf %dot_general3A_31, %mul3A_35 : vector<1024x128xf32>
    %swap3A_37 = arith.constant 0 : index
    %swap3A_38 = arith.constant 0 : index
    %swap3A_39 = vector.load %arg8[%swap3A_37, %swap3A_38] : memref<1024x128xf32, #tpu.memory_space<vmem>>, vector<1024x128xf32>
    tpu.vector_store %arg8[%swap3A_37, %swap3A_38], %mul3A_36 {strides = array<i32>} : memref<1024x128xf32, #tpu.memory_space<vmem>>, vector<1024x128xf32>,
    return
  }
  func.func @transform_0(%arg0: i32) -> (i32, i32, i32) {
    %c0_i32 = arith.constant 0 : i32
    %c0_i32_0 = arith.constant 0 : i32
    %c0_i32_1 = arith.constant 0 : i32
    return %c0_i32, %arg0, %c0_i32_0 : i32, i32, i32
  }
  func.func @transform_1(%arg0: i32) -> (i32, i32) {
    %c0_i32 = arith.constant 0 : i32
    %c0_i32_0 = arith.constant 0 : i32
    return %arg0, %c0_i32 : i32, i32
  }
  func.func @transform_2(%arg0: i32) -> i32 {
    %c0_i32 = arith.constant 0 : i32
    return %arg0 : i32
  }
  func.func @transform_3(%arg0: i32) -> i32 {
    %c0_i32 = arith.constant 0 : i32
    return %arg0 : i32
  }
  func.func @transform_4(%arg0: i32) -> i32 {
    %c0_i32 = arith.constant 0 : i32
    %c0_i32_0 = arith.constant 0 : i32
    return %c0_i32 : i32
  }
  func.func @transform_5(%arg0: i32) -> (i32, i32) {
    %c0_i32 = arith.constant 0 : i32
    %c0_i32_0 = arith.constant 0 : i32
    %c0_i32_1 = arith.constant 0 : i32
    return %c0_i32, %c0_i32_0 : i32, i32
  }
  func.func @transform_6(%arg0: i32) -> (i32, i32) {
    %c0_i32 = arith.constant 0 : i32
    %c0_i32_0 = arith.constant 0 : i32
    return %arg0, %c0_i32 : i32, i32
  }
  func.func @transform_7(%arg0: i32) -> (i32, i32) {
    %c0_i32 = arith.constant 0 : i32
    %c0_i32_0 = arith.constant 0 : i32
    return %arg0, %c0_i32 : i32, i32
  }
}

module attributes {stable_mosaic.version = 14 : i64} {
  func.func @_tc_post_body(%arg0: i32, %arg1: memref<2x1024x128xf32, #tpu.memory_space<vmem>>, %arg2: memref<1024x128xf32, #tpu.memory_space<vmem>>, %arg3: memref<1024xf32, #tpu.memory_space<vmem>>, %arg4: memref<1024xf32, #tpu.memory_space<vmem>>, %arg5: memref<128xf32, #tpu.memory_space<vmem>>, %arg6: memref<1024x128xf32, #tpu.memory_space<vmem>>) attributes {dimension_semantics = [#tpu.dimension_semantics<arbitrary>], iteration_bounds = array<i64: 10>, scalar_prefetch = 0 : i64, scratch_operands = 0 : i64, tpu.core_type = #tpu.core_type<tc>, window_params = [{transform_indices = @transform_0, window_bounds = array<i64: 2, 1024, 128>}, {transform_indices = @transform_1, window_bounds = array<i64: 1024, 128>}, {transform_indices = @transform_2, window_bounds = array<i64: 1024>}, {transform_indices = @transform_3, window_bounds = array<i64: 1024>}, {pipeline_mode = #tpu.pipeline_mode<synchronous>, transform_indices = @transform_4, window_bounds = array<i64: 128>}, {transform_indices = @transform_5, window_bounds = array<i64: 1024, 128>}]} {
    %get3A = arith.constant 0 : index
    %get3A_0 = arith.constant 0 : index
    %get3A_1 = arith.constant 0 : index
    %get3A_2 = vector.load %arg1[%get3A, %get3A_0, %get3A_1] : memref<2x1024x128xf32, #tpu.memory_space<vmem>>, vector<1x1024x128xf32>
    %get3A_3 = vector.shape_cast %get3A_2 : vector<1x1024x128xf32> to vector<1024x128xf32>
    %get3A_4 = arith.constant 1 : index
    %get3A_5 = arith.constant 0 : index
    %get3A_6 = arith.constant 0 : index
    %get3A_7 = vector.load %arg1[%get3A_4, %get3A_5, %get3A_6] : memref<2x1024x128xf32, #tpu.memory_space<vmem>>, vector<1x1024x128xf32>
    %get3A_8 = vector.shape_cast %get3A_7 : vector<1x1024x128xf32> to vector<1024x128xf32>
    %add3A = arith.addf %get3A_3, %get3A_8 : vector<1024x128xf32>
    %get3A_9 = arith.constant 0 : index
    %get3A_10 = vector.load %arg3[%get3A_9] : memref<1024xf32, #tpu.memory_space<vmem>>, vector<1024xf32>
    %broadcast_in_dim3A = vector.shape_cast %get3A_10 : vector<1024xf32> to vector<1024x1xf32>
    %mul3A = vector.broadcast %broadcast_in_dim3A : vector<1024x1xf32> to vector<1024x128xf32>
    %mul3A_11 = arith.mulf %add3A, %mul3A : vector<1024x128xf32>
    %get3A_12 = arith.constant 0 : index
    %get3A_13 = arith.constant 0 : index
    %get3A_14 = vector.load %arg2[%get3A_12, %get3A_13] : memref<1024x128xf32, #tpu.memory_space<vmem>>, vector<1024x128xf32>
    %get3A_15 = arith.constant 0 : index
    %get3A_16 = vector.load %arg4[%get3A_15] : memref<1024xf32, #tpu.memory_space<vmem>>, vector<1024xf32>
    %broadcast_in_dim3A_17 = vector.shape_cast %get3A_16 : vector<1024xf32> to vector<1024x1xf32>
    %mul3A_18 = vector.broadcast %broadcast_in_dim3A_17 : vector<1024x1xf32> to vector<1024x128xf32>
    %mul3A_19 = arith.mulf %get3A_14, %mul3A_18 : vector<1024x128xf32>
    %add3A_20 = arith.addf %mul3A_11, %mul3A_19 : vector<1024x128xf32>
    %get3A_21 = arith.constant 0 : index
    %get3A_22 = vector.load %arg5[%get3A_21] : memref<128xf32, #tpu.memory_space<vmem>>, vector<128xf32>
    %broadcast_in_dim3A_23 = vector.shape_cast %get3A_22 : vector<128xf32> to vector<1x128xf32>
    %add3A_24 = vector.broadcast %broadcast_in_dim3A_23 : vector<1x128xf32> to vector<1024x128xf32>
    %add3A_25 = arith.addf %add3A_20, %add3A_24 : vector<1024x128xf32>
    %swap3A = arith.constant 0 : index
    %swap3A_26 = arith.constant 0 : index
    %swap3A_27 = vector.load %arg6[%swap3A, %swap3A_26] : memref<1024x128xf32, #tpu.memory_space<vmem>>, vector<1024x128xf32>
    tpu.vector_store %arg6[%swap3A, %swap3A_26], %add3A_25 {strides = array<i32>} : memref<1024x128xf32, #tpu.memory_space<vmem>>, vector<1024x128xf32>,
    return
  }
  func.func @transform_0(%arg0: i32) -> (i32, i32, i32) {
    %c0_i32 = arith.constant 0 : i32
    %c0_i32_0 = arith.constant 0 : i32
    %c0_i32_1 = arith.constant 0 : i32
    return %c0_i32, %arg0, %c0_i32_0 : i32, i32, i32
  }
  func.func @transform_1(%arg0: i32) -> (i32, i32) {
    %c0_i32 = arith.constant 0 : i32
    %c0_i32_0 = arith.constant 0 : i32
    return %arg0, %c0_i32 : i32, i32
  }
  func.func @transform_2(%arg0: i32) -> i32 {
    %c0_i32 = arith.constant 0 : i32
    return %arg0 : i32
  }
  func.func @transform_3(%arg0: i32) -> i32 {
    %c0_i32 = arith.constant 0 : i32
    return %arg0 : i32
  }
  func.func @transform_4(%arg0: i32) -> i32 {
    %c0_i32 = arith.constant 0 : i32
    %c0_i32_0 = arith.constant 0 : i32
    return %c0_i32 : i32
  }
  func.func @transform_5(%arg0: i32) -> (i32, i32) {
    %c0_i32 = arith.constant 0 : i32
    %c0_i32_0 = arith.constant 0 : i32
    return %arg0, %c0_i32 : i32, i32
  }
}

</mosaic_0001>

<sc_bundles>
// kernel: kernel.11.cloned.1.call-start
scs
__scs_entry_jumppad:
0x0: {  	(pc) =	sbr.rel $0x88, $3  }
0x1: {  	(tag) =	ssettag $0x0;
	lr =	simm.s32 $0x1  }
0x2: {  	[smem:$0x3F9B] =	sst lr;
	_ =	strace $0xD0000000  }
0x3: {  	_ = 	snop  }
0x4: {  	_ = 	snop  }
0x5: {  	_ = 	snop  }
0x6: {  	_ = 	snop  }
0x7: {  	_ = 	snop  }
__scs_overlays_trampoline_lowered:
0x8: {  	[smem:$0x3FAA] =	sst s0  }
0x9: {  	[smem:$0x3FAB] =	sst s1  }
0xa: {  	[smem:$0x3FAC] =	sst s2  }
0xb: {  	[smem:$0x3FAD] =	sst s3  }
0xc: {  	[smem:$0x3FAE] =	sst s4  }
0xd: {  	[smem:$0x3FAF] =	sst s5  }
0xe: {  	[smem:$0x3FB0] =	sst s6  }
0xf: {  	[smem:$0x3FB1] =	sst s7  }
0x10: {  	[smem:$0x3FB2] =	sst s8  }
0x11: {  	[smem:$0x3FB3] =	sst s9;
	s0 =	simm.s32 @!p0 $0x0  }
0x12: {  	s1 =	sld [smem:$0x3F99];
	s0 =	simm.s32 @p0 $0x1  }
0x13: {  	[smem:$0x3FB4] =	sst s0;
	s0 =	simm.s32 @!p1 $0x0  }
0x14: {  	s2 =	sld [smem:$0x3F98];
	s0 =	simm.s32 @p1 $0x1  }
0x15: {  	[smem:$0x3FB5] =	sst s0;
	s0 =	simm.s32 @!p2 $0x0  }
0x16: {  	s3 =	sld [smem:$0x3FDB];
	s0 =	simm.s32 @p2 $0x1  }
0x17: {  	s4 =	simm.s32 $0x1BF5;
	[smem:$0x3FB7] =	sst s0  }
0x18: {  	s0 =	sld [smem:$0x3F9A];
	_ =	swait.ge [sflag:s4], $0x0  }
0x19: {  	s7 =	sld [smem:$0x3F9B]  }
0x1a: {  	s8 =	sadd.s32 $0xFFFFE003, lr  }
0x1b: {  	s9 =	sadd.s32 $0xFFFFFEF7, lr;
	s5 =	simm.s32 $0xFFFFFFFF;
	p2 =	slt.u32 s8, $0xFFFFF086  }
0x1c: {  	p1 =	slt.u32 s9, $0xF7A;
	s5 =	simm.s32 @!p2 $0x0  }
0x1d: {  	s5 =	simm.s32 @p1 $0x1;
	p0 =	seq.s32 s7, s2  }
0x1e: {  	s7 =	smul.u32 @!p0 $0xF7A, s2;
	p2 =	seq.s32 @!p0 s5, $0x0  }
0x1f: {  	s9 =	smul.u32 $0xF7A, s1;
	s8 =	simm.s32 @!p0 $0x1BF5;
	p2 =	por !p2, p0  }
0x20: {  	[sflag:s8] =	ssyncset.s32 @!p0 $0xFFFFF086;
	s6 =	sadd.s32 @!p0 s3, s7;
	s7 =	simm.s32 @!p0 $0x108  }
0x21: {  	s3 =	sadd.s32 s3, s9;
	s6 =	sadd.s32 @!p0 $0x88, s6;
	s7 =	simm.s32 @p2 $0x1082  }
0x22: {  	[simem:s7], [sflag:s8] =	dma.local @!p0 [hbm:s6], $0xF7A  }
0x23: {  	s9 =	sor.u32 $0xD0000000, s2;
	s6 =	simm.s32 $0x108;
	_ =	swait.ge @!p0 [sflag:s8], $0x0  }
0x24: {  	s3 =	sadd.s32 $0x88, s3;
	s6 =	simm.s32 @!p1 $0x1082;
	[sflag:s4] =	ssyncset.s32 $0xFFFFF086  }
0x25: {  	[simem:s6], [sflag:s4] =	dma.local [hbm:s3], $0xF7A  }
0x26: {  	[smem:$0x3F9B] =	sst s1;
	(tag) =	ssettag s2;
	_ =	strace s9  }
0x27: {  	s1 =	sld [smem:$0x3FAB]  }
0x28: {  	s2 =	sld [smem:$0x3FAC]  }
0x29: {  	s4 =	sld [smem:$0x3FAE]  }
0x2a: {  	p0 =	seq.s32 s5, $0x0;
	s5 =	sld [smem:$0x3FAF]  }
0x2b: {  	s6 =	sld [smem:$0x3FB0]  }
0x2c: {  	s7 =	sld [smem:$0x3FB1]  }
0x2d: {  	s3 =	simm.s32 $0x108;
	s8 =	sld [smem:$0x3FB2]  }
0x2e: {  	s3 =	simm.s32 @!p0 $0x1082;
	s9 =	sld [smem:$0x3FB3]  }
0x2f: {  	lr =	sadd.s32 s0, s3;
	s0 =	sld [smem:$0x3FAA]  }
0x30: {  	s3 =	sld [smem:$0x3FAD]  }
0x31: {  	[smem:$0x3FB6] =	sst s10  }
0x32: {  	s10 =	sld [smem:$0x3FB4];
	_ =	sdelay $0x3  }
0x33: {  	p0 =	seq.s32 s10, $0x1;
	s10 =	sld [smem:$0x3FB6];
	_ =	sdelay $0x3  }
0x34: {  	[smem:$0x3FB6] =	sst s10  }
0x35: {  	s10 =	sld [smem:$0x3FB5];
	_ =	sdelay $0x3  }
0x36: {  	p1 =	seq.s32 s10, $0x1;
	s10 =	sld [smem:$0x3FB6];
	_ =	sdelay $0x3  }
0x37: {  	[smem:$0x3FB6] =	sst s10  }
0x38: {  	s10 =	sld [smem:$0x3FB7]  }
0x39: {  	_ = 	snop;
	(pc) =	sbr.ind lr, $3  }
0x3a: {  	_ = 	snop  }
0x3b: {  	_ = 	snop  }
0x3c: {  	p2 =	seq.s32 s10, $0x1;
	s10 =	sld [smem:$0x3FB6]  }
0x3d: {  	_ =	shalt  }
0x3e: {  	_ =	shalt  }
0x3f: {  	_ =	shalt  }
0x40: {  	_ =	shalt  }
0x41: {  	_ =	shalt  }
0x42: {  	_ =	shalt  }
0x43: {  	_ =	shalt  }
0x44: {  	_ =	shalt  }
0x45: {  	_ =	shalt  }
0x46: {  	_ =	shalt  }
0x47: {  	_ =	shalt  }
0x48: {  	_ =	shalt  }
0x49: {  	_ =	shalt  }
0x4a: {  	_ =	shalt  }
0x4b: {  	_ =	shalt  }
0x4c: {  	_ =	shalt  }
0x4d: {  	_ =	shalt  }
0x4e: {  	_ =	shalt  }
0x4f: {  	_ =	shalt  }
0x50: {  	_ =	shalt  }
0x51: {  	_ =	shalt  }
0x52: {  	_ =	shalt  }
0x53: {  	_ =	shalt  }
0x54: {  	_ =	shalt  }
0x55: {  	_ =	shalt  }
0x56: {  	_ =	shalt  }
0x57: {  	_ =	shalt  }
0x58: {  	_ =	shalt  }
0x59: {  	_ =	shalt  }
0x5a: {  	_ =	shalt  }
0x5b: {  	_ =	shalt  }
0x5c: {  	_ =	shalt  }
0x5d: {  	_ =	shalt  }
0x5e: {  	_ =	shalt  }
0x5f: {  	_ =	shalt  }
0x60: {  	_ =	shalt  }
0x61: {  	_ =	shalt  }
0x62: {  	_ =	shalt  }
0x63: {  	_ =	shalt  }
0x64: {  	_ =	shalt  }
0x65: {  	_ =	shalt  }
0x66: {  	_ =	shalt  }
0x67: {  	_ =	shalt  }
0x68: {  	_ =	shalt  }
0x69: {  	_ =	shalt  }
0x6a: {  	_ =	shalt  }
0x6b: {  	_ =	shalt  }
0x6c: {  	_ =	shalt  }
0x6d: {  	_ =	shalt  }
0x6e: {  	_ =	shalt  }
0x6f: {  	_ =	shalt  }
0x70: {  	_ =	shalt  }
0x71: {  	_ =	shalt  }
0x72: {  	_ =	shalt  }
0x73: {  	_ =	shalt  }
0x74: {  	_ =	shalt  }
0x75: {  	_ =	shalt  }
0x76: {  	_ =	shalt  }
0x77: {  	_ =	shalt  }
0x78: {  	_ =	shalt  }
0x79: {  	_ =	shalt  }
0x7a: {  	_ =	shalt  }
0x7b: {  	_ =	shalt  }
0x7c: {  	_ =	shalt  }
0x7d: {  	_ =	shalt  }
0x7e: {  	_ =	shalt  }
0x7f: {  	_ =	shalt  }
0x80: {  	_ =	shalt  }
0x81: {  	_ =	shalt  }
0x82: {  	_ =	shalt  }
0x83: {  	_ =	shalt  }
0x84: {  	_ =	shalt  }
0x85: {  	_ =	shalt  }
0x86: {  	_ =	shalt  }
0x87: {  	_ =	shalt  }
.Lfunc_end0:
.L_simem_size_0:
called_computation.1_lowered:
.L_overlay_start_0:
0x88: {  	s2 =	sld [smem:$0x3FD9]  }
0x89: {  	s3 =	sld [smem:$0x3FFE];
	_ =	sdelay $0x1  }
0x8a: {  	s1 =	srdreg.scid  }
0x8b: {  	s0 =	sand.u32 $0x1, s1  }
0x8c: {  	s17 =	sshll.u32 s0, $0xA;
	s2 =	sadd.s32 s3, s2  }
0x8d: {  	s2 =	sadd.s32 s2, s17  }
0x8e: {  	[smem:$0x3FC2] =	sst s2  }
0x8f: {  	_ = 	snop  }
0x90: {  	s2 =	sld [smem:$0x3FD0];
	(tm) =	ssettm $0x1  }
0x91: {  	s18 =	sld [smem:$0x3FFB];
	_ =	sdelay $0x3  }
0x92: {  	_ =	strace s18  }
0x93: {  	s3 =	sld [smem:$0x3FFC];
	_ =	sdelay $0x3  }
0x94: {  	_ =	strace s3  }
0x95: {  	s3 =	sld [smem:$0x3FFD];
	_ =	sdelay $0x3  }
0x96: {  	_ =	strace s3  }
0x97: {  	_ =	strace $0x8FFFFFFF  }
0x98: {  	s19 =	sld [smem:$0x3FDB];
	_ =	sdelay $0x1  }
0x99: {  	s4 =	simm.s32 $_scs_section_size  }
0x9a: {  	s5 =	simm.s32 $_size__tile_overlayer_lowered;
	s6 =	simm.s32 $_tile_overlayer_lowered  }
0x9b: {  	s22 =	simm.s32 $0x1BFF;
	s21 =	sshll.u32 s6, $0x1;
	s3 =	sadd.s32 s4, s19  }
0x9c: {  	s7 =	simm.s32 $0x0;
	s20 =	sshll.u32 s5, $0x1;
	s5 =	sadd.s32 s21, s3  }
0x9d: {  	[timem:s7], [sflag:s22] =	dma.local [hbm:s5], s20  }
0x9e: {  	_ =	swait.ge [sflag:s22], s20  }
0x9f: {  	s4 =	ssub.s32 $0x0, s20;
	[sflag:s22] =	ssyncset.done $0x0  }
0xa0: {  	[sflag:s22] =	ssyncadd.s32 s4;
	_ =	sdelay $0x1  }
0xa1: {  	s23 =	simm.s32 $0x1B8B  }
0xa2: {  	_ =	swait.ge [sflag:s23], $0x1  }
0xa3: {  	[sflag:s23] =	ssyncset.done $0x0  }
0xa4: {  	s25 =	simm.s32 $0x1B8E;
	s24 =	sld [smem:$0x3FFE];
	[sflag:s23] =	ssyncadd.s32 $0xFFFFFFFF  }
0xa5: {  	s26 =	simm.s32 $execute0_lowered;
	[smem:$0x3FD2] =	sst s25  }
0xa6: {  	s5 =	sshll.u32 s26, $0x1;
	_ =	strace $0x80000049;
	[dreg:$0x1] =	wrdreg $0xFFFFFFFF  }
0xa7: {  	s28 =	simm.s32 $_size_execute0_lowered;
	s3 =	sadd.s32 s3, s5;
	[dreg:$0x0] =	wrdreg $0x0  }
0xa8: {  	s5 =	sshll.u32 s28, $0x1;
	[dreg:$0x2] =	wrdreg s3  }
0xa9: {  	[dreg:$0x3] =	wrdreg s5  }
0xaa: {  	[dreg:$0x4] =	wrdreg $0xC0  }
0xab: {  	_ =	task [dreg:s7], $0x5FFFF  }
0xac: {  	[dreg:$0x1] =	wrdreg $0xFFFFFFFF  }
0xad: {  	[dreg:$0x0] =	wrdreg $0x60  }
0xae: {  	[dreg:$0x2] =	wrdreg s24  }
0xaf: {  	[dreg:$0x3] =	wrdreg s2  }
0xb0: {  	[dreg:$0x4] =	wrdreg $0x84000  }
0xb1: {  	[dreg:$0x5] =	wrdreg $0x9  }
0xb2: {  	_ =	task.clear_ibuf [dreg:s7], $0x6FFFF;
	_ =	strace $0x90000049  }
0xb3: {  	s29 =	simm.s32 $0x9;
	_ =	strace $0x8000004B  }
0xb4: {  	_ =	swait.ge [sflag:s29], $0x1  }
0xb5: {  	[sflag:s29] =	ssyncadd.s32 $0xFFFFFFFF  }
0xb6: {  	_ =	strace $0x9000004B  }
0xb7: {  	_ =	sfence  }
0xb8: {  	s30 =	sld [smem:$0x0];
	_ =	sdelay $0x2  }
0xb9: {  	s31 =	sshll.u32 s1, $0xD;
	s1 =	sshrl.u32 s1, $0x2  }
0xba: {  	s3 =	sand.u32 $0x4000, s31;
	s1 =	sadd.s32 s1, s30  }
0xbb: {  	s0 =	sor.u32 s3, s0;
	s1 =	sshll.u32 s1, $0x11  }
0xbc: {  	s0 =	sor.u32 s1, s0  }
0xbd: {  	s0 =	sadd.s32 $0x8F2B, s0  }
0xbe: {  	[sflag:s0] =	ssyncadd.remote.s32 $0x1  }
0xbf: {  	_ =	sfence.sel $0xFFFF  }
0xc0: {  	[dreg:$0x0] =	wrdreg $0xFFFFFFFF;
	(pc) =	sbr.abs _section_cstart, $3  }
0xc1: {  	[dreg:$0x1] =	wrdreg $0xFFFFFFFF  }
0xc2: {  	_ =	task.clear_ibuf [dreg:s7], $0x2FFFF;
	_ =	strace $0x9FFFFFFF  }
0xc3: {  	(tm) =	ssettm $0x7FFFFFFF  }
tec
execute0_lowered:
.L_overlay_start_1:
0x0: {  	(tag) =	ssettag $0x1  }
0x1: {  	s0 =	rddreg [dreg:$0x0]  }
0x2: {  	s2 =	rddreg [dreg:$0x1]  }
0x3: {  	s1 =	rddreg [dreg:$0x2];
	s3 =	simm.s32 $0x0;
	s4 =	srdreg.scid  }
0x4: {  	s19 =	stileid.u32;
	s28 =	simm.s32 $0x80;
	s29 =	simm.s32 $0x4400  }
0x5: {  	s30 =	simm.s32 $0x1;
	s31 =	simm.s32 $0x3;
	s6 =	smul.u32 $0x50000, s19  }
0x6: {  	[smem:$0x7FF] =	sst s3;
	s11 =	sand.u32 $0x1, s4;
	s10 =	smul.u32 $0x14000, s19  }
0x7: {  	s4 =	sadd.s32 $0x2000, s0;
	s22 =	sshll.u32 s19, $0x1;
	s19 =	smul.u32 $0xA800, s19  }
0x8: {  	s0 =	sadd.s32 $0x2A000, s0;
	_ =	strace $0x8000004A;
	s16 =	smul.u32 $0x140000, s11  }
0x9: {  	s5 =	ssub.s32 $0x2, s11;
	s23 =	sor.u32 s11, s22;
	s11 =	smul.u32 $0x5400, s11  }
0xa: {  	s7 =	sshrl.u32 s5, $0x1;
	s24 =	sshrl.u32 s6, $0x2;
	s13 =	sadd.s32 $0x4000, s10  }
0xb: {  	s9 =	smul.u32 $0x5400, s23;
	s14 =	sadd.s32 $0x8000, s10;
	s15 =	sadd.s32 $0xC000, s10  }
0xc: {  	s17 =	sadd.s32 $0x10000, s10;
	s12 =	ssub.s32 s5, s7;
	s5 =	sadd.s32 s24, s1  }
0xd: {  	s6 =	sadd.s32 s13, s1;
	s7 =	sadd.s32 s14, s1;
	s8 =	sadd.s32 s15, s1  }
0xe: {  	s18 =	sadd.s32 s10, s16;
	s10 =	sadd.s32 s17, s1;
	s13 =	sadd.s32 s16, s13  }
0xf: {  	s14 =	sadd.s32 s16, s14;
	s21 =	sadd.s32 s16, s15;
	s22 =	sadd.s32 s16, s17  }
0x10: {  	s11 =	sadd.s32 s11, s19;
	s9 =	sshrl.u32 s9, $0x3;
	s18 =	sshrl.u32 s18, $0x3  }
0x11: {  	s13 =	sshrl.u32 s13, $0x3;
	s14 =	sshrl.u32 s14, $0x3;
	s23 =	sshrl.u32 s22, $0x3  }
0x12: {  	s24 =	sadd.s32 $0x500, s11;
	s11 =	sadd.s32 $0x400, s11;
	s18 =	sadd.s32 s0, s18  }
0x13: {  	s9 =	sadd.s32 s2, s9;
	s13 =	sadd.s32 s0, s13;
	[dreg:$0x7] =	wrdreg s18  }
0x14: {  	s19 =	smax.u32 s12, $0x1;
	s20 =	sadd.s32 $0x20, s9;
	[dreg:$0x8] =	wrdreg s13  }
0x15: {  	s22 =	simm.s32 $0x400;
	s25 =	sadd.s32 $0x40, s9;
	[dreg:$0x4] =	wrdreg s20  }
0x16: {  	s26 =	sadd.s32 $0x60, s9;
	s13 =	sshrl.u32 s21, $0x3;
	[dreg:$0x5] =	wrdreg s25  }
0x17: {  	[dreg:$0x6] =	wrdreg s26;
	s20 =	sadd.s32 s0, s14;
	s13 =	sadd.s32 s0, s13  }
0x18: {  	s0 =	sadd.s32 s0, s23;
	s25 =	sshrl.u32 s24, $0x3;
	[dreg:$0x9] =	wrdreg s20  }
0x19: {  	s26 =	sshrl.u32 s11, $0x3;
	s23 =	simm.s32 $0x7;
	[dreg:$0xa] =	wrdreg s13  }
0x1a: {  	s24 =	simm.s32 $0x100;
	s11 =	simm.s32 $0x0;
	[dreg:$0xb] =	wrdreg s0  }
0x1b: {  	s14 =	sadd.s32 s25, s2;
	s15 =	sadd.s32 s26, s2;
	s0 =	simm.s32 $0x5  }
0x1c: {  	v0 =	vimm.f32 $0.0e+00;
	s2 =	simm.s32 $0x2;
	s25 =	simm.s32 $0x4;
	s26 =	simm.s32 $0x6  }
.LBB2_1:
0x1d: {  	s12 =	simm.s32 $0x0;
	s13 =	simm.s32 $0x200  }
.LBB2_2:
0x1e: {  	p0 =	sne.s32 s13, $0xFE00;
	[tilespmem:s12+$0x470] =	vst v0  }
0x1f: {  	[tilespmem:s12+$0x400] =	vst v0  }
0x20: {  	[tilespmem:s12+$0x410] =	vst v0  }
.Ltmp0:
0x21: {  	[tilespmem:s12+$0x420] =	vst v0;
	(pc) =	sbr.rel @p0 .LBB2_2-.Ltmp0, $4  }
0x22: {  	[tilespmem:s12+$0x430] =	vst v0  }
0x23: {  	[tilespmem:s12+$0x440] =	vst v0  }
0x24: {  	[tilespmem:s12+$0x450] =	vst v0  }
0x25: {  	[tilespmem:s12+$0x460] =	vst v0;
	s12 =	sshra.s32 s13, $0x2;
	s13 =	sadd.s32 $0x200, s13  }
0x26: {  	[tilespmem:s12+$0x470] =	vst v0  }
0x27: {  	[tilespmem:s12+$0x400] =	vst v0  }
0x28: {  	[tilespmem:s12+$0x410] =	vst v0  }
0x29: {  	[tilespmem:s12+$0x420] =	vst v0  }
0x2a: {  	[tilespmem:s12+$0x430] =	vst v0  }
0x2b: {  	[tilespmem:s12+$0x440] =	vst v0  }
0x2c: {  	[tilespmem:s12+$0x450] =	vst v0  }
0x2d: {  	[tilespmem:s12+$0x460] =	vst v0  }
0x2e: {  	[spmem:s5] =	stream.linear.scatter [tilespmem:s22], [sflag:$0x7], $0x4000, $0x38;
	[tilespmem:$0x1C400] =	vst v63  }
0x2f: {  	_ =	swait.ge [sflag:s23], $0x4000  }
0x30: {  	[sflag:s23] =	ssyncset.done $0x0  }
0x31: {  	[sflag:s23] =	ssyncadd.s32 $0xFFFFC000  }
0x32: {  	[spmem:s6] =	stream.linear.scatter [tilespmem:s22], [sflag:$0x7], $0x4000, $0x38;
	[tilespmem:$0x1C400] =	vst v63  }
0x33: {  	_ =	swait.ge [sflag:s23], $0x4000  }
0x34: {  	[sflag:s23] =	ssyncset.done $0x0  }
0x35: {  	[sflag:s23] =	ssyncadd.s32 $0xFFFFC000  }
0x36: {  	[spmem:s7] =	stream.linear.scatter [tilespmem:s22], [sflag:$0x7], $0x4000, $0x38;
	[tilespmem:$0x1C400] =	vst v63  }
0x37: {  	_ =	swait.ge [sflag:s23], $0x4000  }
0x38: {  	[sflag:s23] =	ssyncset.done $0x0  }
0x39: {  	[sflag:s23] =	ssyncadd.s32 $0xFFFFC000  }
0x3a: {  	[spmem:s8] =	stream.linear.scatter [tilespmem:s22], [sflag:$0x7], $0x4000, $0x38;
	[tilespmem:$0x1C400] =	vst v63  }
0x3b: {  	_ =	swait.ge [sflag:s23], $0x4000  }
0x3c: {  	[sflag:s23] =	ssyncset.done $0x0  }
0x3d: {  	[sflag:s23] =	ssyncadd.s32 $0xFFFFC000  }
0x3e: {  	[spmem:s10] =	stream.linear.scatter [tilespmem:s22], [sflag:$0x7], $0x4000, $0x38;
	[tilespmem:$0x1C400] =	vst v63  }
0x3f: {  	_ =	swait.ge [sflag:s23], $0x4000  }
0x40: {  	[sflag:s23] =	ssyncset.done $0x0  }
0x41: {  	[sflag:s23] =	ssyncadd.s32 $0xFFFFC000  }
0x42: {  	s17 =	simm.s32 $0x0;
	[bflag:$0x0] =	sbarrier.arrive $0xFFFF  }
0x43: {  	[tilespmem:s17], [sflag:$0x7] =	stream.linear.gather [hbm4b:s9+s17], $0x100, $0x38;
	[tilespmem:$0x1C400] =	vst v63  }
0x44: {  	_ =	swait.ge [sflag:s23], $0x100  }
0x45: {  	[sflag:s23] =	ssyncset.done $0x0  }
0x46: {  	s13 =	rddreg [dreg:$0x4];
	[sflag:s23] =	ssyncadd.s32 $0xFFFFFF00  }
0x47: {  	[tilespmem:s24], [sflag:$0x7] =	stream.linear.gather [hbm4b:s13+s17], $0x100, $0x38;
	[tilespmem:$0x1C400] =	vst v63  }
0x48: {  	_ =	swait.ge [sflag:s23], $0x100  }
0x49: {  	[sflag:s23] =	ssyncset.done $0x0  }
0x4a: {  	s16 =	simm.s32 $0x200;
	s18 =	rddreg [dreg:$0x5];
	[sflag:s23] =	ssyncadd.s32 $0xFFFFFF00  }
0x4b: {  	[tilespmem:s16], [sflag:$0x3] =	stream.linear.gather [hbm4b:s18+s17], $0x100, $0x38;
	[tilespmem:$0x1C400] =	vst v63  }
0x4c: {  	s21 =	simm.s32 $0x300;
	s20 =	rddreg [dreg:$0x6]  }
0x4d: {  	[tilespmem:s21], [sflag:$0x4] =	stream.linear.gather [hbm4b:s20+s17], $0x100, $0x38;
	[tilespmem:$0x1C400] =	vst v63  }
0x4e: {  	_ = 	snop  }
0x4f: {  	[tilespmem:s22], [sflag:$0x1] =	stream.indirect.gather [hbm4b:s4+s28], $0x80, s17, s28, $0xb8;
	[tilespmem:$0x1C400] =	vst v63  }
0x50: {  	_ = 	snop  }
0x51: {  	[tilespmem:s29], [sflag:$0x2] =	stream.indirect.gather [hbm4b:s4+s28], $0x80, s24, s28, $0xb8;
	[tilespmem:$0x1C400] =	vst v63  }
0x52: {  	_ =	swait.ge [sflag:s30], $0x4000  }
0x53: {  	s12 =	sand.u32 $0x200, s17;
	[sflag:s30] =	ssyncset.done $0x0  }
0x54: {  	s17 =	sor.u32 $0x80, s12;
	[sflag:s30] =	ssyncadd.s32 $0xFFFFC000  }
0x55: {  	[spmem:s1] =	stream.indirect.scatter.add.f32 [tilespmem:s22], [sflag:$0x5], $0x80, s17, s28, $0xb8;
	[tilespmem:$0x1C400] =	vst v63  }
0x56: {  	_ =	swait.ge [sflag:s31], $0x100  }
0x57: {  	[sflag:s31] =	ssyncset.done $0x0  }
0x58: {  	[sflag:s31] =	ssyncadd.s32 $0xFFFFFF00  }
0x59: {  	s18 =	simm.s32 $0x0;
	_ =	swait.ge [sflag:s0], $0x4000  }
0x5a: {  	s13 =	sxor.u32 $0xFFFFFFFF, s18;
	[sflag:s0] =	ssyncset.done $0x0  }
0x5b: {  	s13 =	sand.u32 $0x800, s13;
	[sflag:s0] =	ssyncadd.s32 $0xFFFFC000  }
0x5c: {  	[tilespmem:s12], [sflag:$0x3] =	stream.linear.gather [hbm4b:s15+s3], $0x100, $0x38;
	[tilespmem:$0x1C400] =	vst v63  }
0x5d: {  	s13 =	sshrl.u32 s13, $0x2  }
0x5e: {  	[tilespmem:s22], [sflag:$0x1] =	stream.indirect.gather [hbm4b:s4+s28], $0x80, s13, s28, $0xb8;
	[tilespmem:$0x1C400] =	vst v63  }
0x5f: {  	_ =	swait.ge [sflag:s2], $0x4000  }
0x60: {  	[sflag:s2] =	ssyncset.done $0x0  }
0x61: {  	s20 =	sor.u32 $0x180, s12;
	[sflag:s2] =	ssyncadd.s32 $0xFFFFC000  }
0x62: {  	[spmem:s1] =	stream.indirect.scatter.add.f32 [tilespmem:s29], [sflag:$0x6], $0x80, s20, s28, $0xb8;
	[tilespmem:$0x1C400] =	vst v63  }
0x63: {  	_ =	swait.ge [sflag:s25], $0x100  }
0x64: {  	[sflag:s25] =	ssyncset.done $0x0  }
0x65: {  	[sflag:s25] =	ssyncadd.s32 $0xFFFFFF00  }
0x66: {  	s21 =	simm.s32 $0xC00;
	_ =	swait.ge [sflag:s26], $0x4000  }
0x67: {  	s16 =	sand.u32 $0xC00, s21;
	[sflag:s26] =	ssyncset.done $0x0  }
0x68: {  	s21 =	smov.u32 s15;
	s12 =	sor.u32 $0x100, s12;
	[sflag:s26] =	ssyncadd.s32 $0xFFFFC000  }
0x69: {  	[tilespmem:s12], [sflag:$0x4] =	stream.linear.gather [hbm4b:s14+s3], $0x100, $0x38;
	[tilespmem:$0x1C400] =	vst v63  }
0x6a: {  	s13 =	simm.s32 $0x200;
	s20 =	smov.u32 s14;
	s12 =	simm.s32 $0x1400  }
.LBB2_4:
0x6b: {  	s16 =	sshrl.u32 s16, $0x2  }
0x6c: {  	s20 =	sadd.s32 $0x40, s20;
	s21 =	sadd.s32 $0x40, s21;
	s17 =	smov.u32 s12  }
0x6d: {  	[tilespmem:s29], [sflag:$0x2] =	stream.indirect.gather [hbm4b:s4+s28], $0x80, s16, s28, $0xb8;
	[tilespmem:$0x1C400] =	vst v63  }
0x6e: {  	p0 =	sne.s32 s12, $0x14400;
	s16 =	sand.u32 $0x200, s13;
	_ =	swait.ge [sflag:s30], $0x4000  }
0x6f: {  	s12 =	sadd.s32 $0x800, s12;
	s18 =	sor.u32 $0x80, s16;
	[sflag:s30] =	ssyncset.done $0x0  }
0x70: {  	[sflag:s30] =	ssyncadd.s32 $0xFFFFC000  }
0x71: {  	[spmem:s1] =	stream.indirect.scatter.add.f32 [tilespmem:s22], [sflag:$0x5], $0x80, s18, s28, $0xb8;
	[tilespmem:$0x1C400] =	vst v63  }
0x72: {  	_ =	swait.ge [sflag:s31], $0x100  }
0x73: {  	[sflag:s31] =	ssyncset.done $0x0  }
0x74: {  	[sflag:s31] =	ssyncadd.s32 $0xFFFFFF00  }
0x75: {  	s18 =	sadd.s32 $0xFFFFF400, s17;
	_ =	swait.ge [sflag:s0], $0x4000  }
0x76: {  	s18 =	sxor.u32 $0xFFFFFFFF, s18;
	[sflag:s0] =	ssyncset.done $0x0  }
0x77: {  	s18 =	sand.u32 $0x800, s18;
	[sflag:s0] =	ssyncadd.s32 $0xFFFFC000  }
0x78: {  	[tilespmem:s16], [sflag:$0x3] =	stream.linear.gather [hbm4b:s21+s3], $0x100, $0x38;
	[tilespmem:$0x1C400] =	vst v63  }
0x79: {  	s18 =	sshrl.u32 s18, $0x2  }
0x7a: {  	[tilespmem:s22], [sflag:$0x1] =	stream.indirect.gather [hbm4b:s4+s28], $0x80, s18, s28, $0xb8;
	[tilespmem:$0x1C400] =	vst v63  }
0x7b: {  	_ =	swait.ge [sflag:s2], $0x4000  }
0x7c: {  	s18 =	sor.u32 $0x180, s16;
	[sflag:s2] =	ssyncset.done $0x0  }
0x7d: {  	[sflag:s2] =	ssyncadd.s32 $0xFFFFC000  }
0x7e: {  	[spmem:s1] =	stream.indirect.scatter.add.f32 [tilespmem:s29], [sflag:$0x6], $0x80, s18, s28, $0xb8;
	[tilespmem:$0x1C400] =	vst v63  }
0x7f: {  	_ =	swait.ge [sflag:s25], $0x100  }
0x80: {  	[sflag:s25] =	ssyncset.done $0x0  }
.Ltmp1:
0x81: {  	[sflag:s25] =	ssyncadd.s32 $0xFFFFFF00;
	(pc) =	sbr.rel @p0 .LBB2_4-.Ltmp1, $4  }
0x82: {  	_ =	swait.ge [sflag:s26], $0x4000  }
0x83: {  	s18 =	sor.u32 $0x100, s16;
	[sflag:s26] =	ssyncset.done $0x0  }
0x84: {  	s13 =	sadd.s32 $0x200, s13;
	s16 =	sand.u32 $0xC00, s17;
	[sflag:s26] =	ssyncadd.s32 $0xFFFFC000  }
0x85: {  	[tilespmem:s18], [sflag:$0x4] =	stream.linear.gather [hbm4b:s20+s3], $0x100, $0x38;
	[tilespmem:$0x1C400] =	vst v63  }
0x86: {  	s12 =	sshrl.u32 s16, $0x2  }
0x87: {  	[tilespmem:s29], [sflag:$0x2] =	stream.indirect.gather [hbm4b:s4+s28], $0x80, s12, s28, $0xb8;
	[tilespmem:$0x1C400] =	vst v63  }
0x88: {  	_ =	swait.ge [sflag:s30], $0x4000  }
0x89: {  	[sflag:s30] =	ssyncset.done $0x0  }
0x8a: {  	[sflag:s30] =	ssyncadd.s32 $0xFFFFC000  }
0x8b: {  	_ =	swait.ge [sflag:s31], $0x100  }
0x8c: {  	[sflag:s31] =	ssyncset.done $0x0  }
0x8d: {  	[sflag:s31] =	ssyncadd.s32 $0xFFFFFF00  }
0x8e: {  	_ =	swait.ge [sflag:s2], $0x4000  }
0x8f: {  	[sflag:s2] =	ssyncset.done $0x0  }
0x90: {  	[sflag:s2] =	ssyncadd.s32 $0xFFFFC000  }
0x91: {  	_ =	swait.ge [sflag:s25], $0x100  }
0x92: {  	[sflag:s25] =	ssyncset.done $0x0  }
0x93: {  	[sflag:s25] =	ssyncadd.s32 $0xFFFFFF00  }
0x94: {  	[bflag:$0x0] =	sbarrier.arrive $0xFFFF  }
0x95: {  	[tilespmem:s22], [sflag:$0x7] =	stream.linear.gather [spmem:s5], $0x4000, $0x38;
	[tilespmem:$0x1C400] =	vst v63  }
0x96: {  	_ =	swait.ge [sflag:s23], $0x4000  }
0x97: {  	[sflag:s23] =	ssyncset.done $0x0  }
0x98: {  	s16 =	rddreg [dreg:$0x7];
	[sflag:s23] =	ssyncadd.s32 $0xFFFFC000  }
0x99: {  	[hbm4b:s16+s3] =	stream.linear.scatter [tilespmem:s22], [sflag:$0x7], $0x4000, $0x38;
	[tilespmem:$0x1C400] =	vst v63  }
0x9a: {  	_ =	swait.ge [sflag:s23], $0x4000  }
0x9b: {  	[sflag:s23] =	ssyncset.done $0x0  }
0x9c: {  	[sflag:s23] =	ssyncadd.s32 $0xFFFFC000  }
0x9d: {  	[tilespmem:s22], [sflag:$0x7] =	stream.linear.gather [spmem:s6], $0x4000, $0x38;
	[tilespmem:$0x1C400] =	vst v63  }
0x9e: {  	_ =	swait.ge [sflag:s23], $0x4000  }
0x9f: {  	[sflag:s23] =	ssyncset.done $0x0  }
0xa0: {  	s17 =	rddreg [dreg:$0x8];
	[sflag:s23] =	ssyncadd.s32 $0xFFFFC000  }
0xa1: {  	[hbm4b:s17+s3] =	stream.linear.scatter [tilespmem:s22], [sflag:$0x7], $0x4000, $0x38;
	[tilespmem:$0x1C400] =	vst v63  }
0xa2: {  	_ =	swait.ge [sflag:s23], $0x4000  }
0xa3: {  	[sflag:s23] =	ssyncset.done $0x0  }
0xa4: {  	[sflag:s23] =	ssyncadd.s32 $0xFFFFC000  }
0xa5: {  	[tilespmem:s22], [sflag:$0x7] =	stream.linear.gather [spmem:s7], $0x4000, $0x38;
	[tilespmem:$0x1C400] =	vst v63  }
0xa6: {  	_ =	swait.ge [sflag:s23], $0x4000  }
0xa7: {  	[sflag:s23] =	ssyncset.done $0x0  }
0xa8: {  	s18 =	rddreg [dreg:$0x9];
	[sflag:s23] =	ssyncadd.s32 $0xFFFFC000  }
0xa9: {  	[hbm4b:s18+s3] =	stream.linear.scatter [tilespmem:s22], [sflag:$0x7], $0x4000, $0x38;
	[tilespmem:$0x1C400] =	vst v63  }
0xaa: {  	_ =	swait.ge [sflag:s23], $0x4000  }
0xab: {  	[sflag:s23] =	ssyncset.done $0x0  }
0xac: {  	[sflag:s23] =	ssyncadd.s32 $0xFFFFC000  }
0xad: {  	[tilespmem:s22], [sflag:$0x7] =	stream.linear.gather [spmem:s8], $0x4000, $0x38;
	[tilespmem:$0x1C400] =	vst v63  }
0xae: {  	_ =	swait.ge [sflag:s23], $0x4000  }
0xaf: {  	[sflag:s23] =	ssyncset.done $0x0  }
0xb0: {  	s20 =	rddreg [dreg:$0xa];
	[sflag:s23] =	ssyncadd.s32 $0xFFFFC000  }
0xb1: {  	[hbm4b:s20+s3] =	stream.linear.scatter [tilespmem:s22], [sflag:$0x7], $0x4000, $0x38;
	[tilespmem:$0x1C400] =	vst v63  }
0xb2: {  	_ =	swait.ge [sflag:s23], $0x4000  }
0xb3: {  	[sflag:s23] =	ssyncset.done $0x0  }
0xb4: {  	[sflag:s23] =	ssyncadd.s32 $0xFFFFC000  }
0xb5: {  	[tilespmem:s22], [sflag:$0x7] =	stream.linear.gather [spmem:s10], $0x4000, $0x38;
	[tilespmem:$0x1C400] =	vst v63  }
0xb6: {  	s11 =	sadd.s32 $0x1, s11;
	_ =	swait.ge [sflag:s23], $0x4000  }
0xb7: {  	p0 =	sne.s32 s11, s19;
	[sflag:s23] =	ssyncset.done $0x0  }
.Ltmp2:
0xb8: {  	s21 =	rddreg [dreg:$0xb];
	[sflag:s23] =	ssyncadd.s32 $0xFFFFC000;
	(pc) =	sbr.rel @p0 .LBB2_1-.Ltmp2, $4  }
0xb9: {  	[hbm4b:s21+s3] =	stream.linear.scatter [tilespmem:s22], [sflag:$0x7], $0x4000, $0x38;
	[tilespmem:$0x1C400] =	vst v63  }
0xba: {  	_ =	swait.ge [sflag:s23], $0x4000  }
0xbb: {  	[sflag:s23] =	ssyncset.done $0x0  }
0xbc: {  	[sflag:s23] =	ssyncadd.s32 $0xFFFFC000  }
0xbd: {  	_ =	sfence.sel $0x180000  }
0xbe: {  	[bflag:$0x0] =	sbarrier.arrive $0xFFFF  }
0xbf: {  	_ =	strace $0x9000004A  }
0xc0: {  	s0 =	stileid.u32;
	[bflag:$0x2] =	sbarrier.arrive $0xFFFF  }
0xc1: {  	p0 =	sne.s32 s0, $0x0;
	s0 =	rddreg [dreg:$0x3]  }
0xc2: {  	s0 =	sadd.s32 @!p0 $0x100000, s0  }
0xc3: {  	[sflag:s0] =	ssyncadd.tile.s32 @!p0 $0x1;
	_ =	shalt  }
.Lfunc_end2:
_tile_overlayer_lowered:
.L_overlay_start_2:
0xc4: {  	(tag) =	ssettag $0x2  }
0xc5: {  	s0 =	rddreg [dreg:$0x0];
	s2 =	stileid.u32  }
0xc6: {  	s1 =	rddreg [dreg:$0x1];
	p0 =	sne.s32 s2, $0x0  }
0xc7: {  	s3 =	rddreg [dreg:$0x2];
	[bflag:$0x3] =	sbarrier.arrive $0xFFFF;
	s2 =	simm.s32 @!p0 $0x1C07  }
0xc8: {  	[timem:s3], [sflag:s2] =	dma.local @!p0 [hbm:s0], s1  }
0xc9: {  	s0 =	simm.s32 @!p0 $0x7  }
0xca: {  	_ =	swait.ge @!p0 [sflag:s0], s1  }
0xcb: {  	s1 =	ssub.s32 @!p0 $0x0, s1;
	[sflag:s0] =	ssyncset.done @!p0 $0x0  }
0xcc: {  	[sflag:s0] =	ssyncadd.s32 @!p0 s1  }
0xcd: {  	[bflag:$0x3] =	sbarrier.arrive $0xFFFF  }
0xce: {  	_ =	shalt  }

// kernel: kernel.14.cloned.1.call-start
scs
__scs_entry_jumppad:
0x0: {  	(pc) =	sbr.rel $0x88, $3  }
0x1: {  	(tag) =	ssettag $0x0;
	lr =	simm.s32 $0x1  }
0x2: {  	[smem:$0x3F9B] =	sst lr;
	_ =	strace $0xD0000000  }
0x3: {  	_ = 	snop  }
0x4: {  	_ = 	snop  }
0x5: {  	_ = 	snop  }
0x6: {  	_ = 	snop  }
0x7: {  	_ = 	snop  }
__scs_overlays_trampoline_lowered:
0x8: {  	[smem:$0x3FAA] =	sst s0  }
0x9: {  	[smem:$0x3FAB] =	sst s1  }
0xa: {  	[smem:$0x3FAC] =	sst s2  }
0xb: {  	[smem:$0x3FAD] =	sst s3  }
0xc: {  	[smem:$0x3FAE] =	sst s4  }
0xd: {  	[smem:$0x3FAF] =	sst s5  }
0xe: {  	[smem:$0x3FB0] =	sst s6  }
0xf: {  	[smem:$0x3FB1] =	sst s7  }
0x10: {  	[smem:$0x3FB2] =	sst s8  }
0x11: {  	[smem:$0x3FB3] =	sst s9;
	s0 =	simm.s32 @!p0 $0x0  }
0x12: {  	s1 =	sld [smem:$0x3F99];
	s0 =	simm.s32 @p0 $0x1  }
0x13: {  	[smem:$0x3FB4] =	sst s0;
	s0 =	simm.s32 @!p1 $0x0  }
0x14: {  	s2 =	sld [smem:$0x3F98];
	s0 =	simm.s32 @p1 $0x1  }
0x15: {  	[smem:$0x3FB5] =	sst s0;
	s0 =	simm.s32 @!p2 $0x0  }
0x16: {  	s3 =	sld [smem:$0x3FDB];
	s0 =	simm.s32 @p2 $0x1  }
0x17: {  	s4 =	simm.s32 $0x1BF5;
	[smem:$0x3FB7] =	sst s0  }
0x18: {  	s0 =	sld [smem:$0x3F9A];
	_ =	swait.ge [sflag:s4], $0x0  }
0x19: {  	s7 =	sld [smem:$0x3F9B]  }
0x1a: {  	s8 =	sadd.s32 $0xFFFFE003, lr  }
0x1b: {  	s9 =	sadd.s32 $0xFFFFFEF7, lr;
	s5 =	simm.s32 $0xFFFFFFFF;
	p2 =	slt.u32 s8, $0xFFFFF086  }
0x1c: {  	p1 =	slt.u32 s9, $0xF7A;
	s5 =	simm.s32 @!p2 $0x0  }
0x1d: {  	s5 =	simm.s32 @p1 $0x1;
	p0 =	seq.s32 s7, s2  }
0x1e: {  	s7 =	smul.u32 @!p0 $0xF7A, s2;
	p2 =	seq.s32 @!p0 s5, $0x0  }
0x1f: {  	s9 =	smul.u32 $0xF7A, s1;
	s8 =	simm.s32 @!p0 $0x1BF5;
	p2 =	por !p2, p0  }
0x20: {  	[sflag:s8] =	ssyncset.s32 @!p0 $0xFFFFF086;
	s6 =	sadd.s32 @!p0 s3, s7;
	s7 =	simm.s32 @!p0 $0x108  }
0x21: {  	s3 =	sadd.s32 s3, s9;
	s6 =	sadd.s32 @!p0 $0x88, s6;
	s7 =	simm.s32 @p2 $0x1082  }
0x22: {  	[simem:s7], [sflag:s8] =	dma.local @!p0 [hbm:s6], $0xF7A  }
0x23: {  	s9 =	sor.u32 $0xD0000000, s2;
	s6 =	simm.s32 $0x108;
	_ =	swait.ge @!p0 [sflag:s8], $0x0  }
0x24: {  	s3 =	sadd.s32 $0x88, s3;
	s6 =	simm.s32 @!p1 $0x1082;
	[sflag:s4] =	ssyncset.s32 $0xFFFFF086  }
0x25: {  	[simem:s6], [sflag:s4] =	dma.local [hbm:s3], $0xF7A  }
0x26: {  	[smem:$0x3F9B] =	sst s1;
	(tag) =	ssettag s2;
	_ =	strace s9  }
0x27: {  	s1 =	sld [smem:$0x3FAB]  }
0x28: {  	s2 =	sld [smem:$0x3FAC]  }
0x29: {  	s4 =	sld [smem:$0x3FAE]  }
0x2a: {  	p0 =	seq.s32 s5, $0x0;
	s5 =	sld [smem:$0x3FAF]  }
0x2b: {  	s6 =	sld [smem:$0x3FB0]  }
0x2c: {  	s7 =	sld [smem:$0x3FB1]  }
0x2d: {  	s3 =	simm.s32 $0x108;
	s8 =	sld [smem:$0x3FB2]  }
0x2e: {  	s3 =	simm.s32 @!p0 $0x1082;
	s9 =	sld [smem:$0x3FB3]  }
0x2f: {  	lr =	sadd.s32 s0, s3;
	s0 =	sld [smem:$0x3FAA]  }
0x30: {  	s3 =	sld [smem:$0x3FAD]  }
0x31: {  	[smem:$0x3FB6] =	sst s10  }
0x32: {  	s10 =	sld [smem:$0x3FB4];
	_ =	sdelay $0x3  }
0x33: {  	p0 =	seq.s32 s10, $0x1;
	s10 =	sld [smem:$0x3FB6];
	_ =	sdelay $0x3  }
0x34: {  	[smem:$0x3FB6] =	sst s10  }
0x35: {  	s10 =	sld [smem:$0x3FB5];
	_ =	sdelay $0x3  }
0x36: {  	p1 =	seq.s32 s10, $0x1;
	s10 =	sld [smem:$0x3FB6];
	_ =	sdelay $0x3  }
0x37: {  	[smem:$0x3FB6] =	sst s10  }
0x38: {  	s10 =	sld [smem:$0x3FB7]  }
0x39: {  	_ = 	snop;
	(pc) =	sbr.ind lr, $3  }
0x3a: {  	_ = 	snop  }
0x3b: {  	_ = 	snop  }
0x3c: {  	p2 =	seq.s32 s10, $0x1;
	s10 =	sld [smem:$0x3FB6]  }
0x3d: {  	_ =	shalt  }
0x3e: {  	_ =	shalt  }
0x3f: {  	_ =	shalt  }
0x40: {  	_ =	shalt  }
0x41: {  	_ =	shalt  }
0x42: {  	_ =	shalt  }
0x43: {  	_ =	shalt  }
0x44: {  	_ =	shalt  }
0x45: {  	_ =	shalt  }
0x46: {  	_ =	shalt  }
0x47: {  	_ =	shalt  }
0x48: {  	_ =	shalt  }
0x49: {  	_ =	shalt  }
0x4a: {  	_ =	shalt  }
0x4b: {  	_ =	shalt  }
0x4c: {  	_ =	shalt  }
0x4d: {  	_ =	shalt  }
0x4e: {  	_ =	shalt  }
0x4f: {  	_ =	shalt  }
0x50: {  	_ =	shalt  }
0x51: {  	_ =	shalt  }
0x52: {  	_ =	shalt  }
0x53: {  	_ =	shalt  }
0x54: {  	_ =	shalt  }
0x55: {  	_ =	shalt  }
0x56: {  	_ =	shalt  }
0x57: {  	_ =	shalt  }
0x58: {  	_ =	shalt  }
0x59: {  	_ =	shalt  }
0x5a: {  	_ =	shalt  }
0x5b: {  	_ =	shalt  }
0x5c: {  	_ =	shalt  }
0x5d: {  	_ =	shalt  }
0x5e: {  	_ =	shalt  }
0x5f: {  	_ =	shalt  }
0x60: {  	_ =	shalt  }
0x61: {  	_ =	shalt  }
0x62: {  	_ =	shalt  }
0x63: {  	_ =	shalt  }
0x64: {  	_ =	shalt  }
0x65: {  	_ =	shalt  }
0x66: {  	_ =	shalt  }
0x67: {  	_ =	shalt  }
0x68: {  	_ =	shalt  }
0x69: {  	_ =	shalt  }
0x6a: {  	_ =	shalt  }
0x6b: {  	_ =	shalt  }
0x6c: {  	_ =	shalt  }
0x6d: {  	_ =	shalt  }
0x6e: {  	_ =	shalt  }
0x6f: {  	_ =	shalt  }
0x70: {  	_ =	shalt  }
0x71: {  	_ =	shalt  }
0x72: {  	_ =	shalt  }
0x73: {  	_ =	shalt  }
0x74: {  	_ =	shalt  }
0x75: {  	_ =	shalt  }
0x76: {  	_ =	shalt  }
0x77: {  	_ =	shalt  }
0x78: {  	_ =	shalt  }
0x79: {  	_ =	shalt  }
0x7a: {  	_ =	shalt  }
0x7b: {  	_ =	shalt  }
0x7c: {  	_ =	shalt  }
0x7d: {  	_ =	shalt  }
0x7e: {  	_ =	shalt  }
0x7f: {  	_ =	shalt  }
0x80: {  	_ =	shalt  }
0x81: {  	_ =	shalt  }
0x82: {  	_ =	shalt  }
0x83: {  	_ =	shalt  }
0x84: {  	_ =	shalt  }
0x85: {  	_ =	shalt  }
0x86: {  	_ =	shalt  }
0x87: {  	_ =	shalt  }
.Lfunc_end0:
.L_simem_size_0:
called_computation.2_lowered:
.L_overlay_start_0:
0x88: {  	s2 =	sld [smem:$0x3FD9]  }
0x89: {  	s3 =	sld [smem:$0x3FFE];
	_ =	sdelay $0x1  }
0x8a: {  	s1 =	srdreg.scid  }
0x8b: {  	s0 =	sand.u32 $0x1, s1  }
0x8c: {  	s17 =	sshll.u32 s0, $0xA;
	s2 =	sadd.s32 s3, s2  }
0x8d: {  	s2 =	sadd.s32 s2, s17  }
0x8e: {  	[smem:$0x3FC2] =	sst s2  }
0x8f: {  	_ = 	snop  }
0x90: {  	s2 =	sld [smem:$0x3FD0];
	(tm) =	ssettm $0x1  }
0x91: {  	s18 =	sld [smem:$0x3FFB];
	_ =	sdelay $0x3  }
0x92: {  	_ =	strace s18  }
0x93: {  	s3 =	sld [smem:$0x3FFC];
	_ =	sdelay $0x3  }
0x94: {  	_ =	strace s3  }
0x95: {  	s3 =	sld [smem:$0x3FFD];
	_ =	sdelay $0x3  }
0x96: {  	_ =	strace s3  }
0x97: {  	_ =	strace $0x8FFFFFFF  }
0x98: {  	s19 =	sld [smem:$0x3FDB];
	_ =	sdelay $0x1  }
0x99: {  	s4 =	simm.s32 $_scs_section_size  }
0x9a: {  	s5 =	simm.s32 $_size__tile_overlayer_lowered;
	s6 =	simm.s32 $_tile_overlayer_lowered  }
0x9b: {  	s22 =	simm.s32 $0x1BFF;
	s21 =	sshll.u32 s6, $0x1;
	s3 =	sadd.s32 s4, s19  }
0x9c: {  	s7 =	simm.s32 $0x0;
	s20 =	sshll.u32 s5, $0x1;
	s5 =	sadd.s32 s21, s3  }
0x9d: {  	[timem:s7], [sflag:s22] =	dma.local [hbm:s5], s20  }
0x9e: {  	_ =	swait.ge [sflag:s22], s20  }
0x9f: {  	s4 =	ssub.s32 $0x0, s20;
	[sflag:s22] =	ssyncset.done $0x0  }
0xa0: {  	[sflag:s22] =	ssyncadd.s32 s4;
	_ =	sdelay $0x1  }
0xa1: {  	s23 =	simm.s32 $0x1B8B  }
0xa2: {  	_ =	swait.ge [sflag:s23], $0x1  }
0xa3: {  	[sflag:s23] =	ssyncset.done $0x0  }
0xa4: {  	s25 =	simm.s32 $0x1B8E;
	s24 =	sld [smem:$0x3FFE];
	[sflag:s23] =	ssyncadd.s32 $0xFFFFFFFF  }
0xa5: {  	s26 =	simm.s32 $execute0_lowered;
	[smem:$0x3FD2] =	sst s25  }
0xa6: {  	s5 =	sshll.u32 s26, $0x1;
	_ =	strace $0x8000004C;
	[dreg:$0x1] =	wrdreg $0xFFFFFFFF  }
0xa7: {  	s28 =	simm.s32 $_size_execute0_lowered;
	s3 =	sadd.s32 s3, s5;
	[dreg:$0x0] =	wrdreg $0x0  }
0xa8: {  	s5 =	sshll.u32 s28, $0x1;
	[dreg:$0x2] =	wrdreg s3  }
0xa9: {  	[dreg:$0x3] =	wrdreg s5  }
0xaa: {  	[dreg:$0x4] =	wrdreg $0xC0  }
0xab: {  	_ =	task [dreg:s7], $0x5FFFF  }
0xac: {  	[dreg:$0x1] =	wrdreg $0xFFFFFFFF  }
0xad: {  	[dreg:$0x0] =	wrdreg $0x60  }
0xae: {  	[dreg:$0x2] =	wrdreg s24  }
0xaf: {  	[dreg:$0x3] =	wrdreg s2  }
0xb0: {  	[dreg:$0x4] =	wrdreg $0x84000  }
0xb1: {  	[dreg:$0x5] =	wrdreg $0x9  }
0xb2: {  	_ =	task.clear_ibuf [dreg:s7], $0x6FFFF;
	_ =	strace $0x9000004C  }
0xb3: {  	s29 =	simm.s32 $0x9;
	_ =	strace $0x8000004E  }
0xb4: {  	_ =	swait.ge [sflag:s29], $0x1  }
0xb5: {  	[sflag:s29] =	ssyncadd.s32 $0xFFFFFFFF  }
0xb6: {  	_ =	strace $0x9000004E  }
0xb7: {  	_ =	sfence  }
0xb8: {  	s30 =	sld [smem:$0x0];
	_ =	sdelay $0x2  }
0xb9: {  	s31 =	sshll.u32 s1, $0xD;
	s1 =	sshrl.u32 s1, $0x2  }
0xba: {  	s3 =	sand.u32 $0x4000, s31;
	s1 =	sadd.s32 s1, s30  }
0xbb: {  	s0 =	sor.u32 s3, s0;
	s1 =	sshll.u32 s1, $0x11  }
0xbc: {  	s0 =	sor.u32 s1, s0  }
0xbd: {  	s0 =	sadd.s32 $0x8F2B, s0  }
0xbe: {  	[sflag:s0] =	ssyncadd.remote.s32 $0x1  }
0xbf: {  	_ =	sfence.sel $0xFFFF  }
0xc0: {  	[dreg:$0x0] =	wrdreg $0xFFFFFFFF;
	(pc) =	sbr.abs _section_cstart, $3  }
0xc1: {  	[dreg:$0x1] =	wrdreg $0xFFFFFFFF  }
0xc2: {  	_ =	task.clear_ibuf [dreg:s7], $0x2FFFF;
	_ =	strace $0x9FFFFFFF  }
0xc3: {  	(tm) =	ssettm $0x7FFFFFFF  }
tec
execute0_lowered:
.L_overlay_start_1:
0x0: {  	(tag) =	ssettag $0x1  }
0x1: {  	s0 =	rddreg [dreg:$0x0]  }
0x2: {  	s2 =	rddreg [dreg:$0x1]  }
0x3: {  	s1 =	rddreg [dreg:$0x2];
	s3 =	simm.s32 $0x0;
	s4 =	srdreg.scid  }
0x4: {  	s19 =	stileid.u32;
	s28 =	simm.s32 $0x80;
	s29 =	simm.s32 $0x4400  }
0x5: {  	s30 =	simm.s32 $0x1;
	s31 =	simm.s32 $0x3;
	s6 =	smul.u32 $0x50000, s19  }
0x6: {  	[smem:$0x7FF] =	sst s3;
	s11 =	sand.u32 $0x1, s4;
	s10 =	smul.u32 $0x14000, s19  }
0x7: {  	s4 =	sadd.s32 $0x2000, s0;
	s22 =	sshll.u32 s19, $0x1;
	s19 =	smul.u32 $0xA800, s19  }
0x8: {  	s0 =	sadd.s32 $0x2A000, s0;
	_ =	strace $0x8000004D;
	s16 =	smul.u32 $0x140000, s11  }
0x9: {  	s5 =	ssub.s32 $0x2, s11;
	s23 =	sor.u32 s11, s22;
	s11 =	smul.u32 $0x5400, s11  }
0xa: {  	s7 =	sshrl.u32 s5, $0x1;
	s24 =	sshrl.u32 s6, $0x2;
	s13 =	sadd.s32 $0x4000, s10  }
0xb: {  	s9 =	smul.u32 $0x5400, s23;
	s14 =	sadd.s32 $0x8000, s10;
	s15 =	sadd.s32 $0xC000, s10  }
0xc: {  	s17 =	sadd.s32 $0x10000, s10;
	s12 =	ssub.s32 s5, s7;
	s5 =	sadd.s32 s24, s1  }
0xd: {  	s6 =	sadd.s32 s13, s1;
	s7 =	sadd.s32 s14, s1;
	s8 =	sadd.s32 s15, s1  }
0xe: {  	s18 =	sadd.s32 s10, s16;
	s10 =	sadd.s32 s17, s1;
	s13 =	sadd.s32 s16, s13  }
0xf: {  	s14 =	sadd.s32 s16, s14;
	s21 =	sadd.s32 s16, s15;
	s22 =	sadd.s32 s16, s17  }
0x10: {  	s11 =	sadd.s32 s11, s19;
	s9 =	sshrl.u32 s9, $0x3;
	s18 =	sshrl.u32 s18, $0x3  }
0x11: {  	s13 =	sshrl.u32 s13, $0x3;
	s14 =	sshrl.u32 s14, $0x3;
	s23 =	sshrl.u32 s22, $0x3  }
0x12: {  	s24 =	sadd.s32 $0x500, s11;
	s11 =	sadd.s32 $0x400, s11;
	s18 =	sadd.s32 s0, s18  }
0x13: {  	s9 =	sadd.s32 s2, s9;
	s13 =	sadd.s32 s0, s13;
	[dreg:$0x7] =	wrdreg s18  }
0x14: {  	s19 =	smax.u32 s12, $0x1;
	s20 =	sadd.s32 $0x20, s9;
	[dreg:$0x8] =	wrdreg s13  }
0x15: {  	s22 =	simm.s32 $0x400;
	s25 =	sadd.s32 $0x40, s9;
	[dreg:$0x4] =	wrdreg s20  }
0x16: {  	s26 =	sadd.s32 $0x60, s9;
	s13 =	sshrl.u32 s21, $0x3;
	[dreg:$0x5] =	wrdreg s25  }
0x17: {  	[dreg:$0x6] =	wrdreg s26;
	s20 =	sadd.s32 s0, s14;
	s13 =	sadd.s32 s0, s13  }
0x18: {  	s0 =	sadd.s32 s0, s23;
	s25 =	sshrl.u32 s24, $0x3;
	[dreg:$0x9] =	wrdreg s20  }
0x19: {  	s26 =	sshrl.u32 s11, $0x3;
	s23 =	simm.s32 $0x7;
	[dreg:$0xa] =	wrdreg s13  }
0x1a: {  	s24 =	simm.s32 $0x100;
	s11 =	simm.s32 $0x0;
	[dreg:$0xb] =	wrdreg s0  }
0x1b: {  	s14 =	sadd.s32 s25, s2;
	s15 =	sadd.s32 s26, s2;
	s0 =	simm.s32 $0x5  }
0x1c: {  	v0 =	vimm.f32 $0.0e+00;
	s2 =	simm.s32 $0x2;
	s25 =	simm.s32 $0x4;
	s26 =	simm.s32 $0x6  }
.LBB2_1:
0x1d: {  	s12 =	simm.s32 $0x0;
	s13 =	simm.s32 $0x200  }
.LBB2_2:
0x1e: {  	p0 =	sne.s32 s13, $0xFE00;
	[tilespmem:s12+$0x470] =	vst v0  }
0x1f: {  	[tilespmem:s12+$0x400] =	vst v0  }
0x20: {  	[tilespmem:s12+$0x410] =	vst v0  }
.Ltmp0:
0x21: {  	[tilespmem:s12+$0x420] =	vst v0;
	(pc) =	sbr.rel @p0 .LBB2_2-.Ltmp0, $4  }
0x22: {  	[tilespmem:s12+$0x430] =	vst v0  }
0x23: {  	[tilespmem:s12+$0x440] =	vst v0  }
0x24: {  	[tilespmem:s12+$0x450] =	vst v0  }
0x25: {  	[tilespmem:s12+$0x460] =	vst v0;
	s12 =	sshra.s32 s13, $0x2;
	s13 =	sadd.s32 $0x200, s13  }
0x26: {  	[tilespmem:s12+$0x470] =	vst v0  }
0x27: {  	[tilespmem:s12+$0x400] =	vst v0  }
0x28: {  	[tilespmem:s12+$0x410] =	vst v0  }
0x29: {  	[tilespmem:s12+$0x420] =	vst v0  }
0x2a: {  	[tilespmem:s12+$0x430] =	vst v0  }
0x2b: {  	[tilespmem:s12+$0x440] =	vst v0  }
0x2c: {  	[tilespmem:s12+$0x450] =	vst v0  }
0x2d: {  	[tilespmem:s12+$0x460] =	vst v0  }
0x2e: {  	[spmem:s5] =	stream.linear.scatter [tilespmem:s22], [sflag:$0x7], $0x4000, $0x38;
	[tilespmem:$0x1C400] =	vst v63  }
0x2f: {  	_ =	swait.ge [sflag:s23], $0x4000  }
0x30: {  	[sflag:s23] =	ssyncset.done $0x0  }
0x31: {  	[sflag:s23] =	ssyncadd.s32 $0xFFFFC000  }
0x32: {  	[spmem:s6] =	stream.linear.scatter [tilespmem:s22], [sflag:$0x7], $0x4000, $0x38;
	[tilespmem:$0x1C400] =	vst v63  }
0x33: {  	_ =	swait.ge [sflag:s23], $0x4000  }
0x34: {  	[sflag:s23] =	ssyncset.done $0x0  }
0x35: {  	[sflag:s23] =	ssyncadd.s32 $0xFFFFC000  }
0x36: {  	[spmem:s7] =	stream.linear.scatter [tilespmem:s22], [sflag:$0x7], $0x4000, $0x38;
	[tilespmem:$0x1C400] =	vst v63  }
0x37: {  	_ =	swait.ge [sflag:s23], $0x4000  }
0x38: {  	[sflag:s23] =	ssyncset.done $0x0  }
0x39: {  	[sflag:s23] =	ssyncadd.s32 $0xFFFFC000  }
0x3a: {  	[spmem:s8] =	stream.linear.scatter [tilespmem:s22], [sflag:$0x7], $0x4000, $0x38;
	[tilespmem:$0x1C400] =	vst v63  }
0x3b: {  	_ =	swait.ge [sflag:s23], $0x4000  }
0x3c: {  	[sflag:s23] =	ssyncset.done $0x0  }
0x3d: {  	[sflag:s23] =	ssyncadd.s32 $0xFFFFC000  }
0x3e: {  	[spmem:s10] =	stream.linear.scatter [tilespmem:s22], [sflag:$0x7], $0x4000, $0x38;
	[tilespmem:$0x1C400] =	vst v63  }
0x3f: {  	_ =	swait.ge [sflag:s23], $0x4000  }
0x40: {  	[sflag:s23] =	ssyncset.done $0x0  }
0x41: {  	[sflag:s23] =	ssyncadd.s32 $0xFFFFC000  }
0x42: {  	s17 =	simm.s32 $0x0;
	[bflag:$0x0] =	sbarrier.arrive $0xFFFF  }
0x43: {  	[tilespmem:s17], [sflag:$0x7] =	stream.linear.gather [hbm4b:s9+s17], $0x100, $0x38;
	[tilespmem:$0x1C400] =	vst v63  }
0x44: {  	_ =	swait.ge [sflag:s23], $0x100  }
0x45: {  	[sflag:s23] =	ssyncset.done $0x0  }
0x46: {  	s13 =	rddreg [dreg:$0x4];
	[sflag:s23] =	ssyncadd.s32 $0xFFFFFF00  }
0x47: {  	[tilespmem:s24], [sflag:$0x7] =	stream.linear.gather [hbm4b:s13+s17], $0x100, $0x38;
	[tilespmem:$0x1C400] =	vst v63  }
0x48: {  	_ =	swait.ge [sflag:s23], $0x100  }
0x49: {  	[sflag:s23] =	ssyncset.done $0x0  }
0x4a: {  	s16 =	simm.s32 $0x200;
	s18 =	rddreg [dreg:$0x5];
	[sflag:s23] =	ssyncadd.s32 $0xFFFFFF00  }
0x4b: {  	[tilespmem:s16], [sflag:$0x3] =	stream.linear.gather [hbm4b:s18+s17], $0x100, $0x38;
	[tilespmem:$0x1C400] =	vst v63  }
0x4c: {  	s21 =	simm.s32 $0x300;
	s20 =	rddreg [dreg:$0x6]  }
0x4d: {  	[tilespmem:s21], [sflag:$0x4] =	stream.linear.gather [hbm4b:s20+s17], $0x100, $0x38;
	[tilespmem:$0x1C400] =	vst v63  }
0x4e: {  	_ = 	snop  }
0x4f: {  	[tilespmem:s22], [sflag:$0x1] =	stream.indirect.gather [hbm4b:s4+s28], $0x80, s17, s28, $0xb8;
	[tilespmem:$0x1C400] =	vst v63  }
0x50: {  	_ = 	snop  }
0x51: {  	[tilespmem:s29], [sflag:$0x2] =	stream.indirect.gather [hbm4b:s4+s28], $0x80, s24, s28, $0xb8;
	[tilespmem:$0x1C400] =	vst v63  }
0x52: {  	_ =	swait.ge [sflag:s30], $0x4000  }
0x53: {  	s12 =	sand.u32 $0x200, s17;
	[sflag:s30] =	ssyncset.done $0x0  }
0x54: {  	s17 =	sor.u32 $0x80, s12;
	[sflag:s30] =	ssyncadd.s32 $0xFFFFC000  }
0x55: {  	[spmem:s1] =	stream.indirect.scatter.add.f32 [tilespmem:s22], [sflag:$0x5], $0x80, s17, s28, $0xb8;
	[tilespmem:$0x1C400] =	vst v63  }
0x56: {  	_ =	swait.ge [sflag:s31], $0x100  }
0x57: {  	[sflag:s31] =	ssyncset.done $0x0  }
0x58: {  	[sflag:s31] =	ssyncadd.s32 $0xFFFFFF00  }
0x59: {  	s18 =	simm.s32 $0x0;
	_ =	swait.ge [sflag:s0], $0x4000  }
0x5a: {  	s13 =	sxor.u32 $0xFFFFFFFF, s18;
	[sflag:s0] =	ssyncset.done $0x0  }
0x5b: {  	s13 =	sand.u32 $0x800, s13;
	[sflag:s0] =	ssyncadd.s32 $0xFFFFC000  }
0x5c: {  	[tilespmem:s12], [sflag:$0x3] =	stream.linear.gather [hbm4b:s15+s3], $0x100, $0x38;
	[tilespmem:$0x1C400] =	vst v63  }
0x5d: {  	s13 =	sshrl.u32 s13, $0x2  }
0x5e: {  	[tilespmem:s22], [sflag:$0x1] =	stream.indirect.gather [hbm4b:s4+s28], $0x80, s13, s28, $0xb8;
	[tilespmem:$0x1C400] =	vst v63  }
0x5f: {  	_ =	swait.ge [sflag:s2], $0x4000  }
0x60: {  	[sflag:s2] =	ssyncset.done $0x0  }
0x61: {  	s20 =	sor.u32 $0x180, s12;
	[sflag:s2] =	ssyncadd.s32 $0xFFFFC000  }
0x62: {  	[spmem:s1] =	stream.indirect.scatter.add.f32 [tilespmem:s29], [sflag:$0x6], $0x80, s20, s28, $0xb8;
	[tilespmem:$0x1C400] =	vst v63  }
0x63: {  	_ =	swait.ge [sflag:s25], $0x100  }
0x64: {  	[sflag:s25] =	ssyncset.done $0x0  }
0x65: {  	[sflag:s25] =	ssyncadd.s32 $0xFFFFFF00  }
0x66: {  	s21 =	simm.s32 $0xC00;
	_ =	swait.ge [sflag:s26], $0x4000  }
0x67: {  	s16 =	sand.u32 $0xC00, s21;
	[sflag:s26] =	ssyncset.done $0x0  }
0x68: {  	s21 =	smov.u32 s15;
	s12 =	sor.u32 $0x100, s12;
	[sflag:s26] =	ssyncadd.s32 $0xFFFFC000  }
0x69: {  	[tilespmem:s12], [sflag:$0x4] =	stream.linear.gather [hbm4b:s14+s3], $0x100, $0x38;
	[tilespmem:$0x1C400] =	vst v63  }
0x6a: {  	s13 =	simm.s32 $0x200;
	s20 =	smov.u32 s14;
	s12 =	simm.s32 $0x1400  }
.LBB2_4:
0x6b: {  	s16 =	sshrl.u32 s16, $0x2  }
0x6c: {  	s20 =	sadd.s32 $0x40, s20;
	s21 =	sadd.s32 $0x40, s21;
	s17 =	smov.u32 s12  }
0x6d: {  	[tilespmem:s29], [sflag:$0x2] =	stream.indirect.gather [hbm4b:s4+s28], $0x80, s16, s28, $0xb8;
	[tilespmem:$0x1C400] =	vst v63  }
0x6e: {  	p0 =	sne.s32 s12, $0x14400;
	s16 =	sand.u32 $0x200, s13;
	_ =	swait.ge [sflag:s30], $0x4000  }
0x6f: {  	s12 =	sadd.s32 $0x800, s12;
	s18 =	sor.u32 $0x80, s16;
	[sflag:s30] =	ssyncset.done $0x0  }
0x70: {  	[sflag:s30] =	ssyncadd.s32 $0xFFFFC000  }
0x71: {  	[spmem:s1] =	stream.indirect.scatter.add.f32 [tilespmem:s22], [sflag:$0x5], $0x80, s18, s28, $0xb8;
	[tilespmem:$0x1C400] =	vst v63  }
0x72: {  	_ =	swait.ge [sflag:s31], $0x100  }
0x73: {  	[sflag:s31] =	ssyncset.done $0x0  }
0x74: {  	[sflag:s31] =	ssyncadd.s32 $0xFFFFFF00  }
0x75: {  	s18 =	sadd.s32 $0xFFFFF400, s17;
	_ =	swait.ge [sflag:s0], $0x4000  }
0x76: {  	s18 =	sxor.u32 $0xFFFFFFFF, s18;
	[sflag:s0] =	ssyncset.done $0x0  }
0x77: {  	s18 =	sand.u32 $0x800, s18;
	[sflag:s0] =	ssyncadd.s32 $0xFFFFC000  }
0x78: {  	[tilespmem:s16], [sflag:$0x3] =	stream.linear.gather [hbm4b:s21+s3], $0x100, $0x38;
	[tilespmem:$0x1C400] =	vst v63  }
0x79: {  	s18 =	sshrl.u32 s18, $0x2  }
0x7a: {  	[tilespmem:s22], [sflag:$0x1] =	stream.indirect.gather [hbm4b:s4+s28], $0x80, s18, s28, $0xb8;
	[tilespmem:$0x1C400] =	vst v63  }
0x7b: {  	_ =	swait.ge [sflag:s2], $0x4000  }
0x7c: {  	s18 =	sor.u32 $0x180, s16;
	[sflag:s2] =	ssyncset.done $0x0  }
0x7d: {  	[sflag:s2] =	ssyncadd.s32 $0xFFFFC000  }
0x7e: {  	[spmem:s1] =	stream.indirect.scatter.add.f32 [tilespmem:s29], [sflag:$0x6], $0x80, s18, s28, $0xb8;
	[tilespmem:$0x1C400] =	vst v63  }
0x7f: {  	_ =	swait.ge [sflag:s25], $0x100  }
0x80: {  	[sflag:s25] =	ssyncset.done $0x0  }
.Ltmp1:
0x81: {  	[sflag:s25] =	ssyncadd.s32 $0xFFFFFF00;
	(pc) =	sbr.rel @p0 .LBB2_4-.Ltmp1, $4  }
0x82: {  	_ =	swait.ge [sflag:s26], $0x4000  }
0x83: {  	s18 =	sor.u32 $0x100, s16;
	[sflag:s26] =	ssyncset.done $0x0  }
0x84: {  	s13 =	sadd.s32 $0x200, s13;
	s16 =	sand.u32 $0xC00, s17;
	[sflag:s26] =	ssyncadd.s32 $0xFFFFC000  }
0x85: {  	[tilespmem:s18], [sflag:$0x4] =	stream.linear.gather [hbm4b:s20+s3], $0x100, $0x38;
	[tilespmem:$0x1C400] =	vst v63  }
0x86: {  	s12 =	sshrl.u32 s16, $0x2  }
0x87: {  	[tilespmem:s29], [sflag:$0x2] =	stream.indirect.gather [hbm4b:s4+s28], $0x80, s12, s28, $0xb8;
	[tilespmem:$0x1C400] =	vst v63  }
0x88: {  	_ =	swait.ge [sflag:s30], $0x4000  }
0x89: {  	[sflag:s30] =	ssyncset.done $0x0  }
0x8a: {  	[sflag:s30] =	ssyncadd.s32 $0xFFFFC000  }
0x8b: {  	_ =	swait.ge [sflag:s31], $0x100  }
0x8c: {  	[sflag:s31] =	ssyncset.done $0x0  }
0x8d: {  	[sflag:s31] =	ssyncadd.s32 $0xFFFFFF00  }
0x8e: {  	_ =	swait.ge [sflag:s2], $0x4000  }
0x8f: {  	[sflag:s2] =	ssyncset.done $0x0  }
0x90: {  	[sflag:s2] =	ssyncadd.s32 $0xFFFFC000  }
0x91: {  	_ =	swait.ge [sflag:s25], $0x100  }
0x92: {  	[sflag:s25] =	ssyncset.done $0x0  }
0x93: {  	[sflag:s25] =	ssyncadd.s32 $0xFFFFFF00  }
0x94: {  	[bflag:$0x0] =	sbarrier.arrive $0xFFFF  }
0x95: {  	[tilespmem:s22], [sflag:$0x7] =	stream.linear.gather [spmem:s5], $0x4000, $0x38;
	[tilespmem:$0x1C400] =	vst v63  }
0x96: {  	_ =	swait.ge [sflag:s23], $0x4000  }
0x97: {  	[sflag:s23] =	ssyncset.done $0x0  }
0x98: {  	s16 =	rddreg [dreg:$0x7];
	[sflag:s23] =	ssyncadd.s32 $0xFFFFC000  }
0x99: {  	[hbm4b:s16+s3] =	stream.linear.scatter [tilespmem:s22], [sflag:$0x7], $0x4000, $0x38;
	[tilespmem:$0x1C400] =	vst v63  }
0x9a: {  	_ =	swait.ge [sflag:s23], $0x4000  }
0x9b: {  	[sflag:s23] =	ssyncset.done $0x0  }
0x9c: {  	[sflag:s23] =	ssyncadd.s32 $0xFFFFC000  }
0x9d: {  	[tilespmem:s22], [sflag:$0x7] =	stream.linear.gather [spmem:s6], $0x4000, $0x38;
	[tilespmem:$0x1C400] =	vst v63  }
0x9e: {  	_ =	swait.ge [sflag:s23], $0x4000  }
0x9f: {  	[sflag:s23] =	ssyncset.done $0x0  }
0xa0: {  	s17 =	rddreg [dreg:$0x8];
	[sflag:s23] =	ssyncadd.s32 $0xFFFFC000  }
0xa1: {  	[hbm4b:s17+s3] =	stream.linear.scatter [tilespmem:s22], [sflag:$0x7], $0x4000, $0x38;
	[tilespmem:$0x1C400] =	vst v63  }
0xa2: {  	_ =	swait.ge [sflag:s23], $0x4000  }
0xa3: {  	[sflag:s23] =	ssyncset.done $0x0  }
0xa4: {  	[sflag:s23] =	ssyncadd.s32 $0xFFFFC000  }
0xa5: {  	[tilespmem:s22], [sflag:$0x7] =	stream.linear.gather [spmem:s7], $0x4000, $0x38;
	[tilespmem:$0x1C400] =	vst v63  }
0xa6: {  	_ =	swait.ge [sflag:s23], $0x4000  }
0xa7: {  	[sflag:s23] =	ssyncset.done $0x0  }
0xa8: {  	s18 =	rddreg [dreg:$0x9];
	[sflag:s23] =	ssyncadd.s32 $0xFFFFC000  }
0xa9: {  	[hbm4b:s18+s3] =	stream.linear.scatter [tilespmem:s22], [sflag:$0x7], $0x4000, $0x38;
	[tilespmem:$0x1C400] =	vst v63  }
0xaa: {  	_ =	swait.ge [sflag:s23], $0x4000  }
0xab: {  	[sflag:s23] =	ssyncset.done $0x0  }
0xac: {  	[sflag:s23] =	ssyncadd.s32 $0xFFFFC000  }
0xad: {  	[tilespmem:s22], [sflag:$0x7] =	stream.linear.gather [spmem:s8], $0x4000, $0x38;
	[tilespmem:$0x1C400] =	vst v63  }
0xae: {  	_ =	swait.ge [sflag:s23], $0x4000  }
0xaf: {  	[sflag:s23] =	ssyncset.done $0x0  }
0xb0: {  	s20 =	rddreg [dreg:$0xa];
	[sflag:s23] =	ssyncadd.s32 $0xFFFFC000  }
0xb1: {  	[hbm4b:s20+s3] =	stream.linear.scatter [tilespmem:s22], [sflag:$0x7], $0x4000, $0x38;
	[tilespmem:$0x1C400] =	vst v63  }
0xb2: {  	_ =	swait.ge [sflag:s23], $0x4000  }
0xb3: {  	[sflag:s23] =	ssyncset.done $0x0  }
0xb4: {  	[sflag:s23] =	ssyncadd.s32 $0xFFFFC000  }
0xb5: {  	[tilespmem:s22], [sflag:$0x7] =	stream.linear.gather [spmem:s10], $0x4000, $0x38;
	[tilespmem:$0x1C400] =	vst v63  }
0xb6: {  	s11 =	sadd.s32 $0x1, s11;
	_ =	swait.ge [sflag:s23], $0x4000  }
0xb7: {  	p0 =	sne.s32 s11, s19;
	[sflag:s23] =	ssyncset.done $0x0  }
.Ltmp2:
0xb8: {  	s21 =	rddreg [dreg:$0xb];
	[sflag:s23] =	ssyncadd.s32 $0xFFFFC000;
	(pc) =	sbr.rel @p0 .LBB2_1-.Ltmp2, $4  }
0xb9: {  	[hbm4b:s21+s3] =	stream.linear.scatter [tilespmem:s22], [sflag:$0x7], $0x4000, $0x38;
	[tilespmem:$0x1C400] =	vst v63  }
0xba: {  	_ =	swait.ge [sflag:s23], $0x4000  }
0xbb: {  	[sflag:s23] =	ssyncset.done $0x0  }
0xbc: {  	[sflag:s23] =	ssyncadd.s32 $0xFFFFC000  }
0xbd: {  	_ =	sfence.sel $0x180000  }
0xbe: {  	[bflag:$0x0] =	sbarrier.arrive $0xFFFF  }
0xbf: {  	_ =	strace $0x9000004D  }
0xc0: {  	s0 =	stileid.u32;
	[bflag:$0x2] =	sbarrier.arrive $0xFFFF  }
0xc1: {  	p0 =	sne.s32 s0, $0x0;
	s0 =	rddreg [dreg:$0x3]  }
0xc2: {  	s0 =	sadd.s32 @!p0 $0x100000, s0  }
0xc3: {  	[sflag:s0] =	ssyncadd.tile.s32 @!p0 $0x1;
	_ =	shalt  }
.Lfunc_end2:
_tile_overlayer_lowered:
.L_overlay_start_2:
0xc4: {  	(tag) =	ssettag $0x2  }
0xc5: {  	s0 =	rddreg [dreg:$0x0];
	s2 =	stileid.u32  }
0xc6: {  	s1 =	rddreg [dreg:$0x1];
	p0 =	sne.s32 s2, $0x0  }
0xc7: {  	s3 =	rddreg [dreg:$0x2];
	[bflag:$0x3] =	sbarrier.arrive $0xFFFF;
	s2 =	simm.s32 @!p0 $0x1C07  }
0xc8: {  	[timem:s3], [sflag:s2] =	dma.local @!p0 [hbm:s0], s1  }
0xc9: {  	s0 =	simm.s32 @!p0 $0x7  }
0xca: {  	_ =	swait.ge @!p0 [sflag:s0], s1  }
0xcb: {  	s1 =	ssub.s32 @!p0 $0x0, s1;
	[sflag:s0] =	ssyncset.done @!p0 $0x0  }
0xcc: {  	[sflag:s0] =	ssyncadd.s32 @!p0 s1  }
0xcd: {  	[bflag:$0x3] =	sbarrier.arrive $0xFFFF  }
0xce: {  	_ =	shalt  }

// kernel: kernel.8.cloned.1.call-start
scs
__scs_entry_jumppad:
0x0: {  	(pc) =	sbr.rel $0x88, $3  }
0x1: {  	(tag) =	ssettag $0x0;
	lr =	simm.s32 $0x1  }
0x2: {  	[smem:$0x3F9B] =	sst lr;
	_ =	strace $0xD0000000  }
0x3: {  	_ = 	snop  }
0x4: {  	_ = 	snop  }
0x5: {  	_ = 	snop  }
0x6: {  	_ = 	snop  }
0x7: {  	_ = 	snop  }
__scs_overlays_trampoline_lowered:
0x8: {  	[smem:$0x3FAA] =	sst s0  }
0x9: {  	[smem:$0x3FAB] =	sst s1  }
0xa: {  	[smem:$0x3FAC] =	sst s2  }
0xb: {  	[smem:$0x3FAD] =	sst s3  }
0xc: {  	[smem:$0x3FAE] =	sst s4  }
0xd: {  	[smem:$0x3FAF] =	sst s5  }
0xe: {  	[smem:$0x3FB0] =	sst s6  }
0xf: {  	[smem:$0x3FB1] =	sst s7  }
0x10: {  	[smem:$0x3FB2] =	sst s8  }
0x11: {  	[smem:$0x3FB3] =	sst s9;
	s0 =	simm.s32 @!p0 $0x0  }
0x12: {  	s1 =	sld [smem:$0x3F99];
	s0 =	simm.s32 @p0 $0x1  }
0x13: {  	[smem:$0x3FB4] =	sst s0;
	s0 =	simm.s32 @!p1 $0x0  }
0x14: {  	s2 =	sld [smem:$0x3F98];
	s0 =	simm.s32 @p1 $0x1  }
0x15: {  	[smem:$0x3FB5] =	sst s0;
	s0 =	simm.s32 @!p2 $0x0  }
0x16: {  	s3 =	sld [smem:$0x3FDB];
	s0 =	simm.s32 @p2 $0x1  }
0x17: {  	s4 =	simm.s32 $0x1BF5;
	[smem:$0x3FB7] =	sst s0  }
0x18: {  	s0 =	sld [smem:$0x3F9A];
	_ =	swait.ge [sflag:s4], $0x0  }
0x19: {  	s7 =	sld [smem:$0x3F9B]  }
0x1a: {  	s8 =	sadd.s32 $0xFFFFE003, lr  }
0x1b: {  	s9 =	sadd.s32 $0xFFFFFEF7, lr;
	s5 =	simm.s32 $0xFFFFFFFF;
	p2 =	slt.u32 s8, $0xFFFFF086  }
0x1c: {  	p1 =	slt.u32 s9, $0xF7A;
	s5 =	simm.s32 @!p2 $0x0  }
0x1d: {  	s5 =	simm.s32 @p1 $0x1;
	p0 =	seq.s32 s7, s2  }
0x1e: {  	s7 =	smul.u32 @!p0 $0xF7A, s2;
	p2 =	seq.s32 @!p0 s5, $0x0  }
0x1f: {  	s9 =	smul.u32 $0xF7A, s1;
	s8 =	simm.s32 @!p0 $0x1BF5;
	p2 =	por !p2, p0  }
0x20: {  	[sflag:s8] =	ssyncset.s32 @!p0 $0xFFFFF086;
	s6 =	sadd.s32 @!p0 s3, s7;
	s7 =	simm.s32 @!p0 $0x108  }
0x21: {  	s3 =	sadd.s32 s3, s9;
	s6 =	sadd.s32 @!p0 $0x88, s6;
	s7 =	simm.s32 @p2 $0x1082  }
0x22: {  	[simem:s7], [sflag:s8] =	dma.local @!p0 [hbm:s6], $0xF7A  }
0x23: {  	s9 =	sor.u32 $0xD0000000, s2;
	s6 =	simm.s32 $0x108;
	_ =	swait.ge @!p0 [sflag:s8], $0x0  }
0x24: {  	s3 =	sadd.s32 $0x88, s3;
	s6 =	simm.s32 @!p1 $0x1082;
	[sflag:s4] =	ssyncset.s32 $0xFFFFF086  }
0x25: {  	[simem:s6], [sflag:s4] =	dma.local [hbm:s3], $0xF7A  }
0x26: {  	[smem:$0x3F9B] =	sst s1;
	(tag) =	ssettag s2;
	_ =	strace s9  }
0x27: {  	s1 =	sld [smem:$0x3FAB]  }
0x28: {  	s2 =	sld [smem:$0x3FAC]  }
0x29: {  	s4 =	sld [smem:$0x3FAE]  }
0x2a: {  	p0 =	seq.s32 s5, $0x0;
	s5 =	sld [smem:$0x3FAF]  }
0x2b: {  	s6 =	sld [smem:$0x3FB0]  }
0x2c: {  	s7 =	sld [smem:$0x3FB1]  }
0x2d: {  	s3 =	simm.s32 $0x108;
	s8 =	sld [smem:$0x3FB2]  }
0x2e: {  	s3 =	simm.s32 @!p0 $0x1082;
	s9 =	sld [smem:$0x3FB3]  }
0x2f: {  	lr =	sadd.s32 s0, s3;
	s0 =	sld [smem:$0x3FAA]  }
0x30: {  	s3 =	sld [smem:$0x3FAD]  }
0x31: {  	[smem:$0x3FB6] =	sst s10  }
0x32: {  	s10 =	sld [smem:$0x3FB4];
	_ =	sdelay $0x3  }
0x33: {  	p0 =	seq.s32 s10, $0x1;
	s10 =	sld [smem:$0x3FB6];
	_ =	sdelay $0x3  }
0x34: {  	[smem:$0x3FB6] =	sst s10  }
0x35: {  	s10 =	sld [smem:$0x3FB5];
	_ =	sdelay $0x3  }
0x36: {  	p1 =	seq.s32 s10, $0x1;
	s10 =	sld [smem:$0x3FB6];
	_ =	sdelay $0x3  }
0x37: {  	[smem:$0x3FB6] =	sst s10  }
0x38: {  	s10 =	sld [smem:$0x3FB7]  }
0x39: {  	_ = 	snop;
	(pc) =	sbr.ind lr, $3  }
0x3a: {  	_ = 	snop  }
0x3b: {  	_ = 	snop  }
0x3c: {  	p2 =	seq.s32 s10, $0x1;
	s10 =	sld [smem:$0x3FB6]  }
0x3d: {  	_ =	shalt  }
0x3e: {  	_ =	shalt  }
0x3f: {  	_ =	shalt  }
0x40: {  	_ =	shalt  }
0x41: {  	_ =	shalt  }
0x42: {  	_ =	shalt  }
0x43: {  	_ =	shalt  }
0x44: {  	_ =	shalt  }
0x45: {  	_ =	shalt  }
0x46: {  	_ =	shalt  }
0x47: {  	_ =	shalt  }
0x48: {  	_ =	shalt  }
0x49: {  	_ =	shalt  }
0x4a: {  	_ =	shalt  }
0x4b: {  	_ =	shalt  }
0x4c: {  	_ =	shalt  }
0x4d: {  	_ =	shalt  }
0x4e: {  	_ =	shalt  }
0x4f: {  	_ =	shalt  }
0x50: {  	_ =	shalt  }
0x51: {  	_ =	shalt  }
0x52: {  	_ =	shalt  }
0x53: {  	_ =	shalt  }
0x54: {  	_ =	shalt  }
0x55: {  	_ =	shalt  }
0x56: {  	_ =	shalt  }
0x57: {  	_ =	shalt  }
0x58: {  	_ =	shalt  }
0x59: {  	_ =	shalt  }
0x5a: {  	_ =	shalt  }
0x5b: {  	_ =	shalt  }
0x5c: {  	_ =	shalt  }
0x5d: {  	_ =	shalt  }
0x5e: {  	_ =	shalt  }
0x5f: {  	_ =	shalt  }
0x60: {  	_ =	shalt  }
0x61: {  	_ =	shalt  }
0x62: {  	_ =	shalt  }
0x63: {  	_ =	shalt  }
0x64: {  	_ =	shalt  }
0x65: {  	_ =	shalt  }
0x66: {  	_ =	shalt  }
0x67: {  	_ =	shalt  }
0x68: {  	_ =	shalt  }
0x69: {  	_ =	shalt  }
0x6a: {  	_ =	shalt  }
0x6b: {  	_ =	shalt  }
0x6c: {  	_ =	shalt  }
0x6d: {  	_ =	shalt  }
0x6e: {  	_ =	shalt  }
0x6f: {  	_ =	shalt  }
0x70: {  	_ =	shalt  }
0x71: {  	_ =	shalt  }
0x72: {  	_ =	shalt  }
0x73: {  	_ =	shalt  }
0x74: {  	_ =	shalt  }
0x75: {  	_ =	shalt  }
0x76: {  	_ =	shalt  }
0x77: {  	_ =	shalt  }
0x78: {  	_ =	shalt  }
0x79: {  	_ =	shalt  }
0x7a: {  	_ =	shalt  }
0x7b: {  	_ =	shalt  }
0x7c: {  	_ =	shalt  }
0x7d: {  	_ =	shalt  }
0x7e: {  	_ =	shalt  }
0x7f: {  	_ =	shalt  }
0x80: {  	_ =	shalt  }
0x81: {  	_ =	shalt  }
0x82: {  	_ =	shalt  }
0x83: {  	_ =	shalt  }
0x84: {  	_ =	shalt  }
0x85: {  	_ =	shalt  }
0x86: {  	_ =	shalt  }
0x87: {  	_ =	shalt  }
.Lfunc_end0:
.L_simem_size_0:
called_computation_lowered:
.L_overlay_start_0:
0x88: {  	s2 =	sld [smem:$0x3FD9]  }
0x89: {  	s3 =	sld [smem:$0x3FFE];
	_ =	sdelay $0x1  }
0x8a: {  	s1 =	srdreg.scid  }
0x8b: {  	s0 =	sand.u32 $0x1, s1  }
0x8c: {  	s16 =	sshll.u32 s0, $0xA;
	s2 =	sadd.s32 s3, s2  }
0x8d: {  	s2 =	sadd.s32 s2, s16  }
0x8e: {  	[smem:$0x3FC2] =	sst s2  }
0x8f: {  	_ = 	snop  }
0x90: {  	(tm) =	ssettm $0x1  }
0x91: {  	s17 =	sld [smem:$0x3FFB];
	_ =	sdelay $0x3  }
0x92: {  	_ =	strace s17  }
0x93: {  	s2 =	sld [smem:$0x3FFC];
	_ =	sdelay $0x3  }
0x94: {  	_ =	strace s2  }
0x95: {  	s2 =	sld [smem:$0x3FFD];
	_ =	sdelay $0x3  }
0x96: {  	_ =	strace s2  }
0x97: {  	_ =	strace $0x8FFFFFFF  }
0x98: {  	s18 =	sld [smem:$0x3FDB];
	_ =	sdelay $0x1  }
0x99: {  	s19 =	simm.s32 $_scs_section_size  }
0x9a: {  	s4 =	simm.s32 $_size__tile_overlayer_lowered;
	s5 =	simm.s32 $_tile_overlayer_lowered  }
0x9b: {  	s22 =	simm.s32 $0x1BFF;
	s21 =	sshll.u32 s5, $0x1;
	s2 =	sadd.s32 s19, s18  }
0x9c: {  	s6 =	simm.s32 $0x0;
	s20 =	sshll.u32 s4, $0x1;
	s4 =	sadd.s32 s21, s2  }
0x9d: {  	[timem:s6], [sflag:s22] =	dma.local [hbm:s4], s20  }
0x9e: {  	_ =	swait.ge [sflag:s22], s20  }
0x9f: {  	s3 =	ssub.s32 $0x0, s20;
	[sflag:s22] =	ssyncset.done $0x0  }
0xa0: {  	[sflag:s22] =	ssyncadd.s32 s3;
	_ =	sdelay $0x1  }
0xa1: {  	s23 =	simm.s32 $0x1B8B  }
0xa2: {  	_ =	swait.ge [sflag:s23], $0x1  }
0xa3: {  	[sflag:s23] =	ssyncset.done $0x0  }
0xa4: {  	s25 =	simm.s32 $0x1B8E;
	s24 =	sld [smem:$0x3FFE];
	[sflag:s23] =	ssyncadd.s32 $0xFFFFFFFF  }
0xa5: {  	s26 =	simm.s32 $execute0_lowered;
	[smem:$0x3FD2] =	sst s25  }
0xa6: {  	s4 =	sshll.u32 s26, $0x1;
	_ =	strace $0x80000046;
	[dreg:$0x1] =	wrdreg $0xFFFFFFFF  }
0xa7: {  	s28 =	simm.s32 $_size_execute0_lowered;
	s2 =	sadd.s32 s2, s4;
	[dreg:$0x0] =	wrdreg $0x0  }
0xa8: {  	s4 =	sshll.u32 s28, $0x1;
	[dreg:$0x2] =	wrdreg s2  }
0xa9: {  	[dreg:$0x3] =	wrdreg s4  }
0xaa: {  	[dreg:$0x4] =	wrdreg $0xC0  }
0xab: {  	_ =	task [dreg:s6], $0x5FFFF  }
0xac: {  	[dreg:$0x1] =	wrdreg $0xFFFFFFFF  }
0xad: {  	[dreg:$0x0] =	wrdreg $0x60  }
0xae: {  	[dreg:$0x2] =	wrdreg s24  }
0xaf: {  	[dreg:$0x3] =	wrdreg $0x9  }
0xb0: {  	_ =	task.clear_ibuf [dreg:s6], $0x4FFFF;
	_ =	strace $0x90000046  }
0xb1: {  	s29 =	simm.s32 $0x9;
	_ =	strace $0x80000048  }
0xb2: {  	_ =	swait.ge [sflag:s29], $0x1  }
0xb3: {  	[sflag:s29] =	ssyncadd.s32 $0xFFFFFFFF  }
0xb4: {  	_ =	strace $0x90000048  }
0xb5: {  	_ =	sfence  }
0xb6: {  	s30 =	sld [smem:$0x0];
	_ =	sdelay $0x2  }
0xb7: {  	s31 =	sshll.u32 s1, $0xD;
	s1 =	sshrl.u32 s1, $0x2  }
0xb8: {  	s3 =	sand.u32 $0x4000, s31;
	s1 =	sadd.s32 s1, s30  }
0xb9: {  	s0 =	sor.u32 s3, s0;
	s1 =	sshll.u32 s1, $0x11  }
0xba: {  	s0 =	sor.u32 s1, s0  }
0xbb: {  	s0 =	sadd.s32 $0x8F2B, s0  }
0xbc: {  	[sflag:s0] =	ssyncadd.remote.s32 $0x1  }
0xbd: {  	_ =	sfence.sel $0xFFFF  }
0xbe: {  	[dreg:$0x0] =	wrdreg $0xFFFFFFFF;
	(pc) =	sbr.abs _section_cstart, $3  }
0xbf: {  	[dreg:$0x1] =	wrdreg $0xFFFFFFFF  }
0xc0: {  	_ =	task.clear_ibuf [dreg:s6], $0x2FFFF;
	_ =	strace $0x9FFFFFFF  }
0xc1: {  	(tm) =	ssettm $0x7FFFFFFF  }
tec
execute0_lowered:
.L_overlay_start_1:
0x0: {  	(tag) =	ssettag $0x1  }
0x1: {  	s1 =	srdreg.scid  }
0x2: {  	s0 =	stileid.u32;
	s5 =	rddreg [dreg:$0x0];
	s7 =	simm.s32 $0x400  }
0x3: {  	s8 =	simm.s32 $0x1;
	s9 =	simm.s32 $0x2800;
	s10 =	simm.s32 $0x0  }
0x4: {  	s3 =	sand.u32 $0x1, s1;
	s29 =	sshrl.u32 s0, $0x2;
	s2 =	sshll.u32 s0, $0x8  }
0x5: {  	s4 =	smul.u32 $0x14000, s29;
	s30 =	sshll.u32 s3, $0x7;
	s2 =	sand.u32 $0x300, s2  }
0x6: {  	s1 =	rddreg [dreg:$0x1];
	s3 =	ssub.s32 $0x2, s3;
	s6 =	sor.u32 s30, s2  }
0x7: {  	s2 =	simm.s32 $0x0;
	s31 =	sshrl.u32 s3, $0x1;
	s4 =	sor.u32 s4, s6  }
0x8: {  	[smem:$0x7FF] =	sst s2;
	s6 =	simm.s32 $0x80;
	s4 =	sshrl.u32 s4, $0x3  }
0x9: {  	_ =	strace $0x80000047;
	s4 =	sadd.s32 s4, s5;
	s5 =	ssub.s32 s3, s31  }
0xa: {  	v0 =	vimm.f32 $0.0e+00;
	v1 =	vimm.f32 $1.000000000e+00;
	s3 =	sadd.s32 $0x2000, s4;
	s4 =	sadd.s32 $0xC000, s4;
	s5 =	smax.u32 s5, $0x1  }
.LBB2_1:
0xb: {  	[tilespmem:s2], [sflag:$0x1] =	stream.strided.gather [hbm4b:s3+s6], $0x2800, s7, s6, $0x38;
	[tilespmem:$0x5000] =	vst v63  }
0xc: {  	_ =	swait.ge [sflag:s8], $0x2800  }
0xd: {  	[sflag:s8] =	ssyncset.done $0x0  }
0xe: {  	s11 =	simm.s32 $0x0;
	[sflag:s8] =	ssyncadd.s32 $0xFFFFD800  }
.LBB2_2:
0xf: {  	p0 =	sne.s32 s11, $0x9FC0  }
.Ltmp0:
0x10: {  	_ = 	snop;
	(pc) =	sbr.rel @p0 .LBB2_2-.Ltmp0, $3  }
0x11: {  	_ =	sdelay $0x1  }
0x12: {  	s12 =	sshra.s32 s11, $0x2  }
0x13: {  	s11 =	sadd.s32 $0x40, s11;
	[tilespmem:s12+$0x2800] =	vst v0  }
0x14: {  	s12 =	simm.s32 $0x0;
	s11 =	simm.s32 $0x40  }
.LBB2_4:
0x15: {  	p0 =	sne.s32 s11, $0x9FC0;
	v2 =	vld [tilespmem:s12+$0x0];
	_ =	sdelay $0x3  }
.Ltmp1:
0x16: {  	(pc) =	sbr.rel @p0 .LBB2_4-.Ltmp1, $2  }
0x17: {  	_ =	sdelay $0x2  }
0x18: {  	s12 =	sshra.s32 s11, $0x2;
	s11 =	sadd.s32 $0x40, s11;
	[tilespmem:v2+s9+$0x0] =	vst.idx.add.f32.msk $0xffff, v1  }
0x19: {  	v2 =	vld [tilespmem:s12+$0x0];
	_ =	sdelay $0x5  }
0x1a: {  	s10 =	sadd.s32 $0x1, s10  }
0x1b: {  	p0 =	sne.s32 s10, s5  }
.Ltmp2:
0x1c: {  	[tilespmem:v2+s9+$0x0] =	vst.idx.add.f32.msk $0xffff, v1;
	(pc) =	sbr.rel @p0 .LBB2_1-.Ltmp2, $4  }
0x1d: {  	[hbm4b:s4+s6] =	stream.strided.scatter [tilespmem:s9], [sflag:$0x1], $0x2800, s7, s6, $0x38;
	[tilespmem:$0x5000] =	vst v63  }
0x1e: {  	_ =	swait.ge [sflag:s8], $0x2800  }
0x1f: {  	[sflag:s8] =	ssyncset.done $0x0  }
0x20: {  	[sflag:s8] =	ssyncadd.s32 $0xFFFFD800  }
0x21: {  	_ =	sfence.sel $0x180000  }
0x22: {  	[bflag:$0x0] =	sbarrier.arrive $0xFFFF  }
0x23: {  	p0 =	sne.s32 s0, $0x0;
	_ =	strace $0x90000047  }
0x24: {  	s0 =	sadd.s32 @!p0 $0x100000, s1;
	[bflag:$0x2] =	sbarrier.arrive $0xFFFF  }
0x25: {  	[sflag:s0] =	ssyncadd.tile.s32 @!p0 $0x1;
	_ =	shalt  }
.Lfunc_end2:
_tile_overlayer_lowered:
.L_overlay_start_2:
0x26: {  	(tag) =	ssettag $0x2  }
0x27: {  	s0 =	rddreg [dreg:$0x0];
	s2 =	stileid.u32  }
0x28: {  	s1 =	rddreg [dreg:$0x1];
	p0 =	sne.s32 s2, $0x0  }
0x29: {  	s3 =	rddreg [dreg:$0x2];
	[bflag:$0x3] =	sbarrier.arrive $0xFFFF;
	s2 =	simm.s32 @!p0 $0x1C01  }
0x2a: {  	[timem:s3], [sflag:s2] =	dma.local @!p0 [hbm:s0], s1  }
0x2b: {  	s0 =	simm.s32 @!p0 $0x1  }
0x2c: {  	_ =	swait.ge @!p0 [sflag:s0], s1  }
0x2d: {  	s1 =	ssub.s32 @!p0 $0x0, s1;
	[sflag:s0] =	ssyncset.done @!p0 $0x0  }
0x2e: {  	[sflag:s0] =	ssyncadd.s32 @!p0 s1  }
0x2f: {  	[bflag:$0x3] =	sbarrier.arrive $0xFFFF  }
0x30: {  	_ =	shalt  }

</sc_bundles>
